<compile_context>
chip_gen: v7x
topology: tpu7x:2x2x1
jax: 0.10.2.dev20260603
libtpu: 0.0.44.dev20260713+nightly
codegen_flags: <defaults>
</compile_context>

<pallas_src>
import jax
import jax.numpy as jnp
from jax import lax
from jax.experimental import pallas as pl
from jax.experimental.pallas import tpu as pltpu
from jax.experimental.pallas import tpu_sc as plsc

B = 64
N_ROI = 347
N_NET = 16
D = 128
H = 128
HALF = 64
NC = 4
N_TOT = B * N_ROI
NN = B * N_NET
E_ROI = N_TOT * 16
E_NET = NN * 16

NUM_CORES = 2
NUM_SUBCORES = 16

CH = 1024
NCHUNK = 22
EPT = CH * NCHUNK
E_PAD = EPT * NUM_SUBCORES
N_ACC = 22528
ZROWS = N_ACC // NUM_SUBCORES
QW = 32
NQ = 4

ENT = E_NET // NUM_SUBCORES
NPT = NN // NUM_SUBCORES


def _sc_mesh():
    return plsc.VectorSubcoreMesh(
        core_axis_name="c", subcore_axis_name="s",
        num_cores=NUM_CORES, num_subcores=NUM_SUBCORES)


_SC_PARAMS = pltpu.CompilerParams(use_tc_tiling_on_sc=False,
                                  needs_layout_passes=False)


def _make_sage_sc(with_deg: bool):
    out_type = [jax.ShapeDtypeStruct((N_ACC, D), jnp.float32)]
    if with_deg:
        out_type.append(jax.ShapeDtypeStruct((N_ACC,), jnp.float32))
    scratch = [
        [pltpu.VMEM((CH,), jnp.float32) for _ in range(2)],
        [pltpu.VMEM((CH,), jnp.int32) for _ in range(2)],
        [pltpu.VMEM((CH,), jnp.int32) for _ in range(2)],
        [pltpu.VMEM((CH, QW), jnp.float32) for _ in range(2)],
        pltpu.VMEM_SHARED((N_ACC, QW), jnp.float32),
        [pltpu.SemaphoreType.DMA for _ in range(2)],
        [pltpu.SemaphoreType.DMA for _ in range(2)],
        pltpu.VMEM((ZROWS // 8, QW), jnp.float32),
    ]
    if with_deg:
        scratch += [
            pltpu.VMEM((CH,), jnp.float32),
            pltpu.VMEM((ZROWS // 8,), jnp.float32),
            pltpu.VMEM_SHARED((N_ACC,), jnp.float32),
        ]

    def body(xs_hbm, pk_hbm, out_hbm, *rest):
        if with_deg:
            deg_hbm, pkv, srcv, dstv, rows, acc, sem, psem, zbuf, onesv, zv, dacc = rest
        else:
            pkv, srcv, dstv, rows, acc, sem, psem, zbuf = rest
        c = lax.axis_index("c")
        s = lax.axis_index("s")
        base = pl.multiple_of(s * EPT, CH)
        z0 = pl.multiple_of(s * ZROWS, ZROWS)
        ZB = ZROWS // 8

        def pk_fetch(kk, b):
            off = pl.multiple_of(base + kk * CH, CH)
            return pltpu.async_copy(pk_hbm.at[pl.ds(off, CH)], pkv[b], psem[b])

        def pk_wait(kk, b):
            off = pl.multiple_of(base + kk * CH, CH)
            pltpu.make_async_copy(pk_hbm.at[pl.ds(off, CH)], pkv[b], psem[b]).wait()

        @pl.loop(0, ZB * (QW // 16))
        def _(i):
            zbuf[i // (QW // 16), pl.ds((i % (QW // 16)) * 16, 16)] = (
                jnp.zeros((16,), jnp.float32))

        if with_deg:
            @pl.when(c == 0)
            def _():
                @pl.loop(0, CH // 16)
                def _(i):
                    onesv[pl.ds(i * 16, 16)] = jnp.full((16,), 1.0, jnp.float32)

                @pl.loop(0, ZB // 16)
                def _(i):
                    zv[pl.ds(i * 16, 16)] = jnp.zeros((16,), jnp.float32)

        for q in range(2):
            qidx = 2 * c + q
            for r in range(8):
                pltpu.sync_copy(zbuf, acc.at[pl.ds(z0 + r * ZB, ZB)])
            if with_deg and q == 0:
                @pl.when(c == 0)
                def _():
                    for r in range(8):
                        pltpu.sync_copy(zv, dacc.at[pl.ds(z0 + r * ZB, ZB)])
            plsc.subcore_barrier()

            qoff = jnp.full((16,), 0, jnp.int32) + qidx * N_TOT

            def load_unpack_start(kk, b):
                pk_wait(kk, b)

                @pl.loop(0, CH // 16, unroll=4)
                def _(g):
                    sl = pl.ds(g * 16, 16)
                    p = plsc.bitcast(pkv[b][sl], jnp.int32)
                    srcv[b][sl] = (p >> 15) + qoff
                    dstv[b][sl] = p & 32767

                @pl.when(kk + 2 < NCHUNK)
                def _():
                    pk_fetch(kk + 2, b)

                return pltpu.async_copy(xs_hbm.at[srcv[b]], rows[b], sem[b])

            def wait_scatter(b):
                pltpu.make_async_copy(xs_hbm.at[srcv[b]], rows[b], sem[b]).wait()
                pltpu.sync_copy(rows[b], acc.at[dstv[b]], add=True)
                if with_deg and q == 0:
                    @pl.when(c == 0)
                    def _():
                        pltpu.sync_copy(onesv, dacc.at[dstv[b]], add=True)

            pk_fetch(0, 0)
            pk_fetch(1, 1)
            load_unpack_start(0, 0)

            @pl.loop(0, NCHUNK // 2)
            def _(i):
                load_unpack_start(2 * i + 1, 1)
                wait_scatter(0)

                @pl.when(i < NCHUNK // 2 - 1)
                def _():
                    load_unpack_start(2 * i + 2, 0)
                wait_scatter(1)

            plsc.subcore_barrier()
            pltpu.sync_copy(acc.at[pl.ds(z0, ZROWS)],
                            out_hbm.at[pl.ds(z0, ZROWS), pl.ds(qidx * QW, QW)])
            if with_deg and q == 0:
                @pl.when(c == 0)
                def _():
                    pltpu.sync_copy(dacc.at[pl.ds(z0, ZROWS)], deg_hbm.at[pl.ds(z0, ZROWS)])

    return pl.kernel(body, out_type=tuple(out_type) if with_deg else out_type[0],
                     mesh=_sc_mesh(), scratch_types=scratch,
                     compiler_params=_SC_PARAMS)


def _make_gat_sc():
    out_type = jax.ShapeDtypeStruct((NN, D), jnp.float32)
    scratch = [
        pltpu.VMEM((ENT,), jnp.int32),
        pltpu.VMEM((ENT,), jnp.int32),
        pltpu.VMEM((ENT,), jnp.int32),
        pltpu.VMEM((NN,), jnp.float32),
        pltpu.VMEM((NN,), jnp.float32),
        pltpu.VMEM((ENT,), jnp.float32),
        pltpu.VMEM((ENT,), jnp.float32),
        pltpu.VMEM((NN,), jnp.float32),
        pltpu.VMEM((ENT, HALF), jnp.float32),
        pltpu.VMEM((NPT, HALF), jnp.float32),
        pltpu.VMEM((NPT,), jnp.float32),
        pltpu.VMEM_SHARED((NN,), jnp.float32),
        pltpu.VMEM_SHARED((NN, HALF), jnp.float32),
        pltpu.SemaphoreType.DMA,
    ]

    def body(hs_hbm, src_hbm, dst_hbm, asv_hbm, adv_hbm, out_hbm,
             srcv, gsrcv, dstv, asv, adv, exbuf, coefbuf, denv, rows,
             zbuf, zv, dacc, nacc, sem):
        c = lax.axis_index("c")
        s = lax.axis_index("s")
        base = s * ENT

        pltpu.sync_copy(src_hbm.at[pl.ds(base, ENT)], srcv)
        pltpu.sync_copy(dst_hbm.at[pl.ds(base, ENT)], dstv)
        pltpu.sync_copy(asv_hbm, asv)
        pltpu.sync_copy(adv_hbm, adv)

        coff = jnp.full((16,), 0, jnp.int32) + c

        @pl.loop(0, ENT // 16, unroll=4)
        def _(g):
            sl = pl.ds(g * 16, 16)
            gsrcv[sl] = (srcv[sl] << 1) + coff

        gat = pltpu.async_copy(hs_hbm.at[gsrcv], rows, sem)

        @pl.loop(0, NPT * (HALF // 16))
        def _(i):
            zbuf[i // (HALF // 16), pl.ds((i % (HALF // 16)) * 16, 16)] = (
                jnp.zeros((16,), jnp.float32))

        @pl.loop(0, NPT // 16)
        def _(i):
            zv[pl.ds(i * 16, 16)] = jnp.zeros((16,), jnp.float32)

        pltpu.sync_copy(zv, dacc.at[pl.ds(s * NPT, NPT)])
        pltpu.sync_copy(zbuf, nacc.at[pl.ds(s * NPT, NPT)])
        plsc.subcore_barrier()

        @pl.loop(0, ENT // 16)
        def _(g):
            sl = pl.ds(g * 16, 16)
            e = plsc.load_gather(asv, [srcv[sl]]) + plsc.load_gather(adv, [dstv[sl]])
            e = jnp.where(e >= 0, e, 0.2 * e)
            exbuf[sl] = jnp.exp(e)

        pltpu.sync_copy(exbuf, dacc.at[dstv], add=True)
        plsc.subcore_barrier()
        pltpu.sync_copy(dacc, denv)

        @pl.loop(0, ENT // 16)
        def _(g):
            sl = pl.ds(g * 16, 16)
            den = plsc.load_gather(denv, [dstv[sl]])
            coefbuf[sl] = exbuf[sl] / (den + 1e-16)

        gat.wait()

        @pl.loop(0, ENT)
        def _(j):
            cf = plsc.load_gather(coefbuf, [jnp.full((16,), 0, jnp.int32) + j])
            for jj in range(HALF // 16):
                sl2 = pl.ds(jj * 16, 16)
                rows[j, sl2] = rows[j, sl2] * cf

        pltpu.sync_copy(rows, nacc.at[dstv], add=True)
        plsc.subcore_barrier()
        n0 = pl.multiple_of(s * NPT, NPT)
        pltpu.sync_copy(nacc.at[pl.ds(n0, NPT)],
                        out_hbm.at[pl.ds(n0, NPT), pl.ds(c * HALF, HALF)])

    return pl.kernel(body, out_type=out_type, mesh=_sc_mesh(),
                     scratch_types=scratch, compiler_params=_SC_PARAMS)


BN = 2776
BPB = BN // N_ROI


def _sage_dense_body(x_ref, agg_ref, deg_ref, wr_ref, wn_ref, b_ref,
                     out_ref, outq_ref):
    inv = 1.0 / jnp.maximum(deg_ref[...], 1.0)
    h = (jnp.dot(x_ref[...], wr_ref[...], preferred_element_type=jnp.float32)
         + jnp.dot(agg_ref[...] * inv, wn_ref[...],
                   preferred_element_type=jnp.float32)
         + b_ref[...])
    h = jax.nn.gelu(h)
    out_ref[...] = h
    for q in range(NQ):
        outq_ref[q] = h[:, QW * q:QW * (q + 1)]


def _sage_dense(xin, agg, degc, Wr, Wn, brow):
    return pl.pallas_call(
        _sage_dense_body,
        grid=(N_TOT // BN,),
        in_specs=[
            pl.BlockSpec((BN, D), lambda i: (i, 0)),
            pl.BlockSpec((BN, D), lambda i: (i, 0)),
            pl.BlockSpec((BN, 1), lambda i: (i, 0)),
            pl.BlockSpec((D, H), lambda i: (0, 0)),
            pl.BlockSpec((D, H), lambda i: (0, 0)),
            pl.BlockSpec((1, H), lambda i: (0, 0)),
        ],
        out_specs=[
            pl.BlockSpec((BN, D), lambda i: (i, 0)),
            pl.BlockSpec((NQ, BN, QW), lambda i: (0, i, 0)),
        ],
        out_shape=[
            jax.ShapeDtypeStruct((N_TOT, D), jnp.float32),
            jax.ShapeDtypeStruct((NQ, N_TOT, QW), jnp.float32),
        ],
    )(xin, agg, degc, Wr, Wn, brow)


def _sage_pool_body(x_ref, agg_ref, deg_ref, wr_ref, wn_ref, b_ref,
                    mask_ref, logit_ref, wg_ref, as_ref, ad_ref,
                    hp_ref, asv_ref, adv_ref, alpha_ref):
    @pl.when(pl.program_id(0) == 0)
    def _():
        logits = jnp.where(mask_ref[...] == 0, -20.0, logit_ref[...])
        m = jnp.max(logits, axis=0, keepdims=True)
        ex = jnp.exp(logits - m)
        alpha_ref[...] = ex / jnp.sum(ex, axis=0, keepdims=True)

    inv = 1.0 / jnp.maximum(deg_ref[...], 1.0)
    h = (jnp.dot(x_ref[...], wr_ref[...], preferred_element_type=jnp.float32)
         + jnp.dot(agg_ref[...] * inv, wn_ref[...],
                   preferred_element_type=jnp.float32)
         + b_ref[...])
    h = jax.nn.gelu(h)
    alpha = alpha_ref[...]
    zs = [lax.dot_general(alpha, h[N_ROI * b:N_ROI * (b + 1), :],
                          (((0,), (0,)), ((), ())),
                          preferred_element_type=jnp.float32)
          for b in range(BPB)]
    z = jnp.concatenate(zs, axis=0)
    hp = jnp.dot(z, wg_ref[...], preferred_element_type=jnp.float32)
    asv_ref[...] = jnp.dot(hp, as_ref[...], preferred_element_type=jnp.float32)
    adv_ref[...] = jnp.dot(hp, ad_ref[...], preferred_element_type=jnp.float32)
    hp_ref[...] = hp


def _sage_dense_pool(xin, agg, degc, Wr, Wn, brow, mask, pool_logits,
                     Wg0, as_col, ad_col):
    zrows = BPB * N_NET
    return pl.pallas_call(
        _sage_pool_body,
        grid=(N_TOT // BN,),
        in_specs=[
            pl.BlockSpec((BN, D), lambda i: (i, 0)),
            pl.BlockSpec((BN, D), lambda i: (i, 0)),
            pl.BlockSpec((BN, 1), lambda i: (i, 0)),
            pl.BlockSpec((D, H), lambda i: (0, 0)),
            pl.BlockSpec((D, H), lambda i: (0, 0)),
            pl.BlockSpec((1, H), lambda i: (0, 0)),
            pl.BlockSpec((N_ROI, N_NET), lambda i: (0, 0)),
            pl.BlockSpec((N_ROI, N_NET), lambda i: (0, 0)),
            pl.BlockSpec((D, H), lambda i: (0, 0)),
            pl.BlockSpec((H, 1), lambda i: (0, 0)),
            pl.BlockSpec((H, 1), lambda i: (0, 0)),
        ],
        out_specs=[
            pl.BlockSpec((zrows, D), lambda i: (i, 0)),
            pl.BlockSpec((zrows, 1), lambda i: (i, 0)),
            pl.BlockSpec((zrows, 1), lambda i: (i, 0)),
        ],
        out_shape=[
            jax.ShapeDtypeStruct((NN, D), jnp.float32),
            jax.ShapeDtypeStruct((NN, 1), jnp.float32),
            jax.ShapeDtypeStruct((NN, 1), jnp.float32),
        ],
        scratch_shapes=[pltpu.VMEM((N_ROI, N_NET), jnp.float32)],
    )(xin, agg, degc, Wr, Wn, brow, mask, pool_logits, Wg0, as_col, ad_col)


def _gat_mid_body(num_ref, b_ref, wg_ref, as_ref, ad_ref,
                  hp_ref, asv_ref, adv_ref):
    g = jax.nn.gelu(num_ref[...] + b_ref[...])
    h = jnp.dot(g, wg_ref[...], preferred_element_type=jnp.float32)
    asv_ref[...] = jnp.dot(h, as_ref[...], preferred_element_type=jnp.float32)
    adv_ref[...] = jnp.dot(h, ad_ref[...], preferred_element_type=jnp.float32)
    hp_ref[...] = h


def _gat_mid(num0, brow, Wg, as_col, ad_col):
    full = lambda s: pl.BlockSpec(s, lambda: tuple(0 for _ in s))
    return pl.pallas_call(
        _gat_mid_body,
        in_specs=[
            full((NN, D)),
            full((1, H)),
            full((D, H)),
            full((D, 1)),
            full((D, 1)),
        ],
        out_specs=[
            full((NN, D)),
            full((NN, 1)),
            full((NN, 1)),
        ],
        out_shape=[
            jax.ShapeDtypeStruct((NN, D), jnp.float32),
            jax.ShapeDtypeStruct((NN, 1), jnp.float32),
            jax.ShapeDtypeStruct((NN, 1), jnp.float32),
        ],
    )(num0, brow, Wg, as_col, ad_col)


def _head_body(num_ref, b_ref, wc_ref, bc_ref, wkf_ref, sel_ref, bk_ref, out_ref):
    g = jax.nn.gelu(num_ref[...] + b_ref[...])
    cmat = (jnp.dot(g, wc_ref[...], preferred_element_type=jnp.float32)
            + bc_ref[...])
    weighted = cmat * wkf_ref[...]
    out_ref[...] = jnp.dot(sel_ref[...], weighted,
                           preferred_element_type=jnp.float32) + bk_ref[0, 0]


def _head(num1, brow, Wc, bcrow, wkf, sel, bkr):
    full = lambda s: pl.BlockSpec(s, lambda: tuple(0 for _ in s))
    return pl.pallas_call(
        _head_body,
        in_specs=[
            full((NN, D)),
            full((1, D)),
            full((D, NC)),
            full((1, NC)),
            full((NN, NC)),
            full((B, NN)),
            full((1, 1)),
        ],
        out_specs=full((B, NC)),
        out_shape=jax.ShapeDtypeStruct((B, NC), jnp.float32),
    )(num1, brow, Wc, bcrow, wkf, sel, bkr)


_sage_sc_deg = _make_sage_sc(with_deg=True)
_sage_sc = _make_sage_sc(with_deg=False)
_gat_sc = _make_gat_sc()


def kernel(x, roi_edge_index, net_edge_index, mask, W_root0, W_neigh0, b0,
           W_root1, W_neigh1, b1, pool_logits, Wg0, att_s0, att_d0, bg0,
           Wg1, att_s1, att_d1, bg1, Wc, bc, Wk, bk):
    f32 = jnp.float32

    src = roi_edge_index[0].astype(jnp.int32)
    dst = roi_edge_index[1].astype(jnp.int32)
    pad = E_PAD - E_ROI
    src_p = jnp.concatenate([src, jnp.zeros((pad,), jnp.int32)])
    dst_p = jnp.concatenate([dst, jnp.full((pad,), N_TOT, jnp.int32)])
    pk = (src_p << 15) | dst_p
    pkf = lax.bitcast_convert_type(pk, jnp.float32)

    srcn = net_edge_index[0].astype(jnp.int32)
    dstn = net_edge_index[1].astype(jnp.int32)

    b0r = b0.reshape(1, H)
    b1r = b1.reshape(1, D)
    bg0r = bg0.reshape(1, H)
    bg1r = bg1.reshape(1, D)
    bcr = bc.reshape(1, NC)
    as0c = att_s0.reshape(H, 1)
    ad0c = att_d0.reshape(H, 1)
    as1c = att_s1.reshape(D, 1)
    ad1c = att_d1.reshape(D, 1)
    wkf = jnp.tile(Wk[:, 0], B).reshape(NN, 1) * jnp.ones((1, NC), f32)
    sel = jnp.repeat(jnp.eye(B, dtype=f32), N_NET, axis=1)

    xs0 = x.reshape(N_TOT, NQ, QW).transpose(1, 0, 2).reshape(NQ * N_TOT, QW)
    agg0, deg_pad = _sage_sc_deg(xs0, pkf)
    degc = deg_pad[:N_TOT].reshape(N_TOT, 1)
    h1, h1q = _sage_dense(x, agg0, degc, W_root0, W_neigh0, b0r)
    agg1 = _sage_sc(h1q.reshape(NQ * N_TOT, QW), pkf)

    hp0, as0, ad0 = _sage_dense_pool(h1, agg1, degc, W_root1,
                                     W_neigh1, b1r, mask, pool_logits,
                                     Wg0, as0c, ad0c)

    num0 = _gat_sc(hp0.reshape(NUM_CORES * NN, HALF), srcn, dstn,
                   as0.reshape(NN), ad0.reshape(NN))
    hp1, as1, ad1 = _gat_mid(num0, bg0r, Wg1, as1c, ad1c)
    num1 = _gat_sc(hp1.reshape(NUM_CORES * NN, HALF), srcn, dstn,
                   as1.reshape(NN), ad1.reshape(NN))

    return _head(num1, bg1r, Wc, bcr, wkf, sel, bk.reshape(1, 1))

# --- scband reference (transcript-rebuilt; emitter-appended) ---
"""Pipeline reference for scband-sleep-gnn-45543833206853 (READ-ONLY COPY).

The authoritative reference and input builder live on the scoring server;
editing this copy changes nothing except your own understanding.
"""

import jax, jax.numpy as jnp
import numpy as np

B = 64
N_ROI = 347
N_NET = 16
D = 128
H = 128
NC = 4
N_TOT = B * N_ROI
NN_TOT = B * N_NET
E_ROI = N_TOT * 16
E_NET = NN_TOT * 16


def setup_inputs(seed: int = 0) -> dict:
    key = jax.random.key(seed)
    ks = jax.random.split(key, 26)
    s = 0.05
    inp = {}
    inp['x'] = jax.random.normal(ks[0], (N_TOT, D), dtype=jnp.float32)
    inp['roi_edge_index'] = jax.random.randint(ks[1], (2, E_ROI), 0, N_TOT, dtype=jnp.int32).astype(jnp.int64)
    inp['net_edge_index'] = jax.random.randint(ks[2], (2, E_NET), 0, NN_TOT, dtype=jnp.int32).astype(jnp.int64)
    inp['mask'] = jnp.ones((N_ROI, N_NET), dtype=jnp.float32)
    # ROI encoder (SAGEConv, aggr='mean'): layer0 D->H, layer1 H->D
    inp['W_root0'] = jax.random.normal(ks[3], (D, H)) * s
    inp['W_neigh0'] = jax.random.normal(ks[4], (D, H)) * s
    inp['b0'] = jnp.zeros((H,), jnp.float32)
    inp['W_root1'] = jax.random.normal(ks[5], (H, D)) * s
    inp['W_neigh1'] = jax.random.normal(ks[6], (H, D)) * s
    inp['b1'] = jnp.zeros((D,), jnp.float32)
    # WeightedGroupPool logits
    inp['pool_logits'] = jax.random.normal(ks[7], (N_ROI, N_NET)) * s
    # Network encoder (GATConv, heads=1, concat=False): layer0 D->H, layer1 H->D
    inp['Wg0'] = jax.random.normal(ks[8], (D, H)) * s
    inp['att_s0'] = jax.random.normal(ks[9], (H,)) * s
    inp['att_d0'] = jax.random.normal(ks[10], (H,)) * s
    inp['bg0'] = jnp.zeros((H,), jnp.float32)
    inp['Wg1'] = jax.random.normal(ks[11], (H, D)) * s
    inp['att_s1'] = jax.random.normal(ks[12], (D,)) * s
    inp['att_d1'] = jax.random.normal(ks[13], (D,)) * s
    inp['bg1'] = jnp.zeros((D,), jnp.float32)
    # MLPClassifier: net_feature_convs Linear(D, NC), class_combiner Linear(N_NET, 1)
    inp['Wc'] = jax.random.normal(ks[14], (D, NC)) * s
    inp['bc'] = jnp.zeros((NC,), jnp.float32)
    inp['Wk'] = jax.random.normal(ks[15], (N_NET, 1)) * s
    inp['bk'] = jnp.zeros((1,), jnp.float32)
    return inp


def _sage_mean(x, Wr, Wn, b, src, dst, n):
    deg = jax.ops.segment_sum(jnp.ones(src.shape[0], dtype=x.dtype), dst, num_segments=n)
    agg = jax.ops.segment_sum(x[src], dst, num_segments=n) / jnp.maximum(deg, 1.0)[:, None]
    return x @ Wr + agg @ Wn + b


def _gat(x, W, a_s, a_d, b, src, dst, n):
    h = x @ W
    e = jax.nn.leaky_relu(h @ a_s[:, None].squeeze(-1), 0.2)[src] + jax.nn.leaky_relu(jnp.zeros(()))
    alpha_src = h @ a_s
    alpha_dst = h @ a_d
    e = jax.nn.leaky_relu(alpha_src[src] + alpha_dst[dst], 0.2)
    m = jax.ops.segment_max(e, dst, num_segments=n)
    m = jnp.where(jnp.isfinite(m), m, 0.0)
    ex = jnp.exp(e - m[dst])
    denom = jax.ops.segment_sum(ex, dst, num_segments=n)
    coef = ex / (denom[dst] + 1e-16)
    out = jax.ops.segment_sum(coef[:, None] * h[src], dst, num_segments=n) + b
    return out


def reference(x, roi_edge_index, net_edge_index, mask, W_root0, W_neigh0, b0, W_root1, W_neigh1, b1, pool_logits, Wg0, att_s0, att_d0, bg0, Wg1, att_s1, att_d1, bg1, Wc, bc, Wk, bk):
    src_r, dst_r = roi_edge_index[0], roi_edge_index[1]
    # ROIEncoder: SAGE(mean) -> GELU (dropout is identity in eval)
    h = _sage_mean(x, W_root0, W_neigh0, b0, src_r, dst_r, N_TOT)
    h = jax.nn.gelu(h)
    h = _sage_mean(h, W_root1, W_neigh1, b1, src_r, dst_r, N_TOT)
    h = jax.nn.gelu(h)
    roi_emb = h.reshape(B, N_ROI, D)
    # WeightedGroupPool (temperature=1.0)
    logits = jnp.where(mask == 0, -20.0, pool_logits)
    alpha = jax.nn.softmax(logits, axis=0)
    z_net = jnp.einsum('brd,rn->bnd', roi_emb, alpha)
    zf = z_net.reshape(NN_TOT, D)
    # NetworkEncoder: GAT(heads=1, concat=False) -> GELU
    src_n, dst_n = net_edge_index[0], net_edge_index[1]
    g = _gat(zf, Wg0, att_s0, att_d0, bg0, src_n, dst_n, NN_TOT)
    g = jax.nn.gelu(g)
    g = _gat(g, Wg1, att_s1, att_d1, bg1, src_n, dst_n, NN_TOT)
    g = jax.nn.gelu(g)
    znet = g.reshape(B, N_NET, D)
    # MLPClassifier
    c = znet @ Wc + bc                 # [B, N_NET, NC]
    c = jnp.swapaxes(c, 1, 2)          # [B, NC, N_NET]
    out = (c @ Wk + bk)[..., 0]        # [B, NC]
    return out

if __name__ == "__main__":
    import jax
    _d = setup_inputs()
    print(jax.jit(kernel)(*tuple(_d.values())))

</pallas_src>

<mosaic_0001>
#map = affine_map<(d0, d1) -> (0, 0)>
#map1 = affine_map<(d0, d1) -> (0)>
module attributes {stable_mosaic.version = 14 : i64} {
  func.func @body(%arg0: i32, %arg1: i32, %arg2: memref<2048x64xf32, #tpu.memory_space<hbm>>, %arg3: memref<16384xi32, #tpu.memory_space<hbm>>, %arg4: memref<16384xi32, #tpu.memory_space<hbm>>, %arg5: memref<1024xf32, #tpu.memory_space<hbm>>, %arg6: memref<1024xf32, #tpu.memory_space<hbm>>, %arg7: memref<1024x128xf32, #tpu.memory_space<hbm>>, %arg8: memref<1024xi32, #tpu.memory_space<vmem>>, %arg9: memref<1024xi32, #tpu.memory_space<vmem>>, %arg10: memref<1024xi32, #tpu.memory_space<vmem>>, %arg11: memref<1024xf32, #tpu.memory_space<vmem>>, %arg12: memref<1024xf32, #tpu.memory_space<vmem>>, %arg13: memref<1024xf32, #tpu.memory_space<vmem>>, %arg14: memref<1024xf32, #tpu.memory_space<vmem>>, %arg15: memref<1024xf32, #tpu.memory_space<vmem>>, %arg16: memref<1024x64xf32, #tpu.memory_space<vmem>>, %arg17: memref<64x64xf32, #tpu.memory_space<vmem>>, %arg18: memref<64xf32, #tpu.memory_space<vmem>>, %arg19: memref<1024xf32, #tpu.memory_space<vmem_shared>>, %arg20: memref<1024x64xf32, #tpu.memory_space<vmem_shared>>, %arg21: memref<!tpu.dma_semaphore, #tpu.memory_space<semaphore_mem>>) attributes {dimension_semantics = [#tpu.dimension_semantics<core_parallel>, #tpu.dimension_semantics<subcore_parallel>], iteration_bounds = array<i64: 2, 16>, scalar_prefetch = 0 : i64, scratch_operands = 14 : i64, tpu.core_type = #tpu.core_type<sc_vector_subcore>, window_params = [{transform_indices = #map}, {transform_indices = #map1}, {transform_indices = #map1}, {transform_indices = #map1}, {transform_indices = #map1}, {transform_indices = #map}]} {
    %mul3A = arith.constant 1024 : i32
    %mul3A_0 = arith.muli %arg1, %mul3A : i32
    "tpu.region"() ({
      %run_scoped3A = tpu.sem_alloc : memref<!tpu.dma_semaphore, #tpu.memory_space<semaphore_mem>>
      %dma_start3A_46 = tpu.memref_slice %arg3[%mul3A_0] : memref<16384xi32, #tpu.memory_space<hbm>> -> memref<1024xi32, #tpu.memory_space<hbm>>
      %dma_start3A_47 = tpu.memref_slice %arg3[%mul3A_0] : memref<16384xi32, #tpu.memory_space<hbm>> -> memref<1024xi32, #tpu.memory_space<hbm>>
      tpu.enqueue_dma source(%dma_start3A_47 : memref<1024xi32, #tpu.memory_space<hbm>>) target(%arg8 : memref<1024xi32, #tpu.memory_space<vmem>>) target_semaphore(%run_scoped3A : memref<!tpu.dma_semaphore, #tpu.memory_space<semaphore_mem>>)
      %dma_wait3A_48 = tpu.memref_slice %arg3[%mul3A_0] : memref<16384xi32, #tpu.memory_space<hbm>> -> memref<1024xi32, #tpu.memory_space<hbm>>
      %dma_wait3A_49 = tpu.memref_slice %arg3[%mul3A_0] : memref<16384xi32, #tpu.memory_space<hbm>> -> memref<1024xi32, #tpu.memory_space<hbm>>
      tpu.wait_dma2 semaphore(%run_scoped3A : memref<!tpu.dma_semaphore, #tpu.memory_space<semaphore_mem>>) src(%dma_wait3A_49 : memref<1024xi32, #tpu.memory_space<hbm>>) dst(%arg8 : memref<1024xi32, #tpu.memory_space<vmem>>)
      tpu.yield
    }) : () -> ()
    "tpu.region"() ({
      %run_scoped3A = tpu.sem_alloc : memref<!tpu.dma_semaphore, #tpu.memory_space<semaphore_mem>>
      %dma_start3A_46 = tpu.memref_slice %arg4[%mul3A_0] : memref<16384xi32, #tpu.memory_space<hbm>> -> memref<1024xi32, #tpu.memory_space<hbm>>
      %dma_start3A_47 = tpu.memref_slice %arg4[%mul3A_0] : memref<16384xi32, #tpu.memory_space<hbm>> -> memref<1024xi32, #tpu.memory_space<hbm>>
      tpu.enqueue_dma source(%dma_start3A_47 : memref<1024xi32, #tpu.memory_space<hbm>>) target(%arg10 : memref<1024xi32, #tpu.memory_space<vmem>>) target_semaphore(%run_scoped3A : memref<!tpu.dma_semaphore, #tpu.memory_space<semaphore_mem>>)
      %dma_wait3A_48 = tpu.memref_slice %arg4[%mul3A_0] : memref<16384xi32, #tpu.memory_space<hbm>> -> memref<1024xi32, #tpu.memory_space<hbm>>
      %dma_wait3A_49 = tpu.memref_slice %arg4[%mul3A_0] : memref<16384xi32, #tpu.memory_space<hbm>> -> memref<1024xi32, #tpu.memory_space<hbm>>
      tpu.wait_dma2 semaphore(%run_scoped3A : memref<!tpu.dma_semaphore, #tpu.memory_space<semaphore_mem>>) src(%dma_wait3A_49 : memref<1024xi32, #tpu.memory_space<hbm>>) dst(%arg10 : memref<1024xi32, #tpu.memory_space<vmem>>)
      tpu.yield
    }) : () -> ()
    "tpu.region"() ({
      %run_scoped3A = tpu.sem_alloc : memref<!tpu.dma_semaphore, #tpu.memory_space<semaphore_mem>>
      tpu.enqueue_dma source(%arg5 : memref<1024xf32, #tpu.memory_space<hbm>>) target(%arg11 : memref<1024xf32, #tpu.memory_space<vmem>>) target_semaphore(%run_scoped3A : memref<!tpu.dma_semaphore, #tpu.memory_space<semaphore_mem>>)
      tpu.wait_dma2 semaphore(%run_scoped3A : memref<!tpu.dma_semaphore, #tpu.memory_space<semaphore_mem>>) src(%arg5 : memref<1024xf32, #tpu.memory_space<hbm>>) dst(%arg11 : memref<1024xf32, #tpu.memory_space<vmem>>)
      tpu.yield
    }) : () -> ()
    "tpu.region"() ({
      %run_scoped3A = tpu.sem_alloc : memref<!tpu.dma_semaphore, #tpu.memory_space<semaphore_mem>>
      tpu.enqueue_dma source(%arg6 : memref<1024xf32, #tpu.memory_space<hbm>>) target(%arg12 : memref<1024xf32, #tpu.memory_space<vmem>>) target_semaphore(%run_scoped3A : memref<!tpu.dma_semaphore, #tpu.memory_space<semaphore_mem>>)
      tpu.wait_dma2 semaphore(%run_scoped3A : memref<!tpu.dma_semaphore, #tpu.memory_space<semaphore_mem>>) src(%arg6 : memref<1024xf32, #tpu.memory_space<hbm>>) dst(%arg12 : memref<1024xf32, #tpu.memory_space<vmem>>)
      tpu.yield
    }) : () -> ()
    %broadcast_in_dim3A = arith.constant 0 : i32
    %broadcast_in_dim3A_1 = vector.broadcast %broadcast_in_dim3A : i32 to vector<16xi32>
    %add3A = vector.broadcast %arg0 : i32 to vector<16xi32>
    %add3A_2 = arith.addi %broadcast_in_dim3A_1, %add3A : vector<16xi32>
    %scan3A = arith.constant 0 : i32
    %scan3A_3 = arith.constant 64 : i32
    %scan3A_4 = arith.addi %scan3A, %scan3A_3 : i32
    %scan3A_5 = arith.constant 4 : i32
    scf.for %scan3A_46 = %scan3A to %scan3A_4 step %scan3A_5  : i32 {
      %mul3A_47 = arith.constant 1 : i32
      %mul3A_48 = arith.muli %scan3A_46, %mul3A_47 : i32
      %add3A_49 = arith.constant 0 : i32
      %add3A_50 = arith.addi %add3A_49, %mul3A_48 : i32
      %mul3A_51 = arith.constant 16 : i32
      %mul3A_52 = arith.muli %add3A_50, %mul3A_51 : i32
      %get3A = arith.index_cast %mul3A_52 : i32 to index
      %get3A_53 = tpu.vector_load %arg8[%get3A] {strides = array<i32>} : memref<1024xi32, #tpu.memory_space<vmem>>, vector<16xi32>,
      %shift_left3A = arith.constant 1 : i32
      %shift_left3A_54 = vector.broadcast %shift_left3A : i32 to vector<16xi32>
      %shift_left3A_55 = arith.shli %get3A_53, %shift_left3A_54 : vector<16xi32>
      %add3A_56 = arith.addi %shift_left3A_55, %add3A_2 : vector<16xi32>
      %swap3A = arith.index_cast %mul3A_52 : i32 to index
      %swap3A_57 = tpu.vector_load %arg9[%swap3A] {strides = array<i32>} : memref<1024xi32, #tpu.memory_space<vmem>>, vector<16xi32>,
      tpu.vector_store %arg9[%swap3A], %add3A_56 {strides = array<i32>} : memref<1024xi32, #tpu.memory_space<vmem>>, vector<16xi32>,
      %scan3A_58 = arith.constant 1 : i32
      %scan3A_59 = arith.addi %scan3A_46, %scan3A_58 : i32
      %mul3A_60 = arith.constant 1 : i32
      %mul3A_61 = arith.muli %scan3A_59, %mul3A_60 : i32
      %add3A_62 = arith.constant 0 : i32
      %add3A_63 = arith.addi %add3A_62, %mul3A_61 : i32
      %mul3A_64 = arith.constant 16 : i32
      %mul3A_65 = arith.muli %add3A_63, %mul3A_64 : i32
      %get3A_66 = arith.index_cast %mul3A_65 : i32 to index
      %get3A_67 = tpu.vector_load %arg8[%get3A_66] {strides = array<i32>} : memref<1024xi32, #tpu.memory_space<vmem>>, vector<16xi32>,
      %shift_left3A_68 = arith.constant 1 : i32
      %shift_left3A_69 = vector.broadcast %shift_left3A_68 : i32 to vector<16xi32>
      %shift_left3A_70 = arith.shli %get3A_67, %shift_left3A_69 : vector<16xi32>
      %add3A_71 = arith.addi %shift_left3A_70, %add3A_2 : vector<16xi32>
      %swap3A_72 = arith.index_cast %mul3A_65 : i32 to index
      %swap3A_73 = tpu.vector_load %arg9[%swap3A_72] {strides = array<i32>} : memref<1024xi32, #tpu.memory_space<vmem>>, vector<16xi32>,
      tpu.vector_store %arg9[%swap3A_72], %add3A_71 {strides = array<i32>} : memref<1024xi32, #tpu.memory_space<vmem>>, vector<16xi32>,
      %scan3A_74 = arith.constant 2 : i32
      %scan3A_75 = arith.addi %scan3A_46, %scan3A_74 : i32
      %mul3A_76 = arith.constant 1 : i32
      %mul3A_77 = arith.muli %scan3A_75, %mul3A_76 : i32
      %add3A_78 = arith.constant 0 : i32
      %add3A_79 = arith.addi %add3A_78, %mul3A_77 : i32
      %mul3A_80 = arith.constant 16 : i32
      %mul3A_81 = arith.muli %add3A_79, %mul3A_80 : i32
      %get3A_82 = arith.index_cast %mul3A_81 : i32 to index
      %get3A_83 = tpu.vector_load %arg8[%get3A_82] {strides = array<i32>} : memref<1024xi32, #tpu.memory_space<vmem>>, vector<16xi32>,
      %shift_left3A_84 = arith.constant 1 : i32
      %shift_left3A_85 = vector.broadcast %shift_left3A_84 : i32 to vector<16xi32>
      %shift_left3A_86 = arith.shli %get3A_83, %shift_left3A_85 : vector<16xi32>
      %add3A_87 = arith.addi %shift_left3A_86, %add3A_2 : vector<16xi32>
      %swap3A_88 = arith.index_cast %mul3A_81 : i32 to index
      %swap3A_89 = tpu.vector_load %arg9[%swap3A_88] {strides = array<i32>} : memref<1024xi32, #tpu.memory_space<vmem>>, vector<16xi32>,
      tpu.vector_store %arg9[%swap3A_88], %add3A_87 {strides = array<i32>} : memref<1024xi32, #tpu.memory_space<vmem>>, vector<16xi32>,
      %scan3A_90 = arith.constant 3 : i32
      %scan3A_91 = arith.addi %scan3A_46, %scan3A_90 : i32
      %mul3A_92 = arith.constant 1 : i32
      %mul3A_93 = arith.muli %scan3A_91, %mul3A_92 : i32
      %add3A_94 = arith.constant 0 : i32
      %add3A_95 = arith.addi %add3A_94, %mul3A_93 : i32
      %mul3A_96 = arith.constant 16 : i32
      %mul3A_97 = arith.muli %add3A_95, %mul3A_96 : i32
      %get3A_98 = arith.index_cast %mul3A_97 : i32 to index
      %get3A_99 = tpu.vector_load %arg8[%get3A_98] {strides = array<i32>} : memref<1024xi32, #tpu.memory_space<vmem>>, vector<16xi32>,
      %shift_left3A_100 = arith.constant 1 : i32
      %shift_left3A_101 = vector.broadcast %shift_left3A_100 : i32 to vector<16xi32>
      %shift_left3A_102 = arith.shli %get3A_99, %shift_left3A_101 : vector<16xi32>
      %add3A_103 = arith.addi %shift_left3A_102, %add3A_2 : vector<16xi32>
      %swap3A_104 = arith.index_cast %mul3A_97 : i32 to index
      %swap3A_105 = tpu.vector_load %arg9[%swap3A_104] {strides = array<i32>} : memref<1024xi32, #tpu.memory_space<vmem>>, vector<16xi32>,
      tpu.vector_store %arg9[%swap3A_104], %add3A_103 {strides = array<i32>} : memref<1024xi32, #tpu.memory_space<vmem>>, vector<16xi32>,
    }
    %scan3A_6 = arith.constant 64 : i32
    %dma_start3A = arith.constant 0 : i32
    %dma_start3A_7 = arith.constant 0 : i32
    %dma_start3A_8 = tpu.memref_slice %arg2[%dma_start3A, %dma_start3A_7] : memref<2048x64xf32, #tpu.memory_space<hbm>> -> memref<2048x64xf32, #tpu.memory_space<hbm>>
    tpu.enqueue_indirect_dma source(%dma_start3A_8 : memref<2048x64xf32, #tpu.memory_space<hbm>>) target(%arg16 : memref<1024x64xf32, #tpu.memory_space<vmem>>) offsets(%arg9 : memref<1024xi32, #tpu.memory_space<vmem>>) semaphore(%arg21 : memref<!tpu.dma_semaphore, #tpu.memory_space<semaphore_mem>>)
    %scan3A_9 = arith.constant 0 : i32
    %scan3A_10 = arith.constant 256 : i32
    %scan3A_11 = arith.addi %scan3A_9, %scan3A_10 : i32
    %scan3A_12 = arith.constant 1 : i32
    scf.for %scan3A_46 = %scan3A_9 to %scan3A_11 step %scan3A_12  : i32 {
      %mul3A_47 = arith.constant 1 : i32
      %mul3A_48 = arith.muli %scan3A_46, %mul3A_47 : i32
      %add3A_49 = arith.constant 0 : i32
      %add3A_50 = arith.addi %add3A_49, %mul3A_48 : i32
      %broadcast_in_dim3A_51 = arith.constant 0.000000e+00 : f32
      %broadcast_in_dim3A_52 = vector.broadcast %broadcast_in_dim3A_51 : f32 to vector<16xf32>
      %jit3A = arith.constant 4 : i32
      %div3A = arith.divsi %add3A_50, %jit3A : i32
      %sign3A = arith.constant 0 : i32
      %sign3A_53 = arith.cmpi sgt, %add3A_50, %sign3A : i32
      %sign3A_54 = arith.extui %sign3A_53 : i1 to i32
      %sign3A_55 = arith.constant 0 : i32
      %sign3A_56 = arith.cmpi slt, %add3A_50, %sign3A_55 : i32
      %sign3A_57 = arith.extui %sign3A_56 : i1 to i32
      %sign3A_58 = arith.subi %sign3A_54, %sign3A_57 : i32
      %sign3A_59 = arith.constant 0 : i32
      %sign3A_60 = arith.cmpi sgt, %jit3A, %sign3A_59 : i32
      %sign3A_61 = arith.extui %sign3A_60 : i1 to i32
      %sign3A_62 = arith.constant 0 : i32
      %sign3A_63 = arith.cmpi slt, %jit3A, %sign3A_62 : i32
      %sign3A_64 = arith.extui %sign3A_63 : i1 to i32
      %sign3A_65 = arith.subi %sign3A_61, %sign3A_64 : i32
      %ne3A = arith.cmpi ne, %sign3A_58, %sign3A_65 : i32
      %rem3A = arith.remsi %add3A_50, %jit3A : i32
      %ne3A_66 = arith.constant 0 : i32
      %ne3A_67 = arith.cmpi ne, %rem3A, %ne3A_66 : i32
      %and3A = arith.andi %ne3A, %ne3A_67 : i1
      %sub3A = arith.constant 1 : i32
      %sub3A_68 = arith.subi %div3A, %sub3A : i32
      %select_n3A = arith.select %and3A, %sub3A_68, %div3A : i32
      %jit3A_69 = arith.constant 4 : i32
      %eq3A = arith.constant 0 : i32
      %eq3A_70 = arith.cmpi eq, %jit3A_69, %eq3A : i32
      %jit3A_71 = arith.constant 1 : i32
      %select_n3A_72 = arith.select %eq3A_70, %jit3A_71, %jit3A_69 : i32
      %rem3A_73 = arith.remsi %add3A_50, %select_n3A_72 : i32
      %ne3A_74 = arith.constant 0 : i32
      %ne3A_75 = arith.cmpi ne, %rem3A_73, %ne3A_74 : i32
      %lt3A = arith.constant 0 : i32
      %lt3A_76 = arith.cmpi slt, %rem3A_73, %lt3A : i32
      %lt3A_77 = arith.constant 0 : i32
      %lt3A_78 = arith.cmpi slt, %select_n3A_72, %lt3A_77 : i32
      %ne3A_79 = arith.xori %lt3A_76, %lt3A_78 : i1
      %and3A_80 = arith.andi %ne3A_79, %ne3A_75 : i1
      %add3A_81 = arith.addi %rem3A_73, %select_n3A_72 : i32
      %select_n3A_82 = arith.select %and3A_80, %add3A_81, %rem3A_73 : i32
      %mul3A_83 = arith.constant 16 : i32
      %mul3A_84 = arith.muli %select_n3A_82, %mul3A_83 : i32
      %swap3A = arith.index_cast %select_n3A : i32 to index
      %swap3A_85 = arith.index_cast %mul3A_84 : i32 to index
      %swap3A_86 = tpu.vector_load %arg17[%swap3A, %swap3A_85] {strides = array<i32>} : memref<64x64xf32, #tpu.memory_space<vmem>>, vector<16xf32>,
      tpu.vector_store %arg17[%swap3A, %swap3A_85], %broadcast_in_dim3A_52 {strides = array<i32>} : memref<64x64xf32, #tpu.memory_space<vmem>>, vector<16xf32>,
    }
    %scan3A_13 = arith.constant 256 : i32
    %scan3A_14 = arith.constant 0 : i32
    %scan3A_15 = arith.constant 4 : i32
    %scan3A_16 = arith.addi %scan3A_14, %scan3A_15 : i32
    %scan3A_17 = arith.constant 1 : i32
    scf.for %scan3A_46 = %scan3A_14 to %scan3A_16 step %scan3A_17  : i32 {
      %mul3A_47 = arith.constant 1 : i32
      %mul3A_48 = arith.muli %scan3A_46, %mul3A_47 : i32
      %add3A_49 = arith.constant 0 : i32
      %add3A_50 = arith.addi %add3A_49, %mul3A_48 : i32
      %broadcast_in_dim3A_51 = arith.constant 0.000000e+00 : f32
      %broadcast_in_dim3A_52 = vector.broadcast %broadcast_in_dim3A_51 : f32 to vector<16xf32>
      %mul3A_53 = arith.constant 16 : i32
      %mul3A_54 = arith.muli %add3A_50, %mul3A_53 : i32
      %swap3A = arith.index_cast %mul3A_54 : i32 to index
      %swap3A_55 = tpu.vector_load %arg18[%swap3A] {strides = array<i32>} : memref<64xf32, #tpu.memory_space<vmem>>, vector<16xf32>,
      tpu.vector_store %arg18[%swap3A], %broadcast_in_dim3A_52 {strides = array<i32>} : memref<64xf32, #tpu.memory_space<vmem>>, vector<16xf32>,
    }
    %scan3A_18 = arith.constant 4 : i32
    %mul3A_19 = arith.constant 64 : i32
    %mul3A_20 = arith.muli %arg1, %mul3A_19 : i32
    "tpu.region"() ({
      %run_scoped3A = tpu.sem_alloc : memref<!tpu.dma_semaphore, #tpu.memory_space<semaphore_mem>>
      %dma_start3A_46 = tpu.memref_slice %arg19[%mul3A_20] : memref<1024xf32, #tpu.memory_space<vmem_shared>> -> memref<64xf32, #tpu.memory_space<vmem_shared>>
      %dma_start3A_47 = tpu.memref_slice %arg19[%mul3A_20] : memref<1024xf32, #tpu.memory_space<vmem_shared>> -> memref<64xf32, #tpu.memory_space<vmem_shared>>
      tpu.enqueue_dma source(%arg18 : memref<64xf32, #tpu.memory_space<vmem>>) target(%dma_start3A_47 : memref<64xf32, #tpu.memory_space<vmem_shared>>) target_semaphore(%run_scoped3A : memref<!tpu.dma_semaphore, #tpu.memory_space<semaphore_mem>>)
      %dma_wait3A_48 = tpu.memref_slice %arg19[%mul3A_20] : memref<1024xf32, #tpu.memory_space<vmem_shared>> -> memref<64xf32, #tpu.memory_space<vmem_shared>>
      %dma_wait3A_49 = tpu.memref_slice %arg19[%mul3A_20] : memref<1024xf32, #tpu.memory_space<vmem_shared>> -> memref<64xf32, #tpu.memory_space<vmem_shared>>
      tpu.wait_dma2 semaphore(%run_scoped3A : memref<!tpu.dma_semaphore, #tpu.memory_space<semaphore_mem>>) src(%arg18 : memref<64xf32, #tpu.memory_space<vmem>>) dst(%dma_wait3A_49 : memref<64xf32, #tpu.memory_space<vmem_shared>>)
      tpu.yield
    }) : () -> ()
    %mul3A_21 = arith.constant 64 : i32
    %mul3A_22 = arith.muli %arg1, %mul3A_21 : i32
    "tpu.region"() ({
      %run_scoped3A = tpu.sem_alloc : memref<!tpu.dma_semaphore, #tpu.memory_space<semaphore_mem>>
      %dma_start3A_46 = arith.constant 0 : i32
      %dma_start3A_47 = tpu.memref_slice %arg20[%mul3A_22, %dma_start3A_46] : memref<1024x64xf32, #tpu.memory_space<vmem_shared>> -> memref<64x64xf32, #tpu.memory_space<vmem_shared>>
      %dma_start3A_48 = arith.constant 0 : i32
      %dma_start3A_49 = tpu.memref_slice %arg20[%mul3A_22, %dma_start3A_48] : memref<1024x64xf32, #tpu.memory_space<vmem_shared>> -> memref<64x64xf32, #tpu.memory_space<vmem_shared>>
      tpu.enqueue_dma source(%arg17 : memref<64x64xf32, #tpu.memory_space<vmem>>) target(%dma_start3A_49 : memref<64x64xf32, #tpu.memory_space<vmem_shared>>) target_semaphore(%run_scoped3A : memref<!tpu.dma_semaphore, #tpu.memory_space<semaphore_mem>>)
      %dma_wait3A_50 = arith.constant 0 : i32
      %dma_wait3A_51 = tpu.memref_slice %arg20[%mul3A_22, %dma_wait3A_50] : memref<1024x64xf32, #tpu.memory_space<vmem_shared>> -> memref<64x64xf32, #tpu.memory_space<vmem_shared>>
      %dma_wait3A_52 = arith.constant 0 : i32
      %dma_wait3A_53 = tpu.memref_slice %arg20[%mul3A_22, %dma_wait3A_52] : memref<1024x64xf32, #tpu.memory_space<vmem_shared>> -> memref<64x64xf32, #tpu.memory_space<vmem_shared>>
      tpu.wait_dma2 semaphore(%run_scoped3A : memref<!tpu.dma_semaphore, #tpu.memory_space<semaphore_mem>>) src(%arg17 : memref<64x64xf32, #tpu.memory_space<vmem>>) dst(%dma_wait3A_53 : memref<64x64xf32, #tpu.memory_space<vmem_shared>>)
      tpu.yield
    }) : () -> ()
    %barrier3A = arith.constant 0 : index
    tpu.barrier barrier_id(%barrier3A)
    %scan3A_23 = arith.constant 0 : i32
    %scan3A_24 = arith.constant 64 : i32
    %scan3A_25 = arith.addi %scan3A_23, %scan3A_24 : i32
    %scan3A_26 = arith.constant 1 : i32
    scf.for %scan3A_46 = %scan3A_23 to %scan3A_25 step %scan3A_26  : i32 {
      %mul3A_47 = arith.constant 1 : i32
      %mul3A_48 = arith.muli %scan3A_46, %mul3A_47 : i32
      %add3A_49 = arith.constant 0 : i32
      %add3A_50 = arith.addi %add3A_49, %mul3A_48 : i32
      %mul3A_51 = arith.constant 16 : i32
      %mul3A_52 = arith.muli %add3A_50, %mul3A_51 : i32
      %get3A = arith.index_cast %mul3A_52 : i32 to index
      %get3A_53 = tpu.vector_load %arg8[%get3A] {strides = array<i32>} : memref<1024xi32, #tpu.memory_space<vmem>>, vector<16xi32>,
      %gather3A = tpu.vector_load_idx %arg11[%get3A_53] : memref<1024xf32, #tpu.memory_space<vmem>>[vector<16xi32>], vector<16xf32>,
      %get3A_54 = arith.index_cast %mul3A_52 : i32 to index
      %get3A_55 = tpu.vector_load %arg10[%get3A_54] {strides = array<i32>} : memref<1024xi32, #tpu.memory_space<vmem>>, vector<16xi32>,
      %gather3A_56 = tpu.vector_load_idx %arg12[%get3A_55] : memref<1024xf32, #tpu.memory_space<vmem>>[vector<16xi32>], vector<16xf32>,
      %add3A_57 = arith.addf %gather3A, %gather3A_56 : vector<16xf32>
      %ge3A = arith.constant 0.000000e+00 : f32
      %ge3A_58 = vector.broadcast %ge3A : f32 to vector<16xf32>
      %ge3A_59 = arith.cmpf oge, %add3A_57, %ge3A_58 : vector<16xf32>
      %mul3A_60 = arith.constant 2.000000e-01 : f32
      %mul3A_61 = vector.broadcast %mul3A_60 : f32 to vector<16xf32>
      %mul3A_62 = arith.mulf %mul3A_61, %add3A_57 : vector<16xf32>
      %select_n3A = arith.select %ge3A_59, %add3A_57, %mul3A_62 : vector<16xi1>, vector<16xf32>
      %exp3A = math.exp %select_n3A : vector<16xf32>
      %swap3A = arith.index_cast %mul3A_52 : i32 to index
      %swap3A_63 = tpu.vector_load %arg13[%swap3A] {strides = array<i32>} : memref<1024xf32, #tpu.memory_space<vmem>>, vector<16xf32>,
      tpu.vector_store %arg13[%swap3A], %exp3A {strides = array<i32>} : memref<1024xf32, #tpu.memory_space<vmem>>, vector<16xf32>,
    }
    %scan3A_27 = arith.constant 64 : i32
    "tpu.region"() ({
      %run_scoped3A = tpu.sem_alloc : memref<!tpu.dma_semaphore, #tpu.memory_space<semaphore_mem>>
      %dma_start3A_46 = arith.constant 0 : i32
      %dma_start3A_47 = tpu.memref_slice %arg19[%dma_start3A_46] : memref<1024xf32, #tpu.memory_space<vmem_shared>> -> memref<1024xf32, #tpu.memory_space<vmem_shared>>
      tpu.enqueue_indirect_dma source(%arg13 : memref<1024xf32, #tpu.memory_space<vmem>>) target(%dma_start3A_47 : memref<1024xf32, #tpu.memory_space<vmem_shared>>) offsets(%arg10 : memref<1024xi32, #tpu.memory_space<vmem>>) semaphore(%run_scoped3A : memref<!tpu.dma_semaphore, #tpu.memory_space<semaphore_mem>>) {add = true}
      %dma_wait3A_48 = arith.constant 0 : i32
      %dma_wait3A_49 = tpu.memref_slice %arg19[%dma_wait3A_48] : memref<1024xf32, #tpu.memory_space<vmem_shared>> -> memref<1024xf32, #tpu.memory_space<vmem_shared>>
      tpu.wait_indirect_dma semaphore(%run_scoped3A : memref<!tpu.dma_semaphore, #tpu.memory_space<semaphore_mem>>) src(%arg13 : memref<1024xf32, #tpu.memory_space<vmem>>) dst(%dma_wait3A_49 : memref<1024xf32, #tpu.memory_space<vmem_shared>>)
      tpu.yield
    }) : () -> ()
    %barrier3A_28 = arith.constant 0 : index
    tpu.barrier barrier_id(%barrier3A_28)
    "tpu.region"() ({
      %run_scoped3A = tpu.sem_alloc : memref<!tpu.dma_semaphore, #tpu.memory_space<semaphore_mem>>
      tpu.enqueue_dma source(%arg19 : memref<1024xf32, #tpu.memory_space<vmem_shared>>) target(%arg15 : memref<1024xf32, #tpu.memory_space<vmem>>) target_semaphore(%run_scoped3A : memref<!tpu.dma_semaphore, #tpu.memory_space<semaphore_mem>>)
      tpu.wait_dma2 semaphore(%run_scoped3A : memref<!tpu.dma_semaphore, #tpu.memory_space<semaphore_mem>>) src(%arg19 : memref<1024xf32, #tpu.memory_space<vmem_shared>>) dst(%arg15 : memref<1024xf32, #tpu.memory_space<vmem>>)
      tpu.yield
    }) : () -> ()
    %scan3A_29 = arith.constant 0 : i32
    %scan3A_30 = arith.constant 64 : i32
    %scan3A_31 = arith.addi %scan3A_29, %scan3A_30 : i32
    %scan3A_32 = arith.constant 1 : i32
    scf.for %scan3A_46 = %scan3A_29 to %scan3A_31 step %scan3A_32  : i32 {
      %mul3A_47 = arith.constant 1 : i32
      %mul3A_48 = arith.muli %scan3A_46, %mul3A_47 : i32
      %add3A_49 = arith.constant 0 : i32
      %add3A_50 = arith.addi %add3A_49, %mul3A_48 : i32
      %mul3A_51 = arith.constant 16 : i32
      %mul3A_52 = arith.muli %add3A_50, %mul3A_51 : i32
      %get3A = arith.index_cast %mul3A_52 : i32 to index
      %get3A_53 = tpu.vector_load %arg10[%get3A] {strides = array<i32>} : memref<1024xi32, #tpu.memory_space<vmem>>, vector<16xi32>,
      %gather3A = tpu.vector_load_idx %arg15[%get3A_53] : memref<1024xf32, #tpu.memory_space<vmem>>[vector<16xi32>], vector<16xf32>,
      %get3A_54 = arith.index_cast %mul3A_52 : i32 to index
      %get3A_55 = tpu.vector_load %arg13[%get3A_54] {strides = array<i32>} : memref<1024xf32, #tpu.memory_space<vmem>>, vector<16xf32>,
      %add3A_56 = arith.constant 1.000000e-16 : f32
      %add3A_57 = vector.broadcast %add3A_56 : f32 to vector<16xf32>
      %add3A_58 = arith.addf %gather3A, %add3A_57 : vector<16xf32>
      %div3A = arith.divf %get3A_55, %add3A_58 : vector<16xf32>
      %swap3A = arith.index_cast %mul3A_52 : i32 to index
      %swap3A_59 = tpu.vector_load %arg14[%swap3A] {strides = array<i32>} : memref<1024xf32, #tpu.memory_space<vmem>>, vector<16xf32>,
      tpu.vector_store %arg14[%swap3A], %div3A {strides = array<i32>} : memref<1024xf32, #tpu.memory_space<vmem>>, vector<16xf32>,
    }
    %scan3A_33 = arith.constant 64 : i32
    %dma_wait3A = arith.constant 0 : i32
    %dma_wait3A_34 = arith.constant 0 : i32
    %dma_wait3A_35 = tpu.memref_slice %arg2[%dma_wait3A, %dma_wait3A_34] : memref<2048x64xf32, #tpu.memory_space<hbm>> -> memref<2048x64xf32, #tpu.memory_space<hbm>>
    tpu.wait_indirect_dma semaphore(%arg21 : memref<!tpu.dma_semaphore, #tpu.memory_space<semaphore_mem>>) src(%dma_wait3A_35 : memref<2048x64xf32, #tpu.memory_space<hbm>>) dst(%arg16 : memref<1024x64xf32, #tpu.memory_space<vmem>>)
    %scan3A_36 = arith.constant 0 : i32
    %scan3A_37 = arith.constant 1024 : i32
    %scan3A_38 = arith.addi %scan3A_36, %scan3A_37 : i32
    %scan3A_39 = arith.constant 1 : i32
    scf.for %scan3A_46 = %scan3A_36 to %scan3A_38 step %scan3A_39  : i32 {
      %mul3A_47 = arith.constant 1 : i32
      %mul3A_48 = arith.muli %scan3A_46, %mul3A_47 : i32
      %add3A_49 = arith.constant 0 : i32
      %add3A_50 = arith.addi %add3A_49, %mul3A_48 : i32
      %broadcast_in_dim3A_51 = arith.constant 0 : i32
      %broadcast_in_dim3A_52 = vector.broadcast %broadcast_in_dim3A_51 : i32 to vector<16xi32>
      %add3A_53 = vector.broadcast %add3A_50 : i32 to vector<16xi32>
      %add3A_54 = arith.addi %broadcast_in_dim3A_52, %add3A_53 : vector<16xi32>
      %gather3A = tpu.vector_load_idx %arg14[%add3A_54] : memref<1024xf32, #tpu.memory_space<vmem>>[vector<16xi32>], vector<16xf32>,
      %get3A = arith.index_cast %add3A_50 : i32 to index
      %get3A_55 = arith.constant 0 : index
      %get3A_56 = tpu.vector_load %arg16[%get3A, %get3A_55] {strides = array<i32>} : memref<1024x64xf32, #tpu.memory_space<vmem>>, vector<16xf32>,
      %mul3A_57 = arith.mulf %get3A_56, %gather3A : vector<16xf32>
      %swap3A = arith.index_cast %add3A_50 : i32 to index
      %swap3A_58 = arith.constant 0 : index
      %swap3A_59 = tpu.vector_load %arg16[%swap3A, %swap3A_58] {strides = array<i32>} : memref<1024x64xf32, #tpu.memory_space<vmem>>, vector<16xf32>,
      tpu.vector_store %arg16[%swap3A, %swap3A_58], %mul3A_57 {strides = array<i32>} : memref<1024x64xf32, #tpu.memory_space<vmem>>, vector<16xf32>,
      %get3A_60 = arith.index_cast %add3A_50 : i32 to index
      %get3A_61 = arith.constant 16 : index
      %get3A_62 = tpu.vector_load %arg16[%get3A_60, %get3A_61] {strides = array<i32>} : memref<1024x64xf32, #tpu.memory_space<vmem>>, vector<16xf32>,
      %mul3A_63 = arith.mulf %get3A_62, %gather3A : vector<16xf32>
      %swap3A_64 = arith.index_cast %add3A_50 : i32 to index
      %swap3A_65 = arith.constant 16 : index
      %swap3A_66 = tpu.vector_load %arg16[%swap3A_64, %swap3A_65] {strides = array<i32>} : memref<1024x64xf32, #tpu.memory_space<vmem>>, vector<16xf32>,
      tpu.vector_store %arg16[%swap3A_64, %swap3A_65], %mul3A_63 {strides = array<i32>} : memref<1024x64xf32, #tpu.memory_space<vmem>>, vector<16xf32>,
      %get3A_67 = arith.index_cast %add3A_50 : i32 to index
      %get3A_68 = arith.constant 32 : index
      %get3A_69 = tpu.vector_load %arg16[%get3A_67, %get3A_68] {strides = array<i32>} : memref<1024x64xf32, #tpu.memory_space<vmem>>, vector<16xf32>,
      %mul3A_70 = arith.mulf %get3A_69, %gather3A : vector<16xf32>
      %swap3A_71 = arith.index_cast %add3A_50 : i32 to index
      %swap3A_72 = arith.constant 32 : index
      %swap3A_73 = tpu.vector_load %arg16[%swap3A_71, %swap3A_72] {strides = array<i32>} : memref<1024x64xf32, #tpu.memory_space<vmem>>, vector<16xf32>,
      tpu.vector_store %arg16[%swap3A_71, %swap3A_72], %mul3A_70 {strides = array<i32>} : memref<1024x64xf32, #tpu.memory_space<vmem>>, vector<16xf32>,
      %get3A_74 = arith.index_cast %add3A_50 : i32 to index
      %get3A_75 = arith.constant 48 : index
      %get3A_76 = tpu.vector_load %arg16[%get3A_74, %get3A_75] {strides = array<i32>} : memref<1024x64xf32, #tpu.memory_space<vmem>>, vector<16xf32>,
      %mul3A_77 = arith.mulf %get3A_76, %gather3A : vector<16xf32>
      %swap3A_78 = arith.index_cast %add3A_50 : i32 to index
      %swap3A_79 = arith.constant 48 : index
      %swap3A_80 = tpu.vector_load %arg16[%swap3A_78, %swap3A_79] {strides = array<i32>} : memref<1024x64xf32, #tpu.memory_space<vmem>>, vector<16xf32>,
      tpu.vector_store %arg16[%swap3A_78, %swap3A_79], %mul3A_77 {strides = array<i32>} : memref<1024x64xf32, #tpu.memory_space<vmem>>, vector<16xf32>,
    }
    %scan3A_40 = arith.constant 1024 : i32
    "tpu.region"() ({
      %run_scoped3A = tpu.sem_alloc : memref<!tpu.dma_semaphore, #tpu.memory_space<semaphore_mem>>
      %dma_start3A_46 = arith.constant 0 : i32
      %dma_start3A_47 = arith.constant 0 : i32
      %dma_start3A_48 = tpu.memref_slice %arg20[%dma_start3A_46, %dma_start3A_47] : memref<1024x64xf32, #tpu.memory_space<vmem_shared>> -> memref<1024x64xf32, #tpu.memory_space<vmem_shared>>
      tpu.enqueue_indirect_dma source(%arg16 : memref<1024x64xf32, #tpu.memory_space<vmem>>) target(%dma_start3A_48 : memref<1024x64xf32, #tpu.memory_space<vmem_shared>>) offsets(%arg10 : memref<1024xi32, #tpu.memory_space<vmem>>) semaphore(%run_scoped3A : memref<!tpu.dma_semaphore, #tpu.memory_space<semaphore_mem>>) {add = true}
      %dma_wait3A_49 = arith.constant 0 : i32
      %dma_wait3A_50 = arith.constant 0 : i32
      %dma_wait3A_51 = tpu.memref_slice %arg20[%dma_wait3A_49, %dma_wait3A_50] : memref<1024x64xf32, #tpu.memory_space<vmem_shared>> -> memref<1024x64xf32, #tpu.memory_space<vmem_shared>>
      tpu.wait_indirect_dma semaphore(%run_scoped3A : memref<!tpu.dma_semaphore, #tpu.memory_space<semaphore_mem>>) src(%arg16 : memref<1024x64xf32, #tpu.memory_space<vmem>>) dst(%dma_wait3A_51 : memref<1024x64xf32, #tpu.memory_space<vmem_shared>>)
      tpu.yield
    }) : () -> ()
    %barrier3A_41 = arith.constant 0 : index
    tpu.barrier barrier_id(%barrier3A_41)
    %mul3A_42 = arith.constant 64 : i32
    %mul3A_43 = arith.muli %arg1, %mul3A_42 : i32
    %multiple_of3A = tpu.assume_multiple %mul3A_43, 64 : i32
    %mul3A_44 = arith.constant 64 : i32
    %mul3A_45 = arith.muli %arg0, %mul3A_44 : i32
    "tpu.region"() ({
      %run_scoped3A = tpu.sem_alloc : memref<!tpu.dma_semaphore, #tpu.memory_space<semaphore_mem>>
      %dma_start3A_46 = tpu.memref_slice %arg7[%multiple_of3A, %mul3A_45] : memref<1024x128xf32, #tpu.memory_space<hbm>> -> memref<64x64xf32, #tpu.memory_space<hbm>>
      %dma_start3A_47 = arith.constant 0 : i32
      %dma_start3A_48 = tpu.memref_slice %arg20[%multiple_of3A, %dma_start3A_47] : memref<1024x64xf32, #tpu.memory_space<vmem_shared>> -> memref<64x64xf32, #tpu.memory_space<vmem_shared>>
      tpu.enqueue_dma source(%dma_start3A_48 : memref<64x64xf32, #tpu.memory_space<vmem_shared>>) target(%dma_start3A_46 : memref<64x64xf32, #tpu.memory_space<hbm>>) target_semaphore(%run_scoped3A : memref<!tpu.dma_semaphore, #tpu.memory_space<semaphore_mem>>)
      %dma_wait3A_49 = tpu.memref_slice %arg7[%multiple_of3A, %mul3A_45] : memref<1024x128xf32, #tpu.memory_space<hbm>> -> memref<64x64xf32, #tpu.memory_space<hbm>>
      %dma_wait3A_50 = arith.constant 0 : i32
      %dma_wait3A_51 = tpu.memref_slice %arg20[%multiple_of3A, %dma_wait3A_50] : memref<1024x64xf32, #tpu.memory_space<vmem_shared>> -> memref<64x64xf32, #tpu.memory_space<vmem_shared>>
      tpu.wait_dma2 semaphore(%run_scoped3A : memref<!tpu.dma_semaphore, #tpu.memory_space<semaphore_mem>>) src(%dma_wait3A_51 : memref<64x64xf32, #tpu.memory_space<vmem_shared>>) dst(%dma_wait3A_49 : memref<64x64xf32, #tpu.memory_space<hbm>>)
      tpu.yield
    }) : () -> ()
    return
  }
}

#map = affine_map<(d0, d1) -> (0, 0)>
#map1 = affine_map<(d0, d1) -> (0)>
module attributes {stable_mosaic.version = 14 : i64} {
  func.func @body(%arg0: i32, %arg1: i32, %arg2: memref<2048x64xf32, #tpu.memory_space<hbm>>, %arg3: memref<16384xi32, #tpu.memory_space<hbm>>, %arg4: memref<16384xi32, #tpu.memory_space<hbm>>, %arg5: memref<1024xf32, #tpu.memory_space<hbm>>, %arg6: memref<1024xf32, #tpu.memory_space<hbm>>, %arg7: memref<1024x128xf32, #tpu.memory_space<hbm>>, %arg8: memref<1024xi32, #tpu.memory_space<vmem>>, %arg9: memref<1024xi32, #tpu.memory_space<vmem>>, %arg10: memref<1024xi32, #tpu.memory_space<vmem>>, %arg11: memref<1024xf32, #tpu.memory_space<vmem>>, %arg12: memref<1024xf32, #tpu.memory_space<vmem>>, %arg13: memref<1024xf32, #tpu.memory_space<vmem>>, %arg14: memref<1024xf32, #tpu.memory_space<vmem>>, %arg15: memref<1024xf32, #tpu.memory_space<vmem>>, %arg16: memref<1024x64xf32, #tpu.memory_space<vmem>>, %arg17: memref<64x64xf32, #tpu.memory_space<vmem>>, %arg18: memref<64xf32, #tpu.memory_space<vmem>>, %arg19: memref<1024xf32, #tpu.memory_space<vmem_shared>>, %arg20: memref<1024x64xf32, #tpu.memory_space<vmem_shared>>, %arg21: memref<!tpu.dma_semaphore, #tpu.memory_space<semaphore_mem>>) attributes {dimension_semantics = [#tpu.dimension_semantics<core_parallel>, #tpu.dimension_semantics<subcore_parallel>], iteration_bounds = array<i64: 2, 16>, scalar_prefetch = 0 : i64, scratch_operands = 14 : i64, tpu.core_type = #tpu.core_type<sc_vector_subcore>, window_params = [{transform_indices = #map}, {transform_indices = #map1}, {transform_indices = #map1}, {transform_indices = #map1}, {transform_indices = #map1}, {transform_indices = #map}]} {
    %mul3A = arith.constant 1024 : i32
    %mul3A_0 = arith.muli %arg1, %mul3A : i32
    "tpu.region"() ({
      %run_scoped3A = tpu.sem_alloc : memref<!tpu.dma_semaphore, #tpu.memory_space<semaphore_mem>>
      %dma_start3A_46 = tpu.memref_slice %arg3[%mul3A_0] : memref<16384xi32, #tpu.memory_space<hbm>> -> memref<1024xi32, #tpu.memory_space<hbm>>
      %dma_start3A_47 = tpu.memref_slice %arg3[%mul3A_0] : memref<16384xi32, #tpu.memory_space<hbm>> -> memref<1024xi32, #tpu.memory_space<hbm>>
      tpu.enqueue_dma source(%dma_start3A_47 : memref<1024xi32, #tpu.memory_space<hbm>>) target(%arg8 : memref<1024xi32, #tpu.memory_space<vmem>>) target_semaphore(%run_scoped3A : memref<!tpu.dma_semaphore, #tpu.memory_space<semaphore_mem>>)
      %dma_wait3A_48 = tpu.memref_slice %arg3[%mul3A_0] : memref<16384xi32, #tpu.memory_space<hbm>> -> memref<1024xi32, #tpu.memory_space<hbm>>
      %dma_wait3A_49 = tpu.memref_slice %arg3[%mul3A_0] : memref<16384xi32, #tpu.memory_space<hbm>> -> memref<1024xi32, #tpu.memory_space<hbm>>
      tpu.wait_dma2 semaphore(%run_scoped3A : memref<!tpu.dma_semaphore, #tpu.memory_space<semaphore_mem>>) src(%dma_wait3A_49 : memref<1024xi32, #tpu.memory_space<hbm>>) dst(%arg8 : memref<1024xi32, #tpu.memory_space<vmem>>)
      tpu.yield
    }) : () -> ()
    "tpu.region"() ({
      %run_scoped3A = tpu.sem_alloc : memref<!tpu.dma_semaphore, #tpu.memory_space<semaphore_mem>>
      %dma_start3A_46 = tpu.memref_slice %arg4[%mul3A_0] : memref<16384xi32, #tpu.memory_space<hbm>> -> memref<1024xi32, #tpu.memory_space<hbm>>
      %dma_start3A_47 = tpu.memref_slice %arg4[%mul3A_0] : memref<16384xi32, #tpu.memory_space<hbm>> -> memref<1024xi32, #tpu.memory_space<hbm>>
      tpu.enqueue_dma source(%dma_start3A_47 : memref<1024xi32, #tpu.memory_space<hbm>>) target(%arg10 : memref<1024xi32, #tpu.memory_space<vmem>>) target_semaphore(%run_scoped3A : memref<!tpu.dma_semaphore, #tpu.memory_space<semaphore_mem>>)
      %dma_wait3A_48 = tpu.memref_slice %arg4[%mul3A_0] : memref<16384xi32, #tpu.memory_space<hbm>> -> memref<1024xi32, #tpu.memory_space<hbm>>
      %dma_wait3A_49 = tpu.memref_slice %arg4[%mul3A_0] : memref<16384xi32, #tpu.memory_space<hbm>> -> memref<1024xi32, #tpu.memory_space<hbm>>
      tpu.wait_dma2 semaphore(%run_scoped3A : memref<!tpu.dma_semaphore, #tpu.memory_space<semaphore_mem>>) src(%dma_wait3A_49 : memref<1024xi32, #tpu.memory_space<hbm>>) dst(%arg10 : memref<1024xi32, #tpu.memory_space<vmem>>)
      tpu.yield
    }) : () -> ()
    "tpu.region"() ({
      %run_scoped3A = tpu.sem_alloc : memref<!tpu.dma_semaphore, #tpu.memory_space<semaphore_mem>>
      tpu.enqueue_dma source(%arg5 : memref<1024xf32, #tpu.memory_space<hbm>>) target(%arg11 : memref<1024xf32, #tpu.memory_space<vmem>>) target_semaphore(%run_scoped3A : memref<!tpu.dma_semaphore, #tpu.memory_space<semaphore_mem>>)
      tpu.wait_dma2 semaphore(%run_scoped3A : memref<!tpu.dma_semaphore, #tpu.memory_space<semaphore_mem>>) src(%arg5 : memref<1024xf32, #tpu.memory_space<hbm>>) dst(%arg11 : memref<1024xf32, #tpu.memory_space<vmem>>)
      tpu.yield
    }) : () -> ()
    "tpu.region"() ({
      %run_scoped3A = tpu.sem_alloc : memref<!tpu.dma_semaphore, #tpu.memory_space<semaphore_mem>>
      tpu.enqueue_dma source(%arg6 : memref<1024xf32, #tpu.memory_space<hbm>>) target(%arg12 : memref<1024xf32, #tpu.memory_space<vmem>>) target_semaphore(%run_scoped3A : memref<!tpu.dma_semaphore, #tpu.memory_space<semaphore_mem>>)
      tpu.wait_dma2 semaphore(%run_scoped3A : memref<!tpu.dma_semaphore, #tpu.memory_space<semaphore_mem>>) src(%arg6 : memref<1024xf32, #tpu.memory_space<hbm>>) dst(%arg12 : memref<1024xf32, #tpu.memory_space<vmem>>)
      tpu.yield
    }) : () -> ()
    %broadcast_in_dim3A = arith.constant 0 : i32
    %broadcast_in_dim3A_1 = vector.broadcast %broadcast_in_dim3A : i32 to vector<16xi32>
    %add3A = vector.broadcast %arg0 : i32 to vector<16xi32>
    %add3A_2 = arith.addi %broadcast_in_dim3A_1, %add3A : vector<16xi32>
    %scan3A = arith.constant 0 : i32
    %scan3A_3 = arith.constant 64 : i32
    %scan3A_4 = arith.addi %scan3A, %scan3A_3 : i32
    %scan3A_5 = arith.constant 4 : i32
    scf.for %scan3A_46 = %scan3A to %scan3A_4 step %scan3A_5  : i32 {
      %mul3A_47 = arith.constant 1 : i32
      %mul3A_48 = arith.muli %scan3A_46, %mul3A_47 : i32
      %add3A_49 = arith.constant 0 : i32
      %add3A_50 = arith.addi %add3A_49, %mul3A_48 : i32
      %mul3A_51 = arith.constant 16 : i32
      %mul3A_52 = arith.muli %add3A_50, %mul3A_51 : i32
      %get3A = arith.index_cast %mul3A_52 : i32 to index
      %get3A_53 = tpu.vector_load %arg8[%get3A] {strides = array<i32>} : memref<1024xi32, #tpu.memory_space<vmem>>, vector<16xi32>,
      %shift_left3A = arith.constant 1 : i32
      %shift_left3A_54 = vector.broadcast %shift_left3A : i32 to vector<16xi32>
      %shift_left3A_55 = arith.shli %get3A_53, %shift_left3A_54 : vector<16xi32>
      %add3A_56 = arith.addi %shift_left3A_55, %add3A_2 : vector<16xi32>
      %swap3A = arith.index_cast %mul3A_52 : i32 to index
      %swap3A_57 = tpu.vector_load %arg9[%swap3A] {strides = array<i32>} : memref<1024xi32, #tpu.memory_space<vmem>>, vector<16xi32>,
      tpu.vector_store %arg9[%swap3A], %add3A_56 {strides = array<i32>} : memref<1024xi32, #tpu.memory_space<vmem>>, vector<16xi32>,
      %scan3A_58 = arith.constant 1 : i32
      %scan3A_59 = arith.addi %scan3A_46, %scan3A_58 : i32
      %mul3A_60 = arith.constant 1 : i32
      %mul3A_61 = arith.muli %scan3A_59, %mul3A_60 : i32
      %add3A_62 = arith.constant 0 : i32
      %add3A_63 = arith.addi %add3A_62, %mul3A_61 : i32
      %mul3A_64 = arith.constant 16 : i32
      %mul3A_65 = arith.muli %add3A_63, %mul3A_64 : i32
      %get3A_66 = arith.index_cast %mul3A_65 : i32 to index
      %get3A_67 = tpu.vector_load %arg8[%get3A_66] {strides = array<i32>} : memref<1024xi32, #tpu.memory_space<vmem>>, vector<16xi32>,
      %shift_left3A_68 = arith.constant 1 : i32
      %shift_left3A_69 = vector.broadcast %shift_left3A_68 : i32 to vector<16xi32>
      %shift_left3A_70 = arith.shli %get3A_67, %shift_left3A_69 : vector<16xi32>
      %add3A_71 = arith.addi %shift_left3A_70, %add3A_2 : vector<16xi32>
      %swap3A_72 = arith.index_cast %mul3A_65 : i32 to index
      %swap3A_73 = tpu.vector_load %arg9[%swap3A_72] {strides = array<i32>} : memref<1024xi32, #tpu.memory_space<vmem>>, vector<16xi32>,
      tpu.vector_store %arg9[%swap3A_72], %add3A_71 {strides = array<i32>} : memref<1024xi32, #tpu.memory_space<vmem>>, vector<16xi32>,
      %scan3A_74 = arith.constant 2 : i32
      %scan3A_75 = arith.addi %scan3A_46, %scan3A_74 : i32
      %mul3A_76 = arith.constant 1 : i32
      %mul3A_77 = arith.muli %scan3A_75, %mul3A_76 : i32
      %add3A_78 = arith.constant 0 : i32
      %add3A_79 = arith.addi %add3A_78, %mul3A_77 : i32
      %mul3A_80 = arith.constant 16 : i32
      %mul3A_81 = arith.muli %add3A_79, %mul3A_80 : i32
      %get3A_82 = arith.index_cast %mul3A_81 : i32 to index
      %get3A_83 = tpu.vector_load %arg8[%get3A_82] {strides = array<i32>} : memref<1024xi32, #tpu.memory_space<vmem>>, vector<16xi32>,
      %shift_left3A_84 = arith.constant 1 : i32
      %shift_left3A_85 = vector.broadcast %shift_left3A_84 : i32 to vector<16xi32>
      %shift_left3A_86 = arith.shli %get3A_83, %shift_left3A_85 : vector<16xi32>
      %add3A_87 = arith.addi %shift_left3A_86, %add3A_2 : vector<16xi32>
      %swap3A_88 = arith.index_cast %mul3A_81 : i32 to index
      %swap3A_89 = tpu.vector_load %arg9[%swap3A_88] {strides = array<i32>} : memref<1024xi32, #tpu.memory_space<vmem>>, vector<16xi32>,
      tpu.vector_store %arg9[%swap3A_88], %add3A_87 {strides = array<i32>} : memref<1024xi32, #tpu.memory_space<vmem>>, vector<16xi32>,
      %scan3A_90 = arith.constant 3 : i32
      %scan3A_91 = arith.addi %scan3A_46, %scan3A_90 : i32
      %mul3A_92 = arith.constant 1 : i32
      %mul3A_93 = arith.muli %scan3A_91, %mul3A_92 : i32
      %add3A_94 = arith.constant 0 : i32
      %add3A_95 = arith.addi %add3A_94, %mul3A_93 : i32
      %mul3A_96 = arith.constant 16 : i32
      %mul3A_97 = arith.muli %add3A_95, %mul3A_96 : i32
      %get3A_98 = arith.index_cast %mul3A_97 : i32 to index
      %get3A_99 = tpu.vector_load %arg8[%get3A_98] {strides = array<i32>} : memref<1024xi32, #tpu.memory_space<vmem>>, vector<16xi32>,
      %shift_left3A_100 = arith.constant 1 : i32
      %shift_left3A_101 = vector.broadcast %shift_left3A_100 : i32 to vector<16xi32>
      %shift_left3A_102 = arith.shli %get3A_99, %shift_left3A_101 : vector<16xi32>
      %add3A_103 = arith.addi %shift_left3A_102, %add3A_2 : vector<16xi32>
      %swap3A_104 = arith.index_cast %mul3A_97 : i32 to index
      %swap3A_105 = tpu.vector_load %arg9[%swap3A_104] {strides = array<i32>} : memref<1024xi32, #tpu.memory_space<vmem>>, vector<16xi32>,
      tpu.vector_store %arg9[%swap3A_104], %add3A_103 {strides = array<i32>} : memref<1024xi32, #tpu.memory_space<vmem>>, vector<16xi32>,
    }
    %scan3A_6 = arith.constant 64 : i32
    %dma_start3A = arith.constant 0 : i32
    %dma_start3A_7 = arith.constant 0 : i32
    %dma_start3A_8 = tpu.memref_slice %arg2[%dma_start3A, %dma_start3A_7] : memref<2048x64xf32, #tpu.memory_space<hbm>> -> memref<2048x64xf32, #tpu.memory_space<hbm>>
    tpu.enqueue_indirect_dma source(%dma_start3A_8 : memref<2048x64xf32, #tpu.memory_space<hbm>>) target(%arg16 : memref<1024x64xf32, #tpu.memory_space<vmem>>) offsets(%arg9 : memref<1024xi32, #tpu.memory_space<vmem>>) semaphore(%arg21 : memref<!tpu.dma_semaphore, #tpu.memory_space<semaphore_mem>>)
    %scan3A_9 = arith.constant 0 : i32
    %scan3A_10 = arith.constant 256 : i32
    %scan3A_11 = arith.addi %scan3A_9, %scan3A_10 : i32
    %scan3A_12 = arith.constant 1 : i32
    scf.for %scan3A_46 = %scan3A_9 to %scan3A_11 step %scan3A_12  : i32 {
      %mul3A_47 = arith.constant 1 : i32
      %mul3A_48 = arith.muli %scan3A_46, %mul3A_47 : i32
      %add3A_49 = arith.constant 0 : i32
      %add3A_50 = arith.addi %add3A_49, %mul3A_48 : i32
      %broadcast_in_dim3A_51 = arith.constant 0.000000e+00 : f32
      %broadcast_in_dim3A_52 = vector.broadcast %broadcast_in_dim3A_51 : f32 to vector<16xf32>
      %jit3A = arith.constant 4 : i32
      %div3A = arith.divsi %add3A_50, %jit3A : i32
      %sign3A = arith.constant 0 : i32
      %sign3A_53 = arith.cmpi sgt, %add3A_50, %sign3A : i32
      %sign3A_54 = arith.extui %sign3A_53 : i1 to i32
      %sign3A_55 = arith.constant 0 : i32
      %sign3A_56 = arith.cmpi slt, %add3A_50, %sign3A_55 : i32
      %sign3A_57 = arith.extui %sign3A_56 : i1 to i32
      %sign3A_58 = arith.subi %sign3A_54, %sign3A_57 : i32
      %sign3A_59 = arith.constant 0 : i32
      %sign3A_60 = arith.cmpi sgt, %jit3A, %sign3A_59 : i32
      %sign3A_61 = arith.extui %sign3A_60 : i1 to i32
      %sign3A_62 = arith.constant 0 : i32
      %sign3A_63 = arith.cmpi slt, %jit3A, %sign3A_62 : i32
      %sign3A_64 = arith.extui %sign3A_63 : i1 to i32
      %sign3A_65 = arith.subi %sign3A_61, %sign3A_64 : i32
      %ne3A = arith.cmpi ne, %sign3A_58, %sign3A_65 : i32
      %rem3A = arith.remsi %add3A_50, %jit3A : i32
      %ne3A_66 = arith.constant 0 : i32
      %ne3A_67 = arith.cmpi ne, %rem3A, %ne3A_66 : i32
      %and3A = arith.andi %ne3A, %ne3A_67 : i1
      %sub3A = arith.constant 1 : i32
      %sub3A_68 = arith.subi %div3A, %sub3A : i32
      %select_n3A = arith.select %and3A, %sub3A_68, %div3A : i32
      %jit3A_69 = arith.constant 4 : i32
      %eq3A = arith.constant 0 : i32
      %eq3A_70 = arith.cmpi eq, %jit3A_69, %eq3A : i32
      %jit3A_71 = arith.constant 1 : i32
      %select_n3A_72 = arith.select %eq3A_70, %jit3A_71, %jit3A_69 : i32
      %rem3A_73 = arith.remsi %add3A_50, %select_n3A_72 : i32
      %ne3A_74 = arith.constant 0 : i32
      %ne3A_75 = arith.cmpi ne, %rem3A_73, %ne3A_74 : i32
      %lt3A = arith.constant 0 : i32
      %lt3A_76 = arith.cmpi slt, %rem3A_73, %lt3A : i32
      %lt3A_77 = arith.constant 0 : i32
      %lt3A_78 = arith.cmpi slt, %select_n3A_72, %lt3A_77 : i32
      %ne3A_79 = arith.xori %lt3A_76, %lt3A_78 : i1
      %and3A_80 = arith.andi %ne3A_79, %ne3A_75 : i1
      %add3A_81 = arith.addi %rem3A_73, %select_n3A_72 : i32
      %select_n3A_82 = arith.select %and3A_80, %add3A_81, %rem3A_73 : i32
      %mul3A_83 = arith.constant 16 : i32
      %mul3A_84 = arith.muli %select_n3A_82, %mul3A_83 : i32
      %swap3A = arith.index_cast %select_n3A : i32 to index
      %swap3A_85 = arith.index_cast %mul3A_84 : i32 to index
      %swap3A_86 = tpu.vector_load %arg17[%swap3A, %swap3A_85] {strides = array<i32>} : memref<64x64xf32, #tpu.memory_space<vmem>>, vector<16xf32>,
      tpu.vector_store %arg17[%swap3A, %swap3A_85], %broadcast_in_dim3A_52 {strides = array<i32>} : memref<64x64xf32, #tpu.memory_space<vmem>>, vector<16xf32>,
    }
    %scan3A_13 = arith.constant 256 : i32
    %scan3A_14 = arith.constant 0 : i32
    %scan3A_15 = arith.constant 4 : i32
    %scan3A_16 = arith.addi %scan3A_14, %scan3A_15 : i32
    %scan3A_17 = arith.constant 1 : i32
    scf.for %scan3A_46 = %scan3A_14 to %scan3A_16 step %scan3A_17  : i32 {
      %mul3A_47 = arith.constant 1 : i32
      %mul3A_48 = arith.muli %scan3A_46, %mul3A_47 : i32
      %add3A_49 = arith.constant 0 : i32
      %add3A_50 = arith.addi %add3A_49, %mul3A_48 : i32
      %broadcast_in_dim3A_51 = arith.constant 0.000000e+00 : f32
      %broadcast_in_dim3A_52 = vector.broadcast %broadcast_in_dim3A_51 : f32 to vector<16xf32>
      %mul3A_53 = arith.constant 16 : i32
      %mul3A_54 = arith.muli %add3A_50, %mul3A_53 : i32
      %swap3A = arith.index_cast %mul3A_54 : i32 to index
      %swap3A_55 = tpu.vector_load %arg18[%swap3A] {strides = array<i32>} : memref<64xf32, #tpu.memory_space<vmem>>, vector<16xf32>,
      tpu.vector_store %arg18[%swap3A], %broadcast_in_dim3A_52 {strides = array<i32>} : memref<64xf32, #tpu.memory_space<vmem>>, vector<16xf32>,
    }
    %scan3A_18 = arith.constant 4 : i32
    %mul3A_19 = arith.constant 64 : i32
    %mul3A_20 = arith.muli %arg1, %mul3A_19 : i32
    "tpu.region"() ({
      %run_scoped3A = tpu.sem_alloc : memref<!tpu.dma_semaphore, #tpu.memory_space<semaphore_mem>>
      %dma_start3A_46 = tpu.memref_slice %arg19[%mul3A_20] : memref<1024xf32, #tpu.memory_space<vmem_shared>> -> memref<64xf32, #tpu.memory_space<vmem_shared>>
      %dma_start3A_47 = tpu.memref_slice %arg19[%mul3A_20] : memref<1024xf32, #tpu.memory_space<vmem_shared>> -> memref<64xf32, #tpu.memory_space<vmem_shared>>
      tpu.enqueue_dma source(%arg18 : memref<64xf32, #tpu.memory_space<vmem>>) target(%dma_start3A_47 : memref<64xf32, #tpu.memory_space<vmem_shared>>) target_semaphore(%run_scoped3A : memref<!tpu.dma_semaphore, #tpu.memory_space<semaphore_mem>>)
      %dma_wait3A_48 = tpu.memref_slice %arg19[%mul3A_20] : memref<1024xf32, #tpu.memory_space<vmem_shared>> -> memref<64xf32, #tpu.memory_space<vmem_shared>>
      %dma_wait3A_49 = tpu.memref_slice %arg19[%mul3A_20] : memref<1024xf32, #tpu.memory_space<vmem_shared>> -> memref<64xf32, #tpu.memory_space<vmem_shared>>
      tpu.wait_dma2 semaphore(%run_scoped3A : memref<!tpu.dma_semaphore, #tpu.memory_space<semaphore_mem>>) src(%arg18 : memref<64xf32, #tpu.memory_space<vmem>>) dst(%dma_wait3A_49 : memref<64xf32, #tpu.memory_space<vmem_shared>>)
      tpu.yield
    }) : () -> ()
    %mul3A_21 = arith.constant 64 : i32
    %mul3A_22 = arith.muli %arg1, %mul3A_21 : i32
    "tpu.region"() ({
      %run_scoped3A = tpu.sem_alloc : memref<!tpu.dma_semaphore, #tpu.memory_space<semaphore_mem>>
      %dma_start3A_46 = arith.constant 0 : i32
      %dma_start3A_47 = tpu.memref_slice %arg20[%mul3A_22, %dma_start3A_46] : memref<1024x64xf32, #tpu.memory_space<vmem_shared>> -> memref<64x64xf32, #tpu.memory_space<vmem_shared>>
      %dma_start3A_48 = arith.constant 0 : i32
      %dma_start3A_49 = tpu.memref_slice %arg20[%mul3A_22, %dma_start3A_48] : memref<1024x64xf32, #tpu.memory_space<vmem_shared>> -> memref<64x64xf32, #tpu.memory_space<vmem_shared>>
      tpu.enqueue_dma source(%arg17 : memref<64x64xf32, #tpu.memory_space<vmem>>) target(%dma_start3A_49 : memref<64x64xf32, #tpu.memory_space<vmem_shared>>) target_semaphore(%run_scoped3A : memref<!tpu.dma_semaphore, #tpu.memory_space<semaphore_mem>>)
      %dma_wait3A_50 = arith.constant 0 : i32
      %dma_wait3A_51 = tpu.memref_slice %arg20[%mul3A_22, %dma_wait3A_50] : memref<1024x64xf32, #tpu.memory_space<vmem_shared>> -> memref<64x64xf32, #tpu.memory_space<vmem_shared>>
      %dma_wait3A_52 = arith.constant 0 : i32
      %dma_wait3A_53 = tpu.memref_slice %arg20[%mul3A_22, %dma_wait3A_52] : memref<1024x64xf32, #tpu.memory_space<vmem_shared>> -> memref<64x64xf32, #tpu.memory_space<vmem_shared>>
      tpu.wait_dma2 semaphore(%run_scoped3A : memref<!tpu.dma_semaphore, #tpu.memory_space<semaphore_mem>>) src(%arg17 : memref<64x64xf32, #tpu.memory_space<vmem>>) dst(%dma_wait3A_53 : memref<64x64xf32, #tpu.memory_space<vmem_shared>>)
      tpu.yield
    }) : () -> ()
    %barrier3A = arith.constant 0 : index
    tpu.barrier barrier_id(%barrier3A)
    %scan3A_23 = arith.constant 0 : i32
    %scan3A_24 = arith.constant 64 : i32
    %scan3A_25 = arith.addi %scan3A_23, %scan3A_24 : i32
    %scan3A_26 = arith.constant 1 : i32
    scf.for %scan3A_46 = %scan3A_23 to %scan3A_25 step %scan3A_26  : i32 {
      %mul3A_47 = arith.constant 1 : i32
      %mul3A_48 = arith.muli %scan3A_46, %mul3A_47 : i32
      %add3A_49 = arith.constant 0 : i32
      %add3A_50 = arith.addi %add3A_49, %mul3A_48 : i32
      %mul3A_51 = arith.constant 16 : i32
      %mul3A_52 = arith.muli %add3A_50, %mul3A_51 : i32
      %get3A = arith.index_cast %mul3A_52 : i32 to index
      %get3A_53 = tpu.vector_load %arg8[%get3A] {strides = array<i32>} : memref<1024xi32, #tpu.memory_space<vmem>>, vector<16xi32>,
      %gather3A = tpu.vector_load_idx %arg11[%get3A_53] : memref<1024xf32, #tpu.memory_space<vmem>>[vector<16xi32>], vector<16xf32>,
      %get3A_54 = arith.index_cast %mul3A_52 : i32 to index
      %get3A_55 = tpu.vector_load %arg10[%get3A_54] {strides = array<i32>} : memref<1024xi32, #tpu.memory_space<vmem>>, vector<16xi32>,
      %gather3A_56 = tpu.vector_load_idx %arg12[%get3A_55] : memref<1024xf32, #tpu.memory_space<vmem>>[vector<16xi32>], vector<16xf32>,
      %add3A_57 = arith.addf %gather3A, %gather3A_56 : vector<16xf32>
      %ge3A = arith.constant 0.000000e+00 : f32
      %ge3A_58 = vector.broadcast %ge3A : f32 to vector<16xf32>
      %ge3A_59 = arith.cmpf oge, %add3A_57, %ge3A_58 : vector<16xf32>
      %mul3A_60 = arith.constant 2.000000e-01 : f32
      %mul3A_61 = vector.broadcast %mul3A_60 : f32 to vector<16xf32>
      %mul3A_62 = arith.mulf %mul3A_61, %add3A_57 : vector<16xf32>
      %select_n3A = arith.select %ge3A_59, %add3A_57, %mul3A_62 : vector<16xi1>, vector<16xf32>
      %exp3A = math.exp %select_n3A : vector<16xf32>
      %swap3A = arith.index_cast %mul3A_52 : i32 to index
      %swap3A_63 = tpu.vector_load %arg13[%swap3A] {strides = array<i32>} : memref<1024xf32, #tpu.memory_space<vmem>>, vector<16xf32>,
      tpu.vector_store %arg13[%swap3A], %exp3A {strides = array<i32>} : memref<1024xf32, #tpu.memory_space<vmem>>, vector<16xf32>,
    }
    %scan3A_27 = arith.constant 64 : i32
    "tpu.region"() ({
      %run_scoped3A = tpu.sem_alloc : memref<!tpu.dma_semaphore, #tpu.memory_space<semaphore_mem>>
      %dma_start3A_46 = arith.constant 0 : i32
      %dma_start3A_47 = tpu.memref_slice %arg19[%dma_start3A_46] : memref<1024xf32, #tpu.memory_space<vmem_shared>> -> memref<1024xf32, #tpu.memory_space<vmem_shared>>
      tpu.enqueue_indirect_dma source(%arg13 : memref<1024xf32, #tpu.memory_space<vmem>>) target(%dma_start3A_47 : memref<1024xf32, #tpu.memory_space<vmem_shared>>) offsets(%arg10 : memref<1024xi32, #tpu.memory_space<vmem>>) semaphore(%run_scoped3A : memref<!tpu.dma_semaphore, #tpu.memory_space<semaphore_mem>>) {add = true}
      %dma_wait3A_48 = arith.constant 0 : i32
      %dma_wait3A_49 = tpu.memref_slice %arg19[%dma_wait3A_48] : memref<1024xf32, #tpu.memory_space<vmem_shared>> -> memref<1024xf32, #tpu.memory_space<vmem_shared>>
      tpu.wait_indirect_dma semaphore(%run_scoped3A : memref<!tpu.dma_semaphore, #tpu.memory_space<semaphore_mem>>) src(%arg13 : memref<1024xf32, #tpu.memory_space<vmem>>) dst(%dma_wait3A_49 : memref<1024xf32, #tpu.memory_space<vmem_shared>>)
      tpu.yield
    }) : () -> ()
    %barrier3A_28 = arith.constant 0 : index
    tpu.barrier barrier_id(%barrier3A_28)
    "tpu.region"() ({
      %run_scoped3A = tpu.sem_alloc : memref<!tpu.dma_semaphore, #tpu.memory_space<semaphore_mem>>
      tpu.enqueue_dma source(%arg19 : memref<1024xf32, #tpu.memory_space<vmem_shared>>) target(%arg15 : memref<1024xf32, #tpu.memory_space<vmem>>) target_semaphore(%run_scoped3A : memref<!tpu.dma_semaphore, #tpu.memory_space<semaphore_mem>>)
      tpu.wait_dma2 semaphore(%run_scoped3A : memref<!tpu.dma_semaphore, #tpu.memory_space<semaphore_mem>>) src(%arg19 : memref<1024xf32, #tpu.memory_space<vmem_shared>>) dst(%arg15 : memref<1024xf32, #tpu.memory_space<vmem>>)
      tpu.yield
    }) : () -> ()
    %scan3A_29 = arith.constant 0 : i32
    %scan3A_30 = arith.constant 64 : i32
    %scan3A_31 = arith.addi %scan3A_29, %scan3A_30 : i32
    %scan3A_32 = arith.constant 1 : i32
    scf.for %scan3A_46 = %scan3A_29 to %scan3A_31 step %scan3A_32  : i32 {
      %mul3A_47 = arith.constant 1 : i32
      %mul3A_48 = arith.muli %scan3A_46, %mul3A_47 : i32
      %add3A_49 = arith.constant 0 : i32
      %add3A_50 = arith.addi %add3A_49, %mul3A_48 : i32
      %mul3A_51 = arith.constant 16 : i32
      %mul3A_52 = arith.muli %add3A_50, %mul3A_51 : i32
      %get3A = arith.index_cast %mul3A_52 : i32 to index
      %get3A_53 = tpu.vector_load %arg10[%get3A] {strides = array<i32>} : memref<1024xi32, #tpu.memory_space<vmem>>, vector<16xi32>,
      %gather3A = tpu.vector_load_idx %arg15[%get3A_53] : memref<1024xf32, #tpu.memory_space<vmem>>[vector<16xi32>], vector<16xf32>,
      %get3A_54 = arith.index_cast %mul3A_52 : i32 to index
      %get3A_55 = tpu.vector_load %arg13[%get3A_54] {strides = array<i32>} : memref<1024xf32, #tpu.memory_space<vmem>>, vector<16xf32>,
      %add3A_56 = arith.constant 1.000000e-16 : f32
      %add3A_57 = vector.broadcast %add3A_56 : f32 to vector<16xf32>
      %add3A_58 = arith.addf %gather3A, %add3A_57 : vector<16xf32>
      %div3A = arith.divf %get3A_55, %add3A_58 : vector<16xf32>
      %swap3A = arith.index_cast %mul3A_52 : i32 to index
      %swap3A_59 = tpu.vector_load %arg14[%swap3A] {strides = array<i32>} : memref<1024xf32, #tpu.memory_space<vmem>>, vector<16xf32>,
      tpu.vector_store %arg14[%swap3A], %div3A {strides = array<i32>} : memref<1024xf32, #tpu.memory_space<vmem>>, vector<16xf32>,
    }
    %scan3A_33 = arith.constant 64 : i32
    %dma_wait3A = arith.constant 0 : i32
    %dma_wait3A_34 = arith.constant 0 : i32
    %dma_wait3A_35 = tpu.memref_slice %arg2[%dma_wait3A, %dma_wait3A_34] : memref<2048x64xf32, #tpu.memory_space<hbm>> -> memref<2048x64xf32, #tpu.memory_space<hbm>>
    tpu.wait_indirect_dma semaphore(%arg21 : memref<!tpu.dma_semaphore, #tpu.memory_space<semaphore_mem>>) src(%dma_wait3A_35 : memref<2048x64xf32, #tpu.memory_space<hbm>>) dst(%arg16 : memref<1024x64xf32, #tpu.memory_space<vmem>>)
    %scan3A_36 = arith.constant 0 : i32
    %scan3A_37 = arith.constant 1024 : i32
    %scan3A_38 = arith.addi %scan3A_36, %scan3A_37 : i32
    %scan3A_39 = arith.constant 1 : i32
    scf.for %scan3A_46 = %scan3A_36 to %scan3A_38 step %scan3A_39  : i32 {
      %mul3A_47 = arith.constant 1 : i32
      %mul3A_48 = arith.muli %scan3A_46, %mul3A_47 : i32
      %add3A_49 = arith.constant 0 : i32
      %add3A_50 = arith.addi %add3A_49, %mul3A_48 : i32
      %broadcast_in_dim3A_51 = arith.constant 0 : i32
      %broadcast_in_dim3A_52 = vector.broadcast %broadcast_in_dim3A_51 : i32 to vector<16xi32>
      %add3A_53 = vector.broadcast %add3A_50 : i32 to vector<16xi32>
      %add3A_54 = arith.addi %broadcast_in_dim3A_52, %add3A_53 : vector<16xi32>
      %gather3A = tpu.vector_load_idx %arg14[%add3A_54] : memref<1024xf32, #tpu.memory_space<vmem>>[vector<16xi32>], vector<16xf32>,
      %get3A = arith.index_cast %add3A_50 : i32 to index
      %get3A_55 = arith.constant 0 : index
      %get3A_56 = tpu.vector_load %arg16[%get3A, %get3A_55] {strides = array<i32>} : memref<1024x64xf32, #tpu.memory_space<vmem>>, vector<16xf32>,
      %mul3A_57 = arith.mulf %get3A_56, %gather3A : vector<16xf32>
      %swap3A = arith.index_cast %add3A_50 : i32 to index
      %swap3A_58 = arith.constant 0 : index
      %swap3A_59 = tpu.vector_load %arg16[%swap3A, %swap3A_58] {strides = array<i32>} : memref<1024x64xf32, #tpu.memory_space<vmem>>, vector<16xf32>,
      tpu.vector_store %arg16[%swap3A, %swap3A_58], %mul3A_57 {strides = array<i32>} : memref<1024x64xf32, #tpu.memory_space<vmem>>, vector<16xf32>,
      %get3A_60 = arith.index_cast %add3A_50 : i32 to index
      %get3A_61 = arith.constant 16 : index
      %get3A_62 = tpu.vector_load %arg16[%get3A_60, %get3A_61] {strides = array<i32>} : memref<1024x64xf32, #tpu.memory_space<vmem>>, vector<16xf32>,
      %mul3A_63 = arith.mulf %get3A_62, %gather3A : vector<16xf32>
      %swap3A_64 = arith.index_cast %add3A_50 : i32 to index
      %swap3A_65 = arith.constant 16 : index
      %swap3A_66 = tpu.vector_load %arg16[%swap3A_64, %swap3A_65] {strides = array<i32>} : memref<1024x64xf32, #tpu.memory_space<vmem>>, vector<16xf32>,
      tpu.vector_store %arg16[%swap3A_64, %swap3A_65], %mul3A_63 {strides = array<i32>} : memref<1024x64xf32, #tpu.memory_space<vmem>>, vector<16xf32>,
      %get3A_67 = arith.index_cast %add3A_50 : i32 to index
      %get3A_68 = arith.constant 32 : index
      %get3A_69 = tpu.vector_load %arg16[%get3A_67, %get3A_68] {strides = array<i32>} : memref<1024x64xf32, #tpu.memory_space<vmem>>, vector<16xf32>,
      %mul3A_70 = arith.mulf %get3A_69, %gather3A : vector<16xf32>
      %swap3A_71 = arith.index_cast %add3A_50 : i32 to index
      %swap3A_72 = arith.constant 32 : index
      %swap3A_73 = tpu.vector_load %arg16[%swap3A_71, %swap3A_72] {strides = array<i32>} : memref<1024x64xf32, #tpu.memory_space<vmem>>, vector<16xf32>,
      tpu.vector_store %arg16[%swap3A_71, %swap3A_72], %mul3A_70 {strides = array<i32>} : memref<1024x64xf32, #tpu.memory_space<vmem>>, vector<16xf32>,
      %get3A_74 = arith.index_cast %add3A_50 : i32 to index
      %get3A_75 = arith.constant 48 : index
      %get3A_76 = tpu.vector_load %arg16[%get3A_74, %get3A_75] {strides = array<i32>} : memref<1024x64xf32, #tpu.memory_space<vmem>>, vector<16xf32>,
      %mul3A_77 = arith.mulf %get3A_76, %gather3A : vector<16xf32>
      %swap3A_78 = arith.index_cast %add3A_50 : i32 to index
      %swap3A_79 = arith.constant 48 : index
      %swap3A_80 = tpu.vector_load %arg16[%swap3A_78, %swap3A_79] {strides = array<i32>} : memref<1024x64xf32, #tpu.memory_space<vmem>>, vector<16xf32>,
      tpu.vector_store %arg16[%swap3A_78, %swap3A_79], %mul3A_77 {strides = array<i32>} : memref<1024x64xf32, #tpu.memory_space<vmem>>, vector<16xf32>,
    }
    %scan3A_40 = arith.constant 1024 : i32
    "tpu.region"() ({
      %run_scoped3A = tpu.sem_alloc : memref<!tpu.dma_semaphore, #tpu.memory_space<semaphore_mem>>
      %dma_start3A_46 = arith.constant 0 : i32
      %dma_start3A_47 = arith.constant 0 : i32
      %dma_start3A_48 = tpu.memref_slice %arg20[%dma_start3A_46, %dma_start3A_47] : memref<1024x64xf32, #tpu.memory_space<vmem_shared>> -> memref<1024x64xf32, #tpu.memory_space<vmem_shared>>
      tpu.enqueue_indirect_dma source(%arg16 : memref<1024x64xf32, #tpu.memory_space<vmem>>) target(%dma_start3A_48 : memref<1024x64xf32, #tpu.memory_space<vmem_shared>>) offsets(%arg10 : memref<1024xi32, #tpu.memory_space<vmem>>) semaphore(%run_scoped3A : memref<!tpu.dma_semaphore, #tpu.memory_space<semaphore_mem>>) {add = true}
      %dma_wait3A_49 = arith.constant 0 : i32
      %dma_wait3A_50 = arith.constant 0 : i32
      %dma_wait3A_51 = tpu.memref_slice %arg20[%dma_wait3A_49, %dma_wait3A_50] : memref<1024x64xf32, #tpu.memory_space<vmem_shared>> -> memref<1024x64xf32, #tpu.memory_space<vmem_shared>>
      tpu.wait_indirect_dma semaphore(%run_scoped3A : memref<!tpu.dma_semaphore, #tpu.memory_space<semaphore_mem>>) src(%arg16 : memref<1024x64xf32, #tpu.memory_space<vmem>>) dst(%dma_wait3A_51 : memref<1024x64xf32, #tpu.memory_space<vmem_shared>>)
      tpu.yield
    }) : () -> ()
    %barrier3A_41 = arith.constant 0 : index
    tpu.barrier barrier_id(%barrier3A_41)
    %mul3A_42 = arith.constant 64 : i32
    %mul3A_43 = arith.muli %arg1, %mul3A_42 : i32
    %multiple_of3A = tpu.assume_multiple %mul3A_43, 64 : i32
    %mul3A_44 = arith.constant 64 : i32
    %mul3A_45 = arith.muli %arg0, %mul3A_44 : i32
    "tpu.region"() ({
      %run_scoped3A = tpu.sem_alloc : memref<!tpu.dma_semaphore, #tpu.memory_space<semaphore_mem>>
      %dma_start3A_46 = tpu.memref_slice %arg7[%multiple_of3A, %mul3A_45] : memref<1024x128xf32, #tpu.memory_space<hbm>> -> memref<64x64xf32, #tpu.memory_space<hbm>>
      %dma_start3A_47 = arith.constant 0 : i32
      %dma_start3A_48 = tpu.memref_slice %arg20[%multiple_of3A, %dma_start3A_47] : memref<1024x64xf32, #tpu.memory_space<vmem_shared>> -> memref<64x64xf32, #tpu.memory_space<vmem_shared>>
      tpu.enqueue_dma source(%dma_start3A_48 : memref<64x64xf32, #tpu.memory_space<vmem_shared>>) target(%dma_start3A_46 : memref<64x64xf32, #tpu.memory_space<hbm>>) target_semaphore(%run_scoped3A : memref<!tpu.dma_semaphore, #tpu.memory_space<semaphore_mem>>)
      %dma_wait3A_49 = tpu.memref_slice %arg7[%multiple_of3A, %mul3A_45] : memref<1024x128xf32, #tpu.memory_space<hbm>> -> memref<64x64xf32, #tpu.memory_space<hbm>>
      %dma_wait3A_50 = arith.constant 0 : i32
      %dma_wait3A_51 = tpu.memref_slice %arg20[%multiple_of3A, %dma_wait3A_50] : memref<1024x64xf32, #tpu.memory_space<vmem_shared>> -> memref<64x64xf32, #tpu.memory_space<vmem_shared>>
      tpu.wait_dma2 semaphore(%run_scoped3A : memref<!tpu.dma_semaphore, #tpu.memory_space<semaphore_mem>>) src(%dma_wait3A_51 : memref<64x64xf32, #tpu.memory_space<vmem_shared>>) dst(%dma_wait3A_49 : memref<64x64xf32, #tpu.memory_space<hbm>>)
      tpu.yield
    }) : () -> ()
    return
  }
}

#map = affine_map<(d0, d1) -> (0, 0)>
#map1 = affine_map<(d0, d1) -> (0)>
module attributes {stable_mosaic.version = 14 : i64} {
  func.func @body(%arg0: i32, %arg1: i32, %arg2: memref<88832x32xf32, #tpu.memory_space<hbm>>, %arg3: memref<360448xf32, #tpu.memory_space<hbm>>, %arg4: memref<22528x128xf32, #tpu.memory_space<hbm>>, %arg5: memref<22528xf32, #tpu.memory_space<hbm>>, %arg6: memref<1024xf32, #tpu.memory_space<vmem>>, %arg7: memref<1024xf32, #tpu.memory_space<vmem>>, %arg8: memref<1024xi32, #tpu.memory_space<vmem>>, %arg9: memref<1024xi32, #tpu.memory_space<vmem>>, %arg10: memref<1024xi32, #tpu.memory_space<vmem>>, %arg11: memref<1024xi32, #tpu.memory_space<vmem>>, %arg12: memref<1024x32xf32, #tpu.memory_space<vmem>>, %arg13: memref<1024x32xf32, #tpu.memory_space<vmem>>, %arg14: memref<22528x32xf32, #tpu.memory_space<vmem_shared>>, %arg15: memref<!tpu.dma_semaphore, #tpu.memory_space<semaphore_mem>>, %arg16: memref<!tpu.dma_semaphore, #tpu.memory_space<semaphore_mem>>, %arg17: memref<!tpu.dma_semaphore, #tpu.memory_space<semaphore_mem>>, %arg18: memref<!tpu.dma_semaphore, #tpu.memory_space<semaphore_mem>>, %arg19: memref<176x32xf32, #tpu.memory_space<vmem>>, %arg20: memref<1024xf32, #tpu.memory_space<vmem>>, %arg21: memref<176xf32, #tpu.memory_space<vmem>>, %arg22: memref<22528xf32, #tpu.memory_space<vmem_shared>>) attributes {dimension_semantics = [#tpu.dimension_semantics<core_parallel>, #tpu.dimension_semantics<subcore_parallel>], iteration_bounds = array<i64: 2, 16>, scalar_prefetch = 0 : i64, scratch_operands = 17 : i64, tpu.core_type = #tpu.core_type<sc_vector_subcore>, window_params = [{transform_indices = #map}, {transform_indices = #map1}, {transform_indices = #map}, {transform_indices = #map1}]} {
    %mul3A = arith.constant 22528 : i32
    %mul3A_0 = arith.muli %arg1, %mul3A : i32
    %multiple_of3A = tpu.assume_multiple %mul3A_0, 1024 : i32
    %mul3A_1 = arith.constant 1408 : i32
    %mul3A_2 = arith.muli %arg1, %mul3A_1 : i32
    %multiple_of3A_3 = tpu.assume_multiple %mul3A_2, 1408 : i32
    %scan3A = arith.constant 0 : i32
    %scan3A_4 = arith.constant 352 : i32
    %scan3A_5 = arith.addi %scan3A, %scan3A_4 : i32
    %scan3A_6 = arith.constant 1 : i32
    scf.for %scan3A_141 = %scan3A to %scan3A_5 step %scan3A_6  : i32 {
      %mul3A_142 = arith.constant 1 : i32
      %mul3A_143 = arith.muli %scan3A_141, %mul3A_142 : i32
      %add3A_144 = arith.constant 0 : i32
      %add3A_145 = arith.addi %add3A_144, %mul3A_143 : i32
      %broadcast_in_dim3A_146 = arith.constant 0.000000e+00 : f32
      %broadcast_in_dim3A_147 = vector.broadcast %broadcast_in_dim3A_146 : f32 to vector<16xf32>
      %jit3A = arith.constant 2 : i32
      %div3A = arith.divsi %add3A_145, %jit3A : i32
      %sign3A = arith.constant 0 : i32
      %sign3A_148 = arith.cmpi sgt, %add3A_145, %sign3A : i32
      %sign3A_149 = arith.extui %sign3A_148 : i1 to i32
      %sign3A_150 = arith.constant 0 : i32
      %sign3A_151 = arith.cmpi slt, %add3A_145, %sign3A_150 : i32
      %sign3A_152 = arith.extui %sign3A_151 : i1 to i32
      %sign3A_153 = arith.subi %sign3A_149, %sign3A_152 : i32
      %sign3A_154 = arith.constant 0 : i32
      %sign3A_155 = arith.cmpi sgt, %jit3A, %sign3A_154 : i32
      %sign3A_156 = arith.extui %sign3A_155 : i1 to i32
      %sign3A_157 = arith.constant 0 : i32
      %sign3A_158 = arith.cmpi slt, %jit3A, %sign3A_157 : i32
      %sign3A_159 = arith.extui %sign3A_158 : i1 to i32
      %sign3A_160 = arith.subi %sign3A_156, %sign3A_159 : i32
      %ne3A = arith.cmpi ne, %sign3A_153, %sign3A_160 : i32
      %rem3A = arith.remsi %add3A_145, %jit3A : i32
      %ne3A_161 = arith.constant 0 : i32
      %ne3A_162 = arith.cmpi ne, %rem3A, %ne3A_161 : i32
      %and3A = arith.andi %ne3A, %ne3A_162 : i1
      %sub3A = arith.constant 1 : i32
      %sub3A_163 = arith.subi %div3A, %sub3A : i32
      %select_n3A = arith.select %and3A, %sub3A_163, %div3A : i32
      %jit3A_164 = arith.constant 2 : i32
      %eq3A_165 = arith.constant 0 : i32
      %eq3A_166 = arith.cmpi eq, %jit3A_164, %eq3A_165 : i32
      %jit3A_167 = arith.constant 1 : i32
      %select_n3A_168 = arith.select %eq3A_166, %jit3A_167, %jit3A_164 : i32
      %rem3A_169 = arith.remsi %add3A_145, %select_n3A_168 : i32
      %ne3A_170 = arith.constant 0 : i32
      %ne3A_171 = arith.cmpi ne, %rem3A_169, %ne3A_170 : i32
      %lt3A = arith.constant 0 : i32
      %lt3A_172 = arith.cmpi slt, %rem3A_169, %lt3A : i32
      %lt3A_173 = arith.constant 0 : i32
      %lt3A_174 = arith.cmpi slt, %select_n3A_168, %lt3A_173 : i32
      %ne3A_175 = arith.xori %lt3A_172, %lt3A_174 : i1
      %and3A_176 = arith.andi %ne3A_175, %ne3A_171 : i1
      %add3A_177 = arith.addi %rem3A_169, %select_n3A_168 : i32
      %select_n3A_178 = arith.select %and3A_176, %add3A_177, %rem3A_169 : i32
      %mul3A_179 = arith.constant 16 : i32
      %mul3A_180 = arith.muli %select_n3A_178, %mul3A_179 : i32
      %swap3A = arith.index_cast %select_n3A : i32 to index
      %swap3A_181 = arith.index_cast %mul3A_180 : i32 to index
      %swap3A_182 = tpu.vector_load %arg19[%swap3A, %swap3A_181] {strides = array<i32>} : memref<176x32xf32, #tpu.memory_space<vmem>>, vector<16xf32>,
      tpu.vector_store %arg19[%swap3A, %swap3A_181], %broadcast_in_dim3A_147 {strides = array<i32>} : memref<176x32xf32, #tpu.memory_space<vmem>>, vector<16xf32>,
    }
    %scan3A_7 = arith.constant 352 : i32
    %eq3A = arith.constant 0 : i32
    %eq3A_8 = arith.cmpi eq, %arg0, %eq3A : i32
    %convert_element_type3A = arith.extui %eq3A_8 : i1 to i32
    %cond3A = arith.constant 0 : i32
    %cond3A_9 = arith.cmpi ne, %convert_element_type3A, %cond3A : i32
    scf.if %cond3A_9 {
      %scan3A_141 = arith.constant 0 : i32
      %scan3A_142 = arith.constant 64 : i32
      %scan3A_143 = arith.addi %scan3A_141, %scan3A_142 : i32
      %scan3A_144 = arith.constant 1 : i32
      scf.for %scan3A_151 = %scan3A_141 to %scan3A_143 step %scan3A_144  : i32 {
        %mul3A_152 = arith.constant 1 : i32
        %mul3A_153 = arith.muli %scan3A_151, %mul3A_152 : i32
        %add3A_154 = arith.constant 0 : i32
        %add3A_155 = arith.addi %add3A_154, %mul3A_153 : i32
        %broadcast_in_dim3A_156 = arith.constant 1.000000e+00 : f32
        %broadcast_in_dim3A_157 = vector.broadcast %broadcast_in_dim3A_156 : f32 to vector<16xf32>
        %mul3A_158 = arith.constant 16 : i32
        %mul3A_159 = arith.muli %add3A_155, %mul3A_158 : i32
        %swap3A = arith.index_cast %mul3A_159 : i32 to index
        %swap3A_160 = tpu.vector_load %arg20[%swap3A] {strides = array<i32>} : memref<1024xf32, #tpu.memory_space<vmem>>, vector<16xf32>,
        tpu.vector_store %arg20[%swap3A], %broadcast_in_dim3A_157 {strides = array<i32>} : memref<1024xf32, #tpu.memory_space<vmem>>, vector<16xf32>,
      }
      %scan3A_145 = arith.constant 64 : i32
      %scan3A_146 = arith.constant 0 : i32
      %scan3A_147 = arith.constant 11 : i32
      %scan3A_148 = arith.addi %scan3A_146, %scan3A_147 : i32
      %scan3A_149 = arith.constant 1 : i32
      scf.for %scan3A_151 = %scan3A_146 to %scan3A_148 step %scan3A_149  : i32 {
        %mul3A_152 = arith.constant 1 : i32
        %mul3A_153 = arith.muli %scan3A_151, %mul3A_152 : i32
        %add3A_154 = arith.constant 0 : i32
        %add3A_155 = arith.addi %add3A_154, %mul3A_153 : i32
        %broadcast_in_dim3A_156 = arith.constant 0.000000e+00 : f32
        %broadcast_in_dim3A_157 = vector.broadcast %broadcast_in_dim3A_156 : f32 to vector<16xf32>
        %mul3A_158 = arith.constant 16 : i32
        %mul3A_159 = arith.muli %add3A_155, %mul3A_158 : i32
        %swap3A = arith.index_cast %mul3A_159 : i32 to index
        %swap3A_160 = tpu.vector_load %arg21[%swap3A] {strides = array<i32>} : memref<176xf32, #tpu.memory_space<vmem>>, vector<16xf32>,
        tpu.vector_store %arg21[%swap3A], %broadcast_in_dim3A_157 {strides = array<i32>} : memref<176xf32, #tpu.memory_space<vmem>>, vector<16xf32>,
      }
      %scan3A_150 = arith.constant 11 : i32
    } else {
    }
    %mul3A_10 = arith.constant 2 : i32
    %mul3A_11 = arith.muli %mul3A_10, %arg0 : i32
    %add3A = arith.constant 0 : i32
    %add3A_12 = arith.addi %mul3A_11, %add3A : i32
    %add3A_13 = arith.constant 0 : i32
    %add3A_14 = arith.addi %multiple_of3A_3, %add3A_13 : i32
    "tpu.region"() ({
      %run_scoped3A = tpu.sem_alloc : memref<!tpu.dma_semaphore, #tpu.memory_space<semaphore_mem>>
      %dma_start3A_141 = arith.constant 0 : i32
      %dma_start3A_142 = tpu.memref_slice %arg14[%add3A_14, %dma_start3A_141] : memref<22528x32xf32, #tpu.memory_space<vmem_shared>> -> memref<176x32xf32, #tpu.memory_space<vmem_shared>>
      %dma_start3A_143 = arith.constant 0 : i32
      %dma_start3A_144 = tpu.memref_slice %arg14[%add3A_14, %dma_start3A_143] : memref<22528x32xf32, #tpu.memory_space<vmem_shared>> -> memref<176x32xf32, #tpu.memory_space<vmem_shared>>
      tpu.enqueue_dma source(%arg19 : memref<176x32xf32, #tpu.memory_space<vmem>>) target(%dma_start3A_144 : memref<176x32xf32, #tpu.memory_space<vmem_shared>>) target_semaphore(%run_scoped3A : memref<!tpu.dma_semaphore, #tpu.memory_space<semaphore_mem>>)
      %dma_wait3A_145 = arith.constant 0 : i32
      %dma_wait3A_146 = tpu.memref_slice %arg14[%add3A_14, %dma_wait3A_145] : memref<22528x32xf32, #tpu.memory_space<vmem_shared>> -> memref<176x32xf32, #tpu.memory_space<vmem_shared>>
      %dma_wait3A_147 = arith.constant 0 : i32
      %dma_wait3A_148 = tpu.memref_slice %arg14[%add3A_14, %dma_wait3A_147] : memref<22528x32xf32, #tpu.memory_space<vmem_shared>> -> memref<176x32xf32, #tpu.memory_space<vmem_shared>>
      tpu.wait_dma2 semaphore(%run_scoped3A : memref<!tpu.dma_semaphore, #tpu.memory_space<semaphore_mem>>) src(%arg19 : memref<176x32xf32, #tpu.memory_space<vmem>>) dst(%dma_wait3A_148 : memref<176x32xf32, #tpu.memory_space<vmem_shared>>)
      tpu.yield
    }) : () -> ()
    %add3A_15 = arith.constant 176 : i32
    %add3A_16 = arith.addi %multiple_of3A_3, %add3A_15 : i32
    "tpu.region"() ({
      %run_scoped3A = tpu.sem_alloc : memref<!tpu.dma_semaphore, #tpu.memory_space<semaphore_mem>>
      %dma_start3A_141 = arith.constant 0 : i32
      %dma_start3A_142 = tpu.memref_slice %arg14[%add3A_16, %dma_start3A_141] : memref<22528x32xf32, #tpu.memory_space<vmem_shared>> -> memref<176x32xf32, #tpu.memory_space<vmem_shared>>
      %dma_start3A_143 = arith.constant 0 : i32
      %dma_start3A_144 = tpu.memref_slice %arg14[%add3A_16, %dma_start3A_143] : memref<22528x32xf32, #tpu.memory_space<vmem_shared>> -> memref<176x32xf32, #tpu.memory_space<vmem_shared>>
      tpu.enqueue_dma source(%arg19 : memref<176x32xf32, #tpu.memory_space<vmem>>) target(%dma_start3A_144 : memref<176x32xf32, #tpu.memory_space<vmem_shared>>) target_semaphore(%run_scoped3A : memref<!tpu.dma_semaphore, #tpu.memory_space<semaphore_mem>>)
      %dma_wait3A_145 = arith.constant 0 : i32
      %dma_wait3A_146 = tpu.memref_slice %arg14[%add3A_16, %dma_wait3A_145] : memref<22528x32xf32, #tpu.memory_space<vmem_shared>> -> memref<176x32xf32, #tpu.memory_space<vmem_shared>>
      %dma_wait3A_147 = arith.constant 0 : i32
      %dma_wait3A_148 = tpu.memref_slice %arg14[%add3A_16, %dma_wait3A_147] : memref<22528x32xf32, #tpu.memory_space<vmem_shared>> -> memref<176x32xf32, #tpu.memory_space<vmem_shared>>
      tpu.wait_dma2 semaphore(%run_scoped3A : memref<!tpu.dma_semaphore, #tpu.memory_space<semaphore_mem>>) src(%arg19 : memref<176x32xf32, #tpu.memory_space<vmem>>) dst(%dma_wait3A_148 : memref<176x32xf32, #tpu.memory_space<vmem_shared>>)
      tpu.yield
    }) : () -> ()
    %add3A_17 = arith.constant 352 : i32
    %add3A_18 = arith.addi %multiple_of3A_3, %add3A_17 : i32
    "tpu.region"() ({
      %run_scoped3A = tpu.sem_alloc : memref<!tpu.dma_semaphore, #tpu.memory_space<semaphore_mem>>
      %dma_start3A_141 = arith.constant 0 : i32
      %dma_start3A_142 = tpu.memref_slice %arg14[%add3A_18, %dma_start3A_141] : memref<22528x32xf32, #tpu.memory_space<vmem_shared>> -> memref<176x32xf32, #tpu.memory_space<vmem_shared>>
      %dma_start3A_143 = arith.constant 0 : i32
      %dma_start3A_144 = tpu.memref_slice %arg14[%add3A_18, %dma_start3A_143] : memref<22528x32xf32, #tpu.memory_space<vmem_shared>> -> memref<176x32xf32, #tpu.memory_space<vmem_shared>>
      tpu.enqueue_dma source(%arg19 : memref<176x32xf32, #tpu.memory_space<vmem>>) target(%dma_start3A_144 : memref<176x32xf32, #tpu.memory_space<vmem_shared>>) target_semaphore(%run_scoped3A : memref<!tpu.dma_semaphore, #tpu.memory_space<semaphore_mem>>)
      %dma_wait3A_145 = arith.constant 0 : i32
      %dma_wait3A_146 = tpu.memref_slice %arg14[%add3A_18, %dma_wait3A_145] : memref<22528x32xf32, #tpu.memory_space<vmem_shared>> -> memref<176x32xf32, #tpu.memory_space<vmem_shared>>
      %dma_wait3A_147 = arith.constant 0 : i32
      %dma_wait3A_148 = tpu.memref_slice %arg14[%add3A_18, %dma_wait3A_147] : memref<22528x32xf32, #tpu.memory_space<vmem_shared>> -> memref<176x32xf32, #tpu.memory_space<vmem_shared>>
      tpu.wait_dma2 semaphore(%run_scoped3A : memref<!tpu.dma_semaphore, #tpu.memory_space<semaphore_mem>>) src(%arg19 : memref<176x32xf32, #tpu.memory_space<vmem>>) dst(%dma_wait3A_148 : memref<176x32xf32, #tpu.memory_space<vmem_shared>>)
      tpu.yield
    }) : () -> ()
    %add3A_19 = arith.constant 528 : i32
    %add3A_20 = arith.addi %multiple_of3A_3, %add3A_19 : i32
    "tpu.region"() ({
      %run_scoped3A = tpu.sem_alloc : memref<!tpu.dma_semaphore, #tpu.memory_space<semaphore_mem>>
      %dma_start3A_141 = arith.constant 0 : i32
      %dma_start3A_142 = tpu.memref_slice %arg14[%add3A_20, %dma_start3A_141] : memref<22528x32xf32, #tpu.memory_space<vmem_shared>> -> memref<176x32xf32, #tpu.memory_space<vmem_shared>>
      %dma_start3A_143 = arith.constant 0 : i32
      %dma_start3A_144 = tpu.memref_slice %arg14[%add3A_20, %dma_start3A_143] : memref<22528x32xf32, #tpu.memory_space<vmem_shared>> -> memref<176x32xf32, #tpu.memory_space<vmem_shared>>
      tpu.enqueue_dma source(%arg19 : memref<176x32xf32, #tpu.memory_space<vmem>>) target(%dma_start3A_144 : memref<176x32xf32, #tpu.memory_space<vmem_shared>>) target_semaphore(%run_scoped3A : memref<!tpu.dma_semaphore, #tpu.memory_space<semaphore_mem>>)
      %dma_wait3A_145 = arith.constant 0 : i32
      %dma_wait3A_146 = tpu.memref_slice %arg14[%add3A_20, %dma_wait3A_145] : memref<22528x32xf32, #tpu.memory_space<vmem_shared>> -> memref<176x32xf32, #tpu.memory_space<vmem_shared>>
      %dma_wait3A_147 = arith.constant 0 : i32
      %dma_wait3A_148 = tpu.memref_slice %arg14[%add3A_20, %dma_wait3A_147] : memref<22528x32xf32, #tpu.memory_space<vmem_shared>> -> memref<176x32xf32, #tpu.memory_space<vmem_shared>>
      tpu.wait_dma2 semaphore(%run_scoped3A : memref<!tpu.dma_semaphore, #tpu.memory_space<semaphore_mem>>) src(%arg19 : memref<176x32xf32, #tpu.memory_space<vmem>>) dst(%dma_wait3A_148 : memref<176x32xf32, #tpu.memory_space<vmem_shared>>)
      tpu.yield
    }) : () -> ()
    %add3A_21 = arith.constant 704 : i32
    %add3A_22 = arith.addi %multiple_of3A_3, %add3A_21 : i32
    "tpu.region"() ({
      %run_scoped3A = tpu.sem_alloc : memref<!tpu.dma_semaphore, #tpu.memory_space<semaphore_mem>>
      %dma_start3A_141 = arith.constant 0 : i32
      %dma_start3A_142 = tpu.memref_slice %arg14[%add3A_22, %dma_start3A_141] : memref<22528x32xf32, #tpu.memory_space<vmem_shared>> -> memref<176x32xf32, #tpu.memory_space<vmem_shared>>
      %dma_start3A_143 = arith.constant 0 : i32
      %dma_start3A_144 = tpu.memref_slice %arg14[%add3A_22, %dma_start3A_143] : memref<22528x32xf32, #tpu.memory_space<vmem_shared>> -> memref<176x32xf32, #tpu.memory_space<vmem_shared>>
      tpu.enqueue_dma source(%arg19 : memref<176x32xf32, #tpu.memory_space<vmem>>) target(%dma_start3A_144 : memref<176x32xf32, #tpu.memory_space<vmem_shared>>) target_semaphore(%run_scoped3A : memref<!tpu.dma_semaphore, #tpu.memory_space<semaphore_mem>>)
      %dma_wait3A_145 = arith.constant 0 : i32
      %dma_wait3A_146 = tpu.memref_slice %arg14[%add3A_22, %dma_wait3A_145] : memref<22528x32xf32, #tpu.memory_space<vmem_shared>> -> memref<176x32xf32, #tpu.memory_space<vmem_shared>>
      %dma_wait3A_147 = arith.constant 0 : i32
      %dma_wait3A_148 = tpu.memref_slice %arg14[%add3A_22, %dma_wait3A_147] : memref<22528x32xf32, #tpu.memory_space<vmem_shared>> -> memref<176x32xf32, #tpu.memory_space<vmem_shared>>
      tpu.wait_dma2 semaphore(%run_scoped3A : memref<!tpu.dma_semaphore, #tpu.memory_space<semaphore_mem>>) src(%arg19 : memref<176x32xf32, #tpu.memory_space<vmem>>) dst(%dma_wait3A_148 : memref<176x32xf32, #tpu.memory_space<vmem_shared>>)
      tpu.yield
    }) : () -> ()
    %add3A_23 = arith.constant 880 : i32
    %add3A_24 = arith.addi %multiple_of3A_3, %add3A_23 : i32
    "tpu.region"() ({
      %run_scoped3A = tpu.sem_alloc : memref<!tpu.dma_semaphore, #tpu.memory_space<semaphore_mem>>
      %dma_start3A_141 = arith.constant 0 : i32
      %dma_start3A_142 = tpu.memref_slice %arg14[%add3A_24, %dma_start3A_141] : memref<22528x32xf32, #tpu.memory_space<vmem_shared>> -> memref<176x32xf32, #tpu.memory_space<vmem_shared>>
      %dma_start3A_143 = arith.constant 0 : i32
      %dma_start3A_144 = tpu.memref_slice %arg14[%add3A_24, %dma_start3A_143] : memref<22528x32xf32, #tpu.memory_space<vmem_shared>> -> memref<176x32xf32, #tpu.memory_space<vmem_shared>>
      tpu.enqueue_dma source(%arg19 : memref<176x32xf32, #tpu.memory_space<vmem>>) target(%dma_start3A_144 : memref<176x32xf32, #tpu.memory_space<vmem_shared>>) target_semaphore(%run_scoped3A : memref<!tpu.dma_semaphore, #tpu.memory_space<semaphore_mem>>)
      %dma_wait3A_145 = arith.constant 0 : i32
      %dma_wait3A_146 = tpu.memref_slice %arg14[%add3A_24, %dma_wait3A_145] : memref<22528x32xf32, #tpu.memory_space<vmem_shared>> -> memref<176x32xf32, #tpu.memory_space<vmem_shared>>
      %dma_wait3A_147 = arith.constant 0 : i32
      %dma_wait3A_148 = tpu.memref_slice %arg14[%add3A_24, %dma_wait3A_147] : memref<22528x32xf32, #tpu.memory_space<vmem_shared>> -> memref<176x32xf32, #tpu.memory_space<vmem_shared>>
      tpu.wait_dma2 semaphore(%run_scoped3A : memref<!tpu.dma_semaphore, #tpu.memory_space<semaphore_mem>>) src(%arg19 : memref<176x32xf32, #tpu.memory_space<vmem>>) dst(%dma_wait3A_148 : memref<176x32xf32, #tpu.memory_space<vmem_shared>>)
      tpu.yield
    }) : () -> ()
    %add3A_25 = arith.constant 1056 : i32
    %add3A_26 = arith.addi %multiple_of3A_3, %add3A_25 : i32
    "tpu.region"() ({
      %run_scoped3A = tpu.sem_alloc : memref<!tpu.dma_semaphore, #tpu.memory_space<semaphore_mem>>
      %dma_start3A_141 = arith.constant 0 : i32
      %dma_start3A_142 = tpu.memref_slice %arg14[%add3A_26, %dma_start3A_141] : memref<22528x32xf32, #tpu.memory_space<vmem_shared>> -> memref<176x32xf32, #tpu.memory_space<vmem_shared>>
      %dma_start3A_143 = arith.constant 0 : i32
      %dma_start3A_144 = tpu.memref_slice %arg14[%add3A_26, %dma_start3A_143] : memref<22528x32xf32, #tpu.memory_space<vmem_shared>> -> memref<176x32xf32, #tpu.memory_space<vmem_shared>>
      tpu.enqueue_dma source(%arg19 : memref<176x32xf32, #tpu.memory_space<vmem>>) target(%dma_start3A_144 : memref<176x32xf32, #tpu.memory_space<vmem_shared>>) target_semaphore(%run_scoped3A : memref<!tpu.dma_semaphore, #tpu.memory_space<semaphore_mem>>)
      %dma_wait3A_145 = arith.constant 0 : i32
      %dma_wait3A_146 = tpu.memref_slice %arg14[%add3A_26, %dma_wait3A_145] : memref<22528x32xf32, #tpu.memory_space<vmem_shared>> -> memref<176x32xf32, #tpu.memory_space<vmem_shared>>
      %dma_wait3A_147 = arith.constant 0 : i32
      %dma_wait3A_148 = tpu.memref_slice %arg14[%add3A_26, %dma_wait3A_147] : memref<22528x32xf32, #tpu.memory_space<vmem_shared>> -> memref<176x32xf32, #tpu.memory_space<vmem_shared>>
      tpu.wait_dma2 semaphore(%run_scoped3A : memref<!tpu.dma_semaphore, #tpu.memory_space<semaphore_mem>>) src(%arg19 : memref<176x32xf32, #tpu.memory_space<vmem>>) dst(%dma_wait3A_148 : memref<176x32xf32, #tpu.memory_space<vmem_shared>>)
      tpu.yield
    }) : () -> ()
    %add3A_27 = arith.constant 1232 : i32
    %add3A_28 = arith.addi %multiple_of3A_3, %add3A_27 : i32
    "tpu.region"() ({
      %run_scoped3A = tpu.sem_alloc : memref<!tpu.dma_semaphore, #tpu.memory_space<semaphore_mem>>
      %dma_start3A_141 = arith.constant 0 : i32
      %dma_start3A_142 = tpu.memref_slice %arg14[%add3A_28, %dma_start3A_141] : memref<22528x32xf32, #tpu.memory_space<vmem_shared>> -> memref<176x32xf32, #tpu.memory_space<vmem_shared>>
      %dma_start3A_143 = arith.constant 0 : i32
      %dma_start3A_144 = tpu.memref_slice %arg14[%add3A_28, %dma_start3A_143] : memref<22528x32xf32, #tpu.memory_space<vmem_shared>> -> memref<176x32xf32, #tpu.memory_space<vmem_shared>>
      tpu.enqueue_dma source(%arg19 : memref<176x32xf32, #tpu.memory_space<vmem>>) target(%dma_start3A_144 : memref<176x32xf32, #tpu.memory_space<vmem_shared>>) target_semaphore(%run_scoped3A : memref<!tpu.dma_semaphore, #tpu.memory_space<semaphore_mem>>)
      %dma_wait3A_145 = arith.constant 0 : i32
      %dma_wait3A_146 = tpu.memref_slice %arg14[%add3A_28, %dma_wait3A_145] : memref<22528x32xf32, #tpu.memory_space<vmem_shared>> -> memref<176x32xf32, #tpu.memory_space<vmem_shared>>
      %dma_wait3A_147 = arith.constant 0 : i32
      %dma_wait3A_148 = tpu.memref_slice %arg14[%add3A_28, %dma_wait3A_147] : memref<22528x32xf32, #tpu.memory_space<vmem_shared>> -> memref<176x32xf32, #tpu.memory_space<vmem_shared>>
      tpu.wait_dma2 semaphore(%run_scoped3A : memref<!tpu.dma_semaphore, #tpu.memory_space<semaphore_mem>>) src(%arg19 : memref<176x32xf32, #tpu.memory_space<vmem>>) dst(%dma_wait3A_148 : memref<176x32xf32, #tpu.memory_space<vmem_shared>>)
      tpu.yield
    }) : () -> ()
    %eq3A_29 = arith.constant 0 : i32
    %eq3A_30 = arith.cmpi eq, %arg0, %eq3A_29 : i32
    %convert_element_type3A_31 = arith.extui %eq3A_30 : i1 to i32
    %cond3A_32 = arith.constant 0 : i32
    %cond3A_33 = arith.cmpi ne, %convert_element_type3A_31, %cond3A_32 : i32
    scf.if %cond3A_33 {
      %add3A_141 = arith.constant 0 : i32
      %add3A_142 = arith.addi %multiple_of3A_3, %add3A_141 : i32
      "tpu.region"() ({
        %run_scoped3A = tpu.sem_alloc : memref<!tpu.dma_semaphore, #tpu.memory_space<semaphore_mem>>
        %dma_start3A_157 = tpu.memref_slice %arg22[%add3A_142] : memref<22528xf32, #tpu.memory_space<vmem_shared>> -> memref<176xf32, #tpu.memory_space<vmem_shared>>
        %dma_start3A_158 = tpu.memref_slice %arg22[%add3A_142] : memref<22528xf32, #tpu.memory_space<vmem_shared>> -> memref<176xf32, #tpu.memory_space<vmem_shared>>
        tpu.enqueue_dma source(%arg21 : memref<176xf32, #tpu.memory_space<vmem>>) target(%dma_start3A_158 : memref<176xf32, #tpu.memory_space<vmem_shared>>) target_semaphore(%run_scoped3A : memref<!tpu.dma_semaphore, #tpu.memory_space<semaphore_mem>>)
        %dma_wait3A_159 = tpu.memref_slice %arg22[%add3A_142] : memref<22528xf32, #tpu.memory_space<vmem_shared>> -> memref<176xf32, #tpu.memory_space<vmem_shared>>
        %dma_wait3A_160 = tpu.memref_slice %arg22[%add3A_142] : memref<22528xf32, #tpu.memory_space<vmem_shared>> -> memref<176xf32, #tpu.memory_space<vmem_shared>>
        tpu.wait_dma2 semaphore(%run_scoped3A : memref<!tpu.dma_semaphore, #tpu.memory_space<semaphore_mem>>) src(%arg21 : memref<176xf32, #tpu.memory_space<vmem>>) dst(%dma_wait3A_160 : memref<176xf32, #tpu.memory_space<vmem_shared>>)
        tpu.yield
      }) : () -> ()
      %add3A_143 = arith.constant 176 : i32
      %add3A_144 = arith.addi %multiple_of3A_3, %add3A_143 : i32
      "tpu.region"() ({
        %run_scoped3A = tpu.sem_alloc : memref<!tpu.dma_semaphore, #tpu.memory_space<semaphore_mem>>
        %dma_start3A_157 = tpu.memref_slice %arg22[%add3A_144] : memref<22528xf32, #tpu.memory_space<vmem_shared>> -> memref<176xf32, #tpu.memory_space<vmem_shared>>
        %dma_start3A_158 = tpu.memref_slice %arg22[%add3A_144] : memref<22528xf32, #tpu.memory_space<vmem_shared>> -> memref<176xf32, #tpu.memory_space<vmem_shared>>
        tpu.enqueue_dma source(%arg21 : memref<176xf32, #tpu.memory_space<vmem>>) target(%dma_start3A_158 : memref<176xf32, #tpu.memory_space<vmem_shared>>) target_semaphore(%run_scoped3A : memref<!tpu.dma_semaphore, #tpu.memory_space<semaphore_mem>>)
        %dma_wait3A_159 = tpu.memref_slice %arg22[%add3A_144] : memref<22528xf32, #tpu.memory_space<vmem_shared>> -> memref<176xf32, #tpu.memory_space<vmem_shared>>
        %dma_wait3A_160 = tpu.memref_slice %arg22[%add3A_144] : memref<22528xf32, #tpu.memory_space<vmem_shared>> -> memref<176xf32, #tpu.memory_space<vmem_shared>>
        tpu.wait_dma2 semaphore(%run_scoped3A : memref<!tpu.dma_semaphore, #tpu.memory_space<semaphore_mem>>) src(%arg21 : memref<176xf32, #tpu.memory_space<vmem>>) dst(%dma_wait3A_160 : memref<176xf32, #tpu.memory_space<vmem_shared>>)
        tpu.yield
      }) : () -> ()
      %add3A_145 = arith.constant 352 : i32
      %add3A_146 = arith.addi %multiple_of3A_3, %add3A_145 : i32
      "tpu.region"() ({
        %run_scoped3A = tpu.sem_alloc : memref<!tpu.dma_semaphore, #tpu.memory_space<semaphore_mem>>
        %dma_start3A_157 = tpu.memref_slice %arg22[%add3A_146] : memref<22528xf32, #tpu.memory_space<vmem_shared>> -> memref<176xf32, #tpu.memory_space<vmem_shared>>
        %dma_start3A_158 = tpu.memref_slice %arg22[%add3A_146] : memref<22528xf32, #tpu.memory_space<vmem_shared>> -> memref<176xf32, #tpu.memory_space<vmem_shared>>
        tpu.enqueue_dma source(%arg21 : memref<176xf32, #tpu.memory_space<vmem>>) target(%dma_start3A_158 : memref<176xf32, #tpu.memory_space<vmem_shared>>) target_semaphore(%run_scoped3A : memref<!tpu.dma_semaphore, #tpu.memory_space<semaphore_mem>>)
        %dma_wait3A_159 = tpu.memref_slice %arg22[%add3A_146] : memref<22528xf32, #tpu.memory_space<vmem_shared>> -> memref<176xf32, #tpu.memory_space<vmem_shared>>
        %dma_wait3A_160 = tpu.memref_slice %arg22[%add3A_146] : memref<22528xf32, #tpu.memory_space<vmem_shared>> -> memref<176xf32, #tpu.memory_space<vmem_shared>>
        tpu.wait_dma2 semaphore(%run_scoped3A : memref<!tpu.dma_semaphore, #tpu.memory_space<semaphore_mem>>) src(%arg21 : memref<176xf32, #tpu.memory_space<vmem>>) dst(%dma_wait3A_160 : memref<176xf32, #tpu.memory_space<vmem_shared>>)
        tpu.yield
      }) : () -> ()
      %add3A_147 = arith.constant 528 : i32
      %add3A_148 = arith.addi %multiple_of3A_3, %add3A_147 : i32
      "tpu.region"() ({
        %run_scoped3A = tpu.sem_alloc : memref<!tpu.dma_semaphore, #tpu.memory_space<semaphore_mem>>
        %dma_start3A_157 = tpu.memref_slice %arg22[%add3A_148] : memref<22528xf32, #tpu.memory_space<vmem_shared>> -> memref<176xf32, #tpu.memory_space<vmem_shared>>
        %dma_start3A_158 = tpu.memref_slice %arg22[%add3A_148] : memref<22528xf32, #tpu.memory_space<vmem_shared>> -> memref<176xf32, #tpu.memory_space<vmem_shared>>
        tpu.enqueue_dma source(%arg21 : memref<176xf32, #tpu.memory_space<vmem>>) target(%dma_start3A_158 : memref<176xf32, #tpu.memory_space<vmem_shared>>) target_semaphore(%run_scoped3A : memref<!tpu.dma_semaphore, #tpu.memory_space<semaphore_mem>>)
        %dma_wait3A_159 = tpu.memref_slice %arg22[%add3A_148] : memref<22528xf32, #tpu.memory_space<vmem_shared>> -> memref<176xf32, #tpu.memory_space<vmem_shared>>
        %dma_wait3A_160 = tpu.memref_slice %arg22[%add3A_148] : memref<22528xf32, #tpu.memory_space<vmem_shared>> -> memref<176xf32, #tpu.memory_space<vmem_shared>>
        tpu.wait_dma2 semaphore(%run_scoped3A : memref<!tpu.dma_semaphore, #tpu.memory_space<semaphore_mem>>) src(%arg21 : memref<176xf32, #tpu.memory_space<vmem>>) dst(%dma_wait3A_160 : memref<176xf32, #tpu.memory_space<vmem_shared>>)
        tpu.yield
      }) : () -> ()
      %add3A_149 = arith.constant 704 : i32
      %add3A_150 = arith.addi %multiple_of3A_3, %add3A_149 : i32
      "tpu.region"() ({
        %run_scoped3A = tpu.sem_alloc : memref<!tpu.dma_semaphore, #tpu.memory_space<semaphore_mem>>
        %dma_start3A_157 = tpu.memref_slice %arg22[%add3A_150] : memref<22528xf32, #tpu.memory_space<vmem_shared>> -> memref<176xf32, #tpu.memory_space<vmem_shared>>
        %dma_start3A_158 = tpu.memref_slice %arg22[%add3A_150] : memref<22528xf32, #tpu.memory_space<vmem_shared>> -> memref<176xf32, #tpu.memory_space<vmem_shared>>
        tpu.enqueue_dma source(%arg21 : memref<176xf32, #tpu.memory_space<vmem>>) target(%dma_start3A_158 : memref<176xf32, #tpu.memory_space<vmem_shared>>) target_semaphore(%run_scoped3A : memref<!tpu.dma_semaphore, #tpu.memory_space<semaphore_mem>>)
        %dma_wait3A_159 = tpu.memref_slice %arg22[%add3A_150] : memref<22528xf32, #tpu.memory_space<vmem_shared>> -> memref<176xf32, #tpu.memory_space<vmem_shared>>
        %dma_wait3A_160 = tpu.memref_slice %arg22[%add3A_150] : memref<22528xf32, #tpu.memory_space<vmem_shared>> -> memref<176xf32, #tpu.memory_space<vmem_shared>>
        tpu.wait_dma2 semaphore(%run_scoped3A : memref<!tpu.dma_semaphore, #tpu.memory_space<semaphore_mem>>) src(%arg21 : memref<176xf32, #tpu.memory_space<vmem>>) dst(%dma_wait3A_160 : memref<176xf32, #tpu.memory_space<vmem_shared>>)
        tpu.yield
      }) : () -> ()
      %add3A_151 = arith.constant 880 : i32
      %add3A_152 = arith.addi %multiple_of3A_3, %add3A_151 : i32
      "tpu.region"() ({
        %run_scoped3A = tpu.sem_alloc : memref<!tpu.dma_semaphore, #tpu.memory_space<semaphore_mem>>
        %dma_start3A_157 = tpu.memref_slice %arg22[%add3A_152] : memref<22528xf32, #tpu.memory_space<vmem_shared>> -> memref<176xf32, #tpu.memory_space<vmem_shared>>
        %dma_start3A_158 = tpu.memref_slice %arg22[%add3A_152] : memref<22528xf32, #tpu.memory_space<vmem_shared>> -> memref<176xf32, #tpu.memory_space<vmem_shared>>
        tpu.enqueue_dma source(%arg21 : memref<176xf32, #tpu.memory_space<vmem>>) target(%dma_start3A_158 : memref<176xf32, #tpu.memory_space<vmem_shared>>) target_semaphore(%run_scoped3A : memref<!tpu.dma_semaphore, #tpu.memory_space<semaphore_mem>>)
        %dma_wait3A_159 = tpu.memref_slice %arg22[%add3A_152] : memref<22528xf32, #tpu.memory_space<vmem_shared>> -> memref<176xf32, #tpu.memory_space<vmem_shared>>
        %dma_wait3A_160 = tpu.memref_slice %arg22[%add3A_152] : memref<22528xf32, #tpu.memory_space<vmem_shared>> -> memref<176xf32, #tpu.memory_space<vmem_shared>>
        tpu.wait_dma2 semaphore(%run_scoped3A : memref<!tpu.dma_semaphore, #tpu.memory_space<semaphore_mem>>) src(%arg21 : memref<176xf32, #tpu.memory_space<vmem>>) dst(%dma_wait3A_160 : memref<176xf32, #tpu.memory_space<vmem_shared>>)
        tpu.yield
      }) : () -> ()
      %add3A_153 = arith.constant 1056 : i32
      %add3A_154 = arith.addi %multiple_of3A_3, %add3A_153 : i32
      "tpu.region"() ({
        %run_scoped3A = tpu.sem_alloc : memref<!tpu.dma_semaphore, #tpu.memory_space<semaphore_mem>>
        %dma_start3A_157 = tpu.memref_slice %arg22[%add3A_154] : memref<22528xf32, #tpu.memory_space<vmem_shared>> -> memref<176xf32, #tpu.memory_space<vmem_shared>>
        %dma_start3A_158 = tpu.memref_slice %arg22[%add3A_154] : memref<22528xf32, #tpu.memory_space<vmem_shared>> -> memref<176xf32, #tpu.memory_space<vmem_shared>>
        tpu.enqueue_dma source(%arg21 : memref<176xf32, #tpu.memory_space<vmem>>) target(%dma_start3A_158 : memref<176xf32, #tpu.memory_space<vmem_shared>>) target_semaphore(%run_scoped3A : memref<!tpu.dma_semaphore, #tpu.memory_space<semaphore_mem>>)
        %dma_wait3A_159 = tpu.memref_slice %arg22[%add3A_154] : memref<22528xf32, #tpu.memory_space<vmem_shared>> -> memref<176xf32, #tpu.memory_space<vmem_shared>>
        %dma_wait3A_160 = tpu.memref_slice %arg22[%add3A_154] : memref<22528xf32, #tpu.memory_space<vmem_shared>> -> memref<176xf32, #tpu.memory_space<vmem_shared>>
        tpu.wait_dma2 semaphore(%run_scoped3A : memref<!tpu.dma_semaphore, #tpu.memory_space<semaphore_mem>>) src(%arg21 : memref<176xf32, #tpu.memory_space<vmem>>) dst(%dma_wait3A_160 : memref<176xf32, #tpu.memory_space<vmem_shared>>)
        tpu.yield
      }) : () -> ()
      %add3A_155 = arith.constant 1232 : i32
      %add3A_156 = arith.addi %multiple_of3A_3, %add3A_155 : i32
      "tpu.region"() ({
        %run_scoped3A = tpu.sem_alloc : memref<!tpu.dma_semaphore, #tpu.memory_space<semaphore_mem>>
        %dma_start3A_157 = tpu.memref_slice %arg22[%add3A_156] : memref<22528xf32, #tpu.memory_space<vmem_shared>> -> memref<176xf32, #tpu.memory_space<vmem_shared>>
        %dma_start3A_158 = tpu.memref_slice %arg22[%add3A_156] : memref<22528xf32, #tpu.memory_space<vmem_shared>> -> memref<176xf32, #tpu.memory_space<vmem_shared>>
        tpu.enqueue_dma source(%arg21 : memref<176xf32, #tpu.memory_space<vmem>>) target(%dma_start3A_158 : memref<176xf32, #tpu.memory_space<vmem_shared>>) target_semaphore(%run_scoped3A : memref<!tpu.dma_semaphore, #tpu.memory_space<semaphore_mem>>)
        %dma_wait3A_159 = tpu.memref_slice %arg22[%add3A_156] : memref<22528xf32, #tpu.memory_space<vmem_shared>> -> memref<176xf32, #tpu.memory_space<vmem_shared>>
        %dma_wait3A_160 = tpu.memref_slice %arg22[%add3A_156] : memref<22528xf32, #tpu.memory_space<vmem_shared>> -> memref<176xf32, #tpu.memory_space<vmem_shared>>
        tpu.wait_dma2 semaphore(%run_scoped3A : memref<!tpu.dma_semaphore, #tpu.memory_space<semaphore_mem>>) src(%arg21 : memref<176xf32, #tpu.memory_space<vmem>>) dst(%dma_wait3A_160 : memref<176xf32, #tpu.memory_space<vmem_shared>>)
        tpu.yield
      }) : () -> ()
    } else {
    }
    %barrier3A = arith.constant 0 : index
    tpu.barrier barrier_id(%barrier3A)
    %broadcast_in_dim3A = arith.constant 0 : i32
    %broadcast_in_dim3A_34 = vector.broadcast %broadcast_in_dim3A : i32 to vector<16xi32>
    %mul3A_35 = arith.constant 22208 : i32
    %mul3A_36 = arith.muli %add3A_12, %mul3A_35 : i32
    %add3A_37 = vector.broadcast %mul3A_36 : i32 to vector<16xi32>
    %add3A_38 = arith.addi %broadcast_in_dim3A_34, %add3A_37 : vector<16xi32>
    %add3A_39 = arith.constant 0 : i32
    %add3A_40 = arith.addi %multiple_of3A, %add3A_39 : i32
    %multiple_of3A_41 = tpu.assume_multiple %add3A_40, 1024 : i32
    %dma_start3A = tpu.memref_slice %arg3[%multiple_of3A_41] : memref<360448xf32, #tpu.memory_space<hbm>> -> memref<1024xf32, #tpu.memory_space<hbm>>
    %dma_start3A_42 = tpu.memref_slice %arg3[%multiple_of3A_41] : memref<360448xf32, #tpu.memory_space<hbm>> -> memref<1024xf32, #tpu.memory_space<hbm>>
    tpu.enqueue_dma source(%dma_start3A_42 : memref<1024xf32, #tpu.memory_space<hbm>>) target(%arg6 : memref<1024xf32, #tpu.memory_space<vmem>>) target_semaphore(%arg17 : memref<!tpu.dma_semaphore, #tpu.memory_space<semaphore_mem>>)
    %add3A_43 = arith.constant 1024 : i32
    %add3A_44 = arith.addi %multiple_of3A, %add3A_43 : i32
    %multiple_of3A_45 = tpu.assume_multiple %add3A_44, 1024 : i32
    %dma_start3A_46 = tpu.memref_slice %arg3[%multiple_of3A_45] : memref<360448xf32, #tpu.memory_space<hbm>> -> memref<1024xf32, #tpu.memory_space<hbm>>
    %dma_start3A_47 = tpu.memref_slice %arg3[%multiple_of3A_45] : memref<360448xf32, #tpu.memory_space<hbm>> -> memref<1024xf32, #tpu.memory_space<hbm>>
    tpu.enqueue_dma source(%dma_start3A_47 : memref<1024xf32, #tpu.memory_space<hbm>>) target(%arg7 : memref<1024xf32, #tpu.memory_space<vmem>>) target_semaphore(%arg18 : memref<!tpu.dma_semaphore, #tpu.memory_space<semaphore_mem>>)
    %add3A_48 = arith.constant 0 : i32
    %add3A_49 = arith.addi %multiple_of3A, %add3A_48 : i32
    %multiple_of3A_50 = tpu.assume_multiple %add3A_49, 1024 : i32
    %dma_wait3A = tpu.memref_slice %arg3[%multiple_of3A_50] : memref<360448xf32, #tpu.memory_space<hbm>> -> memref<1024xf32, #tpu.memory_space<hbm>>
    %dma_wait3A_51 = tpu.memref_slice %arg3[%multiple_of3A_50] : memref<360448xf32, #tpu.memory_space<hbm>> -> memref<1024xf32, #tpu.memory_space<hbm>>
    tpu.wait_dma2 semaphore(%arg17 : memref<!tpu.dma_semaphore, #tpu.memory_space<semaphore_mem>>) src(%dma_wait3A_51 : memref<1024xf32, #tpu.memory_space<hbm>>) dst(%arg6 : memref<1024xf32, #tpu.memory_space<vmem>>)
    %scan3A_52 = arith.constant 0 : i32
    %scan3A_53 = arith.constant 64 : i32
    %scan3A_54 = arith.addi %scan3A_52, %scan3A_53 : i32
    %scan3A_55 = arith.constant 4 : i32
    scf.for %scan3A_141 = %scan3A_52 to %scan3A_54 step %scan3A_55  : i32 {
      %mul3A_142 = arith.constant 1 : i32
      %mul3A_143 = arith.muli %scan3A_141, %mul3A_142 : i32
      %add3A_144 = arith.constant 0 : i32
      %add3A_145 = arith.addi %add3A_144, %mul3A_143 : i32
      %mul3A_146 = arith.constant 16 : i32
      %mul3A_147 = arith.muli %add3A_145, %mul3A_146 : i32
      %get3A = arith.index_cast %mul3A_147 : i32 to index
      %get3A_148 = tpu.vector_load %arg6[%get3A] {strides = array<i32>} : memref<1024xf32, #tpu.memory_space<vmem>>, vector<16xf32>,
      %bitcast3A = vector.bitcast %get3A_148 : vector<16xf32> to vector<16xi32>
      %shift_right_arithmetic3A = arith.constant 15 : i32
      %shift_right_arithmetic3A_149 = vector.broadcast %shift_right_arithmetic3A : i32 to vector<16xi32>
      %shift_right_arithmetic3A_150 = arith.shrsi %bitcast3A, %shift_right_arithmetic3A_149 : vector<16xi32>
      %add3A_151 = arith.addi %shift_right_arithmetic3A_150, %add3A_38 : vector<16xi32>
      %swap3A = arith.index_cast %mul3A_147 : i32 to index
      %swap3A_152 = tpu.vector_load %arg8[%swap3A] {strides = array<i32>} : memref<1024xi32, #tpu.memory_space<vmem>>, vector<16xi32>,
      tpu.vector_store %arg8[%swap3A], %add3A_151 {strides = array<i32>} : memref<1024xi32, #tpu.memory_space<vmem>>, vector<16xi32>,
      %and3A = arith.constant 32767 : i32
      %and3A_153 = vector.broadcast %and3A : i32 to vector<16xi32>
      %and3A_154 = arith.andi %bitcast3A, %and3A_153 : vector<16xi32>
      %swap3A_155 = arith.index_cast %mul3A_147 : i32 to index
      %swap3A_156 = tpu.vector_load %arg10[%swap3A_155] {strides = array<i32>} : memref<1024xi32, #tpu.memory_space<vmem>>, vector<16xi32>,
      tpu.vector_store %arg10[%swap3A_155], %and3A_154 {strides = array<i32>} : memref<1024xi32, #tpu.memory_space<vmem>>, vector<16xi32>,
      %scan3A_157 = arith.constant 1 : i32
      %scan3A_158 = arith.addi %scan3A_141, %scan3A_157 : i32
      %mul3A_159 = arith.constant 1 : i32
      %mul3A_160 = arith.muli %scan3A_158, %mul3A_159 : i32
      %add3A_161 = arith.constant 0 : i32
      %add3A_162 = arith.addi %add3A_161, %mul3A_160 : i32
      %mul3A_163 = arith.constant 16 : i32
      %mul3A_164 = arith.muli %add3A_162, %mul3A_163 : i32
      %get3A_165 = arith.index_cast %mul3A_164 : i32 to index
      %get3A_166 = tpu.vector_load %arg6[%get3A_165] {strides = array<i32>} : memref<1024xf32, #tpu.memory_space<vmem>>, vector<16xf32>,
      %bitcast3A_167 = vector.bitcast %get3A_166 : vector<16xf32> to vector<16xi32>
      %shift_right_arithmetic3A_168 = arith.constant 15 : i32
      %shift_right_arithmetic3A_169 = vector.broadcast %shift_right_arithmetic3A_168 : i32 to vector<16xi32>
      %shift_right_arithmetic3A_170 = arith.shrsi %bitcast3A_167, %shift_right_arithmetic3A_169 : vector<16xi32>
      %add3A_171 = arith.addi %shift_right_arithmetic3A_170, %add3A_38 : vector<16xi32>
      %swap3A_172 = arith.index_cast %mul3A_164 : i32 to index
      %swap3A_173 = tpu.vector_load %arg8[%swap3A_172] {strides = array<i32>} : memref<1024xi32, #tpu.memory_space<vmem>>, vector<16xi32>,
      tpu.vector_store %arg8[%swap3A_172], %add3A_171 {strides = array<i32>} : memref<1024xi32, #tpu.memory_space<vmem>>, vector<16xi32>,
      %and3A_174 = arith.constant 32767 : i32
      %and3A_175 = vector.broadcast %and3A_174 : i32 to vector<16xi32>
      %and3A_176 = arith.andi %bitcast3A_167, %and3A_175 : vector<16xi32>
      %swap3A_177 = arith.index_cast %mul3A_164 : i32 to index
      %swap3A_178 = tpu.vector_load %arg10[%swap3A_177] {strides = array<i32>} : memref<1024xi32, #tpu.memory_space<vmem>>, vector<16xi32>,
      tpu.vector_store %arg10[%swap3A_177], %and3A_176 {strides = array<i32>} : memref<1024xi32, #tpu.memory_space<vmem>>, vector<16xi32>,
      %scan3A_179 = arith.constant 2 : i32
      %scan3A_180 = arith.addi %scan3A_141, %scan3A_179 : i32
      %mul3A_181 = arith.constant 1 : i32
      %mul3A_182 = arith.muli %scan3A_180, %mul3A_181 : i32
      %add3A_183 = arith.constant 0 : i32
      %add3A_184 = arith.addi %add3A_183, %mul3A_182 : i32
      %mul3A_185 = arith.constant 16 : i32
      %mul3A_186 = arith.muli %add3A_184, %mul3A_185 : i32
      %get3A_187 = arith.index_cast %mul3A_186 : i32 to index
      %get3A_188 = tpu.vector_load %arg6[%get3A_187] {strides = array<i32>} : memref<1024xf32, #tpu.memory_space<vmem>>, vector<16xf32>,
      %bitcast3A_189 = vector.bitcast %get3A_188 : vector<16xf32> to vector<16xi32>
      %shift_right_arithmetic3A_190 = arith.constant 15 : i32
      %shift_right_arithmetic3A_191 = vector.broadcast %shift_right_arithmetic3A_190 : i32 to vector<16xi32>
      %shift_right_arithmetic3A_192 = arith.shrsi %bitcast3A_189, %shift_right_arithmetic3A_191 : vector<16xi32>
      %add3A_193 = arith.addi %shift_right_arithmetic3A_192, %add3A_38 : vector<16xi32>
      %swap3A_194 = arith.index_cast %mul3A_186 : i32 to index
      %swap3A_195 = tpu.vector_load %arg8[%swap3A_194] {strides = array<i32>} : memref<1024xi32, #tpu.memory_space<vmem>>, vector<16xi32>,
      tpu.vector_store %arg8[%swap3A_194], %add3A_193 {strides = array<i32>} : memref<1024xi32, #tpu.memory_space<vmem>>, vector<16xi32>,
      %and3A_196 = arith.constant 32767 : i32
      %and3A_197 = vector.broadcast %and3A_196 : i32 to vector<16xi32>
      %and3A_198 = arith.andi %bitcast3A_189, %and3A_197 : vector<16xi32>
      %swap3A_199 = arith.index_cast %mul3A_186 : i32 to index
      %swap3A_200 = tpu.vector_load %arg10[%swap3A_199] {strides = array<i32>} : memref<1024xi32, #tpu.memory_space<vmem>>, vector<16xi32>,
      tpu.vector_store %arg10[%swap3A_199], %and3A_198 {strides = array<i32>} : memref<1024xi32, #tpu.memory_space<vmem>>, vector<16xi32>,
      %scan3A_201 = arith.constant 3 : i32
      %scan3A_202 = arith.addi %scan3A_141, %scan3A_201 : i32
      %mul3A_203 = arith.constant 1 : i32
      %mul3A_204 = arith.muli %scan3A_202, %mul3A_203 : i32
      %add3A_205 = arith.constant 0 : i32
      %add3A_206 = arith.addi %add3A_205, %mul3A_204 : i32
      %mul3A_207 = arith.constant 16 : i32
      %mul3A_208 = arith.muli %add3A_206, %mul3A_207 : i32
      %get3A_209 = arith.index_cast %mul3A_208 : i32 to index
      %get3A_210 = tpu.vector_load %arg6[%get3A_209] {strides = array<i32>} : memref<1024xf32, #tpu.memory_space<vmem>>, vector<16xf32>,
      %bitcast3A_211 = vector.bitcast %get3A_210 : vector<16xf32> to vector<16xi32>
      %shift_right_arithmetic3A_212 = arith.constant 15 : i32
      %shift_right_arithmetic3A_213 = vector.broadcast %shift_right_arithmetic3A_212 : i32 to vector<16xi32>
      %shift_right_arithmetic3A_214 = arith.shrsi %bitcast3A_211, %shift_right_arithmetic3A_213 : vector<16xi32>
      %add3A_215 = arith.addi %shift_right_arithmetic3A_214, %add3A_38 : vector<16xi32>
      %swap3A_216 = arith.index_cast %mul3A_208 : i32 to index
      %swap3A_217 = tpu.vector_load %arg8[%swap3A_216] {strides = array<i32>} : memref<1024xi32, #tpu.memory_space<vmem>>, vector<16xi32>,
      tpu.vector_store %arg8[%swap3A_216], %add3A_215 {strides = array<i32>} : memref<1024xi32, #tpu.memory_space<vmem>>, vector<16xi32>,
      %and3A_218 = arith.constant 32767 : i32
      %and3A_219 = vector.broadcast %and3A_218 : i32 to vector<16xi32>
      %and3A_220 = arith.andi %bitcast3A_211, %and3A_219 : vector<16xi32>
      %swap3A_221 = arith.index_cast %mul3A_208 : i32 to index
      %swap3A_222 = tpu.vector_load %arg10[%swap3A_221] {strides = array<i32>} : memref<1024xi32, #tpu.memory_space<vmem>>, vector<16xi32>,
      tpu.vector_store %arg10[%swap3A_221], %and3A_220 {strides = array<i32>} : memref<1024xi32, #tpu.memory_space<vmem>>, vector<16xi32>,
    }
    %scan3A_56 = arith.constant 64 : i32
    %add3A_57 = arith.constant 2048 : i32
    %add3A_58 = arith.addi %multiple_of3A, %add3A_57 : i32
    %multiple_of3A_59 = tpu.assume_multiple %add3A_58, 1024 : i32
    %dma_start3A_60 = tpu.memref_slice %arg3[%multiple_of3A_59] : memref<360448xf32, #tpu.memory_space<hbm>> -> memref<1024xf32, #tpu.memory_space<hbm>>
    %dma_start3A_61 = tpu.memref_slice %arg3[%multiple_of3A_59] : memref<360448xf32, #tpu.memory_space<hbm>> -> memref<1024xf32, #tpu.memory_space<hbm>>
    tpu.enqueue_dma source(%dma_start3A_61 : memref<1024xf32, #tpu.memory_space<hbm>>) target(%arg6 : memref<1024xf32, #tpu.memory_space<vmem>>) target_semaphore(%arg17 : memref<!tpu.dma_semaphore, #tpu.memory_space<semaphore_mem>>)
    %dma_start3A_62 = arith.constant 0 : i32
    %dma_start3A_63 = arith.constant 0 : i32
    %dma_start3A_64 = tpu.memref_slice %arg2[%dma_start3A_62, %dma_start3A_63] : memref<88832x32xf32, #tpu.memory_space<hbm>> -> memref<88832x32xf32, #tpu.memory_space<hbm>>
    tpu.enqueue_indirect_dma source(%dma_start3A_64 : memref<88832x32xf32, #tpu.memory_space<hbm>>) target(%arg12 : memref<1024x32xf32, #tpu.memory_space<vmem>>) offsets(%arg8 : memref<1024xi32, #tpu.memory_space<vmem>>) semaphore(%arg15 : memref<!tpu.dma_semaphore, #tpu.memory_space<semaphore_mem>>)
    %scan3A_65 = arith.constant 0 : i32
    %scan3A_66 = arith.constant 11 : i32
    %scan3A_67 = arith.addi %scan3A_65, %scan3A_66 : i32
    %scan3A_68 = arith.constant 1 : i32
    scf.for %scan3A_141 = %scan3A_65 to %scan3A_67 step %scan3A_68  : i32 {
      %mul3A_142 = arith.constant 1 : i32
      %mul3A_143 = arith.muli %scan3A_141, %mul3A_142 : i32
      %add3A_144 = arith.constant 0 : i32
      %add3A_145 = arith.addi %add3A_144, %mul3A_143 : i32
      %mul3A_146 = arith.constant 2 : i32
      %mul3A_147 = arith.muli %mul3A_146, %add3A_145 : i32
      %add3A_148 = arith.constant 1 : i32
      %add3A_149 = arith.addi %mul3A_147, %add3A_148 : i32
      %mul3A_150 = arith.constant 1024 : i32
      %mul3A_151 = arith.muli %add3A_149, %mul3A_150 : i32
      %add3A_152 = arith.addi %multiple_of3A, %mul3A_151 : i32
      %multiple_of3A_153 = tpu.assume_multiple %add3A_152, 1024 : i32
      %dma_wait3A_154 = tpu.memref_slice %arg3[%multiple_of3A_153] : memref<360448xf32, #tpu.memory_space<hbm>> -> memref<1024xf32, #tpu.memory_space<hbm>>
      %dma_wait3A_155 = tpu.memref_slice %arg3[%multiple_of3A_153] : memref<360448xf32, #tpu.memory_space<hbm>> -> memref<1024xf32, #tpu.memory_space<hbm>>
      tpu.wait_dma2 semaphore(%arg18 : memref<!tpu.dma_semaphore, #tpu.memory_space<semaphore_mem>>) src(%dma_wait3A_155 : memref<1024xf32, #tpu.memory_space<hbm>>) dst(%arg7 : memref<1024xf32, #tpu.memory_space<vmem>>)
      %scan3A_156 = arith.constant 0 : i32
      %scan3A_157 = arith.constant 64 : i32
      %scan3A_158 = arith.addi %scan3A_156, %scan3A_157 : i32
      %scan3A_159 = arith.constant 4 : i32
      scf.for %scan3A_191 = %scan3A_156 to %scan3A_158 step %scan3A_159  : i32 {
        %mul3A_192 = arith.constant 1 : i32
        %mul3A_193 = arith.muli %scan3A_191, %mul3A_192 : i32
        %add3A_194 = arith.constant 0 : i32
        %add3A_195 = arith.addi %add3A_194, %mul3A_193 : i32
        %mul3A_196 = arith.constant 16 : i32
        %mul3A_197 = arith.muli %add3A_195, %mul3A_196 : i32
        %get3A = arith.index_cast %mul3A_197 : i32 to index
        %get3A_198 = tpu.vector_load %arg7[%get3A] {strides = array<i32>} : memref<1024xf32, #tpu.memory_space<vmem>>, vector<16xf32>,
        %bitcast3A = vector.bitcast %get3A_198 : vector<16xf32> to vector<16xi32>
        %shift_right_arithmetic3A = arith.constant 15 : i32
        %shift_right_arithmetic3A_199 = vector.broadcast %shift_right_arithmetic3A : i32 to vector<16xi32>
        %shift_right_arithmetic3A_200 = arith.shrsi %bitcast3A, %shift_right_arithmetic3A_199 : vector<16xi32>
        %add3A_201 = arith.addi %shift_right_arithmetic3A_200, %add3A_38 : vector<16xi32>
        %swap3A = arith.index_cast %mul3A_197 : i32 to index
        %swap3A_202 = tpu.vector_load %arg9[%swap3A] {strides = array<i32>} : memref<1024xi32, #tpu.memory_space<vmem>>, vector<16xi32>,
        tpu.vector_store %arg9[%swap3A], %add3A_201 {strides = array<i32>} : memref<1024xi32, #tpu.memory_space<vmem>>, vector<16xi32>,
        %and3A = arith.constant 32767 : i32
        %and3A_203 = vector.broadcast %and3A : i32 to vector<16xi32>
        %and3A_204 = arith.andi %bitcast3A, %and3A_203 : vector<16xi32>
        %swap3A_205 = arith.index_cast %mul3A_197 : i32 to index
        %swap3A_206 = tpu.vector_load %arg11[%swap3A_205] {strides = array<i32>} : memref<1024xi32, #tpu.memory_space<vmem>>, vector<16xi32>,
        tpu.vector_store %arg11[%swap3A_205], %and3A_204 {strides = array<i32>} : memref<1024xi32, #tpu.memory_space<vmem>>, vector<16xi32>,
        %scan3A_207 = arith.constant 1 : i32
        %scan3A_208 = arith.addi %scan3A_191, %scan3A_207 : i32
        %mul3A_209 = arith.constant 1 : i32
        %mul3A_210 = arith.muli %scan3A_208, %mul3A_209 : i32
        %add3A_211 = arith.constant 0 : i32
        %add3A_212 = arith.addi %add3A_211, %mul3A_210 : i32
        %mul3A_213 = arith.constant 16 : i32
        %mul3A_214 = arith.muli %add3A_212, %mul3A_213 : i32
        %get3A_215 = arith.index_cast %mul3A_214 : i32 to index
        %get3A_216 = tpu.vector_load %arg7[%get3A_215] {strides = array<i32>} : memref<1024xf32, #tpu.memory_space<vmem>>, vector<16xf32>,
        %bitcast3A_217 = vector.bitcast %get3A_216 : vector<16xf32> to vector<16xi32>
        %shift_right_arithmetic3A_218 = arith.constant 15 : i32
        %shift_right_arithmetic3A_219 = vector.broadcast %shift_right_arithmetic3A_218 : i32 to vector<16xi32>
        %shift_right_arithmetic3A_220 = arith.shrsi %bitcast3A_217, %shift_right_arithmetic3A_219 : vector<16xi32>
        %add3A_221 = arith.addi %shift_right_arithmetic3A_220, %add3A_38 : vector<16xi32>
        %swap3A_222 = arith.index_cast %mul3A_214 : i32 to index
        %swap3A_223 = tpu.vector_load %arg9[%swap3A_222] {strides = array<i32>} : memref<1024xi32, #tpu.memory_space<vmem>>, vector<16xi32>,
        tpu.vector_store %arg9[%swap3A_222], %add3A_221 {strides = array<i32>} : memref<1024xi32, #tpu.memory_space<vmem>>, vector<16xi32>,
        %and3A_224 = arith.constant 32767 : i32
        %and3A_225 = vector.broadcast %and3A_224 : i32 to vector<16xi32>
        %and3A_226 = arith.andi %bitcast3A_217, %and3A_225 : vector<16xi32>
        %swap3A_227 = arith.index_cast %mul3A_214 : i32 to index
        %swap3A_228 = tpu.vector_load %arg11[%swap3A_227] {strides = array<i32>} : memref<1024xi32, #tpu.memory_space<vmem>>, vector<16xi32>,
        tpu.vector_store %arg11[%swap3A_227], %and3A_226 {strides = array<i32>} : memref<1024xi32, #tpu.memory_space<vmem>>, vector<16xi32>,
        %scan3A_229 = arith.constant 2 : i32
        %scan3A_230 = arith.addi %scan3A_191, %scan3A_229 : i32
        %mul3A_231 = arith.constant 1 : i32
        %mul3A_232 = arith.muli %scan3A_230, %mul3A_231 : i32
        %add3A_233 = arith.constant 0 : i32
        %add3A_234 = arith.addi %add3A_233, %mul3A_232 : i32
        %mul3A_235 = arith.constant 16 : i32
        %mul3A_236 = arith.muli %add3A_234, %mul3A_235 : i32
        %get3A_237 = arith.index_cast %mul3A_236 : i32 to index
        %get3A_238 = tpu.vector_load %arg7[%get3A_237] {strides = array<i32>} : memref<1024xf32, #tpu.memory_space<vmem>>, vector<16xf32>,
        %bitcast3A_239 = vector.bitcast %get3A_238 : vector<16xf32> to vector<16xi32>
        %shift_right_arithmetic3A_240 = arith.constant 15 : i32
        %shift_right_arithmetic3A_241 = vector.broadcast %shift_right_arithmetic3A_240 : i32 to vector<16xi32>
        %shift_right_arithmetic3A_242 = arith.shrsi %bitcast3A_239, %shift_right_arithmetic3A_241 : vector<16xi32>
        %add3A_243 = arith.addi %shift_right_arithmetic3A_242, %add3A_38 : vector<16xi32>
        %swap3A_244 = arith.index_cast %mul3A_236 : i32 to index
        %swap3A_245 = tpu.vector_load %arg9[%swap3A_244] {strides = array<i32>} : memref<1024xi32, #tpu.memory_space<vmem>>, vector<16xi32>,
        tpu.vector_store %arg9[%swap3A_244], %add3A_243 {strides = array<i32>} : memref<1024xi32, #tpu.memory_space<vmem>>, vector<16xi32>,
        %and3A_246 = arith.constant 32767 : i32
        %and3A_247 = vector.broadcast %and3A_246 : i32 to vector<16xi32>
        %and3A_248 = arith.andi %bitcast3A_239, %and3A_247 : vector<16xi32>
        %swap3A_249 = arith.index_cast %mul3A_236 : i32 to index
        %swap3A_250 = tpu.vector_load %arg11[%swap3A_249] {strides = array<i32>} : memref<1024xi32, #tpu.memory_space<vmem>>, vector<16xi32>,
        tpu.vector_store %arg11[%swap3A_249], %and3A_248 {strides = array<i32>} : memref<1024xi32, #tpu.memory_space<vmem>>, vector<16xi32>,
        %scan3A_251 = arith.constant 3 : i32
        %scan3A_252 = arith.addi %scan3A_191, %scan3A_251 : i32
        %mul3A_253 = arith.constant 1 : i32
        %mul3A_254 = arith.muli %scan3A_252, %mul3A_253 : i32
        %add3A_255 = arith.constant 0 : i32
        %add3A_256 = arith.addi %add3A_255, %mul3A_254 : i32
        %mul3A_257 = arith.constant 16 : i32
        %mul3A_258 = arith.muli %add3A_256, %mul3A_257 : i32
        %get3A_259 = arith.index_cast %mul3A_258 : i32 to index
        %get3A_260 = tpu.vector_load %arg7[%get3A_259] {strides = array<i32>} : memref<1024xf32, #tpu.memory_space<vmem>>, vector<16xf32>,
        %bitcast3A_261 = vector.bitcast %get3A_260 : vector<16xf32> to vector<16xi32>
        %shift_right_arithmetic3A_262 = arith.constant 15 : i32
        %shift_right_arithmetic3A_263 = vector.broadcast %shift_right_arithmetic3A_262 : i32 to vector<16xi32>
        %shift_right_arithmetic3A_264 = arith.shrsi %bitcast3A_261, %shift_right_arithmetic3A_263 : vector<16xi32>
        %add3A_265 = arith.addi %shift_right_arithmetic3A_264, %add3A_38 : vector<16xi32>
        %swap3A_266 = arith.index_cast %mul3A_258 : i32 to index
        %swap3A_267 = tpu.vector_load %arg9[%swap3A_266] {strides = array<i32>} : memref<1024xi32, #tpu.memory_space<vmem>>, vector<16xi32>,
        tpu.vector_store %arg9[%swap3A_266], %add3A_265 {strides = array<i32>} : memref<1024xi32, #tpu.memory_space<vmem>>, vector<16xi32>,
        %and3A_268 = arith.constant 32767 : i32
        %and3A_269 = vector.broadcast %and3A_268 : i32 to vector<16xi32>
        %and3A_270 = arith.andi %bitcast3A_261, %and3A_269 : vector<16xi32>
        %swap3A_271 = arith.index_cast %mul3A_258 : i32 to index
        %swap3A_272 = tpu.vector_load %arg11[%swap3A_271] {strides = array<i32>} : memref<1024xi32, #tpu.memory_space<vmem>>, vector<16xi32>,
        tpu.vector_store %arg11[%swap3A_271], %and3A_270 {strides = array<i32>} : memref<1024xi32, #tpu.memory_space<vmem>>, vector<16xi32>,
      }
      %scan3A_160 = arith.constant 64 : i32
      %add3A_161 = arith.constant 2 : i32
      %add3A_162 = arith.addi %add3A_149, %add3A_161 : i32
      %lt3A = arith.constant 22 : i32
      %lt3A_163 = arith.cmpi slt, %add3A_162, %lt3A : i32
      %convert_element_type3A_164 = arith.extui %lt3A_163 : i1 to i32
      %cond3A_165 = arith.constant 0 : i32
      %cond3A_166 = arith.cmpi ne, %convert_element_type3A_164, %cond3A_165 : i32
      scf.if %cond3A_166 {
        %add3A_191 = arith.constant 2 : i32
        %add3A_192 = arith.addi %add3A_149, %add3A_191 : i32
        %mul3A_193 = arith.constant 1024 : i32
        %mul3A_194 = arith.muli %add3A_192, %mul3A_193 : i32
        %add3A_195 = arith.addi %multiple_of3A, %mul3A_194 : i32
        %multiple_of3A_196 = tpu.assume_multiple %add3A_195, 1024 : i32
        %dma_start3A_197 = tpu.memref_slice %arg3[%multiple_of3A_196] : memref<360448xf32, #tpu.memory_space<hbm>> -> memref<1024xf32, #tpu.memory_space<hbm>>
        %dma_start3A_198 = tpu.memref_slice %arg3[%multiple_of3A_196] : memref<360448xf32, #tpu.memory_space<hbm>> -> memref<1024xf32, #tpu.memory_space<hbm>>
        tpu.enqueue_dma source(%dma_start3A_198 : memref<1024xf32, #tpu.memory_space<hbm>>) target(%arg7 : memref<1024xf32, #tpu.memory_space<vmem>>) target_semaphore(%arg18 : memref<!tpu.dma_semaphore, #tpu.memory_space<semaphore_mem>>)
      } else {
      }
      %dma_start3A_167 = arith.constant 0 : i32
      %dma_start3A_168 = arith.constant 0 : i32
      %dma_start3A_169 = tpu.memref_slice %arg2[%dma_start3A_167, %dma_start3A_168] : memref<88832x32xf32, #tpu.memory_space<hbm>> -> memref<88832x32xf32, #tpu.memory_space<hbm>>
      tpu.enqueue_indirect_dma source(%dma_start3A_169 : memref<88832x32xf32, #tpu.memory_space<hbm>>) target(%arg13 : memref<1024x32xf32, #tpu.memory_space<vmem>>) offsets(%arg9 : memref<1024xi32, #tpu.memory_space<vmem>>) semaphore(%arg16 : memref<!tpu.dma_semaphore, #tpu.memory_space<semaphore_mem>>)
      %dma_wait3A_170 = arith.constant 0 : i32
      %dma_wait3A_171 = arith.constant 0 : i32
      %dma_wait3A_172 = tpu.memref_slice %arg2[%dma_wait3A_170, %dma_wait3A_171] : memref<88832x32xf32, #tpu.memory_space<hbm>> -> memref<88832x32xf32, #tpu.memory_space<hbm>>
      tpu.wait_indirect_dma semaphore(%arg15 : memref<!tpu.dma_semaphore, #tpu.memory_space<semaphore_mem>>) src(%dma_wait3A_172 : memref<88832x32xf32, #tpu.memory_space<hbm>>) dst(%arg12 : memref<1024x32xf32, #tpu.memory_space<vmem>>)
      "tpu.region"() ({
        %run_scoped3A = tpu.sem_alloc : memref<!tpu.dma_semaphore, #tpu.memory_space<semaphore_mem>>
        %dma_start3A_191 = arith.constant 0 : i32
        %dma_start3A_192 = arith.constant 0 : i32
        %dma_start3A_193 = tpu.memref_slice %arg14[%dma_start3A_191, %dma_start3A_192] : memref<22528x32xf32, #tpu.memory_space<vmem_shared>> -> memref<22528x32xf32, #tpu.memory_space<vmem_shared>>
        tpu.enqueue_indirect_dma source(%arg12 : memref<1024x32xf32, #tpu.memory_space<vmem>>) target(%dma_start3A_193 : memref<22528x32xf32, #tpu.memory_space<vmem_shared>>) offsets(%arg10 : memref<1024xi32, #tpu.memory_space<vmem>>) semaphore(%run_scoped3A : memref<!tpu.dma_semaphore, #tpu.memory_space<semaphore_mem>>) {add = true}
        %dma_wait3A_194 = arith.constant 0 : i32
        %dma_wait3A_195 = arith.constant 0 : i32
        %dma_wait3A_196 = tpu.memref_slice %arg14[%dma_wait3A_194, %dma_wait3A_195] : memref<22528x32xf32, #tpu.memory_space<vmem_shared>> -> memref<22528x32xf32, #tpu.memory_space<vmem_shared>>
        tpu.wait_indirect_dma semaphore(%run_scoped3A : memref<!tpu.dma_semaphore, #tpu.memory_space<semaphore_mem>>) src(%arg12 : memref<1024x32xf32, #tpu.memory_space<vmem>>) dst(%dma_wait3A_196 : memref<22528x32xf32, #tpu.memory_space<vmem_shared>>)
        tpu.yield
      }) : () -> ()
      %eq3A_173 = arith.constant 0 : i32
      %eq3A_174 = arith.cmpi eq, %arg0, %eq3A_173 : i32
      %convert_element_type3A_175 = arith.extui %eq3A_174 : i1 to i32
      %cond3A_176 = arith.constant 0 : i32
      %cond3A_177 = arith.cmpi ne, %convert_element_type3A_175, %cond3A_176 : i32
      scf.if %cond3A_177 {
        "tpu.region"() ({
          %run_scoped3A = tpu.sem_alloc : memref<!tpu.dma_semaphore, #tpu.memory_space<semaphore_mem>>
          %dma_start3A_191 = arith.constant 0 : i32
          %dma_start3A_192 = tpu.memref_slice %arg22[%dma_start3A_191] : memref<22528xf32, #tpu.memory_space<vmem_shared>> -> memref<22528xf32, #tpu.memory_space<vmem_shared>>
          tpu.enqueue_indirect_dma source(%arg20 : memref<1024xf32, #tpu.memory_space<vmem>>) target(%dma_start3A_192 : memref<22528xf32, #tpu.memory_space<vmem_shared>>) offsets(%arg10 : memref<1024xi32, #tpu.memory_space<vmem>>) semaphore(%run_scoped3A : memref<!tpu.dma_semaphore, #tpu.memory_space<semaphore_mem>>) {add = true}
          %dma_wait3A_193 = arith.constant 0 : i32
          %dma_wait3A_194 = tpu.memref_slice %arg22[%dma_wait3A_193] : memref<22528xf32, #tpu.memory_space<vmem_shared>> -> memref<22528xf32, #tpu.memory_space<vmem_shared>>
          tpu.wait_indirect_dma semaphore(%run_scoped3A : memref<!tpu.dma_semaphore, #tpu.memory_space<semaphore_mem>>) src(%arg20 : memref<1024xf32, #tpu.memory_space<vmem>>) dst(%dma_wait3A_194 : memref<22528xf32, #tpu.memory_space<vmem_shared>>)
          tpu.yield
        }) : () -> ()
      } else {
      }
      %lt3A_178 = arith.constant 10 : i32
      %lt3A_179 = arith.cmpi slt, %add3A_145, %lt3A_178 : i32
      %convert_element_type3A_180 = arith.extui %lt3A_179 : i1 to i32
      %cond3A_181 = arith.constant 0 : i32
      %cond3A_182 = arith.cmpi ne, %convert_element_type3A_180, %cond3A_181 : i32
      scf.if %cond3A_182 {
        %mul3A_191 = arith.constant 2 : i32
        %mul3A_192 = arith.muli %mul3A_191, %add3A_145 : i32
        %add3A_193 = arith.constant 2 : i32
        %add3A_194 = arith.addi %mul3A_192, %add3A_193 : i32
        %mul3A_195 = arith.constant 1024 : i32
        %mul3A_196 = arith.muli %add3A_194, %mul3A_195 : i32
        %add3A_197 = arith.addi %multiple_of3A, %mul3A_196 : i32
        %multiple_of3A_198 = tpu.assume_multiple %add3A_197, 1024 : i32
        %dma_wait3A_199 = tpu.memref_slice %arg3[%multiple_of3A_198] : memref<360448xf32, #tpu.memory_space<hbm>> -> memref<1024xf32, #tpu.memory_space<hbm>>
        %dma_wait3A_200 = tpu.memref_slice %arg3[%multiple_of3A_198] : memref<360448xf32, #tpu.memory_space<hbm>> -> memref<1024xf32, #tpu.memory_space<hbm>>
        tpu.wait_dma2 semaphore(%arg17 : memref<!tpu.dma_semaphore, #tpu.memory_space<semaphore_mem>>) src(%dma_wait3A_200 : memref<1024xf32, #tpu.memory_space<hbm>>) dst(%arg6 : memref<1024xf32, #tpu.memory_space<vmem>>)
        %scan3A_201 = arith.constant 0 : i32
        %scan3A_202 = arith.constant 64 : i32
        %scan3A_203 = arith.addi %scan3A_201, %scan3A_202 : i32
        %scan3A_204 = arith.constant 4 : i32
        scf.for %scan3A_216 = %scan3A_201 to %scan3A_203 step %scan3A_204  : i32 {
          %mul3A_217 = arith.constant 1 : i32
          %mul3A_218 = arith.muli %scan3A_216, %mul3A_217 : i32
          %add3A_219 = arith.constant 0 : i32
          %add3A_220 = arith.addi %add3A_219, %mul3A_218 : i32
          %mul3A_221 = arith.constant 16 : i32
          %mul3A_222 = arith.muli %add3A_220, %mul3A_221 : i32
          %get3A = arith.index_cast %mul3A_222 : i32 to index
          %get3A_223 = tpu.vector_load %arg6[%get3A] {strides = array<i32>} : memref<1024xf32, #tpu.memory_space<vmem>>, vector<16xf32>,
          %bitcast3A = vector.bitcast %get3A_223 : vector<16xf32> to vector<16xi32>
          %shift_right_arithmetic3A = arith.constant 15 : i32
          %shift_right_arithmetic3A_224 = vector.broadcast %shift_right_arithmetic3A : i32 to vector<16xi32>
          %shift_right_arithmetic3A_225 = arith.shrsi %bitcast3A, %shift_right_arithmetic3A_224 : vector<16xi32>
          %add3A_226 = arith.addi %shift_right_arithmetic3A_225, %add3A_38 : vector<16xi32>
          %swap3A = arith.index_cast %mul3A_222 : i32 to index
          %swap3A_227 = tpu.vector_load %arg8[%swap3A] {strides = array<i32>} : memref<1024xi32, #tpu.memory_space<vmem>>, vector<16xi32>,
          tpu.vector_store %arg8[%swap3A], %add3A_226 {strides = array<i32>} : memref<1024xi32, #tpu.memory_space<vmem>>, vector<16xi32>,
          %and3A = arith.constant 32767 : i32
          %and3A_228 = vector.broadcast %and3A : i32 to vector<16xi32>
          %and3A_229 = arith.andi %bitcast3A, %and3A_228 : vector<16xi32>
          %swap3A_230 = arith.index_cast %mul3A_222 : i32 to index
          %swap3A_231 = tpu.vector_load %arg10[%swap3A_230] {strides = array<i32>} : memref<1024xi32, #tpu.memory_space<vmem>>, vector<16xi32>,
          tpu.vector_store %arg10[%swap3A_230], %and3A_229 {strides = array<i32>} : memref<1024xi32, #tpu.memory_space<vmem>>, vector<16xi32>,
          %scan3A_232 = arith.constant 1 : i32
          %scan3A_233 = arith.addi %scan3A_216, %scan3A_232 : i32
          %mul3A_234 = arith.constant 1 : i32
          %mul3A_235 = arith.muli %scan3A_233, %mul3A_234 : i32
          %add3A_236 = arith.constant 0 : i32
          %add3A_237 = arith.addi %add3A_236, %mul3A_235 : i32
          %mul3A_238 = arith.constant 16 : i32
          %mul3A_239 = arith.muli %add3A_237, %mul3A_238 : i32
          %get3A_240 = arith.index_cast %mul3A_239 : i32 to index
          %get3A_241 = tpu.vector_load %arg6[%get3A_240] {strides = array<i32>} : memref<1024xf32, #tpu.memory_space<vmem>>, vector<16xf32>,
          %bitcast3A_242 = vector.bitcast %get3A_241 : vector<16xf32> to vector<16xi32>
          %shift_right_arithmetic3A_243 = arith.constant 15 : i32
          %shift_right_arithmetic3A_244 = vector.broadcast %shift_right_arithmetic3A_243 : i32 to vector<16xi32>
          %shift_right_arithmetic3A_245 = arith.shrsi %bitcast3A_242, %shift_right_arithmetic3A_244 : vector<16xi32>
          %add3A_246 = arith.addi %shift_right_arithmetic3A_245, %add3A_38 : vector<16xi32>
          %swap3A_247 = arith.index_cast %mul3A_239 : i32 to index
          %swap3A_248 = tpu.vector_load %arg8[%swap3A_247] {strides = array<i32>} : memref<1024xi32, #tpu.memory_space<vmem>>, vector<16xi32>,
          tpu.vector_store %arg8[%swap3A_247], %add3A_246 {strides = array<i32>} : memref<1024xi32, #tpu.memory_space<vmem>>, vector<16xi32>,
          %and3A_249 = arith.constant 32767 : i32
          %and3A_250 = vector.broadcast %and3A_249 : i32 to vector<16xi32>
          %and3A_251 = arith.andi %bitcast3A_242, %and3A_250 : vector<16xi32>
          %swap3A_252 = arith.index_cast %mul3A_239 : i32 to index
          %swap3A_253 = tpu.vector_load %arg10[%swap3A_252] {strides = array<i32>} : memref<1024xi32, #tpu.memory_space<vmem>>, vector<16xi32>,
          tpu.vector_store %arg10[%swap3A_252], %and3A_251 {strides = array<i32>} : memref<1024xi32, #tpu.memory_space<vmem>>, vector<16xi32>,
          %scan3A_254 = arith.constant 2 : i32
          %scan3A_255 = arith.addi %scan3A_216, %scan3A_254 : i32
          %mul3A_256 = arith.constant 1 : i32
          %mul3A_257 = arith.muli %scan3A_255, %mul3A_256 : i32
          %add3A_258 = arith.constant 0 : i32
          %add3A_259 = arith.addi %add3A_258, %mul3A_257 : i32
          %mul3A_260 = arith.constant 16 : i32
          %mul3A_261 = arith.muli %add3A_259, %mul3A_260 : i32
          %get3A_262 = arith.index_cast %mul3A_261 : i32 to index
          %get3A_263 = tpu.vector_load %arg6[%get3A_262] {strides = array<i32>} : memref<1024xf32, #tpu.memory_space<vmem>>, vector<16xf32>,
          %bitcast3A_264 = vector.bitcast %get3A_263 : vector<16xf32> to vector<16xi32>
          %shift_right_arithmetic3A_265 = arith.constant 15 : i32
          %shift_right_arithmetic3A_266 = vector.broadcast %shift_right_arithmetic3A_265 : i32 to vector<16xi32>
          %shift_right_arithmetic3A_267 = arith.shrsi %bitcast3A_264, %shift_right_arithmetic3A_266 : vector<16xi32>
          %add3A_268 = arith.addi %shift_right_arithmetic3A_267, %add3A_38 : vector<16xi32>
          %swap3A_269 = arith.index_cast %mul3A_261 : i32 to index
          %swap3A_270 = tpu.vector_load %arg8[%swap3A_269] {strides = array<i32>} : memref<1024xi32, #tpu.memory_space<vmem>>, vector<16xi32>,
          tpu.vector_store %arg8[%swap3A_269], %add3A_268 {strides = array<i32>} : memref<1024xi32, #tpu.memory_space<vmem>>, vector<16xi32>,
          %and3A_271 = arith.constant 32767 : i32
          %and3A_272 = vector.broadcast %and3A_271 : i32 to vector<16xi32>
          %and3A_273 = arith.andi %bitcast3A_264, %and3A_272 : vector<16xi32>
          %swap3A_274 = arith.index_cast %mul3A_261 : i32 to index
          %swap3A_275 = tpu.vector_load %arg10[%swap3A_274] {strides = array<i32>} : memref<1024xi32, #tpu.memory_space<vmem>>, vector<16xi32>,
          tpu.vector_store %arg10[%swap3A_274], %and3A_273 {strides = array<i32>} : memref<1024xi32, #tpu.memory_space<vmem>>, vector<16xi32>,
          %scan3A_276 = arith.constant 3 : i32
          %scan3A_277 = arith.addi %scan3A_216, %scan3A_276 : i32
          %mul3A_278 = arith.constant 1 : i32
          %mul3A_279 = arith.muli %scan3A_277, %mul3A_278 : i32
          %add3A_280 = arith.constant 0 : i32
          %add3A_281 = arith.addi %add3A_280, %mul3A_279 : i32
          %mul3A_282 = arith.constant 16 : i32
          %mul3A_283 = arith.muli %add3A_281, %mul3A_282 : i32
          %get3A_284 = arith.index_cast %mul3A_283 : i32 to index
          %get3A_285 = tpu.vector_load %arg6[%get3A_284] {strides = array<i32>} : memref<1024xf32, #tpu.memory_space<vmem>>, vector<16xf32>,
          %bitcast3A_286 = vector.bitcast %get3A_285 : vector<16xf32> to vector<16xi32>
          %shift_right_arithmetic3A_287 = arith.constant 15 : i32
          %shift_right_arithmetic3A_288 = vector.broadcast %shift_right_arithmetic3A_287 : i32 to vector<16xi32>
          %shift_right_arithmetic3A_289 = arith.shrsi %bitcast3A_286, %shift_right_arithmetic3A_288 : vector<16xi32>
          %add3A_290 = arith.addi %shift_right_arithmetic3A_289, %add3A_38 : vector<16xi32>
          %swap3A_291 = arith.index_cast %mul3A_283 : i32 to index
          %swap3A_292 = tpu.vector_load %arg8[%swap3A_291] {strides = array<i32>} : memref<1024xi32, #tpu.memory_space<vmem>>, vector<16xi32>,
          tpu.vector_store %arg8[%swap3A_291], %add3A_290 {strides = array<i32>} : memref<1024xi32, #tpu.memory_space<vmem>>, vector<16xi32>,
          %and3A_293 = arith.constant 32767 : i32
          %and3A_294 = vector.broadcast %and3A_293 : i32 to vector<16xi32>
          %and3A_295 = arith.andi %bitcast3A_286, %and3A_294 : vector<16xi32>
          %swap3A_296 = arith.index_cast %mul3A_283 : i32 to index
          %swap3A_297 = tpu.vector_load %arg10[%swap3A_296] {strides = array<i32>} : memref<1024xi32, #tpu.memory_space<vmem>>, vector<16xi32>,
          tpu.vector_store %arg10[%swap3A_296], %and3A_295 {strides = array<i32>} : memref<1024xi32, #tpu.memory_space<vmem>>, vector<16xi32>,
        }
        %scan3A_205 = arith.constant 64 : i32
        %add3A_206 = arith.constant 2 : i32
        %add3A_207 = arith.addi %add3A_194, %add3A_206 : i32
        %lt3A_208 = arith.constant 22 : i32
        %lt3A_209 = arith.cmpi slt, %add3A_207, %lt3A_208 : i32
        %convert_element_type3A_210 = arith.extui %lt3A_209 : i1 to i32
        %cond3A_211 = arith.constant 0 : i32
        %cond3A_212 = arith.cmpi ne, %convert_element_type3A_210, %cond3A_211 : i32
        scf.if %cond3A_212 {
          %add3A_216 = arith.constant 2 : i32
          %add3A_217 = arith.addi %add3A_194, %add3A_216 : i32
          %mul3A_218 = arith.constant 1024 : i32
          %mul3A_219 = arith.muli %add3A_217, %mul3A_218 : i32
          %add3A_220 = arith.addi %multiple_of3A, %mul3A_219 : i32
          %multiple_of3A_221 = tpu.assume_multiple %add3A_220, 1024 : i32
          %dma_start3A_222 = tpu.memref_slice %arg3[%multiple_of3A_221] : memref<360448xf32, #tpu.memory_space<hbm>> -> memref<1024xf32, #tpu.memory_space<hbm>>
          %dma_start3A_223 = tpu.memref_slice %arg3[%multiple_of3A_221] : memref<360448xf32, #tpu.memory_space<hbm>> -> memref<1024xf32, #tpu.memory_space<hbm>>
          tpu.enqueue_dma source(%dma_start3A_223 : memref<1024xf32, #tpu.memory_space<hbm>>) target(%arg6 : memref<1024xf32, #tpu.memory_space<vmem>>) target_semaphore(%arg17 : memref<!tpu.dma_semaphore, #tpu.memory_space<semaphore_mem>>)
        } else {
        }
        %dma_start3A_213 = arith.constant 0 : i32
        %dma_start3A_214 = arith.constant 0 : i32
        %dma_start3A_215 = tpu.memref_slice %arg2[%dma_start3A_213, %dma_start3A_214] : memref<88832x32xf32, #tpu.memory_space<hbm>> -> memref<88832x32xf32, #tpu.memory_space<hbm>>
        tpu.enqueue_indirect_dma source(%dma_start3A_215 : memref<88832x32xf32, #tpu.memory_space<hbm>>) target(%arg12 : memref<1024x32xf32, #tpu.memory_space<vmem>>) offsets(%arg8 : memref<1024xi32, #tpu.memory_space<vmem>>) semaphore(%arg15 : memref<!tpu.dma_semaphore, #tpu.memory_space<semaphore_mem>>)
      } else {
      }
      %dma_wait3A_183 = arith.constant 0 : i32
      %dma_wait3A_184 = arith.constant 0 : i32
      %dma_wait3A_185 = tpu.memref_slice %arg2[%dma_wait3A_183, %dma_wait3A_184] : memref<88832x32xf32, #tpu.memory_space<hbm>> -> memref<88832x32xf32, #tpu.memory_space<hbm>>
      tpu.wait_indirect_dma semaphore(%arg16 : memref<!tpu.dma_semaphore, #tpu.memory_space<semaphore_mem>>) src(%dma_wait3A_185 : memref<88832x32xf32, #tpu.memory_space<hbm>>) dst(%arg13 : memref<1024x32xf32, #tpu.memory_space<vmem>>)
      "tpu.region"() ({
        %run_scoped3A = tpu.sem_alloc : memref<!tpu.dma_semaphore, #tpu.memory_space<semaphore_mem>>
        %dma_start3A_191 = arith.constant 0 : i32
        %dma_start3A_192 = arith.constant 0 : i32
        %dma_start3A_193 = tpu.memref_slice %arg14[%dma_start3A_191, %dma_start3A_192] : memref<22528x32xf32, #tpu.memory_space<vmem_shared>> -> memref<22528x32xf32, #tpu.memory_space<vmem_shared>>
        tpu.enqueue_indirect_dma source(%arg13 : memref<1024x32xf32, #tpu.memory_space<vmem>>) target(%dma_start3A_193 : memref<22528x32xf32, #tpu.memory_space<vmem_shared>>) offsets(%arg11 : memref<1024xi32, #tpu.memory_space<vmem>>) semaphore(%run_scoped3A : memref<!tpu.dma_semaphore, #tpu.memory_space<semaphore_mem>>) {add = true}
        %dma_wait3A_194 = arith.constant 0 : i32
        %dma_wait3A_195 = arith.constant 0 : i32
        %dma_wait3A_196 = tpu.memref_slice %arg14[%dma_wait3A_194, %dma_wait3A_195] : memref<22528x32xf32, #tpu.memory_space<vmem_shared>> -> memref<22528x32xf32, #tpu.memory_space<vmem_shared>>
        tpu.wait_indirect_dma semaphore(%run_scoped3A : memref<!tpu.dma_semaphore, #tpu.memory_space<semaphore_mem>>) src(%arg13 : memref<1024x32xf32, #tpu.memory_space<vmem>>) dst(%dma_wait3A_196 : memref<22528x32xf32, #tpu.memory_space<vmem_shared>>)
        tpu.yield
      }) : () -> ()
      %eq3A_186 = arith.constant 0 : i32
      %eq3A_187 = arith.cmpi eq, %arg0, %eq3A_186 : i32
      %convert_element_type3A_188 = arith.extui %eq3A_187 : i1 to i32
      %cond3A_189 = arith.constant 0 : i32
      %cond3A_190 = arith.cmpi ne, %convert_element_type3A_188, %cond3A_189 : i32
      scf.if %cond3A_190 {
        "tpu.region"() ({
          %run_scoped3A = tpu.sem_alloc : memref<!tpu.dma_semaphore, #tpu.memory_space<semaphore_mem>>
          %dma_start3A_191 = arith.constant 0 : i32
          %dma_start3A_192 = tpu.memref_slice %arg22[%dma_start3A_191] : memref<22528xf32, #tpu.memory_space<vmem_shared>> -> memref<22528xf32, #tpu.memory_space<vmem_shared>>
          tpu.enqueue_indirect_dma source(%arg20 : memref<1024xf32, #tpu.memory_space<vmem>>) target(%dma_start3A_192 : memref<22528xf32, #tpu.memory_space<vmem_shared>>) offsets(%arg11 : memref<1024xi32, #tpu.memory_space<vmem>>) semaphore(%run_scoped3A : memref<!tpu.dma_semaphore, #tpu.memory_space<semaphore_mem>>) {add = true}
          %dma_wait3A_193 = arith.constant 0 : i32
          %dma_wait3A_194 = tpu.memref_slice %arg22[%dma_wait3A_193] : memref<22528xf32, #tpu.memory_space<vmem_shared>> -> memref<22528xf32, #tpu.memory_space<vmem_shared>>
          tpu.wait_indirect_dma semaphore(%run_scoped3A : memref<!tpu.dma_semaphore, #tpu.memory_space<semaphore_mem>>) src(%arg20 : memref<1024xf32, #tpu.memory_space<vmem>>) dst(%dma_wait3A_194 : memref<22528xf32, #tpu.memory_space<vmem_shared>>)
          tpu.yield
        }) : () -> ()
      } else {
      }
    }
    %scan3A_69 = arith.constant 11 : i32
    %barrier3A_70 = arith.constant 0 : index
    tpu.barrier barrier_id(%barrier3A_70)
    %mul3A_71 = arith.constant 32 : i32
    %mul3A_72 = arith.muli %add3A_12, %mul3A_71 : i32
    "tpu.region"() ({
      %run_scoped3A = tpu.sem_alloc : memref<!tpu.dma_semaphore, #tpu.memory_space<semaphore_mem>>
      %dma_start3A_141 = tpu.memref_slice %arg4[%multiple_of3A_3, %mul3A_72] : memref<22528x128xf32, #tpu.memory_space<hbm>> -> memref<1408x32xf32, #tpu.memory_space<hbm>>
      %dma_start3A_142 = arith.constant 0 : i32
      %dma_start3A_143 = tpu.memref_slice %arg14[%multiple_of3A_3, %dma_start3A_142] : memref<22528x32xf32, #tpu.memory_space<vmem_shared>> -> memref<1408x32xf32, #tpu.memory_space<vmem_shared>>
      tpu.enqueue_dma source(%dma_start3A_143 : memref<1408x32xf32, #tpu.memory_space<vmem_shared>>) target(%dma_start3A_141 : memref<1408x32xf32, #tpu.memory_space<hbm>>) target_semaphore(%run_scoped3A : memref<!tpu.dma_semaphore, #tpu.memory_space<semaphore_mem>>)
      %dma_wait3A_144 = tpu.memref_slice %arg4[%multiple_of3A_3, %mul3A_72] : memref<22528x128xf32, #tpu.memory_space<hbm>> -> memref<1408x32xf32, #tpu.memory_space<hbm>>
      %dma_wait3A_145 = arith.constant 0 : i32
      %dma_wait3A_146 = tpu.memref_slice %arg14[%multiple_of3A_3, %dma_wait3A_145] : memref<22528x32xf32, #tpu.memory_space<vmem_shared>> -> memref<1408x32xf32, #tpu.memory_space<vmem_shared>>
      tpu.wait_dma2 semaphore(%run_scoped3A : memref<!tpu.dma_semaphore, #tpu.memory_space<semaphore_mem>>) src(%dma_wait3A_146 : memref<1408x32xf32, #tpu.memory_space<vmem_shared>>) dst(%dma_wait3A_144 : memref<1408x32xf32, #tpu.memory_space<hbm>>)
      tpu.yield
    }) : () -> ()
    %eq3A_73 = arith.constant 0 : i32
    %eq3A_74 = arith.cmpi eq, %arg0, %eq3A_73 : i32
    %convert_element_type3A_75 = arith.extui %eq3A_74 : i1 to i32
    %cond3A_76 = arith.constant 0 : i32
    %cond3A_77 = arith.cmpi ne, %convert_element_type3A_75, %cond3A_76 : i32
    scf.if %cond3A_77 {
      "tpu.region"() ({
        %run_scoped3A = tpu.sem_alloc : memref<!tpu.dma_semaphore, #tpu.memory_space<semaphore_mem>>
        %dma_start3A_141 = tpu.memref_slice %arg5[%multiple_of3A_3] : memref<22528xf32, #tpu.memory_space<hbm>> -> memref<1408xf32, #tpu.memory_space<hbm>>
        %dma_start3A_142 = tpu.memref_slice %arg22[%multiple_of3A_3] : memref<22528xf32, #tpu.memory_space<vmem_shared>> -> memref<1408xf32, #tpu.memory_space<vmem_shared>>
        tpu.enqueue_dma source(%dma_start3A_142 : memref<1408xf32, #tpu.memory_space<vmem_shared>>) target(%dma_start3A_141 : memref<1408xf32, #tpu.memory_space<hbm>>) target_semaphore(%run_scoped3A : memref<!tpu.dma_semaphore, #tpu.memory_space<semaphore_mem>>)
        %dma_wait3A_143 = tpu.memref_slice %arg5[%multiple_of3A_3] : memref<22528xf32, #tpu.memory_space<hbm>> -> memref<1408xf32, #tpu.memory_space<hbm>>
        %dma_wait3A_144 = tpu.memref_slice %arg22[%multiple_of3A_3] : memref<22528xf32, #tpu.memory_space<vmem_shared>> -> memref<1408xf32, #tpu.memory_space<vmem_shared>>
        tpu.wait_dma2 semaphore(%run_scoped3A : memref<!tpu.dma_semaphore, #tpu.memory_space<semaphore_mem>>) src(%dma_wait3A_144 : memref<1408xf32, #tpu.memory_space<vmem_shared>>) dst(%dma_wait3A_143 : memref<1408xf32, #tpu.memory_space<hbm>>)
        tpu.yield
      }) : () -> ()
    } else {
    }
    %mul3A_78 = arith.constant 2 : i32
    %mul3A_79 = arith.muli %mul3A_78, %arg0 : i32
    %add3A_80 = arith.constant 1 : i32
    %add3A_81 = arith.addi %mul3A_79, %add3A_80 : i32
    %add3A_82 = arith.constant 0 : i32
    %add3A_83 = arith.addi %multiple_of3A_3, %add3A_82 : i32
    "tpu.region"() ({
      %run_scoped3A = tpu.sem_alloc : memref<!tpu.dma_semaphore, #tpu.memory_space<semaphore_mem>>
      %dma_start3A_141 = arith.constant 0 : i32
      %dma_start3A_142 = tpu.memref_slice %arg14[%add3A_83, %dma_start3A_141] : memref<22528x32xf32, #tpu.memory_space<vmem_shared>> -> memref<176x32xf32, #tpu.memory_space<vmem_shared>>
      %dma_start3A_143 = arith.constant 0 : i32
      %dma_start3A_144 = tpu.memref_slice %arg14[%add3A_83, %dma_start3A_143] : memref<22528x32xf32, #tpu.memory_space<vmem_shared>> -> memref<176x32xf32, #tpu.memory_space<vmem_shared>>
      tpu.enqueue_dma source(%arg19 : memref<176x32xf32, #tpu.memory_space<vmem>>) target(%dma_start3A_144 : memref<176x32xf32, #tpu.memory_space<vmem_shared>>) target_semaphore(%run_scoped3A : memref<!tpu.dma_semaphore, #tpu.memory_space<semaphore_mem>>)
      %dma_wait3A_145 = arith.constant 0 : i32
      %dma_wait3A_146 = tpu.memref_slice %arg14[%add3A_83, %dma_wait3A_145] : memref<22528x32xf32, #tpu.memory_space<vmem_shared>> -> memref<176x32xf32, #tpu.memory_space<vmem_shared>>
      %dma_wait3A_147 = arith.constant 0 : i32
      %dma_wait3A_148 = tpu.memref_slice %arg14[%add3A_83, %dma_wait3A_147] : memref<22528x32xf32, #tpu.memory_space<vmem_shared>> -> memref<176x32xf32, #tpu.memory_space<vmem_shared>>
      tpu.wait_dma2 semaphore(%run_scoped3A : memref<!tpu.dma_semaphore, #tpu.memory_space<semaphore_mem>>) src(%arg19 : memref<176x32xf32, #tpu.memory_space<vmem>>) dst(%dma_wait3A_148 : memref<176x32xf32, #tpu.memory_space<vmem_shared>>)
      tpu.yield
    }) : () -> ()
    %add3A_84 = arith.constant 176 : i32
    %add3A_85 = arith.addi %multiple_of3A_3, %add3A_84 : i32
    "tpu.region"() ({
      %run_scoped3A = tpu.sem_alloc : memref<!tpu.dma_semaphore, #tpu.memory_space<semaphore_mem>>
      %dma_start3A_141 = arith.constant 0 : i32
      %dma_start3A_142 = tpu.memref_slice %arg14[%add3A_85, %dma_start3A_141] : memref<22528x32xf32, #tpu.memory_space<vmem_shared>> -> memref<176x32xf32, #tpu.memory_space<vmem_shared>>
      %dma_start3A_143 = arith.constant 0 : i32
      %dma_start3A_144 = tpu.memref_slice %arg14[%add3A_85, %dma_start3A_143] : memref<22528x32xf32, #tpu.memory_space<vmem_shared>> -> memref<176x32xf32, #tpu.memory_space<vmem_shared>>
      tpu.enqueue_dma source(%arg19 : memref<176x32xf32, #tpu.memory_space<vmem>>) target(%dma_start3A_144 : memref<176x32xf32, #tpu.memory_space<vmem_shared>>) target_semaphore(%run_scoped3A : memref<!tpu.dma_semaphore, #tpu.memory_space<semaphore_mem>>)
      %dma_wait3A_145 = arith.constant 0 : i32
      %dma_wait3A_146 = tpu.memref_slice %arg14[%add3A_85, %dma_wait3A_145] : memref<22528x32xf32, #tpu.memory_space<vmem_shared>> -> memref<176x32xf32, #tpu.memory_space<vmem_shared>>
      %dma_wait3A_147 = arith.constant 0 : i32
      %dma_wait3A_148 = tpu.memref_slice %arg14[%add3A_85, %dma_wait3A_147] : memref<22528x32xf32, #tpu.memory_space<vmem_shared>> -> memref<176x32xf32, #tpu.memory_space<vmem_shared>>
      tpu.wait_dma2 semaphore(%run_scoped3A : memref<!tpu.dma_semaphore, #tpu.memory_space<semaphore_mem>>) src(%arg19 : memref<176x32xf32, #tpu.memory_space<vmem>>) dst(%dma_wait3A_148 : memref<176x32xf32, #tpu.memory_space<vmem_shared>>)
      tpu.yield
    }) : () -> ()
    %add3A_86 = arith.constant 352 : i32
    %add3A_87 = arith.addi %multiple_of3A_3, %add3A_86 : i32
    "tpu.region"() ({
      %run_scoped3A = tpu.sem_alloc : memref<!tpu.dma_semaphore, #tpu.memory_space<semaphore_mem>>
      %dma_start3A_141 = arith.constant 0 : i32
      %dma_start3A_142 = tpu.memref_slice %arg14[%add3A_87, %dma_start3A_141] : memref<22528x32xf32, #tpu.memory_space<vmem_shared>> -> memref<176x32xf32, #tpu.memory_space<vmem_shared>>
      %dma_start3A_143 = arith.constant 0 : i32
      %dma_start3A_144 = tpu.memref_slice %arg14[%add3A_87, %dma_start3A_143] : memref<22528x32xf32, #tpu.memory_space<vmem_shared>> -> memref<176x32xf32, #tpu.memory_space<vmem_shared>>
      tpu.enqueue_dma source(%arg19 : memref<176x32xf32, #tpu.memory_space<vmem>>) target(%dma_start3A_144 : memref<176x32xf32, #tpu.memory_space<vmem_shared>>) target_semaphore(%run_scoped3A : memref<!tpu.dma_semaphore, #tpu.memory_space<semaphore_mem>>)
      %dma_wait3A_145 = arith.constant 0 : i32
      %dma_wait3A_146 = tpu.memref_slice %arg14[%add3A_87, %dma_wait3A_145] : memref<22528x32xf32, #tpu.memory_space<vmem_shared>> -> memref<176x32xf32, #tpu.memory_space<vmem_shared>>
      %dma_wait3A_147 = arith.constant 0 : i32
      %dma_wait3A_148 = tpu.memref_slice %arg14[%add3A_87, %dma_wait3A_147] : memref<22528x32xf32, #tpu.memory_space<vmem_shared>> -> memref<176x32xf32, #tpu.memory_space<vmem_shared>>
      tpu.wait_dma2 semaphore(%run_scoped3A : memref<!tpu.dma_semaphore, #tpu.memory_space<semaphore_mem>>) src(%arg19 : memref<176x32xf32, #tpu.memory_space<vmem>>) dst(%dma_wait3A_148 : memref<176x32xf32, #tpu.memory_space<vmem_shared>>)
      tpu.yield
    }) : () -> ()
    %add3A_88 = arith.constant 528 : i32
    %add3A_89 = arith.addi %multiple_of3A_3, %add3A_88 : i32
    "tpu.region"() ({
      %run_scoped3A = tpu.sem_alloc : memref<!tpu.dma_semaphore, #tpu.memory_space<semaphore_mem>>
      %dma_start3A_141 = arith.constant 0 : i32
      %dma_start3A_142 = tpu.memref_slice %arg14[%add3A_89, %dma_start3A_141] : memref<22528x32xf32, #tpu.memory_space<vmem_shared>> -> memref<176x32xf32, #tpu.memory_space<vmem_shared>>
      %dma_start3A_143 = arith.constant 0 : i32
      %dma_start3A_144 = tpu.memref_slice %arg14[%add3A_89, %dma_start3A_143] : memref<22528x32xf32, #tpu.memory_space<vmem_shared>> -> memref<176x32xf32, #tpu.memory_space<vmem_shared>>
      tpu.enqueue_dma source(%arg19 : memref<176x32xf32, #tpu.memory_space<vmem>>) target(%dma_start3A_144 : memref<176x32xf32, #tpu.memory_space<vmem_shared>>) target_semaphore(%run_scoped3A : memref<!tpu.dma_semaphore, #tpu.memory_space<semaphore_mem>>)
      %dma_wait3A_145 = arith.constant 0 : i32
      %dma_wait3A_146 = tpu.memref_slice %arg14[%add3A_89, %dma_wait3A_145] : memref<22528x32xf32, #tpu.memory_space<vmem_shared>> -> memref<176x32xf32, #tpu.memory_space<vmem_shared>>
      %dma_wait3A_147 = arith.constant 0 : i32
      %dma_wait3A_148 = tpu.memref_slice %arg14[%add3A_89, %dma_wait3A_147] : memref<22528x32xf32, #tpu.memory_space<vmem_shared>> -> memref<176x32xf32, #tpu.memory_space<vmem_shared>>
      tpu.wait_dma2 semaphore(%run_scoped3A : memref<!tpu.dma_semaphore, #tpu.memory_space<semaphore_mem>>) src(%arg19 : memref<176x32xf32, #tpu.memory_space<vmem>>) dst(%dma_wait3A_148 : memref<176x32xf32, #tpu.memory_space<vmem_shared>>)
      tpu.yield
    }) : () -> ()
    %add3A_90 = arith.constant 704 : i32
    %add3A_91 = arith.addi %multiple_of3A_3, %add3A_90 : i32
    "tpu.region"() ({
      %run_scoped3A = tpu.sem_alloc : memref<!tpu.dma_semaphore, #tpu.memory_space<semaphore_mem>>
      %dma_start3A_141 = arith.constant 0 : i32
      %dma_start3A_142 = tpu.memref_slice %arg14[%add3A_91, %dma_start3A_141] : memref<22528x32xf32, #tpu.memory_space<vmem_shared>> -> memref<176x32xf32, #tpu.memory_space<vmem_shared>>
      %dma_start3A_143 = arith.constant 0 : i32
      %dma_start3A_144 = tpu.memref_slice %arg14[%add3A_91, %dma_start3A_143] : memref<22528x32xf32, #tpu.memory_space<vmem_shared>> -> memref<176x32xf32, #tpu.memory_space<vmem_shared>>
      tpu.enqueue_dma source(%arg19 : memref<176x32xf32, #tpu.memory_space<vmem>>) target(%dma_start3A_144 : memref<176x32xf32, #tpu.memory_space<vmem_shared>>) target_semaphore(%run_scoped3A : memref<!tpu.dma_semaphore, #tpu.memory_space<semaphore_mem>>)
      %dma_wait3A_145 = arith.constant 0 : i32
      %dma_wait3A_146 = tpu.memref_slice %arg14[%add3A_91, %dma_wait3A_145] : memref<22528x32xf32, #tpu.memory_space<vmem_shared>> -> memref<176x32xf32, #tpu.memory_space<vmem_shared>>
      %dma_wait3A_147 = arith.constant 0 : i32
      %dma_wait3A_148 = tpu.memref_slice %arg14[%add3A_91, %dma_wait3A_147] : memref<22528x32xf32, #tpu.memory_space<vmem_shared>> -> memref<176x32xf32, #tpu.memory_space<vmem_shared>>
      tpu.wait_dma2 semaphore(%run_scoped3A : memref<!tpu.dma_semaphore, #tpu.memory_space<semaphore_mem>>) src(%arg19 : memref<176x32xf32, #tpu.memory_space<vmem>>) dst(%dma_wait3A_148 : memref<176x32xf32, #tpu.memory_space<vmem_shared>>)
      tpu.yield
    }) : () -> ()
    %add3A_92 = arith.constant 880 : i32
    %add3A_93 = arith.addi %multiple_of3A_3, %add3A_92 : i32
    "tpu.region"() ({
      %run_scoped3A = tpu.sem_alloc : memref<!tpu.dma_semaphore, #tpu.memory_space<semaphore_mem>>
      %dma_start3A_141 = arith.constant 0 : i32
      %dma_start3A_142 = tpu.memref_slice %arg14[%add3A_93, %dma_start3A_141] : memref<22528x32xf32, #tpu.memory_space<vmem_shared>> -> memref<176x32xf32, #tpu.memory_space<vmem_shared>>
      %dma_start3A_143 = arith.constant 0 : i32
      %dma_start3A_144 = tpu.memref_slice %arg14[%add3A_93, %dma_start3A_143] : memref<22528x32xf32, #tpu.memory_space<vmem_shared>> -> memref<176x32xf32, #tpu.memory_space<vmem_shared>>
      tpu.enqueue_dma source(%arg19 : memref<176x32xf32, #tpu.memory_space<vmem>>) target(%dma_start3A_144 : memref<176x32xf32, #tpu.memory_space<vmem_shared>>) target_semaphore(%run_scoped3A : memref<!tpu.dma_semaphore, #tpu.memory_space<semaphore_mem>>)
      %dma_wait3A_145 = arith.constant 0 : i32
      %dma_wait3A_146 = tpu.memref_slice %arg14[%add3A_93, %dma_wait3A_145] : memref<22528x32xf32, #tpu.memory_space<vmem_shared>> -> memref<176x32xf32, #tpu.memory_space<vmem_shared>>
      %dma_wait3A_147 = arith.constant 0 : i32
      %dma_wait3A_148 = tpu.memref_slice %arg14[%add3A_93, %dma_wait3A_147] : memref<22528x32xf32, #tpu.memory_space<vmem_shared>> -> memref<176x32xf32, #tpu.memory_space<vmem_shared>>
      tpu.wait_dma2 semaphore(%run_scoped3A : memref<!tpu.dma_semaphore, #tpu.memory_space<semaphore_mem>>) src(%arg19 : memref<176x32xf32, #tpu.memory_space<vmem>>) dst(%dma_wait3A_148 : memref<176x32xf32, #tpu.memory_space<vmem_shared>>)
      tpu.yield
    }) : () -> ()
    %add3A_94 = arith.constant 1056 : i32
    %add3A_95 = arith.addi %multiple_of3A_3, %add3A_94 : i32
    "tpu.region"() ({
      %run_scoped3A = tpu.sem_alloc : memref<!tpu.dma_semaphore, #tpu.memory_space<semaphore_mem>>
      %dma_start3A_141 = arith.constant 0 : i32
      %dma_start3A_142 = tpu.memref_slice %arg14[%add3A_95, %dma_start3A_141] : memref<22528x32xf32, #tpu.memory_space<vmem_shared>> -> memref<176x32xf32, #tpu.memory_space<vmem_shared>>
      %dma_start3A_143 = arith.constant 0 : i32
      %dma_start3A_144 = tpu.memref_slice %arg14[%add3A_95, %dma_start3A_143] : memref<22528x32xf32, #tpu.memory_space<vmem_shared>> -> memref<176x32xf32, #tpu.memory_space<vmem_shared>>
      tpu.enqueue_dma source(%arg19 : memref<176x32xf32, #tpu.memory_space<vmem>>) target(%dma_start3A_144 : memref<176x32xf32, #tpu.memory_space<vmem_shared>>) target_semaphore(%run_scoped3A : memref<!tpu.dma_semaphore, #tpu.memory_space<semaphore_mem>>)
      %dma_wait3A_145 = arith.constant 0 : i32
      %dma_wait3A_146 = tpu.memref_slice %arg14[%add3A_95, %dma_wait3A_145] : memref<22528x32xf32, #tpu.memory_space<vmem_shared>> -> memref<176x32xf32, #tpu.memory_space<vmem_shared>>
      %dma_wait3A_147 = arith.constant 0 : i32
      %dma_wait3A_148 = tpu.memref_slice %arg14[%add3A_95, %dma_wait3A_147] : memref<22528x32xf32, #tpu.memory_space<vmem_shared>> -> memref<176x32xf32, #tpu.memory_space<vmem_shared>>
      tpu.wait_dma2 semaphore(%run_scoped3A : memref<!tpu.dma_semaphore, #tpu.memory_space<semaphore_mem>>) src(%arg19 : memref<176x32xf32, #tpu.memory_space<vmem>>) dst(%dma_wait3A_148 : memref<176x32xf32, #tpu.memory_space<vmem_shared>>)
      tpu.yield
    }) : () -> ()
    %add3A_96 = arith.constant 1232 : i32
    %add3A_97 = arith.addi %multiple_of3A_3, %add3A_96 : i32
    "tpu.region"() ({
      %run_scoped3A = tpu.sem_alloc : memref<!tpu.dma_semaphore, #tpu.memory_space<semaphore_mem>>
      %dma_start3A_141 = arith.constant 0 : i32
      %dma_start3A_142 = tpu.memref_slice %arg14[%add3A_97, %dma_start3A_141] : memref<22528x32xf32, #tpu.memory_space<vmem_shared>> -> memref<176x32xf32, #tpu.memory_space<vmem_shared>>
      %dma_start3A_143 = arith.constant 0 : i32
      %dma_start3A_144 = tpu.memref_slice %arg14[%add3A_97, %dma_start3A_143] : memref<22528x32xf32, #tpu.memory_space<vmem_shared>> -> memref<176x32xf32, #tpu.memory_space<vmem_shared>>
      tpu.enqueue_dma source(%arg19 : memref<176x32xf32, #tpu.memory_space<vmem>>) target(%dma_start3A_144 : memref<176x32xf32, #tpu.memory_space<vmem_shared>>) target_semaphore(%run_scoped3A : memref<!tpu.dma_semaphore, #tpu.memory_space<semaphore_mem>>)
      %dma_wait3A_145 = arith.constant 0 : i32
      %dma_wait3A_146 = tpu.memref_slice %arg14[%add3A_97, %dma_wait3A_145] : memref<22528x32xf32, #tpu.memory_space<vmem_shared>> -> memref<176x32xf32, #tpu.memory_space<vmem_shared>>
      %dma_wait3A_147 = arith.constant 0 : i32
      %dma_wait3A_148 = tpu.memref_slice %arg14[%add3A_97, %dma_wait3A_147] : memref<22528x32xf32, #tpu.memory_space<vmem_shared>> -> memref<176x32xf32, #tpu.memory_space<vmem_shared>>
      tpu.wait_dma2 semaphore(%run_scoped3A : memref<!tpu.dma_semaphore, #tpu.memory_space<semaphore_mem>>) src(%arg19 : memref<176x32xf32, #tpu.memory_space<vmem>>) dst(%dma_wait3A_148 : memref<176x32xf32, #tpu.memory_space<vmem_shared>>)
      tpu.yield
    }) : () -> ()
    %barrier3A_98 = arith.constant 0 : index
    tpu.barrier barrier_id(%barrier3A_98)
    %broadcast_in_dim3A_99 = arith.constant 0 : i32
    %broadcast_in_dim3A_100 = vector.broadcast %broadcast_in_dim3A_99 : i32 to vector<16xi32>
    %mul3A_101 = arith.constant 22208 : i32
    %mul3A_102 = arith.muli %add3A_81, %mul3A_101 : i32
    %add3A_103 = vector.broadcast %mul3A_102 : i32 to vector<16xi32>
    %add3A_104 = arith.addi %broadcast_in_dim3A_100, %add3A_103 : vector<16xi32>
    %add3A_105 = arith.constant 0 : i32
    %add3A_106 = arith.addi %multiple_of3A, %add3A_105 : i32
    %multiple_of3A_107 = tpu.assume_multiple %add3A_106, 1024 : i32
    %dma_start3A_108 = tpu.memref_slice %arg3[%multiple_of3A_107] : memref<360448xf32, #tpu.memory_space<hbm>> -> memref<1024xf32, #tpu.memory_space<hbm>>
    %dma_start3A_109 = tpu.memref_slice %arg3[%multiple_of3A_107] : memref<360448xf32, #tpu.memory_space<hbm>> -> memref<1024xf32, #tpu.memory_space<hbm>>
    tpu.enqueue_dma source(%dma_start3A_109 : memref<1024xf32, #tpu.memory_space<hbm>>) target(%arg6 : memref<1024xf32, #tpu.memory_space<vmem>>) target_semaphore(%arg17 : memref<!tpu.dma_semaphore, #tpu.memory_space<semaphore_mem>>)
    %add3A_110 = arith.constant 1024 : i32
    %add3A_111 = arith.addi %multiple_of3A, %add3A_110 : i32
    %multiple_of3A_112 = tpu.assume_multiple %add3A_111, 1024 : i32
    %dma_start3A_113 = tpu.memref_slice %arg3[%multiple_of3A_112] : memref<360448xf32, #tpu.memory_space<hbm>> -> memref<1024xf32, #tpu.memory_space<hbm>>
    %dma_start3A_114 = tpu.memref_slice %arg3[%multiple_of3A_112] : memref<360448xf32, #tpu.memory_space<hbm>> -> memref<1024xf32, #tpu.memory_space<hbm>>
    tpu.enqueue_dma source(%dma_start3A_114 : memref<1024xf32, #tpu.memory_space<hbm>>) target(%arg7 : memref<1024xf32, #tpu.memory_space<vmem>>) target_semaphore(%arg18 : memref<!tpu.dma_semaphore, #tpu.memory_space<semaphore_mem>>)
    %add3A_115 = arith.constant 0 : i32
    %add3A_116 = arith.addi %multiple_of3A, %add3A_115 : i32
    %multiple_of3A_117 = tpu.assume_multiple %add3A_116, 1024 : i32
    %dma_wait3A_118 = tpu.memref_slice %arg3[%multiple_of3A_117] : memref<360448xf32, #tpu.memory_space<hbm>> -> memref<1024xf32, #tpu.memory_space<hbm>>
    %dma_wait3A_119 = tpu.memref_slice %arg3[%multiple_of3A_117] : memref<360448xf32, #tpu.memory_space<hbm>> -> memref<1024xf32, #tpu.memory_space<hbm>>
    tpu.wait_dma2 semaphore(%arg17 : memref<!tpu.dma_semaphore, #tpu.memory_space<semaphore_mem>>) src(%dma_wait3A_119 : memref<1024xf32, #tpu.memory_space<hbm>>) dst(%arg6 : memref<1024xf32, #tpu.memory_space<vmem>>)
    %scan3A_120 = arith.constant 0 : i32
    %scan3A_121 = arith.constant 64 : i32
    %scan3A_122 = arith.addi %scan3A_120, %scan3A_121 : i32
    %scan3A_123 = arith.constant 4 : i32
    scf.for %scan3A_141 = %scan3A_120 to %scan3A_122 step %scan3A_123  : i32 {
      %mul3A_142 = arith.constant 1 : i32
      %mul3A_143 = arith.muli %scan3A_141, %mul3A_142 : i32
      %add3A_144 = arith.constant 0 : i32
      %add3A_145 = arith.addi %add3A_144, %mul3A_143 : i32
      %mul3A_146 = arith.constant 16 : i32
      %mul3A_147 = arith.muli %add3A_145, %mul3A_146 : i32
      %get3A = arith.index_cast %mul3A_147 : i32 to index
      %get3A_148 = tpu.vector_load %arg6[%get3A] {strides = array<i32>} : memref<1024xf32, #tpu.memory_space<vmem>>, vector<16xf32>,
      %bitcast3A = vector.bitcast %get3A_148 : vector<16xf32> to vector<16xi32>
      %shift_right_arithmetic3A = arith.constant 15 : i32
      %shift_right_arithmetic3A_149 = vector.broadcast %shift_right_arithmetic3A : i32 to vector<16xi32>
      %shift_right_arithmetic3A_150 = arith.shrsi %bitcast3A, %shift_right_arithmetic3A_149 : vector<16xi32>
      %add3A_151 = arith.addi %shift_right_arithmetic3A_150, %add3A_104 : vector<16xi32>
      %swap3A = arith.index_cast %mul3A_147 : i32 to index
      %swap3A_152 = tpu.vector_load %arg8[%swap3A] {strides = array<i32>} : memref<1024xi32, #tpu.memory_space<vmem>>, vector<16xi32>,
      tpu.vector_store %arg8[%swap3A], %add3A_151 {strides = array<i32>} : memref<1024xi32, #tpu.memory_space<vmem>>, vector<16xi32>,
      %and3A = arith.constant 32767 : i32
      %and3A_153 = vector.broadcast %and3A : i32 to vector<16xi32>
      %and3A_154 = arith.andi %bitcast3A, %and3A_153 : vector<16xi32>
      %swap3A_155 = arith.index_cast %mul3A_147 : i32 to index
      %swap3A_156 = tpu.vector_load %arg10[%swap3A_155] {strides = array<i32>} : memref<1024xi32, #tpu.memory_space<vmem>>, vector<16xi32>,
      tpu.vector_store %arg10[%swap3A_155], %and3A_154 {strides = array<i32>} : memref<1024xi32, #tpu.memory_space<vmem>>, vector<16xi32>,
      %scan3A_157 = arith.constant 1 : i32
      %scan3A_158 = arith.addi %scan3A_141, %scan3A_157 : i32
      %mul3A_159 = arith.constant 1 : i32
      %mul3A_160 = arith.muli %scan3A_158, %mul3A_159 : i32
      %add3A_161 = arith.constant 0 : i32
      %add3A_162 = arith.addi %add3A_161, %mul3A_160 : i32
      %mul3A_163 = arith.constant 16 : i32
      %mul3A_164 = arith.muli %add3A_162, %mul3A_163 : i32
      %get3A_165 = arith.index_cast %mul3A_164 : i32 to index
      %get3A_166 = tpu.vector_load %arg6[%get3A_165] {strides = array<i32>} : memref<1024xf32, #tpu.memory_space<vmem>>, vector<16xf32>,
      %bitcast3A_167 = vector.bitcast %get3A_166 : vector<16xf32> to vector<16xi32>
      %shift_right_arithmetic3A_168 = arith.constant 15 : i32
      %shift_right_arithmetic3A_169 = vector.broadcast %shift_right_arithmetic3A_168 : i32 to vector<16xi32>
      %shift_right_arithmetic3A_170 = arith.shrsi %bitcast3A_167, %shift_right_arithmetic3A_169 : vector<16xi32>
      %add3A_171 = arith.addi %shift_right_arithmetic3A_170, %add3A_104 : vector<16xi32>
      %swap3A_172 = arith.index_cast %mul3A_164 : i32 to index
      %swap3A_173 = tpu.vector_load %arg8[%swap3A_172] {strides = array<i32>} : memref<1024xi32, #tpu.memory_space<vmem>>, vector<16xi32>,
      tpu.vector_store %arg8[%swap3A_172], %add3A_171 {strides = array<i32>} : memref<1024xi32, #tpu.memory_space<vmem>>, vector<16xi32>,
      %and3A_174 = arith.constant 32767 : i32
      %and3A_175 = vector.broadcast %and3A_174 : i32 to vector<16xi32>
      %and3A_176 = arith.andi %bitcast3A_167, %and3A_175 : vector<16xi32>
      %swap3A_177 = arith.index_cast %mul3A_164 : i32 to index
      %swap3A_178 = tpu.vector_load %arg10[%swap3A_177] {strides = array<i32>} : memref<1024xi32, #tpu.memory_space<vmem>>, vector<16xi32>,
      tpu.vector_store %arg10[%swap3A_177], %and3A_176 {strides = array<i32>} : memref<1024xi32, #tpu.memory_space<vmem>>, vector<16xi32>,
      %scan3A_179 = arith.constant 2 : i32
      %scan3A_180 = arith.addi %scan3A_141, %scan3A_179 : i32
      %mul3A_181 = arith.constant 1 : i32
      %mul3A_182 = arith.muli %scan3A_180, %mul3A_181 : i32
      %add3A_183 = arith.constant 0 : i32
      %add3A_184 = arith.addi %add3A_183, %mul3A_182 : i32
      %mul3A_185 = arith.constant 16 : i32
      %mul3A_186 = arith.muli %add3A_184, %mul3A_185 : i32
      %get3A_187 = arith.index_cast %mul3A_186 : i32 to index
      %get3A_188 = tpu.vector_load %arg6[%get3A_187] {strides = array<i32>} : memref<1024xf32, #tpu.memory_space<vmem>>, vector<16xf32>,
      %bitcast3A_189 = vector.bitcast %get3A_188 : vector<16xf32> to vector<16xi32>
      %shift_right_arithmetic3A_190 = arith.constant 15 : i32
      %shift_right_arithmetic3A_191 = vector.broadcast %shift_right_arithmetic3A_190 : i32 to vector<16xi32>
      %shift_right_arithmetic3A_192 = arith.shrsi %bitcast3A_189, %shift_right_arithmetic3A_191 : vector<16xi32>
      %add3A_193 = arith.addi %shift_right_arithmetic3A_192, %add3A_104 : vector<16xi32>
      %swap3A_194 = arith.index_cast %mul3A_186 : i32 to index
      %swap3A_195 = tpu.vector_load %arg8[%swap3A_194] {strides = array<i32>} : memref<1024xi32, #tpu.memory_space<vmem>>, vector<16xi32>,
      tpu.vector_store %arg8[%swap3A_194], %add3A_193 {strides = array<i32>} : memref<1024xi32, #tpu.memory_space<vmem>>, vector<16xi32>,
      %and3A_196 = arith.constant 32767 : i32
      %and3A_197 = vector.broadcast %and3A_196 : i32 to vector<16xi32>
      %and3A_198 = arith.andi %bitcast3A_189, %and3A_197 : vector<16xi32>
      %swap3A_199 = arith.index_cast %mul3A_186 : i32 to index
      %swap3A_200 = tpu.vector_load %arg10[%swap3A_199] {strides = array<i32>} : memref<1024xi32, #tpu.memory_space<vmem>>, vector<16xi32>,
      tpu.vector_store %arg10[%swap3A_199], %and3A_198 {strides = array<i32>} : memref<1024xi32, #tpu.memory_space<vmem>>, vector<16xi32>,
      %scan3A_201 = arith.constant 3 : i32
      %scan3A_202 = arith.addi %scan3A_141, %scan3A_201 : i32
      %mul3A_203 = arith.constant 1 : i32
      %mul3A_204 = arith.muli %scan3A_202, %mul3A_203 : i32
      %add3A_205 = arith.constant 0 : i32
      %add3A_206 = arith.addi %add3A_205, %mul3A_204 : i32
      %mul3A_207 = arith.constant 16 : i32
      %mul3A_208 = arith.muli %add3A_206, %mul3A_207 : i32
      %get3A_209 = arith.index_cast %mul3A_208 : i32 to index
      %get3A_210 = tpu.vector_load %arg6[%get3A_209] {strides = array<i32>} : memref<1024xf32, #tpu.memory_space<vmem>>, vector<16xf32>,
      %bitcast3A_211 = vector.bitcast %get3A_210 : vector<16xf32> to vector<16xi32>
      %shift_right_arithmetic3A_212 = arith.constant 15 : i32
      %shift_right_arithmetic3A_213 = vector.broadcast %shift_right_arithmetic3A_212 : i32 to vector<16xi32>
      %shift_right_arithmetic3A_214 = arith.shrsi %bitcast3A_211, %shift_right_arithmetic3A_213 : vector<16xi32>
      %add3A_215 = arith.addi %shift_right_arithmetic3A_214, %add3A_104 : vector<16xi32>
      %swap3A_216 = arith.index_cast %mul3A_208 : i32 to index
      %swap3A_217 = tpu.vector_load %arg8[%swap3A_216] {strides = array<i32>} : memref<1024xi32, #tpu.memory_space<vmem>>, vector<16xi32>,
      tpu.vector_store %arg8[%swap3A_216], %add3A_215 {strides = array<i32>} : memref<1024xi32, #tpu.memory_space<vmem>>, vector<16xi32>,
      %and3A_218 = arith.constant 32767 : i32
      %and3A_219 = vector.broadcast %and3A_218 : i32 to vector<16xi32>
      %and3A_220 = arith.andi %bitcast3A_211, %and3A_219 : vector<16xi32>
      %swap3A_221 = arith.index_cast %mul3A_208 : i32 to index
      %swap3A_222 = tpu.vector_load %arg10[%swap3A_221] {strides = array<i32>} : memref<1024xi32, #tpu.memory_space<vmem>>, vector<16xi32>,
      tpu.vector_store %arg10[%swap3A_221], %and3A_220 {strides = array<i32>} : memref<1024xi32, #tpu.memory_space<vmem>>, vector<16xi32>,
    }
    %scan3A_124 = arith.constant 64 : i32
    %add3A_125 = arith.constant 2048 : i32
    %add3A_126 = arith.addi %multiple_of3A, %add3A_125 : i32
    %multiple_of3A_127 = tpu.assume_multiple %add3A_126, 1024 : i32
    %dma_start3A_128 = tpu.memref_slice %arg3[%multiple_of3A_127] : memref<360448xf32, #tpu.memory_space<hbm>> -> memref<1024xf32, #tpu.memory_space<hbm>>
    %dma_start3A_129 = tpu.memref_slice %arg3[%multiple_of3A_127] : memref<360448xf32, #tpu.memory_space<hbm>> -> memref<1024xf32, #tpu.memory_space<hbm>>
    tpu.enqueue_dma source(%dma_start3A_129 : memref<1024xf32, #tpu.memory_space<hbm>>) target(%arg6 : memref<1024xf32, #tpu.memory_space<vmem>>) target_semaphore(%arg17 : memref<!tpu.dma_semaphore, #tpu.memory_space<semaphore_mem>>)
    %dma_start3A_130 = arith.constant 0 : i32
    %dma_start3A_131 = arith.constant 0 : i32
    %dma_start3A_132 = tpu.memref_slice %arg2[%dma_start3A_130, %dma_start3A_131] : memref<88832x32xf32, #tpu.memory_space<hbm>> -> memref<88832x32xf32, #tpu.memory_space<hbm>>
    tpu.enqueue_indirect_dma source(%dma_start3A_132 : memref<88832x32xf32, #tpu.memory_space<hbm>>) target(%arg12 : memref<1024x32xf32, #tpu.memory_space<vmem>>) offsets(%arg8 : memref<1024xi32, #tpu.memory_space<vmem>>) semaphore(%arg15 : memref<!tpu.dma_semaphore, #tpu.memory_space<semaphore_mem>>)
    %scan3A_133 = arith.constant 0 : i32
    %scan3A_134 = arith.constant 11 : i32
    %scan3A_135 = arith.addi %scan3A_133, %scan3A_134 : i32
    %scan3A_136 = arith.constant 1 : i32
    scf.for %scan3A_141 = %scan3A_133 to %scan3A_135 step %scan3A_136  : i32 {
      %mul3A_142 = arith.constant 1 : i32
      %mul3A_143 = arith.muli %scan3A_141, %mul3A_142 : i32
      %add3A_144 = arith.constant 0 : i32
      %add3A_145 = arith.addi %add3A_144, %mul3A_143 : i32
      %mul3A_146 = arith.constant 2 : i32
      %mul3A_147 = arith.muli %mul3A_146, %add3A_145 : i32
      %add3A_148 = arith.constant 1 : i32
      %add3A_149 = arith.addi %mul3A_147, %add3A_148 : i32
      %mul3A_150 = arith.constant 1024 : i32
      %mul3A_151 = arith.muli %add3A_149, %mul3A_150 : i32
      %add3A_152 = arith.addi %multiple_of3A, %mul3A_151 : i32
      %multiple_of3A_153 = tpu.assume_multiple %add3A_152, 1024 : i32
      %dma_wait3A_154 = tpu.memref_slice %arg3[%multiple_of3A_153] : memref<360448xf32, #tpu.memory_space<hbm>> -> memref<1024xf32, #tpu.memory_space<hbm>>
      %dma_wait3A_155 = tpu.memref_slice %arg3[%multiple_of3A_153] : memref<360448xf32, #tpu.memory_space<hbm>> -> memref<1024xf32, #tpu.memory_space<hbm>>
      tpu.wait_dma2 semaphore(%arg18 : memref<!tpu.dma_semaphore, #tpu.memory_space<semaphore_mem>>) src(%dma_wait3A_155 : memref<1024xf32, #tpu.memory_space<hbm>>) dst(%arg7 : memref<1024xf32, #tpu.memory_space<vmem>>)
      %scan3A_156 = arith.constant 0 : i32
      %scan3A_157 = arith.constant 64 : i32
      %scan3A_158 = arith.addi %scan3A_156, %scan3A_157 : i32
      %scan3A_159 = arith.constant 4 : i32
      scf.for %scan3A_181 = %scan3A_156 to %scan3A_158 step %scan3A_159  : i32 {
        %mul3A_182 = arith.constant 1 : i32
        %mul3A_183 = arith.muli %scan3A_181, %mul3A_182 : i32
        %add3A_184 = arith.constant 0 : i32
        %add3A_185 = arith.addi %add3A_184, %mul3A_183 : i32
        %mul3A_186 = arith.constant 16 : i32
        %mul3A_187 = arith.muli %add3A_185, %mul3A_186 : i32
        %get3A = arith.index_cast %mul3A_187 : i32 to index
        %get3A_188 = tpu.vector_load %arg7[%get3A] {strides = array<i32>} : memref<1024xf32, #tpu.memory_space<vmem>>, vector<16xf32>,
        %bitcast3A = vector.bitcast %get3A_188 : vector<16xf32> to vector<16xi32>
        %shift_right_arithmetic3A = arith.constant 15 : i32
        %shift_right_arithmetic3A_189 = vector.broadcast %shift_right_arithmetic3A : i32 to vector<16xi32>
        %shift_right_arithmetic3A_190 = arith.shrsi %bitcast3A, %shift_right_arithmetic3A_189 : vector<16xi32>
        %add3A_191 = arith.addi %shift_right_arithmetic3A_190, %add3A_104 : vector<16xi32>
        %swap3A = arith.index_cast %mul3A_187 : i32 to index
        %swap3A_192 = tpu.vector_load %arg9[%swap3A] {strides = array<i32>} : memref<1024xi32, #tpu.memory_space<vmem>>, vector<16xi32>,
        tpu.vector_store %arg9[%swap3A], %add3A_191 {strides = array<i32>} : memref<1024xi32, #tpu.memory_space<vmem>>, vector<16xi32>,
        %and3A = arith.constant 32767 : i32
        %and3A_193 = vector.broadcast %and3A : i32 to vector<16xi32>
        %and3A_194 = arith.andi %bitcast3A, %and3A_193 : vector<16xi32>
        %swap3A_195 = arith.index_cast %mul3A_187 : i32 to index
        %swap3A_196 = tpu.vector_load %arg11[%swap3A_195] {strides = array<i32>} : memref<1024xi32, #tpu.memory_space<vmem>>, vector<16xi32>,
        tpu.vector_store %arg11[%swap3A_195], %and3A_194 {strides = array<i32>} : memref<1024xi32, #tpu.memory_space<vmem>>, vector<16xi32>,
        %scan3A_197 = arith.constant 1 : i32
        %scan3A_198 = arith.addi %scan3A_181, %scan3A_197 : i32
        %mul3A_199 = arith.constant 1 : i32
        %mul3A_200 = arith.muli %scan3A_198, %mul3A_199 : i32
        %add3A_201 = arith.constant 0 : i32
        %add3A_202 = arith.addi %add3A_201, %mul3A_200 : i32
        %mul3A_203 = arith.constant 16 : i32
        %mul3A_204 = arith.muli %add3A_202, %mul3A_203 : i32
        %get3A_205 = arith.index_cast %mul3A_204 : i32 to index
        %get3A_206 = tpu.vector_load %arg7[%get3A_205] {strides = array<i32>} : memref<1024xf32, #tpu.memory_space<vmem>>, vector<16xf32>,
        %bitcast3A_207 = vector.bitcast %get3A_206 : vector<16xf32> to vector<16xi32>
        %shift_right_arithmetic3A_208 = arith.constant 15 : i32
        %shift_right_arithmetic3A_209 = vector.broadcast %shift_right_arithmetic3A_208 : i32 to vector<16xi32>
        %shift_right_arithmetic3A_210 = arith.shrsi %bitcast3A_207, %shift_right_arithmetic3A_209 : vector<16xi32>
        %add3A_211 = arith.addi %shift_right_arithmetic3A_210, %add3A_104 : vector<16xi32>
        %swap3A_212 = arith.index_cast %mul3A_204 : i32 to index
        %swap3A_213 = tpu.vector_load %arg9[%swap3A_212] {strides = array<i32>} : memref<1024xi32, #tpu.memory_space<vmem>>, vector<16xi32>,
        tpu.vector_store %arg9[%swap3A_212], %add3A_211 {strides = array<i32>} : memref<1024xi32, #tpu.memory_space<vmem>>, vector<16xi32>,
        %and3A_214 = arith.constant 32767 : i32
        %and3A_215 = vector.broadcast %and3A_214 : i32 to vector<16xi32>
        %and3A_216 = arith.andi %bitcast3A_207, %and3A_215 : vector<16xi32>
        %swap3A_217 = arith.index_cast %mul3A_204 : i32 to index
        %swap3A_218 = tpu.vector_load %arg11[%swap3A_217] {strides = array<i32>} : memref<1024xi32, #tpu.memory_space<vmem>>, vector<16xi32>,
        tpu.vector_store %arg11[%swap3A_217], %and3A_216 {strides = array<i32>} : memref<1024xi32, #tpu.memory_space<vmem>>, vector<16xi32>,
        %scan3A_219 = arith.constant 2 : i32
        %scan3A_220 = arith.addi %scan3A_181, %scan3A_219 : i32
        %mul3A_221 = arith.constant 1 : i32
        %mul3A_222 = arith.muli %scan3A_220, %mul3A_221 : i32
        %add3A_223 = arith.constant 0 : i32
        %add3A_224 = arith.addi %add3A_223, %mul3A_222 : i32
        %mul3A_225 = arith.constant 16 : i32
        %mul3A_226 = arith.muli %add3A_224, %mul3A_225 : i32
        %get3A_227 = arith.index_cast %mul3A_226 : i32 to index
        %get3A_228 = tpu.vector_load %arg7[%get3A_227] {strides = array<i32>} : memref<1024xf32, #tpu.memory_space<vmem>>, vector<16xf32>,
        %bitcast3A_229 = vector.bitcast %get3A_228 : vector<16xf32> to vector<16xi32>
        %shift_right_arithmetic3A_230 = arith.constant 15 : i32
        %shift_right_arithmetic3A_231 = vector.broadcast %shift_right_arithmetic3A_230 : i32 to vector<16xi32>
        %shift_right_arithmetic3A_232 = arith.shrsi %bitcast3A_229, %shift_right_arithmetic3A_231 : vector<16xi32>
        %add3A_233 = arith.addi %shift_right_arithmetic3A_232, %add3A_104 : vector<16xi32>
        %swap3A_234 = arith.index_cast %mul3A_226 : i32 to index
        %swap3A_235 = tpu.vector_load %arg9[%swap3A_234] {strides = array<i32>} : memref<1024xi32, #tpu.memory_space<vmem>>, vector<16xi32>,
        tpu.vector_store %arg9[%swap3A_234], %add3A_233 {strides = array<i32>} : memref<1024xi32, #tpu.memory_space<vmem>>, vector<16xi32>,
        %and3A_236 = arith.constant 32767 : i32
        %and3A_237 = vector.broadcast %and3A_236 : i32 to vector<16xi32>
        %and3A_238 = arith.andi %bitcast3A_229, %and3A_237 : vector<16xi32>
        %swap3A_239 = arith.index_cast %mul3A_226 : i32 to index
        %swap3A_240 = tpu.vector_load %arg11[%swap3A_239] {strides = array<i32>} : memref<1024xi32, #tpu.memory_space<vmem>>, vector<16xi32>,
        tpu.vector_store %arg11[%swap3A_239], %and3A_238 {strides = array<i32>} : memref<1024xi32, #tpu.memory_space<vmem>>, vector<16xi32>,
        %scan3A_241 = arith.constant 3 : i32
        %scan3A_242 = arith.addi %scan3A_181, %scan3A_241 : i32
        %mul3A_243 = arith.constant 1 : i32
        %mul3A_244 = arith.muli %scan3A_242, %mul3A_243 : i32
        %add3A_245 = arith.constant 0 : i32
        %add3A_246 = arith.addi %add3A_245, %mul3A_244 : i32
        %mul3A_247 = arith.constant 16 : i32
        %mul3A_248 = arith.muli %add3A_246, %mul3A_247 : i32
        %get3A_249 = arith.index_cast %mul3A_248 : i32 to index
        %get3A_250 = tpu.vector_load %arg7[%get3A_249] {strides = array<i32>} : memref<1024xf32, #tpu.memory_space<vmem>>, vector<16xf32>,
        %bitcast3A_251 = vector.bitcast %get3A_250 : vector<16xf32> to vector<16xi32>
        %shift_right_arithmetic3A_252 = arith.constant 15 : i32
        %shift_right_arithmetic3A_253 = vector.broadcast %shift_right_arithmetic3A_252 : i32 to vector<16xi32>
        %shift_right_arithmetic3A_254 = arith.shrsi %bitcast3A_251, %shift_right_arithmetic3A_253 : vector<16xi32>
        %add3A_255 = arith.addi %shift_right_arithmetic3A_254, %add3A_104 : vector<16xi32>
        %swap3A_256 = arith.index_cast %mul3A_248 : i32 to index
        %swap3A_257 = tpu.vector_load %arg9[%swap3A_256] {strides = array<i32>} : memref<1024xi32, #tpu.memory_space<vmem>>, vector<16xi32>,
        tpu.vector_store %arg9[%swap3A_256], %add3A_255 {strides = array<i32>} : memref<1024xi32, #tpu.memory_space<vmem>>, vector<16xi32>,
        %and3A_258 = arith.constant 32767 : i32
        %and3A_259 = vector.broadcast %and3A_258 : i32 to vector<16xi32>
        %and3A_260 = arith.andi %bitcast3A_251, %and3A_259 : vector<16xi32>
        %swap3A_261 = arith.index_cast %mul3A_248 : i32 to index
        %swap3A_262 = tpu.vector_load %arg11[%swap3A_261] {strides = array<i32>} : memref<1024xi32, #tpu.memory_space<vmem>>, vector<16xi32>,
        tpu.vector_store %arg11[%swap3A_261], %and3A_260 {strides = array<i32>} : memref<1024xi32, #tpu.memory_space<vmem>>, vector<16xi32>,
      }
      %scan3A_160 = arith.constant 64 : i32
      %add3A_161 = arith.constant 2 : i32
      %add3A_162 = arith.addi %add3A_149, %add3A_161 : i32
      %lt3A = arith.constant 22 : i32
      %lt3A_163 = arith.cmpi slt, %add3A_162, %lt3A : i32
      %convert_element_type3A_164 = arith.extui %lt3A_163 : i1 to i32
      %cond3A_165 = arith.constant 0 : i32
      %cond3A_166 = arith.cmpi ne, %convert_element_type3A_164, %cond3A_165 : i32
      scf.if %cond3A_166 {
        %add3A_181 = arith.constant 2 : i32
        %add3A_182 = arith.addi %add3A_149, %add3A_181 : i32
        %mul3A_183 = arith.constant 1024 : i32
        %mul3A_184 = arith.muli %add3A_182, %mul3A_183 : i32
        %add3A_185 = arith.addi %multiple_of3A, %mul3A_184 : i32
        %multiple_of3A_186 = tpu.assume_multiple %add3A_185, 1024 : i32
        %dma_start3A_187 = tpu.memref_slice %arg3[%multiple_of3A_186] : memref<360448xf32, #tpu.memory_space<hbm>> -> memref<1024xf32, #tpu.memory_space<hbm>>
        %dma_start3A_188 = tpu.memref_slice %arg3[%multiple_of3A_186] : memref<360448xf32, #tpu.memory_space<hbm>> -> memref<1024xf32, #tpu.memory_space<hbm>>
        tpu.enqueue_dma source(%dma_start3A_188 : memref<1024xf32, #tpu.memory_space<hbm>>) target(%arg7 : memref<1024xf32, #tpu.memory_space<vmem>>) target_semaphore(%arg18 : memref<!tpu.dma_semaphore, #tpu.memory_space<semaphore_mem>>)
      } else {
      }
      %dma_start3A_167 = arith.constant 0 : i32
      %dma_start3A_168 = arith.constant 0 : i32
      %dma_start3A_169 = tpu.memref_slice %arg2[%dma_start3A_167, %dma_start3A_168] : memref<88832x32xf32, #tpu.memory_space<hbm>> -> memref<88832x32xf32, #tpu.memory_space<hbm>>
      tpu.enqueue_indirect_dma source(%dma_start3A_169 : memref<88832x32xf32, #tpu.memory_space<hbm>>) target(%arg13 : memref<1024x32xf32, #tpu.memory_space<vmem>>) offsets(%arg9 : memref<1024xi32, #tpu.memory_space<vmem>>) semaphore(%arg16 : memref<!tpu.dma_semaphore, #tpu.memory_space<semaphore_mem>>)
      %dma_wait3A_170 = arith.constant 0 : i32
      %dma_wait3A_171 = arith.constant 0 : i32
      %dma_wait3A_172 = tpu.memref_slice %arg2[%dma_wait3A_170, %dma_wait3A_171] : memref<88832x32xf32, #tpu.memory_space<hbm>> -> memref<88832x32xf32, #tpu.memory_space<hbm>>
      tpu.wait_indirect_dma semaphore(%arg15 : memref<!tpu.dma_semaphore, #tpu.memory_space<semaphore_mem>>) src(%dma_wait3A_172 : memref<88832x32xf32, #tpu.memory_space<hbm>>) dst(%arg12 : memref<1024x32xf32, #tpu.memory_space<vmem>>)
      "tpu.region"() ({
        %run_scoped3A = tpu.sem_alloc : memref<!tpu.dma_semaphore, #tpu.memory_space<semaphore_mem>>
        %dma_start3A_181 = arith.constant 0 : i32
        %dma_start3A_182 = arith.constant 0 : i32
        %dma_start3A_183 = tpu.memref_slice %arg14[%dma_start3A_181, %dma_start3A_182] : memref<22528x32xf32, #tpu.memory_space<vmem_shared>> -> memref<22528x32xf32, #tpu.memory_space<vmem_shared>>
        tpu.enqueue_indirect_dma source(%arg12 : memref<1024x32xf32, #tpu.memory_space<vmem>>) target(%dma_start3A_183 : memref<22528x32xf32, #tpu.memory_space<vmem_shared>>) offsets(%arg10 : memref<1024xi32, #tpu.memory_space<vmem>>) semaphore(%run_scoped3A : memref<!tpu.dma_semaphore, #tpu.memory_space<semaphore_mem>>) {add = true}
        %dma_wait3A_184 = arith.constant 0 : i32
        %dma_wait3A_185 = arith.constant 0 : i32
        %dma_wait3A_186 = tpu.memref_slice %arg14[%dma_wait3A_184, %dma_wait3A_185] : memref<22528x32xf32, #tpu.memory_space<vmem_shared>> -> memref<22528x32xf32, #tpu.memory_space<vmem_shared>>
        tpu.wait_indirect_dma semaphore(%run_scoped3A : memref<!tpu.dma_semaphore, #tpu.memory_space<semaphore_mem>>) src(%arg12 : memref<1024x32xf32, #tpu.memory_space<vmem>>) dst(%dma_wait3A_186 : memref<22528x32xf32, #tpu.memory_space<vmem_shared>>)
        tpu.yield
      }) : () -> ()
      %lt3A_173 = arith.constant 10 : i32
      %lt3A_174 = arith.cmpi slt, %add3A_145, %lt3A_173 : i32
      %convert_element_type3A_175 = arith.extui %lt3A_174 : i1 to i32
      %cond3A_176 = arith.constant 0 : i32
      %cond3A_177 = arith.cmpi ne, %convert_element_type3A_175, %cond3A_176 : i32
      scf.if %cond3A_177 {
        %mul3A_181 = arith.constant 2 : i32
        %mul3A_182 = arith.muli %mul3A_181, %add3A_145 : i32
        %add3A_183 = arith.constant 2 : i32
        %add3A_184 = arith.addi %mul3A_182, %add3A_183 : i32
        %mul3A_185 = arith.constant 1024 : i32
        %mul3A_186 = arith.muli %add3A_184, %mul3A_185 : i32
        %add3A_187 = arith.addi %multiple_of3A, %mul3A_186 : i32
        %multiple_of3A_188 = tpu.assume_multiple %add3A_187, 1024 : i32
        %dma_wait3A_189 = tpu.memref_slice %arg3[%multiple_of3A_188] : memref<360448xf32, #tpu.memory_space<hbm>> -> memref<1024xf32, #tpu.memory_space<hbm>>
        %dma_wait3A_190 = tpu.memref_slice %arg3[%multiple_of3A_188] : memref<360448xf32, #tpu.memory_space<hbm>> -> memref<1024xf32, #tpu.memory_space<hbm>>
        tpu.wait_dma2 semaphore(%arg17 : memref<!tpu.dma_semaphore, #tpu.memory_space<semaphore_mem>>) src(%dma_wait3A_190 : memref<1024xf32, #tpu.memory_space<hbm>>) dst(%arg6 : memref<1024xf32, #tpu.memory_space<vmem>>)
        %scan3A_191 = arith.constant 0 : i32
        %scan3A_192 = arith.constant 64 : i32
        %scan3A_193 = arith.addi %scan3A_191, %scan3A_192 : i32
        %scan3A_194 = arith.constant 4 : i32
        scf.for %scan3A_206 = %scan3A_191 to %scan3A_193 step %scan3A_194  : i32 {
          %mul3A_207 = arith.constant 1 : i32
          %mul3A_208 = arith.muli %scan3A_206, %mul3A_207 : i32
          %add3A_209 = arith.constant 0 : i32
          %add3A_210 = arith.addi %add3A_209, %mul3A_208 : i32
          %mul3A_211 = arith.constant 16 : i32
          %mul3A_212 = arith.muli %add3A_210, %mul3A_211 : i32
          %get3A = arith.index_cast %mul3A_212 : i32 to index
          %get3A_213 = tpu.vector_load %arg6[%get3A] {strides = array<i32>} : memref<1024xf32, #tpu.memory_space<vmem>>, vector<16xf32>,
          %bitcast3A = vector.bitcast %get3A_213 : vector<16xf32> to vector<16xi32>
          %shift_right_arithmetic3A = arith.constant 15 : i32
          %shift_right_arithmetic3A_214 = vector.broadcast %shift_right_arithmetic3A : i32 to vector<16xi32>
          %shift_right_arithmetic3A_215 = arith.shrsi %bitcast3A, %shift_right_arithmetic3A_214 : vector<16xi32>
          %add3A_216 = arith.addi %shift_right_arithmetic3A_215, %add3A_104 : vector<16xi32>
          %swap3A = arith.index_cast %mul3A_212 : i32 to index
          %swap3A_217 = tpu.vector_load %arg8[%swap3A] {strides = array<i32>} : memref<1024xi32, #tpu.memory_space<vmem>>, vector<16xi32>,
          tpu.vector_store %arg8[%swap3A], %add3A_216 {strides = array<i32>} : memref<1024xi32, #tpu.memory_space<vmem>>, vector<16xi32>,
          %and3A = arith.constant 32767 : i32
          %and3A_218 = vector.broadcast %and3A : i32 to vector<16xi32>
          %and3A_219 = arith.andi %bitcast3A, %and3A_218 : vector<16xi32>
          %swap3A_220 = arith.index_cast %mul3A_212 : i32 to index
          %swap3A_221 = tpu.vector_load %arg10[%swap3A_220] {strides = array<i32>} : memref<1024xi32, #tpu.memory_space<vmem>>, vector<16xi32>,
          tpu.vector_store %arg10[%swap3A_220], %and3A_219 {strides = array<i32>} : memref<1024xi32, #tpu.memory_space<vmem>>, vector<16xi32>,
          %scan3A_222 = arith.constant 1 : i32
          %scan3A_223 = arith.addi %scan3A_206, %scan3A_222 : i32
          %mul3A_224 = arith.constant 1 : i32
          %mul3A_225 = arith.muli %scan3A_223, %mul3A_224 : i32
          %add3A_226 = arith.constant 0 : i32
          %add3A_227 = arith.addi %add3A_226, %mul3A_225 : i32
          %mul3A_228 = arith.constant 16 : i32
          %mul3A_229 = arith.muli %add3A_227, %mul3A_228 : i32
          %get3A_230 = arith.index_cast %mul3A_229 : i32 to index
          %get3A_231 = tpu.vector_load %arg6[%get3A_230] {strides = array<i32>} : memref<1024xf32, #tpu.memory_space<vmem>>, vector<16xf32>,
          %bitcast3A_232 = vector.bitcast %get3A_231 : vector<16xf32> to vector<16xi32>
          %shift_right_arithmetic3A_233 = arith.constant 15 : i32
          %shift_right_arithmetic3A_234 = vector.broadcast %shift_right_arithmetic3A_233 : i32 to vector<16xi32>
          %shift_right_arithmetic3A_235 = arith.shrsi %bitcast3A_232, %shift_right_arithmetic3A_234 : vector<16xi32>
          %add3A_236 = arith.addi %shift_right_arithmetic3A_235, %add3A_104 : vector<16xi32>
          %swap3A_237 = arith.index_cast %mul3A_229 : i32 to index
          %swap3A_238 = tpu.vector_load %arg8[%swap3A_237] {strides = array<i32>} : memref<1024xi32, #tpu.memory_space<vmem>>, vector<16xi32>,
          tpu.vector_store %arg8[%swap3A_237], %add3A_236 {strides = array<i32>} : memref<1024xi32, #tpu.memory_space<vmem>>, vector<16xi32>,
          %and3A_239 = arith.constant 32767 : i32
          %and3A_240 = vector.broadcast %and3A_239 : i32 to vector<16xi32>
          %and3A_241 = arith.andi %bitcast3A_232, %and3A_240 : vector<16xi32>
          %swap3A_242 = arith.index_cast %mul3A_229 : i32 to index
          %swap3A_243 = tpu.vector_load %arg10[%swap3A_242] {strides = array<i32>} : memref<1024xi32, #tpu.memory_space<vmem>>, vector<16xi32>,
          tpu.vector_store %arg10[%swap3A_242], %and3A_241 {strides = array<i32>} : memref<1024xi32, #tpu.memory_space<vmem>>, vector<16xi32>,
          %scan3A_244 = arith.constant 2 : i32
          %scan3A_245 = arith.addi %scan3A_206, %scan3A_244 : i32
          %mul3A_246 = arith.constant 1 : i32
          %mul3A_247 = arith.muli %scan3A_245, %mul3A_246 : i32
          %add3A_248 = arith.constant 0 : i32
          %add3A_249 = arith.addi %add3A_248, %mul3A_247 : i32
          %mul3A_250 = arith.constant 16 : i32
          %mul3A_251 = arith.muli %add3A_249, %mul3A_250 : i32
          %get3A_252 = arith.index_cast %mul3A_251 : i32 to index
          %get3A_253 = tpu.vector_load %arg6[%get3A_252] {strides = array<i32>} : memref<1024xf32, #tpu.memory_space<vmem>>, vector<16xf32>,
          %bitcast3A_254 = vector.bitcast %get3A_253 : vector<16xf32> to vector<16xi32>
          %shift_right_arithmetic3A_255 = arith.constant 15 : i32
          %shift_right_arithmetic3A_256 = vector.broadcast %shift_right_arithmetic3A_255 : i32 to vector<16xi32>
          %shift_right_arithmetic3A_257 = arith.shrsi %bitcast3A_254, %shift_right_arithmetic3A_256 : vector<16xi32>
          %add3A_258 = arith.addi %shift_right_arithmetic3A_257, %add3A_104 : vector<16xi32>
          %swap3A_259 = arith.index_cast %mul3A_251 : i32 to index
          %swap3A_260 = tpu.vector_load %arg8[%swap3A_259] {strides = array<i32>} : memref<1024xi32, #tpu.memory_space<vmem>>, vector<16xi32>,
          tpu.vector_store %arg8[%swap3A_259], %add3A_258 {strides = array<i32>} : memref<1024xi32, #tpu.memory_space<vmem>>, vector<16xi32>,
          %and3A_261 = arith.constant 32767 : i32
          %and3A_262 = vector.broadcast %and3A_261 : i32 to vector<16xi32>
          %and3A_263 = arith.andi %bitcast3A_254, %and3A_262 : vector<16xi32>
          %swap3A_264 = arith.index_cast %mul3A_251 : i32 to index
          %swap3A_265 = tpu.vector_load %arg10[%swap3A_264] {strides = array<i32>} : memref<1024xi32, #tpu.memory_space<vmem>>, vector<16xi32>,
          tpu.vector_store %arg10[%swap3A_264], %and3A_263 {strides = array<i32>} : memref<1024xi32, #tpu.memory_space<vmem>>, vector<16xi32>,
          %scan3A_266 = arith.constant 3 : i32
          %scan3A_267 = arith.addi %scan3A_206, %scan3A_266 : i32
          %mul3A_268 = arith.constant 1 : i32
          %mul3A_269 = arith.muli %scan3A_267, %mul3A_268 : i32
          %add3A_270 = arith.constant 0 : i32
          %add3A_271 = arith.addi %add3A_270, %mul3A_269 : i32
          %mul3A_272 = arith.constant 16 : i32
          %mul3A_273 = arith.muli %add3A_271, %mul3A_272 : i32
          %get3A_274 = arith.index_cast %mul3A_273 : i32 to index
          %get3A_275 = tpu.vector_load %arg6[%get3A_274] {strides = array<i32>} : memref<1024xf32, #tpu.memory_space<vmem>>, vector<16xf32>,
          %bitcast3A_276 = vector.bitcast %get3A_275 : vector<16xf32> to vector<16xi32>
          %shift_right_arithmetic3A_277 = arith.constant 15 : i32
          %shift_right_arithmetic3A_278 = vector.broadcast %shift_right_arithmetic3A_277 : i32 to vector<16xi32>
          %shift_right_arithmetic3A_279 = arith.shrsi %bitcast3A_276, %shift_right_arithmetic3A_278 : vector<16xi32>
          %add3A_280 = arith.addi %shift_right_arithmetic3A_279, %add3A_104 : vector<16xi32>
          %swap3A_281 = arith.index_cast %mul3A_273 : i32 to index
          %swap3A_282 = tpu.vector_load %arg8[%swap3A_281] {strides = array<i32>} : memref<1024xi32, #tpu.memory_space<vmem>>, vector<16xi32>,
          tpu.vector_store %arg8[%swap3A_281], %add3A_280 {strides = array<i32>} : memref<1024xi32, #tpu.memory_space<vmem>>, vector<16xi32>,
          %and3A_283 = arith.constant 32767 : i32
          %and3A_284 = vector.broadcast %and3A_283 : i32 to vector<16xi32>
          %and3A_285 = arith.andi %bitcast3A_276, %and3A_284 : vector<16xi32>
          %swap3A_286 = arith.index_cast %mul3A_273 : i32 to index
          %swap3A_287 = tpu.vector_load %arg10[%swap3A_286] {strides = array<i32>} : memref<1024xi32, #tpu.memory_space<vmem>>, vector<16xi32>,
          tpu.vector_store %arg10[%swap3A_286], %and3A_285 {strides = array<i32>} : memref<1024xi32, #tpu.memory_space<vmem>>, vector<16xi32>,
        }
        %scan3A_195 = arith.constant 64 : i32
        %add3A_196 = arith.constant 2 : i32
        %add3A_197 = arith.addi %add3A_184, %add3A_196 : i32
        %lt3A_198 = arith.constant 22 : i32
        %lt3A_199 = arith.cmpi slt, %add3A_197, %lt3A_198 : i32
        %convert_element_type3A_200 = arith.extui %lt3A_199 : i1 to i32
        %cond3A_201 = arith.constant 0 : i32
        %cond3A_202 = arith.cmpi ne, %convert_element_type3A_200, %cond3A_201 : i32
        scf.if %cond3A_202 {
          %add3A_206 = arith.constant 2 : i32
          %add3A_207 = arith.addi %add3A_184, %add3A_206 : i32
          %mul3A_208 = arith.constant 1024 : i32
          %mul3A_209 = arith.muli %add3A_207, %mul3A_208 : i32
          %add3A_210 = arith.addi %multiple_of3A, %mul3A_209 : i32
          %multiple_of3A_211 = tpu.assume_multiple %add3A_210, 1024 : i32
          %dma_start3A_212 = tpu.memref_slice %arg3[%multiple_of3A_211] : memref<360448xf32, #tpu.memory_space<hbm>> -> memref<1024xf32, #tpu.memory_space<hbm>>
          %dma_start3A_213 = tpu.memref_slice %arg3[%multiple_of3A_211] : memref<360448xf32, #tpu.memory_space<hbm>> -> memref<1024xf32, #tpu.memory_space<hbm>>
          tpu.enqueue_dma source(%dma_start3A_213 : memref<1024xf32, #tpu.memory_space<hbm>>) target(%arg6 : memref<1024xf32, #tpu.memory_space<vmem>>) target_semaphore(%arg17 : memref<!tpu.dma_semaphore, #tpu.memory_space<semaphore_mem>>)
        } else {
        }
        %dma_start3A_203 = arith.constant 0 : i32
        %dma_start3A_204 = arith.constant 0 : i32
        %dma_start3A_205 = tpu.memref_slice %arg2[%dma_start3A_203, %dma_start3A_204] : memref<88832x32xf32, #tpu.memory_space<hbm>> -> memref<88832x32xf32, #tpu.memory_space<hbm>>
        tpu.enqueue_indirect_dma source(%dma_start3A_205 : memref<88832x32xf32, #tpu.memory_space<hbm>>) target(%arg12 : memref<1024x32xf32, #tpu.memory_space<vmem>>) offsets(%arg8 : memref<1024xi32, #tpu.memory_space<vmem>>) semaphore(%arg15 : memref<!tpu.dma_semaphore, #tpu.memory_space<semaphore_mem>>)
      } else {
      }
      %dma_wait3A_178 = arith.constant 0 : i32
      %dma_wait3A_179 = arith.constant 0 : i32
      %dma_wait3A_180 = tpu.memref_slice %arg2[%dma_wait3A_178, %dma_wait3A_179] : memref<88832x32xf32, #tpu.memory_space<hbm>> -> memref<88832x32xf32, #tpu.memory_space<hbm>>
      tpu.wait_indirect_dma semaphore(%arg16 : memref<!tpu.dma_semaphore, #tpu.memory_space<semaphore_mem>>) src(%dma_wait3A_180 : memref<88832x32xf32, #tpu.memory_space<hbm>>) dst(%arg13 : memref<1024x32xf32, #tpu.memory_space<vmem>>)
      "tpu.region"() ({
        %run_scoped3A = tpu.sem_alloc : memref<!tpu.dma_semaphore, #tpu.memory_space<semaphore_mem>>
        %dma_start3A_181 = arith.constant 0 : i32
        %dma_start3A_182 = arith.constant 0 : i32
        %dma_start3A_183 = tpu.memref_slice %arg14[%dma_start3A_181, %dma_start3A_182] : memref<22528x32xf32, #tpu.memory_space<vmem_shared>> -> memref<22528x32xf32, #tpu.memory_space<vmem_shared>>
        tpu.enqueue_indirect_dma source(%arg13 : memref<1024x32xf32, #tpu.memory_space<vmem>>) target(%dma_start3A_183 : memref<22528x32xf32, #tpu.memory_space<vmem_shared>>) offsets(%arg11 : memref<1024xi32, #tpu.memory_space<vmem>>) semaphore(%run_scoped3A : memref<!tpu.dma_semaphore, #tpu.memory_space<semaphore_mem>>) {add = true}
        %dma_wait3A_184 = arith.constant 0 : i32
        %dma_wait3A_185 = arith.constant 0 : i32
        %dma_wait3A_186 = tpu.memref_slice %arg14[%dma_wait3A_184, %dma_wait3A_185] : memref<22528x32xf32, #tpu.memory_space<vmem_shared>> -> memref<22528x32xf32, #tpu.memory_space<vmem_shared>>
        tpu.wait_indirect_dma semaphore(%run_scoped3A : memref<!tpu.dma_semaphore, #tpu.memory_space<semaphore_mem>>) src(%arg13 : memref<1024x32xf32, #tpu.memory_space<vmem>>) dst(%dma_wait3A_186 : memref<22528x32xf32, #tpu.memory_space<vmem_shared>>)
        tpu.yield
      }) : () -> ()
    }
    %scan3A_137 = arith.constant 11 : i32
    %barrier3A_138 = arith.constant 0 : index
    tpu.barrier barrier_id(%barrier3A_138)
    %mul3A_139 = arith.constant 32 : i32
    %mul3A_140 = arith.muli %add3A_81, %mul3A_139 : i32
    "tpu.region"() ({
      %run_scoped3A = tpu.sem_alloc : memref<!tpu.dma_semaphore, #tpu.memory_space<semaphore_mem>>
      %dma_start3A_141 = tpu.memref_slice %arg4[%multiple_of3A_3, %mul3A_140] : memref<22528x128xf32, #tpu.memory_space<hbm>> -> memref<1408x32xf32, #tpu.memory_space<hbm>>
      %dma_start3A_142 = arith.constant 0 : i32
      %dma_start3A_143 = tpu.memref_slice %arg14[%multiple_of3A_3, %dma_start3A_142] : memref<22528x32xf32, #tpu.memory_space<vmem_shared>> -> memref<1408x32xf32, #tpu.memory_space<vmem_shared>>
      tpu.enqueue_dma source(%dma_start3A_143 : memref<1408x32xf32, #tpu.memory_space<vmem_shared>>) target(%dma_start3A_141 : memref<1408x32xf32, #tpu.memory_space<hbm>>) target_semaphore(%run_scoped3A : memref<!tpu.dma_semaphore, #tpu.memory_space<semaphore_mem>>)
      %dma_wait3A_144 = tpu.memref_slice %arg4[%multiple_of3A_3, %mul3A_140] : memref<22528x128xf32, #tpu.memory_space<hbm>> -> memref<1408x32xf32, #tpu.memory_space<hbm>>
      %dma_wait3A_145 = arith.constant 0 : i32
      %dma_wait3A_146 = tpu.memref_slice %arg14[%multiple_of3A_3, %dma_wait3A_145] : memref<22528x32xf32, #tpu.memory_space<vmem_shared>> -> memref<1408x32xf32, #tpu.memory_space<vmem_shared>>
      tpu.wait_dma2 semaphore(%run_scoped3A : memref<!tpu.dma_semaphore, #tpu.memory_space<semaphore_mem>>) src(%dma_wait3A_146 : memref<1408x32xf32, #tpu.memory_space<vmem_shared>>) dst(%dma_wait3A_144 : memref<1408x32xf32, #tpu.memory_space<hbm>>)
      tpu.yield
    }) : () -> ()
    return
  }
}

#map = affine_map<(d0, d1) -> (0, 0)>
#map1 = affine_map<(d0, d1) -> (0)>
module attributes {stable_mosaic.version = 14 : i64} {
  func.func @body(%arg0: i32, %arg1: i32, %arg2: memref<88832x32xf32, #tpu.memory_space<hbm>>, %arg3: memref<360448xf32, #tpu.memory_space<hbm>>, %arg4: memref<22528x128xf32, #tpu.memory_space<hbm>>, %arg5: memref<1024xf32, #tpu.memory_space<vmem>>, %arg6: memref<1024xf32, #tpu.memory_space<vmem>>, %arg7: memref<1024xi32, #tpu.memory_space<vmem>>, %arg8: memref<1024xi32, #tpu.memory_space<vmem>>, %arg9: memref<1024xi32, #tpu.memory_space<vmem>>, %arg10: memref<1024xi32, #tpu.memory_space<vmem>>, %arg11: memref<1024x32xf32, #tpu.memory_space<vmem>>, %arg12: memref<1024x32xf32, #tpu.memory_space<vmem>>, %arg13: memref<22528x32xf32, #tpu.memory_space<vmem_shared>>, %arg14: memref<!tpu.dma_semaphore, #tpu.memory_space<semaphore_mem>>, %arg15: memref<!tpu.dma_semaphore, #tpu.memory_space<semaphore_mem>>, %arg16: memref<!tpu.dma_semaphore, #tpu.memory_space<semaphore_mem>>, %arg17: memref<!tpu.dma_semaphore, #tpu.memory_space<semaphore_mem>>, %arg18: memref<176x32xf32, #tpu.memory_space<vmem>>) attributes {dimension_semantics = [#tpu.dimension_semantics<core_parallel>, #tpu.dimension_semantics<subcore_parallel>], iteration_bounds = array<i64: 2, 16>, scalar_prefetch = 0 : i64, scratch_operands = 14 : i64, tpu.core_type = #tpu.core_type<sc_vector_subcore>, window_params = [{transform_indices = #map}, {transform_indices = #map1}, {transform_indices = #map}]} {
    %mul3A = arith.constant 22528 : i32
    %mul3A_0 = arith.muli %arg1, %mul3A : i32
    %multiple_of3A = tpu.assume_multiple %mul3A_0, 1024 : i32
    %mul3A_1 = arith.constant 1408 : i32
    %mul3A_2 = arith.muli %arg1, %mul3A_1 : i32
    %multiple_of3A_3 = tpu.assume_multiple %mul3A_2, 1408 : i32
    %scan3A = arith.constant 0 : i32
    %scan3A_4 = arith.constant 352 : i32
    %scan3A_5 = arith.addi %scan3A, %scan3A_4 : i32
    %scan3A_6 = arith.constant 1 : i32
    scf.for %scan3A_129 = %scan3A to %scan3A_5 step %scan3A_6  : i32 {
      %mul3A_130 = arith.constant 1 : i32
      %mul3A_131 = arith.muli %scan3A_129, %mul3A_130 : i32
      %add3A_132 = arith.constant 0 : i32
      %add3A_133 = arith.addi %add3A_132, %mul3A_131 : i32
      %broadcast_in_dim3A_134 = arith.constant 0.000000e+00 : f32
      %broadcast_in_dim3A_135 = vector.broadcast %broadcast_in_dim3A_134 : f32 to vector<16xf32>
      %jit3A = arith.constant 2 : i32
      %div3A = arith.divsi %add3A_133, %jit3A : i32
      %sign3A = arith.constant 0 : i32
      %sign3A_136 = arith.cmpi sgt, %add3A_133, %sign3A : i32
      %sign3A_137 = arith.extui %sign3A_136 : i1 to i32
      %sign3A_138 = arith.constant 0 : i32
      %sign3A_139 = arith.cmpi slt, %add3A_133, %sign3A_138 : i32
      %sign3A_140 = arith.extui %sign3A_139 : i1 to i32
      %sign3A_141 = arith.subi %sign3A_137, %sign3A_140 : i32
      %sign3A_142 = arith.constant 0 : i32
      %sign3A_143 = arith.cmpi sgt, %jit3A, %sign3A_142 : i32
      %sign3A_144 = arith.extui %sign3A_143 : i1 to i32
      %sign3A_145 = arith.constant 0 : i32
      %sign3A_146 = arith.cmpi slt, %jit3A, %sign3A_145 : i32
      %sign3A_147 = arith.extui %sign3A_146 : i1 to i32
      %sign3A_148 = arith.subi %sign3A_144, %sign3A_147 : i32
      %ne3A = arith.cmpi ne, %sign3A_141, %sign3A_148 : i32
      %rem3A = arith.remsi %add3A_133, %jit3A : i32
      %ne3A_149 = arith.constant 0 : i32
      %ne3A_150 = arith.cmpi ne, %rem3A, %ne3A_149 : i32
      %and3A = arith.andi %ne3A, %ne3A_150 : i1
      %sub3A = arith.constant 1 : i32
      %sub3A_151 = arith.subi %div3A, %sub3A : i32
      %select_n3A = arith.select %and3A, %sub3A_151, %div3A : i32
      %jit3A_152 = arith.constant 2 : i32
      %eq3A = arith.constant 0 : i32
      %eq3A_153 = arith.cmpi eq, %jit3A_152, %eq3A : i32
      %jit3A_154 = arith.constant 1 : i32
      %select_n3A_155 = arith.select %eq3A_153, %jit3A_154, %jit3A_152 : i32
      %rem3A_156 = arith.remsi %add3A_133, %select_n3A_155 : i32
      %ne3A_157 = arith.constant 0 : i32
      %ne3A_158 = arith.cmpi ne, %rem3A_156, %ne3A_157 : i32
      %lt3A = arith.constant 0 : i32
      %lt3A_159 = arith.cmpi slt, %rem3A_156, %lt3A : i32
      %lt3A_160 = arith.constant 0 : i32
      %lt3A_161 = arith.cmpi slt, %select_n3A_155, %lt3A_160 : i32
      %ne3A_162 = arith.xori %lt3A_159, %lt3A_161 : i1
      %and3A_163 = arith.andi %ne3A_162, %ne3A_158 : i1
      %add3A_164 = arith.addi %rem3A_156, %select_n3A_155 : i32
      %select_n3A_165 = arith.select %and3A_163, %add3A_164, %rem3A_156 : i32
      %mul3A_166 = arith.constant 16 : i32
      %mul3A_167 = arith.muli %select_n3A_165, %mul3A_166 : i32
      %swap3A = arith.index_cast %select_n3A : i32 to index
      %swap3A_168 = arith.index_cast %mul3A_167 : i32 to index
      %swap3A_169 = tpu.vector_load %arg18[%swap3A, %swap3A_168] {strides = array<i32>} : memref<176x32xf32, #tpu.memory_space<vmem>>, vector<16xf32>,
      tpu.vector_store %arg18[%swap3A, %swap3A_168], %broadcast_in_dim3A_135 {strides = array<i32>} : memref<176x32xf32, #tpu.memory_space<vmem>>, vector<16xf32>,
    }
    %scan3A_7 = arith.constant 352 : i32
    %mul3A_8 = arith.constant 2 : i32
    %mul3A_9 = arith.muli %mul3A_8, %arg0 : i32
    %add3A = arith.constant 0 : i32
    %add3A_10 = arith.addi %mul3A_9, %add3A : i32
    %add3A_11 = arith.constant 0 : i32
    %add3A_12 = arith.addi %multiple_of3A_3, %add3A_11 : i32
    "tpu.region"() ({
      %run_scoped3A = tpu.sem_alloc : memref<!tpu.dma_semaphore, #tpu.memory_space<semaphore_mem>>
      %dma_start3A_129 = arith.constant 0 : i32
      %dma_start3A_130 = tpu.memref_slice %arg13[%add3A_12, %dma_start3A_129] : memref<22528x32xf32, #tpu.memory_space<vmem_shared>> -> memref<176x32xf32, #tpu.memory_space<vmem_shared>>
      %dma_start3A_131 = arith.constant 0 : i32
      %dma_start3A_132 = tpu.memref_slice %arg13[%add3A_12, %dma_start3A_131] : memref<22528x32xf32, #tpu.memory_space<vmem_shared>> -> memref<176x32xf32, #tpu.memory_space<vmem_shared>>
      tpu.enqueue_dma source(%arg18 : memref<176x32xf32, #tpu.memory_space<vmem>>) target(%dma_start3A_132 : memref<176x32xf32, #tpu.memory_space<vmem_shared>>) target_semaphore(%run_scoped3A : memref<!tpu.dma_semaphore, #tpu.memory_space<semaphore_mem>>)
      %dma_wait3A_133 = arith.constant 0 : i32
      %dma_wait3A_134 = tpu.memref_slice %arg13[%add3A_12, %dma_wait3A_133] : memref<22528x32xf32, #tpu.memory_space<vmem_shared>> -> memref<176x32xf32, #tpu.memory_space<vmem_shared>>
      %dma_wait3A_135 = arith.constant 0 : i32
      %dma_wait3A_136 = tpu.memref_slice %arg13[%add3A_12, %dma_wait3A_135] : memref<22528x32xf32, #tpu.memory_space<vmem_shared>> -> memref<176x32xf32, #tpu.memory_space<vmem_shared>>
      tpu.wait_dma2 semaphore(%run_scoped3A : memref<!tpu.dma_semaphore, #tpu.memory_space<semaphore_mem>>) src(%arg18 : memref<176x32xf32, #tpu.memory_space<vmem>>) dst(%dma_wait3A_136 : memref<176x32xf32, #tpu.memory_space<vmem_shared>>)
      tpu.yield
    }) : () -> ()
    %add3A_13 = arith.constant 176 : i32
    %add3A_14 = arith.addi %multiple_of3A_3, %add3A_13 : i32
    "tpu.region"() ({
      %run_scoped3A = tpu.sem_alloc : memref<!tpu.dma_semaphore, #tpu.memory_space<semaphore_mem>>
      %dma_start3A_129 = arith.constant 0 : i32
      %dma_start3A_130 = tpu.memref_slice %arg13[%add3A_14, %dma_start3A_129] : memref<22528x32xf32, #tpu.memory_space<vmem_shared>> -> memref<176x32xf32, #tpu.memory_space<vmem_shared>>
      %dma_start3A_131 = arith.constant 0 : i32
      %dma_start3A_132 = tpu.memref_slice %arg13[%add3A_14, %dma_start3A_131] : memref<22528x32xf32, #tpu.memory_space<vmem_shared>> -> memref<176x32xf32, #tpu.memory_space<vmem_shared>>
      tpu.enqueue_dma source(%arg18 : memref<176x32xf32, #tpu.memory_space<vmem>>) target(%dma_start3A_132 : memref<176x32xf32, #tpu.memory_space<vmem_shared>>) target_semaphore(%run_scoped3A : memref<!tpu.dma_semaphore, #tpu.memory_space<semaphore_mem>>)
      %dma_wait3A_133 = arith.constant 0 : i32
      %dma_wait3A_134 = tpu.memref_slice %arg13[%add3A_14, %dma_wait3A_133] : memref<22528x32xf32, #tpu.memory_space<vmem_shared>> -> memref<176x32xf32, #tpu.memory_space<vmem_shared>>
      %dma_wait3A_135 = arith.constant 0 : i32
      %dma_wait3A_136 = tpu.memref_slice %arg13[%add3A_14, %dma_wait3A_135] : memref<22528x32xf32, #tpu.memory_space<vmem_shared>> -> memref<176x32xf32, #tpu.memory_space<vmem_shared>>
      tpu.wait_dma2 semaphore(%run_scoped3A : memref<!tpu.dma_semaphore, #tpu.memory_space<semaphore_mem>>) src(%arg18 : memref<176x32xf32, #tpu.memory_space<vmem>>) dst(%dma_wait3A_136 : memref<176x32xf32, #tpu.memory_space<vmem_shared>>)
      tpu.yield
    }) : () -> ()
    %add3A_15 = arith.constant 352 : i32
    %add3A_16 = arith.addi %multiple_of3A_3, %add3A_15 : i32
    "tpu.region"() ({
      %run_scoped3A = tpu.sem_alloc : memref<!tpu.dma_semaphore, #tpu.memory_space<semaphore_mem>>
      %dma_start3A_129 = arith.constant 0 : i32
      %dma_start3A_130 = tpu.memref_slice %arg13[%add3A_16, %dma_start3A_129] : memref<22528x32xf32, #tpu.memory_space<vmem_shared>> -> memref<176x32xf32, #tpu.memory_space<vmem_shared>>
      %dma_start3A_131 = arith.constant 0 : i32
      %dma_start3A_132 = tpu.memref_slice %arg13[%add3A_16, %dma_start3A_131] : memref<22528x32xf32, #tpu.memory_space<vmem_shared>> -> memref<176x32xf32, #tpu.memory_space<vmem_shared>>
      tpu.enqueue_dma source(%arg18 : memref<176x32xf32, #tpu.memory_space<vmem>>) target(%dma_start3A_132 : memref<176x32xf32, #tpu.memory_space<vmem_shared>>) target_semaphore(%run_scoped3A : memref<!tpu.dma_semaphore, #tpu.memory_space<semaphore_mem>>)
      %dma_wait3A_133 = arith.constant 0 : i32
      %dma_wait3A_134 = tpu.memref_slice %arg13[%add3A_16, %dma_wait3A_133] : memref<22528x32xf32, #tpu.memory_space<vmem_shared>> -> memref<176x32xf32, #tpu.memory_space<vmem_shared>>
      %dma_wait3A_135 = arith.constant 0 : i32
      %dma_wait3A_136 = tpu.memref_slice %arg13[%add3A_16, %dma_wait3A_135] : memref<22528x32xf32, #tpu.memory_space<vmem_shared>> -> memref<176x32xf32, #tpu.memory_space<vmem_shared>>
      tpu.wait_dma2 semaphore(%run_scoped3A : memref<!tpu.dma_semaphore, #tpu.memory_space<semaphore_mem>>) src(%arg18 : memref<176x32xf32, #tpu.memory_space<vmem>>) dst(%dma_wait3A_136 : memref<176x32xf32, #tpu.memory_space<vmem_shared>>)
      tpu.yield
    }) : () -> ()
    %add3A_17 = arith.constant 528 : i32
    %add3A_18 = arith.addi %multiple_of3A_3, %add3A_17 : i32
    "tpu.region"() ({
      %run_scoped3A = tpu.sem_alloc : memref<!tpu.dma_semaphore, #tpu.memory_space<semaphore_mem>>
      %dma_start3A_129 = arith.constant 0 : i32
      %dma_start3A_130 = tpu.memref_slice %arg13[%add3A_18, %dma_start3A_129] : memref<22528x32xf32, #tpu.memory_space<vmem_shared>> -> memref<176x32xf32, #tpu.memory_space<vmem_shared>>
      %dma_start3A_131 = arith.constant 0 : i32
      %dma_start3A_132 = tpu.memref_slice %arg13[%add3A_18, %dma_start3A_131] : memref<22528x32xf32, #tpu.memory_space<vmem_shared>> -> memref<176x32xf32, #tpu.memory_space<vmem_shared>>
      tpu.enqueue_dma source(%arg18 : memref<176x32xf32, #tpu.memory_space<vmem>>) target(%dma_start3A_132 : memref<176x32xf32, #tpu.memory_space<vmem_shared>>) target_semaphore(%run_scoped3A : memref<!tpu.dma_semaphore, #tpu.memory_space<semaphore_mem>>)
      %dma_wait3A_133 = arith.constant 0 : i32
      %dma_wait3A_134 = tpu.memref_slice %arg13[%add3A_18, %dma_wait3A_133] : memref<22528x32xf32, #tpu.memory_space<vmem_shared>> -> memref<176x32xf32, #tpu.memory_space<vmem_shared>>
      %dma_wait3A_135 = arith.constant 0 : i32
      %dma_wait3A_136 = tpu.memref_slice %arg13[%add3A_18, %dma_wait3A_135] : memref<22528x32xf32, #tpu.memory_space<vmem_shared>> -> memref<176x32xf32, #tpu.memory_space<vmem_shared>>
      tpu.wait_dma2 semaphore(%run_scoped3A : memref<!tpu.dma_semaphore, #tpu.memory_space<semaphore_mem>>) src(%arg18 : memref<176x32xf32, #tpu.memory_space<vmem>>) dst(%dma_wait3A_136 : memref<176x32xf32, #tpu.memory_space<vmem_shared>>)
      tpu.yield
    }) : () -> ()
    %add3A_19 = arith.constant 704 : i32
    %add3A_20 = arith.addi %multiple_of3A_3, %add3A_19 : i32
    "tpu.region"() ({
      %run_scoped3A = tpu.sem_alloc : memref<!tpu.dma_semaphore, #tpu.memory_space<semaphore_mem>>
      %dma_start3A_129 = arith.constant 0 : i32
      %dma_start3A_130 = tpu.memref_slice %arg13[%add3A_20, %dma_start3A_129] : memref<22528x32xf32, #tpu.memory_space<vmem_shared>> -> memref<176x32xf32, #tpu.memory_space<vmem_shared>>
      %dma_start3A_131 = arith.constant 0 : i32
      %dma_start3A_132 = tpu.memref_slice %arg13[%add3A_20, %dma_start3A_131] : memref<22528x32xf32, #tpu.memory_space<vmem_shared>> -> memref<176x32xf32, #tpu.memory_space<vmem_shared>>
      tpu.enqueue_dma source(%arg18 : memref<176x32xf32, #tpu.memory_space<vmem>>) target(%dma_start3A_132 : memref<176x32xf32, #tpu.memory_space<vmem_shared>>) target_semaphore(%run_scoped3A : memref<!tpu.dma_semaphore, #tpu.memory_space<semaphore_mem>>)
      %dma_wait3A_133 = arith.constant 0 : i32
      %dma_wait3A_134 = tpu.memref_slice %arg13[%add3A_20, %dma_wait3A_133] : memref<22528x32xf32, #tpu.memory_space<vmem_shared>> -> memref<176x32xf32, #tpu.memory_space<vmem_shared>>
      %dma_wait3A_135 = arith.constant 0 : i32
      %dma_wait3A_136 = tpu.memref_slice %arg13[%add3A_20, %dma_wait3A_135] : memref<22528x32xf32, #tpu.memory_space<vmem_shared>> -> memref<176x32xf32, #tpu.memory_space<vmem_shared>>
      tpu.wait_dma2 semaphore(%run_scoped3A : memref<!tpu.dma_semaphore, #tpu.memory_space<semaphore_mem>>) src(%arg18 : memref<176x32xf32, #tpu.memory_space<vmem>>) dst(%dma_wait3A_136 : memref<176x32xf32, #tpu.memory_space<vmem_shared>>)
      tpu.yield
    }) : () -> ()
    %add3A_21 = arith.constant 880 : i32
    %add3A_22 = arith.addi %multiple_of3A_3, %add3A_21 : i32
    "tpu.region"() ({
      %run_scoped3A = tpu.sem_alloc : memref<!tpu.dma_semaphore, #tpu.memory_space<semaphore_mem>>
      %dma_start3A_129 = arith.constant 0 : i32
      %dma_start3A_130 = tpu.memref_slice %arg13[%add3A_22, %dma_start3A_129] : memref<22528x32xf32, #tpu.memory_space<vmem_shared>> -> memref<176x32xf32, #tpu.memory_space<vmem_shared>>
      %dma_start3A_131 = arith.constant 0 : i32
      %dma_start3A_132 = tpu.memref_slice %arg13[%add3A_22, %dma_start3A_131] : memref<22528x32xf32, #tpu.memory_space<vmem_shared>> -> memref<176x32xf32, #tpu.memory_space<vmem_shared>>
      tpu.enqueue_dma source(%arg18 : memref<176x32xf32, #tpu.memory_space<vmem>>) target(%dma_start3A_132 : memref<176x32xf32, #tpu.memory_space<vmem_shared>>) target_semaphore(%run_scoped3A : memref<!tpu.dma_semaphore, #tpu.memory_space<semaphore_mem>>)
      %dma_wait3A_133 = arith.constant 0 : i32
      %dma_wait3A_134 = tpu.memref_slice %arg13[%add3A_22, %dma_wait3A_133] : memref<22528x32xf32, #tpu.memory_space<vmem_shared>> -> memref<176x32xf32, #tpu.memory_space<vmem_shared>>
      %dma_wait3A_135 = arith.constant 0 : i32
      %dma_wait3A_136 = tpu.memref_slice %arg13[%add3A_22, %dma_wait3A_135] : memref<22528x32xf32, #tpu.memory_space<vmem_shared>> -> memref<176x32xf32, #tpu.memory_space<vmem_shared>>
      tpu.wait_dma2 semaphore(%run_scoped3A : memref<!tpu.dma_semaphore, #tpu.memory_space<semaphore_mem>>) src(%arg18 : memref<176x32xf32, #tpu.memory_space<vmem>>) dst(%dma_wait3A_136 : memref<176x32xf32, #tpu.memory_space<vmem_shared>>)
      tpu.yield
    }) : () -> ()
    %add3A_23 = arith.constant 1056 : i32
    %add3A_24 = arith.addi %multiple_of3A_3, %add3A_23 : i32
    "tpu.region"() ({
      %run_scoped3A = tpu.sem_alloc : memref<!tpu.dma_semaphore, #tpu.memory_space<semaphore_mem>>
      %dma_start3A_129 = arith.constant 0 : i32
      %dma_start3A_130 = tpu.memref_slice %arg13[%add3A_24, %dma_start3A_129] : memref<22528x32xf32, #tpu.memory_space<vmem_shared>> -> memref<176x32xf32, #tpu.memory_space<vmem_shared>>
      %dma_start3A_131 = arith.constant 0 : i32
      %dma_start3A_132 = tpu.memref_slice %arg13[%add3A_24, %dma_start3A_131] : memref<22528x32xf32, #tpu.memory_space<vmem_shared>> -> memref<176x32xf32, #tpu.memory_space<vmem_shared>>
      tpu.enqueue_dma source(%arg18 : memref<176x32xf32, #tpu.memory_space<vmem>>) target(%dma_start3A_132 : memref<176x32xf32, #tpu.memory_space<vmem_shared>>) target_semaphore(%run_scoped3A : memref<!tpu.dma_semaphore, #tpu.memory_space<semaphore_mem>>)
      %dma_wait3A_133 = arith.constant 0 : i32
      %dma_wait3A_134 = tpu.memref_slice %arg13[%add3A_24, %dma_wait3A_133] : memref<22528x32xf32, #tpu.memory_space<vmem_shared>> -> memref<176x32xf32, #tpu.memory_space<vmem_shared>>
      %dma_wait3A_135 = arith.constant 0 : i32
      %dma_wait3A_136 = tpu.memref_slice %arg13[%add3A_24, %dma_wait3A_135] : memref<22528x32xf32, #tpu.memory_space<vmem_shared>> -> memref<176x32xf32, #tpu.memory_space<vmem_shared>>
      tpu.wait_dma2 semaphore(%run_scoped3A : memref<!tpu.dma_semaphore, #tpu.memory_space<semaphore_mem>>) src(%arg18 : memref<176x32xf32, #tpu.memory_space<vmem>>) dst(%dma_wait3A_136 : memref<176x32xf32, #tpu.memory_space<vmem_shared>>)
      tpu.yield
    }) : () -> ()
    %add3A_25 = arith.constant 1232 : i32
    %add3A_26 = arith.addi %multiple_of3A_3, %add3A_25 : i32
    "tpu.region"() ({
      %run_scoped3A = tpu.sem_alloc : memref<!tpu.dma_semaphore, #tpu.memory_space<semaphore_mem>>
      %dma_start3A_129 = arith.constant 0 : i32
      %dma_start3A_130 = tpu.memref_slice %arg13[%add3A_26, %dma_start3A_129] : memref<22528x32xf32, #tpu.memory_space<vmem_shared>> -> memref<176x32xf32, #tpu.memory_space<vmem_shared>>
      %dma_start3A_131 = arith.constant 0 : i32
      %dma_start3A_132 = tpu.memref_slice %arg13[%add3A_26, %dma_start3A_131] : memref<22528x32xf32, #tpu.memory_space<vmem_shared>> -> memref<176x32xf32, #tpu.memory_space<vmem_shared>>
      tpu.enqueue_dma source(%arg18 : memref<176x32xf32, #tpu.memory_space<vmem>>) target(%dma_start3A_132 : memref<176x32xf32, #tpu.memory_space<vmem_shared>>) target_semaphore(%run_scoped3A : memref<!tpu.dma_semaphore, #tpu.memory_space<semaphore_mem>>)
      %dma_wait3A_133 = arith.constant 0 : i32
      %dma_wait3A_134 = tpu.memref_slice %arg13[%add3A_26, %dma_wait3A_133] : memref<22528x32xf32, #tpu.memory_space<vmem_shared>> -> memref<176x32xf32, #tpu.memory_space<vmem_shared>>
      %dma_wait3A_135 = arith.constant 0 : i32
      %dma_wait3A_136 = tpu.memref_slice %arg13[%add3A_26, %dma_wait3A_135] : memref<22528x32xf32, #tpu.memory_space<vmem_shared>> -> memref<176x32xf32, #tpu.memory_space<vmem_shared>>
      tpu.wait_dma2 semaphore(%run_scoped3A : memref<!tpu.dma_semaphore, #tpu.memory_space<semaphore_mem>>) src(%arg18 : memref<176x32xf32, #tpu.memory_space<vmem>>) dst(%dma_wait3A_136 : memref<176x32xf32, #tpu.memory_space<vmem_shared>>)
      tpu.yield
    }) : () -> ()
    %barrier3A = arith.constant 0 : index
    tpu.barrier barrier_id(%barrier3A)
    %broadcast_in_dim3A = arith.constant 0 : i32
    %broadcast_in_dim3A_27 = vector.broadcast %broadcast_in_dim3A : i32 to vector<16xi32>
    %mul3A_28 = arith.constant 22208 : i32
    %mul3A_29 = arith.muli %add3A_10, %mul3A_28 : i32
    %add3A_30 = vector.broadcast %mul3A_29 : i32 to vector<16xi32>
    %add3A_31 = arith.addi %broadcast_in_dim3A_27, %add3A_30 : vector<16xi32>
    %add3A_32 = arith.constant 0 : i32
    %add3A_33 = arith.addi %multiple_of3A, %add3A_32 : i32
    %multiple_of3A_34 = tpu.assume_multiple %add3A_33, 1024 : i32
    %dma_start3A = tpu.memref_slice %arg3[%multiple_of3A_34] : memref<360448xf32, #tpu.memory_space<hbm>> -> memref<1024xf32, #tpu.memory_space<hbm>>
    %dma_start3A_35 = tpu.memref_slice %arg3[%multiple_of3A_34] : memref<360448xf32, #tpu.memory_space<hbm>> -> memref<1024xf32, #tpu.memory_space<hbm>>
    tpu.enqueue_dma source(%dma_start3A_35 : memref<1024xf32, #tpu.memory_space<hbm>>) target(%arg5 : memref<1024xf32, #tpu.memory_space<vmem>>) target_semaphore(%arg16 : memref<!tpu.dma_semaphore, #tpu.memory_space<semaphore_mem>>)
    %add3A_36 = arith.constant 1024 : i32
    %add3A_37 = arith.addi %multiple_of3A, %add3A_36 : i32
    %multiple_of3A_38 = tpu.assume_multiple %add3A_37, 1024 : i32
    %dma_start3A_39 = tpu.memref_slice %arg3[%multiple_of3A_38] : memref<360448xf32, #tpu.memory_space<hbm>> -> memref<1024xf32, #tpu.memory_space<hbm>>
    %dma_start3A_40 = tpu.memref_slice %arg3[%multiple_of3A_38] : memref<360448xf32, #tpu.memory_space<hbm>> -> memref<1024xf32, #tpu.memory_space<hbm>>
    tpu.enqueue_dma source(%dma_start3A_40 : memref<1024xf32, #tpu.memory_space<hbm>>) target(%arg6 : memref<1024xf32, #tpu.memory_space<vmem>>) target_semaphore(%arg17 : memref<!tpu.dma_semaphore, #tpu.memory_space<semaphore_mem>>)
    %add3A_41 = arith.constant 0 : i32
    %add3A_42 = arith.addi %multiple_of3A, %add3A_41 : i32
    %multiple_of3A_43 = tpu.assume_multiple %add3A_42, 1024 : i32
    %dma_wait3A = tpu.memref_slice %arg3[%multiple_of3A_43] : memref<360448xf32, #tpu.memory_space<hbm>> -> memref<1024xf32, #tpu.memory_space<hbm>>
    %dma_wait3A_44 = tpu.memref_slice %arg3[%multiple_of3A_43] : memref<360448xf32, #tpu.memory_space<hbm>> -> memref<1024xf32, #tpu.memory_space<hbm>>
    tpu.wait_dma2 semaphore(%arg16 : memref<!tpu.dma_semaphore, #tpu.memory_space<semaphore_mem>>) src(%dma_wait3A_44 : memref<1024xf32, #tpu.memory_space<hbm>>) dst(%arg5 : memref<1024xf32, #tpu.memory_space<vmem>>)
    %scan3A_45 = arith.constant 0 : i32
    %scan3A_46 = arith.constant 64 : i32
    %scan3A_47 = arith.addi %scan3A_45, %scan3A_46 : i32
    %scan3A_48 = arith.constant 4 : i32
    scf.for %scan3A_129 = %scan3A_45 to %scan3A_47 step %scan3A_48  : i32 {
      %mul3A_130 = arith.constant 1 : i32
      %mul3A_131 = arith.muli %scan3A_129, %mul3A_130 : i32
      %add3A_132 = arith.constant 0 : i32
      %add3A_133 = arith.addi %add3A_132, %mul3A_131 : i32
      %mul3A_134 = arith.constant 16 : i32
      %mul3A_135 = arith.muli %add3A_133, %mul3A_134 : i32
      %get3A = arith.index_cast %mul3A_135 : i32 to index
      %get3A_136 = tpu.vector_load %arg5[%get3A] {strides = array<i32>} : memref<1024xf32, #tpu.memory_space<vmem>>, vector<16xf32>,
      %bitcast3A = vector.bitcast %get3A_136 : vector<16xf32> to vector<16xi32>
      %shift_right_arithmetic3A = arith.constant 15 : i32
      %shift_right_arithmetic3A_137 = vector.broadcast %shift_right_arithmetic3A : i32 to vector<16xi32>
      %shift_right_arithmetic3A_138 = arith.shrsi %bitcast3A, %shift_right_arithmetic3A_137 : vector<16xi32>
      %add3A_139 = arith.addi %shift_right_arithmetic3A_138, %add3A_31 : vector<16xi32>
      %swap3A = arith.index_cast %mul3A_135 : i32 to index
      %swap3A_140 = tpu.vector_load %arg7[%swap3A] {strides = array<i32>} : memref<1024xi32, #tpu.memory_space<vmem>>, vector<16xi32>,
      tpu.vector_store %arg7[%swap3A], %add3A_139 {strides = array<i32>} : memref<1024xi32, #tpu.memory_space<vmem>>, vector<16xi32>,
      %and3A = arith.constant 32767 : i32
      %and3A_141 = vector.broadcast %and3A : i32 to vector<16xi32>
      %and3A_142 = arith.andi %bitcast3A, %and3A_141 : vector<16xi32>
      %swap3A_143 = arith.index_cast %mul3A_135 : i32 to index
      %swap3A_144 = tpu.vector_load %arg9[%swap3A_143] {strides = array<i32>} : memref<1024xi32, #tpu.memory_space<vmem>>, vector<16xi32>,
      tpu.vector_store %arg9[%swap3A_143], %and3A_142 {strides = array<i32>} : memref<1024xi32, #tpu.memory_space<vmem>>, vector<16xi32>,
      %scan3A_145 = arith.constant 1 : i32
      %scan3A_146 = arith.addi %scan3A_129, %scan3A_145 : i32
      %mul3A_147 = arith.constant 1 : i32
      %mul3A_148 = arith.muli %scan3A_146, %mul3A_147 : i32
      %add3A_149 = arith.constant 0 : i32
      %add3A_150 = arith.addi %add3A_149, %mul3A_148 : i32
      %mul3A_151 = arith.constant 16 : i32
      %mul3A_152 = arith.muli %add3A_150, %mul3A_151 : i32
      %get3A_153 = arith.index_cast %mul3A_152 : i32 to index
      %get3A_154 = tpu.vector_load %arg5[%get3A_153] {strides = array<i32>} : memref<1024xf32, #tpu.memory_space<vmem>>, vector<16xf32>,
      %bitcast3A_155 = vector.bitcast %get3A_154 : vector<16xf32> to vector<16xi32>
      %shift_right_arithmetic3A_156 = arith.constant 15 : i32
      %shift_right_arithmetic3A_157 = vector.broadcast %shift_right_arithmetic3A_156 : i32 to vector<16xi32>
      %shift_right_arithmetic3A_158 = arith.shrsi %bitcast3A_155, %shift_right_arithmetic3A_157 : vector<16xi32>
      %add3A_159 = arith.addi %shift_right_arithmetic3A_158, %add3A_31 : vector<16xi32>
      %swap3A_160 = arith.index_cast %mul3A_152 : i32 to index
      %swap3A_161 = tpu.vector_load %arg7[%swap3A_160] {strides = array<i32>} : memref<1024xi32, #tpu.memory_space<vmem>>, vector<16xi32>,
      tpu.vector_store %arg7[%swap3A_160], %add3A_159 {strides = array<i32>} : memref<1024xi32, #tpu.memory_space<vmem>>, vector<16xi32>,
      %and3A_162 = arith.constant 32767 : i32
      %and3A_163 = vector.broadcast %and3A_162 : i32 to vector<16xi32>
      %and3A_164 = arith.andi %bitcast3A_155, %and3A_163 : vector<16xi32>
      %swap3A_165 = arith.index_cast %mul3A_152 : i32 to index
      %swap3A_166 = tpu.vector_load %arg9[%swap3A_165] {strides = array<i32>} : memref<1024xi32, #tpu.memory_space<vmem>>, vector<16xi32>,
      tpu.vector_store %arg9[%swap3A_165], %and3A_164 {strides = array<i32>} : memref<1024xi32, #tpu.memory_space<vmem>>, vector<16xi32>,
      %scan3A_167 = arith.constant 2 : i32
      %scan3A_168 = arith.addi %scan3A_129, %scan3A_167 : i32
      %mul3A_169 = arith.constant 1 : i32
      %mul3A_170 = arith.muli %scan3A_168, %mul3A_169 : i32
      %add3A_171 = arith.constant 0 : i32
      %add3A_172 = arith.addi %add3A_171, %mul3A_170 : i32
      %mul3A_173 = arith.constant 16 : i32
      %mul3A_174 = arith.muli %add3A_172, %mul3A_173 : i32
      %get3A_175 = arith.index_cast %mul3A_174 : i32 to index
      %get3A_176 = tpu.vector_load %arg5[%get3A_175] {strides = array<i32>} : memref<1024xf32, #tpu.memory_space<vmem>>, vector<16xf32>,
      %bitcast3A_177 = vector.bitcast %get3A_176 : vector<16xf32> to vector<16xi32>
      %shift_right_arithmetic3A_178 = arith.constant 15 : i32
      %shift_right_arithmetic3A_179 = vector.broadcast %shift_right_arithmetic3A_178 : i32 to vector<16xi32>
      %shift_right_arithmetic3A_180 = arith.shrsi %bitcast3A_177, %shift_right_arithmetic3A_179 : vector<16xi32>
      %add3A_181 = arith.addi %shift_right_arithmetic3A_180, %add3A_31 : vector<16xi32>
      %swap3A_182 = arith.index_cast %mul3A_174 : i32 to index
      %swap3A_183 = tpu.vector_load %arg7[%swap3A_182] {strides = array<i32>} : memref<1024xi32, #tpu.memory_space<vmem>>, vector<16xi32>,
      tpu.vector_store %arg7[%swap3A_182], %add3A_181 {strides = array<i32>} : memref<1024xi32, #tpu.memory_space<vmem>>, vector<16xi32>,
      %and3A_184 = arith.constant 32767 : i32
      %and3A_185 = vector.broadcast %and3A_184 : i32 to vector<16xi32>
      %and3A_186 = arith.andi %bitcast3A_177, %and3A_185 : vector<16xi32>
      %swap3A_187 = arith.index_cast %mul3A_174 : i32 to index
      %swap3A_188 = tpu.vector_load %arg9[%swap3A_187] {strides = array<i32>} : memref<1024xi32, #tpu.memory_space<vmem>>, vector<16xi32>,
      tpu.vector_store %arg9[%swap3A_187], %and3A_186 {strides = array<i32>} : memref<1024xi32, #tpu.memory_space<vmem>>, vector<16xi32>,
      %scan3A_189 = arith.constant 3 : i32
      %scan3A_190 = arith.addi %scan3A_129, %scan3A_189 : i32
      %mul3A_191 = arith.constant 1 : i32
      %mul3A_192 = arith.muli %scan3A_190, %mul3A_191 : i32
      %add3A_193 = arith.constant 0 : i32
      %add3A_194 = arith.addi %add3A_193, %mul3A_192 : i32
      %mul3A_195 = arith.constant 16 : i32
      %mul3A_196 = arith.muli %add3A_194, %mul3A_195 : i32
      %get3A_197 = arith.index_cast %mul3A_196 : i32 to index
      %get3A_198 = tpu.vector_load %arg5[%get3A_197] {strides = array<i32>} : memref<1024xf32, #tpu.memory_space<vmem>>, vector<16xf32>,
      %bitcast3A_199 = vector.bitcast %get3A_198 : vector<16xf32> to vector<16xi32>
      %shift_right_arithmetic3A_200 = arith.constant 15 : i32
      %shift_right_arithmetic3A_201 = vector.broadcast %shift_right_arithmetic3A_200 : i32 to vector<16xi32>
      %shift_right_arithmetic3A_202 = arith.shrsi %bitcast3A_199, %shift_right_arithmetic3A_201 : vector<16xi32>
      %add3A_203 = arith.addi %shift_right_arithmetic3A_202, %add3A_31 : vector<16xi32>
      %swap3A_204 = arith.index_cast %mul3A_196 : i32 to index
      %swap3A_205 = tpu.vector_load %arg7[%swap3A_204] {strides = array<i32>} : memref<1024xi32, #tpu.memory_space<vmem>>, vector<16xi32>,
      tpu.vector_store %arg7[%swap3A_204], %add3A_203 {strides = array<i32>} : memref<1024xi32, #tpu.memory_space<vmem>>, vector<16xi32>,
      %and3A_206 = arith.constant 32767 : i32
      %and3A_207 = vector.broadcast %and3A_206 : i32 to vector<16xi32>
      %and3A_208 = arith.andi %bitcast3A_199, %and3A_207 : vector<16xi32>
      %swap3A_209 = arith.index_cast %mul3A_196 : i32 to index
      %swap3A_210 = tpu.vector_load %arg9[%swap3A_209] {strides = array<i32>} : memref<1024xi32, #tpu.memory_space<vmem>>, vector<16xi32>,
      tpu.vector_store %arg9[%swap3A_209], %and3A_208 {strides = array<i32>} : memref<1024xi32, #tpu.memory_space<vmem>>, vector<16xi32>,
    }
    %scan3A_49 = arith.constant 64 : i32
    %add3A_50 = arith.constant 2048 : i32
    %add3A_51 = arith.addi %multiple_of3A, %add3A_50 : i32
    %multiple_of3A_52 = tpu.assume_multiple %add3A_51, 1024 : i32
    %dma_start3A_53 = tpu.memref_slice %arg3[%multiple_of3A_52] : memref<360448xf32, #tpu.memory_space<hbm>> -> memref<1024xf32, #tpu.memory_space<hbm>>
    %dma_start3A_54 = tpu.memref_slice %arg3[%multiple_of3A_52] : memref<360448xf32, #tpu.memory_space<hbm>> -> memref<1024xf32, #tpu.memory_space<hbm>>
    tpu.enqueue_dma source(%dma_start3A_54 : memref<1024xf32, #tpu.memory_space<hbm>>) target(%arg5 : memref<1024xf32, #tpu.memory_space<vmem>>) target_semaphore(%arg16 : memref<!tpu.dma_semaphore, #tpu.memory_space<semaphore_mem>>)
    %dma_start3A_55 = arith.constant 0 : i32
    %dma_start3A_56 = arith.constant 0 : i32
    %dma_start3A_57 = tpu.memref_slice %arg2[%dma_start3A_55, %dma_start3A_56] : memref<88832x32xf32, #tpu.memory_space<hbm>> -> memref<88832x32xf32, #tpu.memory_space<hbm>>
    tpu.enqueue_indirect_dma source(%dma_start3A_57 : memref<88832x32xf32, #tpu.memory_space<hbm>>) target(%arg11 : memref<1024x32xf32, #tpu.memory_space<vmem>>) offsets(%arg7 : memref<1024xi32, #tpu.memory_space<vmem>>) semaphore(%arg14 : memref<!tpu.dma_semaphore, #tpu.memory_space<semaphore_mem>>)
    %scan3A_58 = arith.constant 0 : i32
    %scan3A_59 = arith.constant 11 : i32
    %scan3A_60 = arith.addi %scan3A_58, %scan3A_59 : i32
    %scan3A_61 = arith.constant 1 : i32
    scf.for %scan3A_129 = %scan3A_58 to %scan3A_60 step %scan3A_61  : i32 {
      %mul3A_130 = arith.constant 1 : i32
      %mul3A_131 = arith.muli %scan3A_129, %mul3A_130 : i32
      %add3A_132 = arith.constant 0 : i32
      %add3A_133 = arith.addi %add3A_132, %mul3A_131 : i32
      %mul3A_134 = arith.constant 2 : i32
      %mul3A_135 = arith.muli %mul3A_134, %add3A_133 : i32
      %add3A_136 = arith.constant 1 : i32
      %add3A_137 = arith.addi %mul3A_135, %add3A_136 : i32
      %mul3A_138 = arith.constant 1024 : i32
      %mul3A_139 = arith.muli %add3A_137, %mul3A_138 : i32
      %add3A_140 = arith.addi %multiple_of3A, %mul3A_139 : i32
      %multiple_of3A_141 = tpu.assume_multiple %add3A_140, 1024 : i32
      %dma_wait3A_142 = tpu.memref_slice %arg3[%multiple_of3A_141] : memref<360448xf32, #tpu.memory_space<hbm>> -> memref<1024xf32, #tpu.memory_space<hbm>>
      %dma_wait3A_143 = tpu.memref_slice %arg3[%multiple_of3A_141] : memref<360448xf32, #tpu.memory_space<hbm>> -> memref<1024xf32, #tpu.memory_space<hbm>>
      tpu.wait_dma2 semaphore(%arg17 : memref<!tpu.dma_semaphore, #tpu.memory_space<semaphore_mem>>) src(%dma_wait3A_143 : memref<1024xf32, #tpu.memory_space<hbm>>) dst(%arg6 : memref<1024xf32, #tpu.memory_space<vmem>>)
      %scan3A_144 = arith.constant 0 : i32
      %scan3A_145 = arith.constant 64 : i32
      %scan3A_146 = arith.addi %scan3A_144, %scan3A_145 : i32
      %scan3A_147 = arith.constant 4 : i32
      scf.for %scan3A_167 = %scan3A_144 to %scan3A_146 step %scan3A_147  : i32 {
        %mul3A_168 = arith.constant 1 : i32
        %mul3A_169 = arith.muli %scan3A_167, %mul3A_168 : i32
        %add3A_170 = arith.constant 0 : i32
        %add3A_171 = arith.addi %add3A_170, %mul3A_169 : i32
        %mul3A_172 = arith.constant 16 : i32
        %mul3A_173 = arith.muli %add3A_171, %mul3A_172 : i32
        %get3A = arith.index_cast %mul3A_173 : i32 to index
        %get3A_174 = tpu.vector_load %arg6[%get3A] {strides = array<i32>} : memref<1024xf32, #tpu.memory_space<vmem>>, vector<16xf32>,
        %bitcast3A = vector.bitcast %get3A_174 : vector<16xf32> to vector<16xi32>
        %shift_right_arithmetic3A = arith.constant 15 : i32
        %shift_right_arithmetic3A_175 = vector.broadcast %shift_right_arithmetic3A : i32 to vector<16xi32>
        %shift_right_arithmetic3A_176 = arith.shrsi %bitcast3A, %shift_right_arithmetic3A_175 : vector<16xi32>
        %add3A_177 = arith.addi %shift_right_arithmetic3A_176, %add3A_31 : vector<16xi32>
        %swap3A = arith.index_cast %mul3A_173 : i32 to index
        %swap3A_178 = tpu.vector_load %arg8[%swap3A] {strides = array<i32>} : memref<1024xi32, #tpu.memory_space<vmem>>, vector<16xi32>,
        tpu.vector_store %arg8[%swap3A], %add3A_177 {strides = array<i32>} : memref<1024xi32, #tpu.memory_space<vmem>>, vector<16xi32>,
        %and3A = arith.constant 32767 : i32
        %and3A_179 = vector.broadcast %and3A : i32 to vector<16xi32>
        %and3A_180 = arith.andi %bitcast3A, %and3A_179 : vector<16xi32>
        %swap3A_181 = arith.index_cast %mul3A_173 : i32 to index
        %swap3A_182 = tpu.vector_load %arg10[%swap3A_181] {strides = array<i32>} : memref<1024xi32, #tpu.memory_space<vmem>>, vector<16xi32>,
        tpu.vector_store %arg10[%swap3A_181], %and3A_180 {strides = array<i32>} : memref<1024xi32, #tpu.memory_space<vmem>>, vector<16xi32>,
        %scan3A_183 = arith.constant 1 : i32
        %scan3A_184 = arith.addi %scan3A_167, %scan3A_183 : i32
        %mul3A_185 = arith.constant 1 : i32
        %mul3A_186 = arith.muli %scan3A_184, %mul3A_185 : i32
        %add3A_187 = arith.constant 0 : i32
        %add3A_188 = arith.addi %add3A_187, %mul3A_186 : i32
        %mul3A_189 = arith.constant 16 : i32
        %mul3A_190 = arith.muli %add3A_188, %mul3A_189 : i32
        %get3A_191 = arith.index_cast %mul3A_190 : i32 to index
        %get3A_192 = tpu.vector_load %arg6[%get3A_191] {strides = array<i32>} : memref<1024xf32, #tpu.memory_space<vmem>>, vector<16xf32>,
        %bitcast3A_193 = vector.bitcast %get3A_192 : vector<16xf32> to vector<16xi32>
        %shift_right_arithmetic3A_194 = arith.constant 15 : i32
        %shift_right_arithmetic3A_195 = vector.broadcast %shift_right_arithmetic3A_194 : i32 to vector<16xi32>
        %shift_right_arithmetic3A_196 = arith.shrsi %bitcast3A_193, %shift_right_arithmetic3A_195 : vector<16xi32>
        %add3A_197 = arith.addi %shift_right_arithmetic3A_196, %add3A_31 : vector<16xi32>
        %swap3A_198 = arith.index_cast %mul3A_190 : i32 to index
        %swap3A_199 = tpu.vector_load %arg8[%swap3A_198] {strides = array<i32>} : memref<1024xi32, #tpu.memory_space<vmem>>, vector<16xi32>,
        tpu.vector_store %arg8[%swap3A_198], %add3A_197 {strides = array<i32>} : memref<1024xi32, #tpu.memory_space<vmem>>, vector<16xi32>,
        %and3A_200 = arith.constant 32767 : i32
        %and3A_201 = vector.broadcast %and3A_200 : i32 to vector<16xi32>
        %and3A_202 = arith.andi %bitcast3A_193, %and3A_201 : vector<16xi32>
        %swap3A_203 = arith.index_cast %mul3A_190 : i32 to index
        %swap3A_204 = tpu.vector_load %arg10[%swap3A_203] {strides = array<i32>} : memref<1024xi32, #tpu.memory_space<vmem>>, vector<16xi32>,
        tpu.vector_store %arg10[%swap3A_203], %and3A_202 {strides = array<i32>} : memref<1024xi32, #tpu.memory_space<vmem>>, vector<16xi32>,
        %scan3A_205 = arith.constant 2 : i32
        %scan3A_206 = arith.addi %scan3A_167, %scan3A_205 : i32
        %mul3A_207 = arith.constant 1 : i32
        %mul3A_208 = arith.muli %scan3A_206, %mul3A_207 : i32
        %add3A_209 = arith.constant 0 : i32
        %add3A_210 = arith.addi %add3A_209, %mul3A_208 : i32
        %mul3A_211 = arith.constant 16 : i32
        %mul3A_212 = arith.muli %add3A_210, %mul3A_211 : i32
        %get3A_213 = arith.index_cast %mul3A_212 : i32 to index
        %get3A_214 = tpu.vector_load %arg6[%get3A_213] {strides = array<i32>} : memref<1024xf32, #tpu.memory_space<vmem>>, vector<16xf32>,
        %bitcast3A_215 = vector.bitcast %get3A_214 : vector<16xf32> to vector<16xi32>
        %shift_right_arithmetic3A_216 = arith.constant 15 : i32
        %shift_right_arithmetic3A_217 = vector.broadcast %shift_right_arithmetic3A_216 : i32 to vector<16xi32>
        %shift_right_arithmetic3A_218 = arith.shrsi %bitcast3A_215, %shift_right_arithmetic3A_217 : vector<16xi32>
        %add3A_219 = arith.addi %shift_right_arithmetic3A_218, %add3A_31 : vector<16xi32>
        %swap3A_220 = arith.index_cast %mul3A_212 : i32 to index
        %swap3A_221 = tpu.vector_load %arg8[%swap3A_220] {strides = array<i32>} : memref<1024xi32, #tpu.memory_space<vmem>>, vector<16xi32>,
        tpu.vector_store %arg8[%swap3A_220], %add3A_219 {strides = array<i32>} : memref<1024xi32, #tpu.memory_space<vmem>>, vector<16xi32>,
        %and3A_222 = arith.constant 32767 : i32
        %and3A_223 = vector.broadcast %and3A_222 : i32 to vector<16xi32>
        %and3A_224 = arith.andi %bitcast3A_215, %and3A_223 : vector<16xi32>
        %swap3A_225 = arith.index_cast %mul3A_212 : i32 to index
        %swap3A_226 = tpu.vector_load %arg10[%swap3A_225] {strides = array<i32>} : memref<1024xi32, #tpu.memory_space<vmem>>, vector<16xi32>,
        tpu.vector_store %arg10[%swap3A_225], %and3A_224 {strides = array<i32>} : memref<1024xi32, #tpu.memory_space<vmem>>, vector<16xi32>,
        %scan3A_227 = arith.constant 3 : i32
        %scan3A_228 = arith.addi %scan3A_167, %scan3A_227 : i32
        %mul3A_229 = arith.constant 1 : i32
        %mul3A_230 = arith.muli %scan3A_228, %mul3A_229 : i32
        %add3A_231 = arith.constant 0 : i32
        %add3A_232 = arith.addi %add3A_231, %mul3A_230 : i32
        %mul3A_233 = arith.constant 16 : i32
        %mul3A_234 = arith.muli %add3A_232, %mul3A_233 : i32
        %get3A_235 = arith.index_cast %mul3A_234 : i32 to index
        %get3A_236 = tpu.vector_load %arg6[%get3A_235] {strides = array<i32>} : memref<1024xf32, #tpu.memory_space<vmem>>, vector<16xf32>,
        %bitcast3A_237 = vector.bitcast %get3A_236 : vector<16xf32> to vector<16xi32>
        %shift_right_arithmetic3A_238 = arith.constant 15 : i32
        %shift_right_arithmetic3A_239 = vector.broadcast %shift_right_arithmetic3A_238 : i32 to vector<16xi32>
        %shift_right_arithmetic3A_240 = arith.shrsi %bitcast3A_237, %shift_right_arithmetic3A_239 : vector<16xi32>
        %add3A_241 = arith.addi %shift_right_arithmetic3A_240, %add3A_31 : vector<16xi32>
        %swap3A_242 = arith.index_cast %mul3A_234 : i32 to index
        %swap3A_243 = tpu.vector_load %arg8[%swap3A_242] {strides = array<i32>} : memref<1024xi32, #tpu.memory_space<vmem>>, vector<16xi32>,
        tpu.vector_store %arg8[%swap3A_242], %add3A_241 {strides = array<i32>} : memref<1024xi32, #tpu.memory_space<vmem>>, vector<16xi32>,
        %and3A_244 = arith.constant 32767 : i32
        %and3A_245 = vector.broadcast %and3A_244 : i32 to vector<16xi32>
        %and3A_246 = arith.andi %bitcast3A_237, %and3A_245 : vector<16xi32>
        %swap3A_247 = arith.index_cast %mul3A_234 : i32 to index
        %swap3A_248 = tpu.vector_load %arg10[%swap3A_247] {strides = array<i32>} : memref<1024xi32, #tpu.memory_space<vmem>>, vector<16xi32>,
        tpu.vector_store %arg10[%swap3A_247], %and3A_246 {strides = array<i32>} : memref<1024xi32, #tpu.memory_space<vmem>>, vector<16xi32>,
      }
      %scan3A_148 = arith.constant 64 : i32
      %add3A_149 = arith.constant 2 : i32
      %add3A_150 = arith.addi %add3A_137, %add3A_149 : i32
      %lt3A = arith.constant 22 : i32
      %lt3A_151 = arith.cmpi slt, %add3A_150, %lt3A : i32
      %convert_element_type3A = arith.extui %lt3A_151 : i1 to i32
      %cond3A = arith.constant 0 : i32
      %cond3A_152 = arith.cmpi ne, %convert_element_type3A, %cond3A : i32
      scf.if %cond3A_152 {
        %add3A_167 = arith.constant 2 : i32
        %add3A_168 = arith.addi %add3A_137, %add3A_167 : i32
        %mul3A_169 = arith.constant 1024 : i32
        %mul3A_170 = arith.muli %add3A_168, %mul3A_169 : i32
        %add3A_171 = arith.addi %multiple_of3A, %mul3A_170 : i32
        %multiple_of3A_172 = tpu.assume_multiple %add3A_171, 1024 : i32
        %dma_start3A_173 = tpu.memref_slice %arg3[%multiple_of3A_172] : memref<360448xf32, #tpu.memory_space<hbm>> -> memref<1024xf32, #tpu.memory_space<hbm>>
        %dma_start3A_174 = tpu.memref_slice %arg3[%multiple_of3A_172] : memref<360448xf32, #tpu.memory_space<hbm>> -> memref<1024xf32, #tpu.memory_space<hbm>>
        tpu.enqueue_dma source(%dma_start3A_174 : memref<1024xf32, #tpu.memory_space<hbm>>) target(%arg6 : memref<1024xf32, #tpu.memory_space<vmem>>) target_semaphore(%arg17 : memref<!tpu.dma_semaphore, #tpu.memory_space<semaphore_mem>>)
      } else {
      }
      %dma_start3A_153 = arith.constant 0 : i32
      %dma_start3A_154 = arith.constant 0 : i32
      %dma_start3A_155 = tpu.memref_slice %arg2[%dma_start3A_153, %dma_start3A_154] : memref<88832x32xf32, #tpu.memory_space<hbm>> -> memref<88832x32xf32, #tpu.memory_space<hbm>>
      tpu.enqueue_indirect_dma source(%dma_start3A_155 : memref<88832x32xf32, #tpu.memory_space<hbm>>) target(%arg12 : memref<1024x32xf32, #tpu.memory_space<vmem>>) offsets(%arg8 : memref<1024xi32, #tpu.memory_space<vmem>>) semaphore(%arg15 : memref<!tpu.dma_semaphore, #tpu.memory_space<semaphore_mem>>)
      %dma_wait3A_156 = arith.constant 0 : i32
      %dma_wait3A_157 = arith.constant 0 : i32
      %dma_wait3A_158 = tpu.memref_slice %arg2[%dma_wait3A_156, %dma_wait3A_157] : memref<88832x32xf32, #tpu.memory_space<hbm>> -> memref<88832x32xf32, #tpu.memory_space<hbm>>
      tpu.wait_indirect_dma semaphore(%arg14 : memref<!tpu.dma_semaphore, #tpu.memory_space<semaphore_mem>>) src(%dma_wait3A_158 : memref<88832x32xf32, #tpu.memory_space<hbm>>) dst(%arg11 : memref<1024x32xf32, #tpu.memory_space<vmem>>)
      "tpu.region"() ({
        %run_scoped3A = tpu.sem_alloc : memref<!tpu.dma_semaphore, #tpu.memory_space<semaphore_mem>>
        %dma_start3A_167 = arith.constant 0 : i32
        %dma_start3A_168 = arith.constant 0 : i32
        %dma_start3A_169 = tpu.memref_slice %arg13[%dma_start3A_167, %dma_start3A_168] : memref<22528x32xf32, #tpu.memory_space<vmem_shared>> -> memref<22528x32xf32, #tpu.memory_space<vmem_shared>>
        tpu.enqueue_indirect_dma source(%arg11 : memref<1024x32xf32, #tpu.memory_space<vmem>>) target(%dma_start3A_169 : memref<22528x32xf32, #tpu.memory_space<vmem_shared>>) offsets(%arg9 : memref<1024xi32, #tpu.memory_space<vmem>>) semaphore(%run_scoped3A : memref<!tpu.dma_semaphore, #tpu.memory_space<semaphore_mem>>) {add = true}
        %dma_wait3A_170 = arith.constant 0 : i32
        %dma_wait3A_171 = arith.constant 0 : i32
        %dma_wait3A_172 = tpu.memref_slice %arg13[%dma_wait3A_170, %dma_wait3A_171] : memref<22528x32xf32, #tpu.memory_space<vmem_shared>> -> memref<22528x32xf32, #tpu.memory_space<vmem_shared>>
        tpu.wait_indirect_dma semaphore(%run_scoped3A : memref<!tpu.dma_semaphore, #tpu.memory_space<semaphore_mem>>) src(%arg11 : memref<1024x32xf32, #tpu.memory_space<vmem>>) dst(%dma_wait3A_172 : memref<22528x32xf32, #tpu.memory_space<vmem_shared>>)
        tpu.yield
      }) : () -> ()
      %lt3A_159 = arith.constant 10 : i32
      %lt3A_160 = arith.cmpi slt, %add3A_133, %lt3A_159 : i32
      %convert_element_type3A_161 = arith.extui %lt3A_160 : i1 to i32
      %cond3A_162 = arith.constant 0 : i32
      %cond3A_163 = arith.cmpi ne, %convert_element_type3A_161, %cond3A_162 : i32
      scf.if %cond3A_163 {
        %mul3A_167 = arith.constant 2 : i32
        %mul3A_168 = arith.muli %mul3A_167, %add3A_133 : i32
        %add3A_169 = arith.constant 2 : i32
        %add3A_170 = arith.addi %mul3A_168, %add3A_169 : i32
        %mul3A_171 = arith.constant 1024 : i32
        %mul3A_172 = arith.muli %add3A_170, %mul3A_171 : i32
        %add3A_173 = arith.addi %multiple_of3A, %mul3A_172 : i32
        %multiple_of3A_174 = tpu.assume_multiple %add3A_173, 1024 : i32
        %dma_wait3A_175 = tpu.memref_slice %arg3[%multiple_of3A_174] : memref<360448xf32, #tpu.memory_space<hbm>> -> memref<1024xf32, #tpu.memory_space<hbm>>
        %dma_wait3A_176 = tpu.memref_slice %arg3[%multiple_of3A_174] : memref<360448xf32, #tpu.memory_space<hbm>> -> memref<1024xf32, #tpu.memory_space<hbm>>
        tpu.wait_dma2 semaphore(%arg16 : memref<!tpu.dma_semaphore, #tpu.memory_space<semaphore_mem>>) src(%dma_wait3A_176 : memref<1024xf32, #tpu.memory_space<hbm>>) dst(%arg5 : memref<1024xf32, #tpu.memory_space<vmem>>)
        %scan3A_177 = arith.constant 0 : i32
        %scan3A_178 = arith.constant 64 : i32
        %scan3A_179 = arith.addi %scan3A_177, %scan3A_178 : i32
        %scan3A_180 = arith.constant 4 : i32
        scf.for %scan3A_192 = %scan3A_177 to %scan3A_179 step %scan3A_180  : i32 {
          %mul3A_193 = arith.constant 1 : i32
          %mul3A_194 = arith.muli %scan3A_192, %mul3A_193 : i32
          %add3A_195 = arith.constant 0 : i32
          %add3A_196 = arith.addi %add3A_195, %mul3A_194 : i32
          %mul3A_197 = arith.constant 16 : i32
          %mul3A_198 = arith.muli %add3A_196, %mul3A_197 : i32
          %get3A = arith.index_cast %mul3A_198 : i32 to index
          %get3A_199 = tpu.vector_load %arg5[%get3A] {strides = array<i32>} : memref<1024xf32, #tpu.memory_space<vmem>>, vector<16xf32>,
          %bitcast3A = vector.bitcast %get3A_199 : vector<16xf32> to vector<16xi32>
          %shift_right_arithmetic3A = arith.constant 15 : i32
          %shift_right_arithmetic3A_200 = vector.broadcast %shift_right_arithmetic3A : i32 to vector<16xi32>
          %shift_right_arithmetic3A_201 = arith.shrsi %bitcast3A, %shift_right_arithmetic3A_200 : vector<16xi32>
          %add3A_202 = arith.addi %shift_right_arithmetic3A_201, %add3A_31 : vector<16xi32>
          %swap3A = arith.index_cast %mul3A_198 : i32 to index
          %swap3A_203 = tpu.vector_load %arg7[%swap3A] {strides = array<i32>} : memref<1024xi32, #tpu.memory_space<vmem>>, vector<16xi32>,
          tpu.vector_store %arg7[%swap3A], %add3A_202 {strides = array<i32>} : memref<1024xi32, #tpu.memory_space<vmem>>, vector<16xi32>,
          %and3A = arith.constant 32767 : i32
          %and3A_204 = vector.broadcast %and3A : i32 to vector<16xi32>
          %and3A_205 = arith.andi %bitcast3A, %and3A_204 : vector<16xi32>
          %swap3A_206 = arith.index_cast %mul3A_198 : i32 to index
          %swap3A_207 = tpu.vector_load %arg9[%swap3A_206] {strides = array<i32>} : memref<1024xi32, #tpu.memory_space<vmem>>, vector<16xi32>,
          tpu.vector_store %arg9[%swap3A_206], %and3A_205 {strides = array<i32>} : memref<1024xi32, #tpu.memory_space<vmem>>, vector<16xi32>,
          %scan3A_208 = arith.constant 1 : i32
          %scan3A_209 = arith.addi %scan3A_192, %scan3A_208 : i32
          %mul3A_210 = arith.constant 1 : i32
          %mul3A_211 = arith.muli %scan3A_209, %mul3A_210 : i32
          %add3A_212 = arith.constant 0 : i32
          %add3A_213 = arith.addi %add3A_212, %mul3A_211 : i32
          %mul3A_214 = arith.constant 16 : i32
          %mul3A_215 = arith.muli %add3A_213, %mul3A_214 : i32
          %get3A_216 = arith.index_cast %mul3A_215 : i32 to index
          %get3A_217 = tpu.vector_load %arg5[%get3A_216] {strides = array<i32>} : memref<1024xf32, #tpu.memory_space<vmem>>, vector<16xf32>,
          %bitcast3A_218 = vector.bitcast %get3A_217 : vector<16xf32> to vector<16xi32>
          %shift_right_arithmetic3A_219 = arith.constant 15 : i32
          %shift_right_arithmetic3A_220 = vector.broadcast %shift_right_arithmetic3A_219 : i32 to vector<16xi32>
          %shift_right_arithmetic3A_221 = arith.shrsi %bitcast3A_218, %shift_right_arithmetic3A_220 : vector<16xi32>
          %add3A_222 = arith.addi %shift_right_arithmetic3A_221, %add3A_31 : vector<16xi32>
          %swap3A_223 = arith.index_cast %mul3A_215 : i32 to index
          %swap3A_224 = tpu.vector_load %arg7[%swap3A_223] {strides = array<i32>} : memref<1024xi32, #tpu.memory_space<vmem>>, vector<16xi32>,
          tpu.vector_store %arg7[%swap3A_223], %add3A_222 {strides = array<i32>} : memref<1024xi32, #tpu.memory_space<vmem>>, vector<16xi32>,
          %and3A_225 = arith.constant 32767 : i32
          %and3A_226 = vector.broadcast %and3A_225 : i32 to vector<16xi32>
          %and3A_227 = arith.andi %bitcast3A_218, %and3A_226 : vector<16xi32>
          %swap3A_228 = arith.index_cast %mul3A_215 : i32 to index
          %swap3A_229 = tpu.vector_load %arg9[%swap3A_228] {strides = array<i32>} : memref<1024xi32, #tpu.memory_space<vmem>>, vector<16xi32>,
          tpu.vector_store %arg9[%swap3A_228], %and3A_227 {strides = array<i32>} : memref<1024xi32, #tpu.memory_space<vmem>>, vector<16xi32>,
          %scan3A_230 = arith.constant 2 : i32
          %scan3A_231 = arith.addi %scan3A_192, %scan3A_230 : i32
          %mul3A_232 = arith.constant 1 : i32
          %mul3A_233 = arith.muli %scan3A_231, %mul3A_232 : i32
          %add3A_234 = arith.constant 0 : i32
          %add3A_235 = arith.addi %add3A_234, %mul3A_233 : i32
          %mul3A_236 = arith.constant 16 : i32
          %mul3A_237 = arith.muli %add3A_235, %mul3A_236 : i32
          %get3A_238 = arith.index_cast %mul3A_237 : i32 to index
          %get3A_239 = tpu.vector_load %arg5[%get3A_238] {strides = array<i32>} : memref<1024xf32, #tpu.memory_space<vmem>>, vector<16xf32>,
          %bitcast3A_240 = vector.bitcast %get3A_239 : vector<16xf32> to vector<16xi32>
          %shift_right_arithmetic3A_241 = arith.constant 15 : i32
          %shift_right_arithmetic3A_242 = vector.broadcast %shift_right_arithmetic3A_241 : i32 to vector<16xi32>
          %shift_right_arithmetic3A_243 = arith.shrsi %bitcast3A_240, %shift_right_arithmetic3A_242 : vector<16xi32>
          %add3A_244 = arith.addi %shift_right_arithmetic3A_243, %add3A_31 : vector<16xi32>
          %swap3A_245 = arith.index_cast %mul3A_237 : i32 to index
          %swap3A_246 = tpu.vector_load %arg7[%swap3A_245] {strides = array<i32>} : memref<1024xi32, #tpu.memory_space<vmem>>, vector<16xi32>,
          tpu.vector_store %arg7[%swap3A_245], %add3A_244 {strides = array<i32>} : memref<1024xi32, #tpu.memory_space<vmem>>, vector<16xi32>,
          %and3A_247 = arith.constant 32767 : i32
          %and3A_248 = vector.broadcast %and3A_247 : i32 to vector<16xi32>
          %and3A_249 = arith.andi %bitcast3A_240, %and3A_248 : vector<16xi32>
          %swap3A_250 = arith.index_cast %mul3A_237 : i32 to index
          %swap3A_251 = tpu.vector_load %arg9[%swap3A_250] {strides = array<i32>} : memref<1024xi32, #tpu.memory_space<vmem>>, vector<16xi32>,
          tpu.vector_store %arg9[%swap3A_250], %and3A_249 {strides = array<i32>} : memref<1024xi32, #tpu.memory_space<vmem>>, vector<16xi32>,
          %scan3A_252 = arith.constant 3 : i32
          %scan3A_253 = arith.addi %scan3A_192, %scan3A_252 : i32
          %mul3A_254 = arith.constant 1 : i32
          %mul3A_255 = arith.muli %scan3A_253, %mul3A_254 : i32
          %add3A_256 = arith.constant 0 : i32
          %add3A_257 = arith.addi %add3A_256, %mul3A_255 : i32
          %mul3A_258 = arith.constant 16 : i32
          %mul3A_259 = arith.muli %add3A_257, %mul3A_258 : i32
          %get3A_260 = arith.index_cast %mul3A_259 : i32 to index
          %get3A_261 = tpu.vector_load %arg5[%get3A_260] {strides = array<i32>} : memref<1024xf32, #tpu.memory_space<vmem>>, vector<16xf32>,
          %bitcast3A_262 = vector.bitcast %get3A_261 : vector<16xf32> to vector<16xi32>
          %shift_right_arithmetic3A_263 = arith.constant 15 : i32
          %shift_right_arithmetic3A_264 = vector.broadcast %shift_right_arithmetic3A_263 : i32 to vector<16xi32>
          %shift_right_arithmetic3A_265 = arith.shrsi %bitcast3A_262, %shift_right_arithmetic3A_264 : vector<16xi32>
          %add3A_266 = arith.addi %shift_right_arithmetic3A_265, %add3A_31 : vector<16xi32>
          %swap3A_267 = arith.index_cast %mul3A_259 : i32 to index
          %swap3A_268 = tpu.vector_load %arg7[%swap3A_267] {strides = array<i32>} : memref<1024xi32, #tpu.memory_space<vmem>>, vector<16xi32>,
          tpu.vector_store %arg7[%swap3A_267], %add3A_266 {strides = array<i32>} : memref<1024xi32, #tpu.memory_space<vmem>>, vector<16xi32>,
          %and3A_269 = arith.constant 32767 : i32
          %and3A_270 = vector.broadcast %and3A_269 : i32 to vector<16xi32>
          %and3A_271 = arith.andi %bitcast3A_262, %and3A_270 : vector<16xi32>
          %swap3A_272 = arith.index_cast %mul3A_259 : i32 to index
          %swap3A_273 = tpu.vector_load %arg9[%swap3A_272] {strides = array<i32>} : memref<1024xi32, #tpu.memory_space<vmem>>, vector<16xi32>,
          tpu.vector_store %arg9[%swap3A_272], %and3A_271 {strides = array<i32>} : memref<1024xi32, #tpu.memory_space<vmem>>, vector<16xi32>,
        }
        %scan3A_181 = arith.constant 64 : i32
        %add3A_182 = arith.constant 2 : i32
        %add3A_183 = arith.addi %add3A_170, %add3A_182 : i32
        %lt3A_184 = arith.constant 22 : i32
        %lt3A_185 = arith.cmpi slt, %add3A_183, %lt3A_184 : i32
        %convert_element_type3A_186 = arith.extui %lt3A_185 : i1 to i32
        %cond3A_187 = arith.constant 0 : i32
        %cond3A_188 = arith.cmpi ne, %convert_element_type3A_186, %cond3A_187 : i32
        scf.if %cond3A_188 {
          %add3A_192 = arith.constant 2 : i32
          %add3A_193 = arith.addi %add3A_170, %add3A_192 : i32
          %mul3A_194 = arith.constant 1024 : i32
          %mul3A_195 = arith.muli %add3A_193, %mul3A_194 : i32
          %add3A_196 = arith.addi %multiple_of3A, %mul3A_195 : i32
          %multiple_of3A_197 = tpu.assume_multiple %add3A_196, 1024 : i32
          %dma_start3A_198 = tpu.memref_slice %arg3[%multiple_of3A_197] : memref<360448xf32, #tpu.memory_space<hbm>> -> memref<1024xf32, #tpu.memory_space<hbm>>
          %dma_start3A_199 = tpu.memref_slice %arg3[%multiple_of3A_197] : memref<360448xf32, #tpu.memory_space<hbm>> -> memref<1024xf32, #tpu.memory_space<hbm>>
          tpu.enqueue_dma source(%dma_start3A_199 : memref<1024xf32, #tpu.memory_space<hbm>>) target(%arg5 : memref<1024xf32, #tpu.memory_space<vmem>>) target_semaphore(%arg16 : memref<!tpu.dma_semaphore, #tpu.memory_space<semaphore_mem>>)
        } else {
        }
        %dma_start3A_189 = arith.constant 0 : i32
        %dma_start3A_190 = arith.constant 0 : i32
        %dma_start3A_191 = tpu.memref_slice %arg2[%dma_start3A_189, %dma_start3A_190] : memref<88832x32xf32, #tpu.memory_space<hbm>> -> memref<88832x32xf32, #tpu.memory_space<hbm>>
        tpu.enqueue_indirect_dma source(%dma_start3A_191 : memref<88832x32xf32, #tpu.memory_space<hbm>>) target(%arg11 : memref<1024x32xf32, #tpu.memory_space<vmem>>) offsets(%arg7 : memref<1024xi32, #tpu.memory_space<vmem>>) semaphore(%arg14 : memref<!tpu.dma_semaphore, #tpu.memory_space<semaphore_mem>>)
      } else {
      }
      %dma_wait3A_164 = arith.constant 0 : i32
      %dma_wait3A_165 = arith.constant 0 : i32
      %dma_wait3A_166 = tpu.memref_slice %arg2[%dma_wait3A_164, %dma_wait3A_165] : memref<88832x32xf32, #tpu.memory_space<hbm>> -> memref<88832x32xf32, #tpu.memory_space<hbm>>
      tpu.wait_indirect_dma semaphore(%arg15 : memref<!tpu.dma_semaphore, #tpu.memory_space<semaphore_mem>>) src(%dma_wait3A_166 : memref<88832x32xf32, #tpu.memory_space<hbm>>) dst(%arg12 : memref<1024x32xf32, #tpu.memory_space<vmem>>)
      "tpu.region"() ({
        %run_scoped3A = tpu.sem_alloc : memref<!tpu.dma_semaphore, #tpu.memory_space<semaphore_mem>>
        %dma_start3A_167 = arith.constant 0 : i32
        %dma_start3A_168 = arith.constant 0 : i32
        %dma_start3A_169 = tpu.memref_slice %arg13[%dma_start3A_167, %dma_start3A_168] : memref<22528x32xf32, #tpu.memory_space<vmem_shared>> -> memref<22528x32xf32, #tpu.memory_space<vmem_shared>>
        tpu.enqueue_indirect_dma source(%arg12 : memref<1024x32xf32, #tpu.memory_space<vmem>>) target(%dma_start3A_169 : memref<22528x32xf32, #tpu.memory_space<vmem_shared>>) offsets(%arg10 : memref<1024xi32, #tpu.memory_space<vmem>>) semaphore(%run_scoped3A : memref<!tpu.dma_semaphore, #tpu.memory_space<semaphore_mem>>) {add = true}
        %dma_wait3A_170 = arith.constant 0 : i32
        %dma_wait3A_171 = arith.constant 0 : i32
        %dma_wait3A_172 = tpu.memref_slice %arg13[%dma_wait3A_170, %dma_wait3A_171] : memref<22528x32xf32, #tpu.memory_space<vmem_shared>> -> memref<22528x32xf32, #tpu.memory_space<vmem_shared>>
        tpu.wait_indirect_dma semaphore(%run_scoped3A : memref<!tpu.dma_semaphore, #tpu.memory_space<semaphore_mem>>) src(%arg12 : memref<1024x32xf32, #tpu.memory_space<vmem>>) dst(%dma_wait3A_172 : memref<22528x32xf32, #tpu.memory_space<vmem_shared>>)
        tpu.yield
      }) : () -> ()
    }
    %scan3A_62 = arith.constant 11 : i32
    %barrier3A_63 = arith.constant 0 : index
    tpu.barrier barrier_id(%barrier3A_63)
    %mul3A_64 = arith.constant 32 : i32
    %mul3A_65 = arith.muli %add3A_10, %mul3A_64 : i32
    "tpu.region"() ({
      %run_scoped3A = tpu.sem_alloc : memref<!tpu.dma_semaphore, #tpu.memory_space<semaphore_mem>>
      %dma_start3A_129 = tpu.memref_slice %arg4[%multiple_of3A_3, %mul3A_65] : memref<22528x128xf32, #tpu.memory_space<hbm>> -> memref<1408x32xf32, #tpu.memory_space<hbm>>
      %dma_start3A_130 = arith.constant 0 : i32
      %dma_start3A_131 = tpu.memref_slice %arg13[%multiple_of3A_3, %dma_start3A_130] : memref<22528x32xf32, #tpu.memory_space<vmem_shared>> -> memref<1408x32xf32, #tpu.memory_space<vmem_shared>>
      tpu.enqueue_dma source(%dma_start3A_131 : memref<1408x32xf32, #tpu.memory_space<vmem_shared>>) target(%dma_start3A_129 : memref<1408x32xf32, #tpu.memory_space<hbm>>) target_semaphore(%run_scoped3A : memref<!tpu.dma_semaphore, #tpu.memory_space<semaphore_mem>>)
      %dma_wait3A_132 = tpu.memref_slice %arg4[%multiple_of3A_3, %mul3A_65] : memref<22528x128xf32, #tpu.memory_space<hbm>> -> memref<1408x32xf32, #tpu.memory_space<hbm>>
      %dma_wait3A_133 = arith.constant 0 : i32
      %dma_wait3A_134 = tpu.memref_slice %arg13[%multiple_of3A_3, %dma_wait3A_133] : memref<22528x32xf32, #tpu.memory_space<vmem_shared>> -> memref<1408x32xf32, #tpu.memory_space<vmem_shared>>
      tpu.wait_dma2 semaphore(%run_scoped3A : memref<!tpu.dma_semaphore, #tpu.memory_space<semaphore_mem>>) src(%dma_wait3A_134 : memref<1408x32xf32, #tpu.memory_space<vmem_shared>>) dst(%dma_wait3A_132 : memref<1408x32xf32, #tpu.memory_space<hbm>>)
      tpu.yield
    }) : () -> ()
    %mul3A_66 = arith.constant 2 : i32
    %mul3A_67 = arith.muli %mul3A_66, %arg0 : i32
    %add3A_68 = arith.constant 1 : i32
    %add3A_69 = arith.addi %mul3A_67, %add3A_68 : i32
    %add3A_70 = arith.constant 0 : i32
    %add3A_71 = arith.addi %multiple_of3A_3, %add3A_70 : i32
    "tpu.region"() ({
      %run_scoped3A = tpu.sem_alloc : memref<!tpu.dma_semaphore, #tpu.memory_space<semaphore_mem>>
      %dma_start3A_129 = arith.constant 0 : i32
      %dma_start3A_130 = tpu.memref_slice %arg13[%add3A_71, %dma_start3A_129] : memref<22528x32xf32, #tpu.memory_space<vmem_shared>> -> memref<176x32xf32, #tpu.memory_space<vmem_shared>>
      %dma_start3A_131 = arith.constant 0 : i32
      %dma_start3A_132 = tpu.memref_slice %arg13[%add3A_71, %dma_start3A_131] : memref<22528x32xf32, #tpu.memory_space<vmem_shared>> -> memref<176x32xf32, #tpu.memory_space<vmem_shared>>
      tpu.enqueue_dma source(%arg18 : memref<176x32xf32, #tpu.memory_space<vmem>>) target(%dma_start3A_132 : memref<176x32xf32, #tpu.memory_space<vmem_shared>>) target_semaphore(%run_scoped3A : memref<!tpu.dma_semaphore, #tpu.memory_space<semaphore_mem>>)
      %dma_wait3A_133 = arith.constant 0 : i32
      %dma_wait3A_134 = tpu.memref_slice %arg13[%add3A_71, %dma_wait3A_133] : memref<22528x32xf32, #tpu.memory_space<vmem_shared>> -> memref<176x32xf32, #tpu.memory_space<vmem_shared>>
      %dma_wait3A_135 = arith.constant 0 : i32
      %dma_wait3A_136 = tpu.memref_slice %arg13[%add3A_71, %dma_wait3A_135] : memref<22528x32xf32, #tpu.memory_space<vmem_shared>> -> memref<176x32xf32, #tpu.memory_space<vmem_shared>>
      tpu.wait_dma2 semaphore(%run_scoped3A : memref<!tpu.dma_semaphore, #tpu.memory_space<semaphore_mem>>) src(%arg18 : memref<176x32xf32, #tpu.memory_space<vmem>>) dst(%dma_wait3A_136 : memref<176x32xf32, #tpu.memory_space<vmem_shared>>)
      tpu.yield
    }) : () -> ()
    %add3A_72 = arith.constant 176 : i32
    %add3A_73 = arith.addi %multiple_of3A_3, %add3A_72 : i32
    "tpu.region"() ({
      %run_scoped3A = tpu.sem_alloc : memref<!tpu.dma_semaphore, #tpu.memory_space<semaphore_mem>>
      %dma_start3A_129 = arith.constant 0 : i32
      %dma_start3A_130 = tpu.memref_slice %arg13[%add3A_73, %dma_start3A_129] : memref<22528x32xf32, #tpu.memory_space<vmem_shared>> -> memref<176x32xf32, #tpu.memory_space<vmem_shared>>
      %dma_start3A_131 = arith.constant 0 : i32
      %dma_start3A_132 = tpu.memref_slice %arg13[%add3A_73, %dma_start3A_131] : memref<22528x32xf32, #tpu.memory_space<vmem_shared>> -> memref<176x32xf32, #tpu.memory_space<vmem_shared>>
      tpu.enqueue_dma source(%arg18 : memref<176x32xf32, #tpu.memory_space<vmem>>) target(%dma_start3A_132 : memref<176x32xf32, #tpu.memory_space<vmem_shared>>) target_semaphore(%run_scoped3A : memref<!tpu.dma_semaphore, #tpu.memory_space<semaphore_mem>>)
      %dma_wait3A_133 = arith.constant 0 : i32
      %dma_wait3A_134 = tpu.memref_slice %arg13[%add3A_73, %dma_wait3A_133] : memref<22528x32xf32, #tpu.memory_space<vmem_shared>> -> memref<176x32xf32, #tpu.memory_space<vmem_shared>>
      %dma_wait3A_135 = arith.constant 0 : i32
      %dma_wait3A_136 = tpu.memref_slice %arg13[%add3A_73, %dma_wait3A_135] : memref<22528x32xf32, #tpu.memory_space<vmem_shared>> -> memref<176x32xf32, #tpu.memory_space<vmem_shared>>
      tpu.wait_dma2 semaphore(%run_scoped3A : memref<!tpu.dma_semaphore, #tpu.memory_space<semaphore_mem>>) src(%arg18 : memref<176x32xf32, #tpu.memory_space<vmem>>) dst(%dma_wait3A_136 : memref<176x32xf32, #tpu.memory_space<vmem_shared>>)
      tpu.yield
    }) : () -> ()
    %add3A_74 = arith.constant 352 : i32
    %add3A_75 = arith.addi %multiple_of3A_3, %add3A_74 : i32
    "tpu.region"() ({
      %run_scoped3A = tpu.sem_alloc : memref<!tpu.dma_semaphore, #tpu.memory_space<semaphore_mem>>
      %dma_start3A_129 = arith.constant 0 : i32
      %dma_start3A_130 = tpu.memref_slice %arg13[%add3A_75, %dma_start3A_129] : memref<22528x32xf32, #tpu.memory_space<vmem_shared>> -> memref<176x32xf32, #tpu.memory_space<vmem_shared>>
      %dma_start3A_131 = arith.constant 0 : i32
      %dma_start3A_132 = tpu.memref_slice %arg13[%add3A_75, %dma_start3A_131] : memref<22528x32xf32, #tpu.memory_space<vmem_shared>> -> memref<176x32xf32, #tpu.memory_space<vmem_shared>>
      tpu.enqueue_dma source(%arg18 : memref<176x32xf32, #tpu.memory_space<vmem>>) target(%dma_start3A_132 : memref<176x32xf32, #tpu.memory_space<vmem_shared>>) target_semaphore(%run_scoped3A : memref<!tpu.dma_semaphore, #tpu.memory_space<semaphore_mem>>)
      %dma_wait3A_133 = arith.constant 0 : i32
      %dma_wait3A_134 = tpu.memref_slice %arg13[%add3A_75, %dma_wait3A_133] : memref<22528x32xf32, #tpu.memory_space<vmem_shared>> -> memref<176x32xf32, #tpu.memory_space<vmem_shared>>
      %dma_wait3A_135 = arith.constant 0 : i32
      %dma_wait3A_136 = tpu.memref_slice %arg13[%add3A_75, %dma_wait3A_135] : memref<22528x32xf32, #tpu.memory_space<vmem_shared>> -> memref<176x32xf32, #tpu.memory_space<vmem_shared>>
      tpu.wait_dma2 semaphore(%run_scoped3A : memref<!tpu.dma_semaphore, #tpu.memory_space<semaphore_mem>>) src(%arg18 : memref<176x32xf32, #tpu.memory_space<vmem>>) dst(%dma_wait3A_136 : memref<176x32xf32, #tpu.memory_space<vmem_shared>>)
      tpu.yield
    }) : () -> ()
    %add3A_76 = arith.constant 528 : i32
    %add3A_77 = arith.addi %multiple_of3A_3, %add3A_76 : i32
    "tpu.region"() ({
      %run_scoped3A = tpu.sem_alloc : memref<!tpu.dma_semaphore, #tpu.memory_space<semaphore_mem>>
      %dma_start3A_129 = arith.constant 0 : i32
      %dma_start3A_130 = tpu.memref_slice %arg13[%add3A_77, %dma_start3A_129] : memref<22528x32xf32, #tpu.memory_space<vmem_shared>> -> memref<176x32xf32, #tpu.memory_space<vmem_shared>>
      %dma_start3A_131 = arith.constant 0 : i32
      %dma_start3A_132 = tpu.memref_slice %arg13[%add3A_77, %dma_start3A_131] : memref<22528x32xf32, #tpu.memory_space<vmem_shared>> -> memref<176x32xf32, #tpu.memory_space<vmem_shared>>
      tpu.enqueue_dma source(%arg18 : memref<176x32xf32, #tpu.memory_space<vmem>>) target(%dma_start3A_132 : memref<176x32xf32, #tpu.memory_space<vmem_shared>>) target_semaphore(%run_scoped3A : memref<!tpu.dma_semaphore, #tpu.memory_space<semaphore_mem>>)
      %dma_wait3A_133 = arith.constant 0 : i32
      %dma_wait3A_134 = tpu.memref_slice %arg13[%add3A_77, %dma_wait3A_133] : memref<22528x32xf32, #tpu.memory_space<vmem_shared>> -> memref<176x32xf32, #tpu.memory_space<vmem_shared>>
      %dma_wait3A_135 = arith.constant 0 : i32
      %dma_wait3A_136 = tpu.memref_slice %arg13[%add3A_77, %dma_wait3A_135] : memref<22528x32xf32, #tpu.memory_space<vmem_shared>> -> memref<176x32xf32, #tpu.memory_space<vmem_shared>>
      tpu.wait_dma2 semaphore(%run_scoped3A : memref<!tpu.dma_semaphore, #tpu.memory_space<semaphore_mem>>) src(%arg18 : memref<176x32xf32, #tpu.memory_space<vmem>>) dst(%dma_wait3A_136 : memref<176x32xf32, #tpu.memory_space<vmem_shared>>)
      tpu.yield
    }) : () -> ()
    %add3A_78 = arith.constant 704 : i32
    %add3A_79 = arith.addi %multiple_of3A_3, %add3A_78 : i32
    "tpu.region"() ({
      %run_scoped3A = tpu.sem_alloc : memref<!tpu.dma_semaphore, #tpu.memory_space<semaphore_mem>>
      %dma_start3A_129 = arith.constant 0 : i32
      %dma_start3A_130 = tpu.memref_slice %arg13[%add3A_79, %dma_start3A_129] : memref<22528x32xf32, #tpu.memory_space<vmem_shared>> -> memref<176x32xf32, #tpu.memory_space<vmem_shared>>
      %dma_start3A_131 = arith.constant 0 : i32
      %dma_start3A_132 = tpu.memref_slice %arg13[%add3A_79, %dma_start3A_131] : memref<22528x32xf32, #tpu.memory_space<vmem_shared>> -> memref<176x32xf32, #tpu.memory_space<vmem_shared>>
      tpu.enqueue_dma source(%arg18 : memref<176x32xf32, #tpu.memory_space<vmem>>) target(%dma_start3A_132 : memref<176x32xf32, #tpu.memory_space<vmem_shared>>) target_semaphore(%run_scoped3A : memref<!tpu.dma_semaphore, #tpu.memory_space<semaphore_mem>>)
      %dma_wait3A_133 = arith.constant 0 : i32
      %dma_wait3A_134 = tpu.memref_slice %arg13[%add3A_79, %dma_wait3A_133] : memref<22528x32xf32, #tpu.memory_space<vmem_shared>> -> memref<176x32xf32, #tpu.memory_space<vmem_shared>>
      %dma_wait3A_135 = arith.constant 0 : i32
      %dma_wait3A_136 = tpu.memref_slice %arg13[%add3A_79, %dma_wait3A_135] : memref<22528x32xf32, #tpu.memory_space<vmem_shared>> -> memref<176x32xf32, #tpu.memory_space<vmem_shared>>
      tpu.wait_dma2 semaphore(%run_scoped3A : memref<!tpu.dma_semaphore, #tpu.memory_space<semaphore_mem>>) src(%arg18 : memref<176x32xf32, #tpu.memory_space<vmem>>) dst(%dma_wait3A_136 : memref<176x32xf32, #tpu.memory_space<vmem_shared>>)
      tpu.yield
    }) : () -> ()
    %add3A_80 = arith.constant 880 : i32
    %add3A_81 = arith.addi %multiple_of3A_3, %add3A_80 : i32
    "tpu.region"() ({
      %run_scoped3A = tpu.sem_alloc : memref<!tpu.dma_semaphore, #tpu.memory_space<semaphore_mem>>
      %dma_start3A_129 = arith.constant 0 : i32
      %dma_start3A_130 = tpu.memref_slice %arg13[%add3A_81, %dma_start3A_129] : memref<22528x32xf32, #tpu.memory_space<vmem_shared>> -> memref<176x32xf32, #tpu.memory_space<vmem_shared>>
      %dma_start3A_131 = arith.constant 0 : i32
      %dma_start3A_132 = tpu.memref_slice %arg13[%add3A_81, %dma_start3A_131] : memref<22528x32xf32, #tpu.memory_space<vmem_shared>> -> memref<176x32xf32, #tpu.memory_space<vmem_shared>>
      tpu.enqueue_dma source(%arg18 : memref<176x32xf32, #tpu.memory_space<vmem>>) target(%dma_start3A_132 : memref<176x32xf32, #tpu.memory_space<vmem_shared>>) target_semaphore(%run_scoped3A : memref<!tpu.dma_semaphore, #tpu.memory_space<semaphore_mem>>)
      %dma_wait3A_133 = arith.constant 0 : i32
      %dma_wait3A_134 = tpu.memref_slice %arg13[%add3A_81, %dma_wait3A_133] : memref<22528x32xf32, #tpu.memory_space<vmem_shared>> -> memref<176x32xf32, #tpu.memory_space<vmem_shared>>
      %dma_wait3A_135 = arith.constant 0 : i32
      %dma_wait3A_136 = tpu.memref_slice %arg13[%add3A_81, %dma_wait3A_135] : memref<22528x32xf32, #tpu.memory_space<vmem_shared>> -> memref<176x32xf32, #tpu.memory_space<vmem_shared>>
      tpu.wait_dma2 semaphore(%run_scoped3A : memref<!tpu.dma_semaphore, #tpu.memory_space<semaphore_mem>>) src(%arg18 : memref<176x32xf32, #tpu.memory_space<vmem>>) dst(%dma_wait3A_136 : memref<176x32xf32, #tpu.memory_space<vmem_shared>>)
      tpu.yield
    }) : () -> ()
    %add3A_82 = arith.constant 1056 : i32
    %add3A_83 = arith.addi %multiple_of3A_3, %add3A_82 : i32
    "tpu.region"() ({
      %run_scoped3A = tpu.sem_alloc : memref<!tpu.dma_semaphore, #tpu.memory_space<semaphore_mem>>
      %dma_start3A_129 = arith.constant 0 : i32
      %dma_start3A_130 = tpu.memref_slice %arg13[%add3A_83, %dma_start3A_129] : memref<22528x32xf32, #tpu.memory_space<vmem_shared>> -> memref<176x32xf32, #tpu.memory_space<vmem_shared>>
      %dma_start3A_131 = arith.constant 0 : i32
      %dma_start3A_132 = tpu.memref_slice %arg13[%add3A_83, %dma_start3A_131] : memref<22528x32xf32, #tpu.memory_space<vmem_shared>> -> memref<176x32xf32, #tpu.memory_space<vmem_shared>>
      tpu.enqueue_dma source(%arg18 : memref<176x32xf32, #tpu.memory_space<vmem>>) target(%dma_start3A_132 : memref<176x32xf32, #tpu.memory_space<vmem_shared>>) target_semaphore(%run_scoped3A : memref<!tpu.dma_semaphore, #tpu.memory_space<semaphore_mem>>)
      %dma_wait3A_133 = arith.constant 0 : i32
      %dma_wait3A_134 = tpu.memref_slice %arg13[%add3A_83, %dma_wait3A_133] : memref<22528x32xf32, #tpu.memory_space<vmem_shared>> -> memref<176x32xf32, #tpu.memory_space<vmem_shared>>
      %dma_wait3A_135 = arith.constant 0 : i32
      %dma_wait3A_136 = tpu.memref_slice %arg13[%add3A_83, %dma_wait3A_135] : memref<22528x32xf32, #tpu.memory_space<vmem_shared>> -> memref<176x32xf32, #tpu.memory_space<vmem_shared>>
      tpu.wait_dma2 semaphore(%run_scoped3A : memref<!tpu.dma_semaphore, #tpu.memory_space<semaphore_mem>>) src(%arg18 : memref<176x32xf32, #tpu.memory_space<vmem>>) dst(%dma_wait3A_136 : memref<176x32xf32, #tpu.memory_space<vmem_shared>>)
      tpu.yield
    }) : () -> ()
    %add3A_84 = arith.constant 1232 : i32
    %add3A_85 = arith.addi %multiple_of3A_3, %add3A_84 : i32
    "tpu.region"() ({
      %run_scoped3A = tpu.sem_alloc : memref<!tpu.dma_semaphore, #tpu.memory_space<semaphore_mem>>
      %dma_start3A_129 = arith.constant 0 : i32
      %dma_start3A_130 = tpu.memref_slice %arg13[%add3A_85, %dma_start3A_129] : memref<22528x32xf32, #tpu.memory_space<vmem_shared>> -> memref<176x32xf32, #tpu.memory_space<vmem_shared>>
      %dma_start3A_131 = arith.constant 0 : i32
      %dma_start3A_132 = tpu.memref_slice %arg13[%add3A_85, %dma_start3A_131] : memref<22528x32xf32, #tpu.memory_space<vmem_shared>> -> memref<176x32xf32, #tpu.memory_space<vmem_shared>>
      tpu.enqueue_dma source(%arg18 : memref<176x32xf32, #tpu.memory_space<vmem>>) target(%dma_start3A_132 : memref<176x32xf32, #tpu.memory_space<vmem_shared>>) target_semaphore(%run_scoped3A : memref<!tpu.dma_semaphore, #tpu.memory_space<semaphore_mem>>)
      %dma_wait3A_133 = arith.constant 0 : i32
      %dma_wait3A_134 = tpu.memref_slice %arg13[%add3A_85, %dma_wait3A_133] : memref<22528x32xf32, #tpu.memory_space<vmem_shared>> -> memref<176x32xf32, #tpu.memory_space<vmem_shared>>
      %dma_wait3A_135 = arith.constant 0 : i32
      %dma_wait3A_136 = tpu.memref_slice %arg13[%add3A_85, %dma_wait3A_135] : memref<22528x32xf32, #tpu.memory_space<vmem_shared>> -> memref<176x32xf32, #tpu.memory_space<vmem_shared>>
      tpu.wait_dma2 semaphore(%run_scoped3A : memref<!tpu.dma_semaphore, #tpu.memory_space<semaphore_mem>>) src(%arg18 : memref<176x32xf32, #tpu.memory_space<vmem>>) dst(%dma_wait3A_136 : memref<176x32xf32, #tpu.memory_space<vmem_shared>>)
      tpu.yield
    }) : () -> ()
    %barrier3A_86 = arith.constant 0 : index
    tpu.barrier barrier_id(%barrier3A_86)
    %broadcast_in_dim3A_87 = arith.constant 0 : i32
    %broadcast_in_dim3A_88 = vector.broadcast %broadcast_in_dim3A_87 : i32 to vector<16xi32>
    %mul3A_89 = arith.constant 22208 : i32
    %mul3A_90 = arith.muli %add3A_69, %mul3A_89 : i32
    %add3A_91 = vector.broadcast %mul3A_90 : i32 to vector<16xi32>
    %add3A_92 = arith.addi %broadcast_in_dim3A_88, %add3A_91 : vector<16xi32>
    %add3A_93 = arith.constant 0 : i32
    %add3A_94 = arith.addi %multiple_of3A, %add3A_93 : i32
    %multiple_of3A_95 = tpu.assume_multiple %add3A_94, 1024 : i32
    %dma_start3A_96 = tpu.memref_slice %arg3[%multiple_of3A_95] : memref<360448xf32, #tpu.memory_space<hbm>> -> memref<1024xf32, #tpu.memory_space<hbm>>
    %dma_start3A_97 = tpu.memref_slice %arg3[%multiple_of3A_95] : memref<360448xf32, #tpu.memory_space<hbm>> -> memref<1024xf32, #tpu.memory_space<hbm>>
    tpu.enqueue_dma source(%dma_start3A_97 : memref<1024xf32, #tpu.memory_space<hbm>>) target(%arg5 : memref<1024xf32, #tpu.memory_space<vmem>>) target_semaphore(%arg16 : memref<!tpu.dma_semaphore, #tpu.memory_space<semaphore_mem>>)
    %add3A_98 = arith.constant 1024 : i32
    %add3A_99 = arith.addi %multiple_of3A, %add3A_98 : i32
    %multiple_of3A_100 = tpu.assume_multiple %add3A_99, 1024 : i32
    %dma_start3A_101 = tpu.memref_slice %arg3[%multiple_of3A_100] : memref<360448xf32, #tpu.memory_space<hbm>> -> memref<1024xf32, #tpu.memory_space<hbm>>
    %dma_start3A_102 = tpu.memref_slice %arg3[%multiple_of3A_100] : memref<360448xf32, #tpu.memory_space<hbm>> -> memref<1024xf32, #tpu.memory_space<hbm>>
    tpu.enqueue_dma source(%dma_start3A_102 : memref<1024xf32, #tpu.memory_space<hbm>>) target(%arg6 : memref<1024xf32, #tpu.memory_space<vmem>>) target_semaphore(%arg17 : memref<!tpu.dma_semaphore, #tpu.memory_space<semaphore_mem>>)
    %add3A_103 = arith.constant 0 : i32
    %add3A_104 = arith.addi %multiple_of3A, %add3A_103 : i32
    %multiple_of3A_105 = tpu.assume_multiple %add3A_104, 1024 : i32
    %dma_wait3A_106 = tpu.memref_slice %arg3[%multiple_of3A_105] : memref<360448xf32, #tpu.memory_space<hbm>> -> memref<1024xf32, #tpu.memory_space<hbm>>
    %dma_wait3A_107 = tpu.memref_slice %arg3[%multiple_of3A_105] : memref<360448xf32, #tpu.memory_space<hbm>> -> memref<1024xf32, #tpu.memory_space<hbm>>
    tpu.wait_dma2 semaphore(%arg16 : memref<!tpu.dma_semaphore, #tpu.memory_space<semaphore_mem>>) src(%dma_wait3A_107 : memref<1024xf32, #tpu.memory_space<hbm>>) dst(%arg5 : memref<1024xf32, #tpu.memory_space<vmem>>)
    %scan3A_108 = arith.constant 0 : i32
    %scan3A_109 = arith.constant 64 : i32
    %scan3A_110 = arith.addi %scan3A_108, %scan3A_109 : i32
    %scan3A_111 = arith.constant 4 : i32
    scf.for %scan3A_129 = %scan3A_108 to %scan3A_110 step %scan3A_111  : i32 {
      %mul3A_130 = arith.constant 1 : i32
      %mul3A_131 = arith.muli %scan3A_129, %mul3A_130 : i32
      %add3A_132 = arith.constant 0 : i32
      %add3A_133 = arith.addi %add3A_132, %mul3A_131 : i32
      %mul3A_134 = arith.constant 16 : i32
      %mul3A_135 = arith.muli %add3A_133, %mul3A_134 : i32
      %get3A = arith.index_cast %mul3A_135 : i32 to index
      %get3A_136 = tpu.vector_load %arg5[%get3A] {strides = array<i32>} : memref<1024xf32, #tpu.memory_space<vmem>>, vector<16xf32>,
      %bitcast3A = vector.bitcast %get3A_136 : vector<16xf32> to vector<16xi32>
      %shift_right_arithmetic3A = arith.constant 15 : i32
      %shift_right_arithmetic3A_137 = vector.broadcast %shift_right_arithmetic3A : i32 to vector<16xi32>
      %shift_right_arithmetic3A_138 = arith.shrsi %bitcast3A, %shift_right_arithmetic3A_137 : vector<16xi32>
      %add3A_139 = arith.addi %shift_right_arithmetic3A_138, %add3A_92 : vector<16xi32>
      %swap3A = arith.index_cast %mul3A_135 : i32 to index
      %swap3A_140 = tpu.vector_load %arg7[%swap3A] {strides = array<i32>} : memref<1024xi32, #tpu.memory_space<vmem>>, vector<16xi32>,
      tpu.vector_store %arg7[%swap3A], %add3A_139 {strides = array<i32>} : memref<1024xi32, #tpu.memory_space<vmem>>, vector<16xi32>,
      %and3A = arith.constant 32767 : i32
      %and3A_141 = vector.broadcast %and3A : i32 to vector<16xi32>
      %and3A_142 = arith.andi %bitcast3A, %and3A_141 : vector<16xi32>
      %swap3A_143 = arith.index_cast %mul3A_135 : i32 to index
      %swap3A_144 = tpu.vector_load %arg9[%swap3A_143] {strides = array<i32>} : memref<1024xi32, #tpu.memory_space<vmem>>, vector<16xi32>,
      tpu.vector_store %arg9[%swap3A_143], %and3A_142 {strides = array<i32>} : memref<1024xi32, #tpu.memory_space<vmem>>, vector<16xi32>,
      %scan3A_145 = arith.constant 1 : i32
      %scan3A_146 = arith.addi %scan3A_129, %scan3A_145 : i32
      %mul3A_147 = arith.constant 1 : i32
      %mul3A_148 = arith.muli %scan3A_146, %mul3A_147 : i32
      %add3A_149 = arith.constant 0 : i32
      %add3A_150 = arith.addi %add3A_149, %mul3A_148 : i32
      %mul3A_151 = arith.constant 16 : i32
      %mul3A_152 = arith.muli %add3A_150, %mul3A_151 : i32
      %get3A_153 = arith.index_cast %mul3A_152 : i32 to index
      %get3A_154 = tpu.vector_load %arg5[%get3A_153] {strides = array<i32>} : memref<1024xf32, #tpu.memory_space<vmem>>, vector<16xf32>,
      %bitcast3A_155 = vector.bitcast %get3A_154 : vector<16xf32> to vector<16xi32>
      %shift_right_arithmetic3A_156 = arith.constant 15 : i32
      %shift_right_arithmetic3A_157 = vector.broadcast %shift_right_arithmetic3A_156 : i32 to vector<16xi32>
      %shift_right_arithmetic3A_158 = arith.shrsi %bitcast3A_155, %shift_right_arithmetic3A_157 : vector<16xi32>
      %add3A_159 = arith.addi %shift_right_arithmetic3A_158, %add3A_92 : vector<16xi32>
      %swap3A_160 = arith.index_cast %mul3A_152 : i32 to index
      %swap3A_161 = tpu.vector_load %arg7[%swap3A_160] {strides = array<i32>} : memref<1024xi32, #tpu.memory_space<vmem>>, vector<16xi32>,
      tpu.vector_store %arg7[%swap3A_160], %add3A_159 {strides = array<i32>} : memref<1024xi32, #tpu.memory_space<vmem>>, vector<16xi32>,
      %and3A_162 = arith.constant 32767 : i32
      %and3A_163 = vector.broadcast %and3A_162 : i32 to vector<16xi32>
      %and3A_164 = arith.andi %bitcast3A_155, %and3A_163 : vector<16xi32>
      %swap3A_165 = arith.index_cast %mul3A_152 : i32 to index
      %swap3A_166 = tpu.vector_load %arg9[%swap3A_165] {strides = array<i32>} : memref<1024xi32, #tpu.memory_space<vmem>>, vector<16xi32>,
      tpu.vector_store %arg9[%swap3A_165], %and3A_164 {strides = array<i32>} : memref<1024xi32, #tpu.memory_space<vmem>>, vector<16xi32>,
      %scan3A_167 = arith.constant 2 : i32
      %scan3A_168 = arith.addi %scan3A_129, %scan3A_167 : i32
      %mul3A_169 = arith.constant 1 : i32
      %mul3A_170 = arith.muli %scan3A_168, %mul3A_169 : i32
      %add3A_171 = arith.constant 0 : i32
      %add3A_172 = arith.addi %add3A_171, %mul3A_170 : i32
      %mul3A_173 = arith.constant 16 : i32
      %mul3A_174 = arith.muli %add3A_172, %mul3A_173 : i32
      %get3A_175 = arith.index_cast %mul3A_174 : i32 to index
      %get3A_176 = tpu.vector_load %arg5[%get3A_175] {strides = array<i32>} : memref<1024xf32, #tpu.memory_space<vmem>>, vector<16xf32>,
      %bitcast3A_177 = vector.bitcast %get3A_176 : vector<16xf32> to vector<16xi32>
      %shift_right_arithmetic3A_178 = arith.constant 15 : i32
      %shift_right_arithmetic3A_179 = vector.broadcast %shift_right_arithmetic3A_178 : i32 to vector<16xi32>
      %shift_right_arithmetic3A_180 = arith.shrsi %bitcast3A_177, %shift_right_arithmetic3A_179 : vector<16xi32>
      %add3A_181 = arith.addi %shift_right_arithmetic3A_180, %add3A_92 : vector<16xi32>
      %swap3A_182 = arith.index_cast %mul3A_174 : i32 to index
      %swap3A_183 = tpu.vector_load %arg7[%swap3A_182] {strides = array<i32>} : memref<1024xi32, #tpu.memory_space<vmem>>, vector<16xi32>,
      tpu.vector_store %arg7[%swap3A_182], %add3A_181 {strides = array<i32>} : memref<1024xi32, #tpu.memory_space<vmem>>, vector<16xi32>,
      %and3A_184 = arith.constant 32767 : i32
      %and3A_185 = vector.broadcast %and3A_184 : i32 to vector<16xi32>
      %and3A_186 = arith.andi %bitcast3A_177, %and3A_185 : vector<16xi32>
      %swap3A_187 = arith.index_cast %mul3A_174 : i32 to index
      %swap3A_188 = tpu.vector_load %arg9[%swap3A_187] {strides = array<i32>} : memref<1024xi32, #tpu.memory_space<vmem>>, vector<16xi32>,
      tpu.vector_store %arg9[%swap3A_187], %and3A_186 {strides = array<i32>} : memref<1024xi32, #tpu.memory_space<vmem>>, vector<16xi32>,
      %scan3A_189 = arith.constant 3 : i32
      %scan3A_190 = arith.addi %scan3A_129, %scan3A_189 : i32
      %mul3A_191 = arith.constant 1 : i32
      %mul3A_192 = arith.muli %scan3A_190, %mul3A_191 : i32
      %add3A_193 = arith.constant 0 : i32
      %add3A_194 = arith.addi %add3A_193, %mul3A_192 : i32
      %mul3A_195 = arith.constant 16 : i32
      %mul3A_196 = arith.muli %add3A_194, %mul3A_195 : i32
      %get3A_197 = arith.index_cast %mul3A_196 : i32 to index
      %get3A_198 = tpu.vector_load %arg5[%get3A_197] {strides = array<i32>} : memref<1024xf32, #tpu.memory_space<vmem>>, vector<16xf32>,
      %bitcast3A_199 = vector.bitcast %get3A_198 : vector<16xf32> to vector<16xi32>
      %shift_right_arithmetic3A_200 = arith.constant 15 : i32
      %shift_right_arithmetic3A_201 = vector.broadcast %shift_right_arithmetic3A_200 : i32 to vector<16xi32>
      %shift_right_arithmetic3A_202 = arith.shrsi %bitcast3A_199, %shift_right_arithmetic3A_201 : vector<16xi32>
      %add3A_203 = arith.addi %shift_right_arithmetic3A_202, %add3A_92 : vector<16xi32>
      %swap3A_204 = arith.index_cast %mul3A_196 : i32 to index
      %swap3A_205 = tpu.vector_load %arg7[%swap3A_204] {strides = array<i32>} : memref<1024xi32, #tpu.memory_space<vmem>>, vector<16xi32>,
      tpu.vector_store %arg7[%swap3A_204], %add3A_203 {strides = array<i32>} : memref<1024xi32, #tpu.memory_space<vmem>>, vector<16xi32>,
      %and3A_206 = arith.constant 32767 : i32
      %and3A_207 = vector.broadcast %and3A_206 : i32 to vector<16xi32>
      %and3A_208 = arith.andi %bitcast3A_199, %and3A_207 : vector<16xi32>
      %swap3A_209 = arith.index_cast %mul3A_196 : i32 to index
      %swap3A_210 = tpu.vector_load %arg9[%swap3A_209] {strides = array<i32>} : memref<1024xi32, #tpu.memory_space<vmem>>, vector<16xi32>,
      tpu.vector_store %arg9[%swap3A_209], %and3A_208 {strides = array<i32>} : memref<1024xi32, #tpu.memory_space<vmem>>, vector<16xi32>,
    }
    %scan3A_112 = arith.constant 64 : i32
    %add3A_113 = arith.constant 2048 : i32
    %add3A_114 = arith.addi %multiple_of3A, %add3A_113 : i32
    %multiple_of3A_115 = tpu.assume_multiple %add3A_114, 1024 : i32
    %dma_start3A_116 = tpu.memref_slice %arg3[%multiple_of3A_115] : memref<360448xf32, #tpu.memory_space<hbm>> -> memref<1024xf32, #tpu.memory_space<hbm>>
    %dma_start3A_117 = tpu.memref_slice %arg3[%multiple_of3A_115] : memref<360448xf32, #tpu.memory_space<hbm>> -> memref<1024xf32, #tpu.memory_space<hbm>>
    tpu.enqueue_dma source(%dma_start3A_117 : memref<1024xf32, #tpu.memory_space<hbm>>) target(%arg5 : memref<1024xf32, #tpu.memory_space<vmem>>) target_semaphore(%arg16 : memref<!tpu.dma_semaphore, #tpu.memory_space<semaphore_mem>>)
    %dma_start3A_118 = arith.constant 0 : i32
    %dma_start3A_119 = arith.constant 0 : i32
    %dma_start3A_120 = tpu.memref_slice %arg2[%dma_start3A_118, %dma_start3A_119] : memref<88832x32xf32, #tpu.memory_space<hbm>> -> memref<88832x32xf32, #tpu.memory_space<hbm>>
    tpu.enqueue_indirect_dma source(%dma_start3A_120 : memref<88832x32xf32, #tpu.memory_space<hbm>>) target(%arg11 : memref<1024x32xf32, #tpu.memory_space<vmem>>) offsets(%arg7 : memref<1024xi32, #tpu.memory_space<vmem>>) semaphore(%arg14 : memref<!tpu.dma_semaphore, #tpu.memory_space<semaphore_mem>>)
    %scan3A_121 = arith.constant 0 : i32
    %scan3A_122 = arith.constant 11 : i32
    %scan3A_123 = arith.addi %scan3A_121, %scan3A_122 : i32
    %scan3A_124 = arith.constant 1 : i32
    scf.for %scan3A_129 = %scan3A_121 to %scan3A_123 step %scan3A_124  : i32 {
      %mul3A_130 = arith.constant 1 : i32
      %mul3A_131 = arith.muli %scan3A_129, %mul3A_130 : i32
      %add3A_132 = arith.constant 0 : i32
      %add3A_133 = arith.addi %add3A_132, %mul3A_131 : i32
      %mul3A_134 = arith.constant 2 : i32
      %mul3A_135 = arith.muli %mul3A_134, %add3A_133 : i32
      %add3A_136 = arith.constant 1 : i32
      %add3A_137 = arith.addi %mul3A_135, %add3A_136 : i32
      %mul3A_138 = arith.constant 1024 : i32
      %mul3A_139 = arith.muli %add3A_137, %mul3A_138 : i32
      %add3A_140 = arith.addi %multiple_of3A, %mul3A_139 : i32
      %multiple_of3A_141 = tpu.assume_multiple %add3A_140, 1024 : i32
      %dma_wait3A_142 = tpu.memref_slice %arg3[%multiple_of3A_141] : memref<360448xf32, #tpu.memory_space<hbm>> -> memref<1024xf32, #tpu.memory_space<hbm>>
      %dma_wait3A_143 = tpu.memref_slice %arg3[%multiple_of3A_141] : memref<360448xf32, #tpu.memory_space<hbm>> -> memref<1024xf32, #tpu.memory_space<hbm>>
      tpu.wait_dma2 semaphore(%arg17 : memref<!tpu.dma_semaphore, #tpu.memory_space<semaphore_mem>>) src(%dma_wait3A_143 : memref<1024xf32, #tpu.memory_space<hbm>>) dst(%arg6 : memref<1024xf32, #tpu.memory_space<vmem>>)
      %scan3A_144 = arith.constant 0 : i32
      %scan3A_145 = arith.constant 64 : i32
      %scan3A_146 = arith.addi %scan3A_144, %scan3A_145 : i32
      %scan3A_147 = arith.constant 4 : i32
      scf.for %scan3A_167 = %scan3A_144 to %scan3A_146 step %scan3A_147  : i32 {
        %mul3A_168 = arith.constant 1 : i32
        %mul3A_169 = arith.muli %scan3A_167, %mul3A_168 : i32
        %add3A_170 = arith.constant 0 : i32
        %add3A_171 = arith.addi %add3A_170, %mul3A_169 : i32
        %mul3A_172 = arith.constant 16 : i32
        %mul3A_173 = arith.muli %add3A_171, %mul3A_172 : i32
        %get3A = arith.index_cast %mul3A_173 : i32 to index
        %get3A_174 = tpu.vector_load %arg6[%get3A] {strides = array<i32>} : memref<1024xf32, #tpu.memory_space<vmem>>, vector<16xf32>,
        %bitcast3A = vector.bitcast %get3A_174 : vector<16xf32> to vector<16xi32>
        %shift_right_arithmetic3A = arith.constant 15 : i32
        %shift_right_arithmetic3A_175 = vector.broadcast %shift_right_arithmetic3A : i32 to vector<16xi32>
        %shift_right_arithmetic3A_176 = arith.shrsi %bitcast3A, %shift_right_arithmetic3A_175 : vector<16xi32>
        %add3A_177 = arith.addi %shift_right_arithmetic3A_176, %add3A_92 : vector<16xi32>
        %swap3A = arith.index_cast %mul3A_173 : i32 to index
        %swap3A_178 = tpu.vector_load %arg8[%swap3A] {strides = array<i32>} : memref<1024xi32, #tpu.memory_space<vmem>>, vector<16xi32>,
        tpu.vector_store %arg8[%swap3A], %add3A_177 {strides = array<i32>} : memref<1024xi32, #tpu.memory_space<vmem>>, vector<16xi32>,
        %and3A = arith.constant 32767 : i32
        %and3A_179 = vector.broadcast %and3A : i32 to vector<16xi32>
        %and3A_180 = arith.andi %bitcast3A, %and3A_179 : vector<16xi32>
        %swap3A_181 = arith.index_cast %mul3A_173 : i32 to index
        %swap3A_182 = tpu.vector_load %arg10[%swap3A_181] {strides = array<i32>} : memref<1024xi32, #tpu.memory_space<vmem>>, vector<16xi32>,
        tpu.vector_store %arg10[%swap3A_181], %and3A_180 {strides = array<i32>} : memref<1024xi32, #tpu.memory_space<vmem>>, vector<16xi32>,
        %scan3A_183 = arith.constant 1 : i32
        %scan3A_184 = arith.addi %scan3A_167, %scan3A_183 : i32
        %mul3A_185 = arith.constant 1 : i32
        %mul3A_186 = arith.muli %scan3A_184, %mul3A_185 : i32
        %add3A_187 = arith.constant 0 : i32
        %add3A_188 = arith.addi %add3A_187, %mul3A_186 : i32
        %mul3A_189 = arith.constant 16 : i32
        %mul3A_190 = arith.muli %add3A_188, %mul3A_189 : i32
        %get3A_191 = arith.index_cast %mul3A_190 : i32 to index
        %get3A_192 = tpu.vector_load %arg6[%get3A_191] {strides = array<i32>} : memref<1024xf32, #tpu.memory_space<vmem>>, vector<16xf32>,
        %bitcast3A_193 = vector.bitcast %get3A_192 : vector<16xf32> to vector<16xi32>
        %shift_right_arithmetic3A_194 = arith.constant 15 : i32
        %shift_right_arithmetic3A_195 = vector.broadcast %shift_right_arithmetic3A_194 : i32 to vector<16xi32>
        %shift_right_arithmetic3A_196 = arith.shrsi %bitcast3A_193, %shift_right_arithmetic3A_195 : vector<16xi32>
        %add3A_197 = arith.addi %shift_right_arithmetic3A_196, %add3A_92 : vector<16xi32>
        %swap3A_198 = arith.index_cast %mul3A_190 : i32 to index
        %swap3A_199 = tpu.vector_load %arg8[%swap3A_198] {strides = array<i32>} : memref<1024xi32, #tpu.memory_space<vmem>>, vector<16xi32>,
        tpu.vector_store %arg8[%swap3A_198], %add3A_197 {strides = array<i32>} : memref<1024xi32, #tpu.memory_space<vmem>>, vector<16xi32>,
        %and3A_200 = arith.constant 32767 : i32
        %and3A_201 = vector.broadcast %and3A_200 : i32 to vector<16xi32>
        %and3A_202 = arith.andi %bitcast3A_193, %and3A_201 : vector<16xi32>
        %swap3A_203 = arith.index_cast %mul3A_190 : i32 to index
        %swap3A_204 = tpu.vector_load %arg10[%swap3A_203] {strides = array<i32>} : memref<1024xi32, #tpu.memory_space<vmem>>, vector<16xi32>,
        tpu.vector_store %arg10[%swap3A_203], %and3A_202 {strides = array<i32>} : memref<1024xi32, #tpu.memory_space<vmem>>, vector<16xi32>,
        %scan3A_205 = arith.constant 2 : i32
        %scan3A_206 = arith.addi %scan3A_167, %scan3A_205 : i32
        %mul3A_207 = arith.constant 1 : i32
        %mul3A_208 = arith.muli %scan3A_206, %mul3A_207 : i32
        %add3A_209 = arith.constant 0 : i32
        %add3A_210 = arith.addi %add3A_209, %mul3A_208 : i32
        %mul3A_211 = arith.constant 16 : i32
        %mul3A_212 = arith.muli %add3A_210, %mul3A_211 : i32
        %get3A_213 = arith.index_cast %mul3A_212 : i32 to index
        %get3A_214 = tpu.vector_load %arg6[%get3A_213] {strides = array<i32>} : memref<1024xf32, #tpu.memory_space<vmem>>, vector<16xf32>,
        %bitcast3A_215 = vector.bitcast %get3A_214 : vector<16xf32> to vector<16xi32>
        %shift_right_arithmetic3A_216 = arith.constant 15 : i32
        %shift_right_arithmetic3A_217 = vector.broadcast %shift_right_arithmetic3A_216 : i32 to vector<16xi32>
        %shift_right_arithmetic3A_218 = arith.shrsi %bitcast3A_215, %shift_right_arithmetic3A_217 : vector<16xi32>
        %add3A_219 = arith.addi %shift_right_arithmetic3A_218, %add3A_92 : vector<16xi32>
        %swap3A_220 = arith.index_cast %mul3A_212 : i32 to index
        %swap3A_221 = tpu.vector_load %arg8[%swap3A_220] {strides = array<i32>} : memref<1024xi32, #tpu.memory_space<vmem>>, vector<16xi32>,
        tpu.vector_store %arg8[%swap3A_220], %add3A_219 {strides = array<i32>} : memref<1024xi32, #tpu.memory_space<vmem>>, vector<16xi32>,
        %and3A_222 = arith.constant 32767 : i32
        %and3A_223 = vector.broadcast %and3A_222 : i32 to vector<16xi32>
        %and3A_224 = arith.andi %bitcast3A_215, %and3A_223 : vector<16xi32>
        %swap3A_225 = arith.index_cast %mul3A_212 : i32 to index
        %swap3A_226 = tpu.vector_load %arg10[%swap3A_225] {strides = array<i32>} : memref<1024xi32, #tpu.memory_space<vmem>>, vector<16xi32>,
        tpu.vector_store %arg10[%swap3A_225], %and3A_224 {strides = array<i32>} : memref<1024xi32, #tpu.memory_space<vmem>>, vector<16xi32>,
        %scan3A_227 = arith.constant 3 : i32
        %scan3A_228 = arith.addi %scan3A_167, %scan3A_227 : i32
        %mul3A_229 = arith.constant 1 : i32
        %mul3A_230 = arith.muli %scan3A_228, %mul3A_229 : i32
        %add3A_231 = arith.constant 0 : i32
        %add3A_232 = arith.addi %add3A_231, %mul3A_230 : i32
        %mul3A_233 = arith.constant 16 : i32
        %mul3A_234 = arith.muli %add3A_232, %mul3A_233 : i32
        %get3A_235 = arith.index_cast %mul3A_234 : i32 to index
        %get3A_236 = tpu.vector_load %arg6[%get3A_235] {strides = array<i32>} : memref<1024xf32, #tpu.memory_space<vmem>>, vector<16xf32>,
        %bitcast3A_237 = vector.bitcast %get3A_236 : vector<16xf32> to vector<16xi32>
        %shift_right_arithmetic3A_238 = arith.constant 15 : i32
        %shift_right_arithmetic3A_239 = vector.broadcast %shift_right_arithmetic3A_238 : i32 to vector<16xi32>
        %shift_right_arithmetic3A_240 = arith.shrsi %bitcast3A_237, %shift_right_arithmetic3A_239 : vector<16xi32>
        %add3A_241 = arith.addi %shift_right_arithmetic3A_240, %add3A_92 : vector<16xi32>
        %swap3A_242 = arith.index_cast %mul3A_234 : i32 to index
        %swap3A_243 = tpu.vector_load %arg8[%swap3A_242] {strides = array<i32>} : memref<1024xi32, #tpu.memory_space<vmem>>, vector<16xi32>,
        tpu.vector_store %arg8[%swap3A_242], %add3A_241 {strides = array<i32>} : memref<1024xi32, #tpu.memory_space<vmem>>, vector<16xi32>,
        %and3A_244 = arith.constant 32767 : i32
        %and3A_245 = vector.broadcast %and3A_244 : i32 to vector<16xi32>
        %and3A_246 = arith.andi %bitcast3A_237, %and3A_245 : vector<16xi32>
        %swap3A_247 = arith.index_cast %mul3A_234 : i32 to index
        %swap3A_248 = tpu.vector_load %arg10[%swap3A_247] {strides = array<i32>} : memref<1024xi32, #tpu.memory_space<vmem>>, vector<16xi32>,
        tpu.vector_store %arg10[%swap3A_247], %and3A_246 {strides = array<i32>} : memref<1024xi32, #tpu.memory_space<vmem>>, vector<16xi32>,
      }
      %scan3A_148 = arith.constant 64 : i32
      %add3A_149 = arith.constant 2 : i32
      %add3A_150 = arith.addi %add3A_137, %add3A_149 : i32
      %lt3A = arith.constant 22 : i32
      %lt3A_151 = arith.cmpi slt, %add3A_150, %lt3A : i32
      %convert_element_type3A = arith.extui %lt3A_151 : i1 to i32
      %cond3A = arith.constant 0 : i32
      %cond3A_152 = arith.cmpi ne, %convert_element_type3A, %cond3A : i32
      scf.if %cond3A_152 {
        %add3A_167 = arith.constant 2 : i32
        %add3A_168 = arith.addi %add3A_137, %add3A_167 : i32
        %mul3A_169 = arith.constant 1024 : i32
        %mul3A_170 = arith.muli %add3A_168, %mul3A_169 : i32
        %add3A_171 = arith.addi %multiple_of3A, %mul3A_170 : i32
        %multiple_of3A_172 = tpu.assume_multiple %add3A_171, 1024 : i32
        %dma_start3A_173 = tpu.memref_slice %arg3[%multiple_of3A_172] : memref<360448xf32, #tpu.memory_space<hbm>> -> memref<1024xf32, #tpu.memory_space<hbm>>
        %dma_start3A_174 = tpu.memref_slice %arg3[%multiple_of3A_172] : memref<360448xf32, #tpu.memory_space<hbm>> -> memref<1024xf32, #tpu.memory_space<hbm>>
        tpu.enqueue_dma source(%dma_start3A_174 : memref<1024xf32, #tpu.memory_space<hbm>>) target(%arg6 : memref<1024xf32, #tpu.memory_space<vmem>>) target_semaphore(%arg17 : memref<!tpu.dma_semaphore, #tpu.memory_space<semaphore_mem>>)
      } else {
      }
      %dma_start3A_153 = arith.constant 0 : i32
      %dma_start3A_154 = arith.constant 0 : i32
      %dma_start3A_155 = tpu.memref_slice %arg2[%dma_start3A_153, %dma_start3A_154] : memref<88832x32xf32, #tpu.memory_space<hbm>> -> memref<88832x32xf32, #tpu.memory_space<hbm>>
      tpu.enqueue_indirect_dma source(%dma_start3A_155 : memref<88832x32xf32, #tpu.memory_space<hbm>>) target(%arg12 : memref<1024x32xf32, #tpu.memory_space<vmem>>) offsets(%arg8 : memref<1024xi32, #tpu.memory_space<vmem>>) semaphore(%arg15 : memref<!tpu.dma_semaphore, #tpu.memory_space<semaphore_mem>>)
      %dma_wait3A_156 = arith.constant 0 : i32
      %dma_wait3A_157 = arith.constant 0 : i32
      %dma_wait3A_158 = tpu.memref_slice %arg2[%dma_wait3A_156, %dma_wait3A_157] : memref<88832x32xf32, #tpu.memory_space<hbm>> -> memref<88832x32xf32, #tpu.memory_space<hbm>>
      tpu.wait_indirect_dma semaphore(%arg14 : memref<!tpu.dma_semaphore, #tpu.memory_space<semaphore_mem>>) src(%dma_wait3A_158 : memref<88832x32xf32, #tpu.memory_space<hbm>>) dst(%arg11 : memref<1024x32xf32, #tpu.memory_space<vmem>>)
      "tpu.region"() ({
        %run_scoped3A = tpu.sem_alloc : memref<!tpu.dma_semaphore, #tpu.memory_space<semaphore_mem>>
        %dma_start3A_167 = arith.constant 0 : i32
        %dma_start3A_168 = arith.constant 0 : i32
        %dma_start3A_169 = tpu.memref_slice %arg13[%dma_start3A_167, %dma_start3A_168] : memref<22528x32xf32, #tpu.memory_space<vmem_shared>> -> memref<22528x32xf32, #tpu.memory_space<vmem_shared>>
        tpu.enqueue_indirect_dma source(%arg11 : memref<1024x32xf32, #tpu.memory_space<vmem>>) target(%dma_start3A_169 : memref<22528x32xf32, #tpu.memory_space<vmem_shared>>) offsets(%arg9 : memref<1024xi32, #tpu.memory_space<vmem>>) semaphore(%run_scoped3A : memref<!tpu.dma_semaphore, #tpu.memory_space<semaphore_mem>>) {add = true}
        %dma_wait3A_170 = arith.constant 0 : i32
        %dma_wait3A_171 = arith.constant 0 : i32
        %dma_wait3A_172 = tpu.memref_slice %arg13[%dma_wait3A_170, %dma_wait3A_171] : memref<22528x32xf32, #tpu.memory_space<vmem_shared>> -> memref<22528x32xf32, #tpu.memory_space<vmem_shared>>
        tpu.wait_indirect_dma semaphore(%run_scoped3A : memref<!tpu.dma_semaphore, #tpu.memory_space<semaphore_mem>>) src(%arg11 : memref<1024x32xf32, #tpu.memory_space<vmem>>) dst(%dma_wait3A_172 : memref<22528x32xf32, #tpu.memory_space<vmem_shared>>)
        tpu.yield
      }) : () -> ()
      %lt3A_159 = arith.constant 10 : i32
      %lt3A_160 = arith.cmpi slt, %add3A_133, %lt3A_159 : i32
      %convert_element_type3A_161 = arith.extui %lt3A_160 : i1 to i32
      %cond3A_162 = arith.constant 0 : i32
      %cond3A_163 = arith.cmpi ne, %convert_element_type3A_161, %cond3A_162 : i32
      scf.if %cond3A_163 {
        %mul3A_167 = arith.constant 2 : i32
        %mul3A_168 = arith.muli %mul3A_167, %add3A_133 : i32
        %add3A_169 = arith.constant 2 : i32
        %add3A_170 = arith.addi %mul3A_168, %add3A_169 : i32
        %mul3A_171 = arith.constant 1024 : i32
        %mul3A_172 = arith.muli %add3A_170, %mul3A_171 : i32
        %add3A_173 = arith.addi %multiple_of3A, %mul3A_172 : i32
        %multiple_of3A_174 = tpu.assume_multiple %add3A_173, 1024 : i32
        %dma_wait3A_175 = tpu.memref_slice %arg3[%multiple_of3A_174] : memref<360448xf32, #tpu.memory_space<hbm>> -> memref<1024xf32, #tpu.memory_space<hbm>>
        %dma_wait3A_176 = tpu.memref_slice %arg3[%multiple_of3A_174] : memref<360448xf32, #tpu.memory_space<hbm>> -> memref<1024xf32, #tpu.memory_space<hbm>>
        tpu.wait_dma2 semaphore(%arg16 : memref<!tpu.dma_semaphore, #tpu.memory_space<semaphore_mem>>) src(%dma_wait3A_176 : memref<1024xf32, #tpu.memory_space<hbm>>) dst(%arg5 : memref<1024xf32, #tpu.memory_space<vmem>>)
        %scan3A_177 = arith.constant 0 : i32
        %scan3A_178 = arith.constant 64 : i32
        %scan3A_179 = arith.addi %scan3A_177, %scan3A_178 : i32
        %scan3A_180 = arith.constant 4 : i32
        scf.for %scan3A_192 = %scan3A_177 to %scan3A_179 step %scan3A_180  : i32 {
          %mul3A_193 = arith.constant 1 : i32
          %mul3A_194 = arith.muli %scan3A_192, %mul3A_193 : i32
          %add3A_195 = arith.constant 0 : i32
          %add3A_196 = arith.addi %add3A_195, %mul3A_194 : i32
          %mul3A_197 = arith.constant 16 : i32
          %mul3A_198 = arith.muli %add3A_196, %mul3A_197 : i32
          %get3A = arith.index_cast %mul3A_198 : i32 to index
          %get3A_199 = tpu.vector_load %arg5[%get3A] {strides = array<i32>} : memref<1024xf32, #tpu.memory_space<vmem>>, vector<16xf32>,
          %bitcast3A = vector.bitcast %get3A_199 : vector<16xf32> to vector<16xi32>
          %shift_right_arithmetic3A = arith.constant 15 : i32
          %shift_right_arithmetic3A_200 = vector.broadcast %shift_right_arithmetic3A : i32 to vector<16xi32>
          %shift_right_arithmetic3A_201 = arith.shrsi %bitcast3A, %shift_right_arithmetic3A_200 : vector<16xi32>
          %add3A_202 = arith.addi %shift_right_arithmetic3A_201, %add3A_92 : vector<16xi32>
          %swap3A = arith.index_cast %mul3A_198 : i32 to index
          %swap3A_203 = tpu.vector_load %arg7[%swap3A] {strides = array<i32>} : memref<1024xi32, #tpu.memory_space<vmem>>, vector<16xi32>,
          tpu.vector_store %arg7[%swap3A], %add3A_202 {strides = array<i32>} : memref<1024xi32, #tpu.memory_space<vmem>>, vector<16xi32>,
          %and3A = arith.constant 32767 : i32
          %and3A_204 = vector.broadcast %and3A : i32 to vector<16xi32>
          %and3A_205 = arith.andi %bitcast3A, %and3A_204 : vector<16xi32>
          %swap3A_206 = arith.index_cast %mul3A_198 : i32 to index
          %swap3A_207 = tpu.vector_load %arg9[%swap3A_206] {strides = array<i32>} : memref<1024xi32, #tpu.memory_space<vmem>>, vector<16xi32>,
          tpu.vector_store %arg9[%swap3A_206], %and3A_205 {strides = array<i32>} : memref<1024xi32, #tpu.memory_space<vmem>>, vector<16xi32>,
          %scan3A_208 = arith.constant 1 : i32
          %scan3A_209 = arith.addi %scan3A_192, %scan3A_208 : i32
          %mul3A_210 = arith.constant 1 : i32
          %mul3A_211 = arith.muli %scan3A_209, %mul3A_210 : i32
          %add3A_212 = arith.constant 0 : i32
          %add3A_213 = arith.addi %add3A_212, %mul3A_211 : i32
          %mul3A_214 = arith.constant 16 : i32
          %mul3A_215 = arith.muli %add3A_213, %mul3A_214 : i32
          %get3A_216 = arith.index_cast %mul3A_215 : i32 to index
          %get3A_217 = tpu.vector_load %arg5[%get3A_216] {strides = array<i32>} : memref<1024xf32, #tpu.memory_space<vmem>>, vector<16xf32>,
          %bitcast3A_218 = vector.bitcast %get3A_217 : vector<16xf32> to vector<16xi32>
          %shift_right_arithmetic3A_219 = arith.constant 15 : i32
          %shift_right_arithmetic3A_220 = vector.broadcast %shift_right_arithmetic3A_219 : i32 to vector<16xi32>
          %shift_right_arithmetic3A_221 = arith.shrsi %bitcast3A_218, %shift_right_arithmetic3A_220 : vector<16xi32>
          %add3A_222 = arith.addi %shift_right_arithmetic3A_221, %add3A_92 : vector<16xi32>
          %swap3A_223 = arith.index_cast %mul3A_215 : i32 to index
          %swap3A_224 = tpu.vector_load %arg7[%swap3A_223] {strides = array<i32>} : memref<1024xi32, #tpu.memory_space<vmem>>, vector<16xi32>,
          tpu.vector_store %arg7[%swap3A_223], %add3A_222 {strides = array<i32>} : memref<1024xi32, #tpu.memory_space<vmem>>, vector<16xi32>,
          %and3A_225 = arith.constant 32767 : i32
          %and3A_226 = vector.broadcast %and3A_225 : i32 to vector<16xi32>
          %and3A_227 = arith.andi %bitcast3A_218, %and3A_226 : vector<16xi32>
          %swap3A_228 = arith.index_cast %mul3A_215 : i32 to index
          %swap3A_229 = tpu.vector_load %arg9[%swap3A_228] {strides = array<i32>} : memref<1024xi32, #tpu.memory_space<vmem>>, vector<16xi32>,
          tpu.vector_store %arg9[%swap3A_228], %and3A_227 {strides = array<i32>} : memref<1024xi32, #tpu.memory_space<vmem>>, vector<16xi32>,
          %scan3A_230 = arith.constant 2 : i32
          %scan3A_231 = arith.addi %scan3A_192, %scan3A_230 : i32
          %mul3A_232 = arith.constant 1 : i32
          %mul3A_233 = arith.muli %scan3A_231, %mul3A_232 : i32
          %add3A_234 = arith.constant 0 : i32
          %add3A_235 = arith.addi %add3A_234, %mul3A_233 : i32
          %mul3A_236 = arith.constant 16 : i32
          %mul3A_237 = arith.muli %add3A_235, %mul3A_236 : i32
          %get3A_238 = arith.index_cast %mul3A_237 : i32 to index
          %get3A_239 = tpu.vector_load %arg5[%get3A_238] {strides = array<i32>} : memref<1024xf32, #tpu.memory_space<vmem>>, vector<16xf32>,
          %bitcast3A_240 = vector.bitcast %get3A_239 : vector<16xf32> to vector<16xi32>
          %shift_right_arithmetic3A_241 = arith.constant 15 : i32
          %shift_right_arithmetic3A_242 = vector.broadcast %shift_right_arithmetic3A_241 : i32 to vector<16xi32>
          %shift_right_arithmetic3A_243 = arith.shrsi %bitcast3A_240, %shift_right_arithmetic3A_242 : vector<16xi32>
          %add3A_244 = arith.addi %shift_right_arithmetic3A_243, %add3A_92 : vector<16xi32>
          %swap3A_245 = arith.index_cast %mul3A_237 : i32 to index
          %swap3A_246 = tpu.vector_load %arg7[%swap3A_245] {strides = array<i32>} : memref<1024xi32, #tpu.memory_space<vmem>>, vector<16xi32>,
          tpu.vector_store %arg7[%swap3A_245], %add3A_244 {strides = array<i32>} : memref<1024xi32, #tpu.memory_space<vmem>>, vector<16xi32>,
          %and3A_247 = arith.constant 32767 : i32
          %and3A_248 = vector.broadcast %and3A_247 : i32 to vector<16xi32>
          %and3A_249 = arith.andi %bitcast3A_240, %and3A_248 : vector<16xi32>
          %swap3A_250 = arith.index_cast %mul3A_237 : i32 to index
          %swap3A_251 = tpu.vector_load %arg9[%swap3A_250] {strides = array<i32>} : memref<1024xi32, #tpu.memory_space<vmem>>, vector<16xi32>,
          tpu.vector_store %arg9[%swap3A_250], %and3A_249 {strides = array<i32>} : memref<1024xi32, #tpu.memory_space<vmem>>, vector<16xi32>,
          %scan3A_252 = arith.constant 3 : i32
          %scan3A_253 = arith.addi %scan3A_192, %scan3A_252 : i32
          %mul3A_254 = arith.constant 1 : i32
          %mul3A_255 = arith.muli %scan3A_253, %mul3A_254 : i32
          %add3A_256 = arith.constant 0 : i32
          %add3A_257 = arith.addi %add3A_256, %mul3A_255 : i32
          %mul3A_258 = arith.constant 16 : i32
          %mul3A_259 = arith.muli %add3A_257, %mul3A_258 : i32
          %get3A_260 = arith.index_cast %mul3A_259 : i32 to index
          %get3A_261 = tpu.vector_load %arg5[%get3A_260] {strides = array<i32>} : memref<1024xf32, #tpu.memory_space<vmem>>, vector<16xf32>,
          %bitcast3A_262 = vector.bitcast %get3A_261 : vector<16xf32> to vector<16xi32>
          %shift_right_arithmetic3A_263 = arith.constant 15 : i32
          %shift_right_arithmetic3A_264 = vector.broadcast %shift_right_arithmetic3A_263 : i32 to vector<16xi32>
          %shift_right_arithmetic3A_265 = arith.shrsi %bitcast3A_262, %shift_right_arithmetic3A_264 : vector<16xi32>
          %add3A_266 = arith.addi %shift_right_arithmetic3A_265, %add3A_92 : vector<16xi32>
          %swap3A_267 = arith.index_cast %mul3A_259 : i32 to index
          %swap3A_268 = tpu.vector_load %arg7[%swap3A_267] {strides = array<i32>} : memref<1024xi32, #tpu.memory_space<vmem>>, vector<16xi32>,
          tpu.vector_store %arg7[%swap3A_267], %add3A_266 {strides = array<i32>} : memref<1024xi32, #tpu.memory_space<vmem>>, vector<16xi32>,
          %and3A_269 = arith.constant 32767 : i32
          %and3A_270 = vector.broadcast %and3A_269 : i32 to vector<16xi32>
          %and3A_271 = arith.andi %bitcast3A_262, %and3A_270 : vector<16xi32>
          %swap3A_272 = arith.index_cast %mul3A_259 : i32 to index
          %swap3A_273 = tpu.vector_load %arg9[%swap3A_272] {strides = array<i32>} : memref<1024xi32, #tpu.memory_space<vmem>>, vector<16xi32>,
          tpu.vector_store %arg9[%swap3A_272], %and3A_271 {strides = array<i32>} : memref<1024xi32, #tpu.memory_space<vmem>>, vector<16xi32>,
        }
        %scan3A_181 = arith.constant 64 : i32
        %add3A_182 = arith.constant 2 : i32
        %add3A_183 = arith.addi %add3A_170, %add3A_182 : i32
        %lt3A_184 = arith.constant 22 : i32
        %lt3A_185 = arith.cmpi slt, %add3A_183, %lt3A_184 : i32
        %convert_element_type3A_186 = arith.extui %lt3A_185 : i1 to i32
        %cond3A_187 = arith.constant 0 : i32
        %cond3A_188 = arith.cmpi ne, %convert_element_type3A_186, %cond3A_187 : i32
        scf.if %cond3A_188 {
          %add3A_192 = arith.constant 2 : i32
          %add3A_193 = arith.addi %add3A_170, %add3A_192 : i32
          %mul3A_194 = arith.constant 1024 : i32
          %mul3A_195 = arith.muli %add3A_193, %mul3A_194 : i32
          %add3A_196 = arith.addi %multiple_of3A, %mul3A_195 : i32
          %multiple_of3A_197 = tpu.assume_multiple %add3A_196, 1024 : i32
          %dma_start3A_198 = tpu.memref_slice %arg3[%multiple_of3A_197] : memref<360448xf32, #tpu.memory_space<hbm>> -> memref<1024xf32, #tpu.memory_space<hbm>>
          %dma_start3A_199 = tpu.memref_slice %arg3[%multiple_of3A_197] : memref<360448xf32, #tpu.memory_space<hbm>> -> memref<1024xf32, #tpu.memory_space<hbm>>
          tpu.enqueue_dma source(%dma_start3A_199 : memref<1024xf32, #tpu.memory_space<hbm>>) target(%arg5 : memref<1024xf32, #tpu.memory_space<vmem>>) target_semaphore(%arg16 : memref<!tpu.dma_semaphore, #tpu.memory_space<semaphore_mem>>)
        } else {
        }
        %dma_start3A_189 = arith.constant 0 : i32
        %dma_start3A_190 = arith.constant 0 : i32
        %dma_start3A_191 = tpu.memref_slice %arg2[%dma_start3A_189, %dma_start3A_190] : memref<88832x32xf32, #tpu.memory_space<hbm>> -> memref<88832x32xf32, #tpu.memory_space<hbm>>
        tpu.enqueue_indirect_dma source(%dma_start3A_191 : memref<88832x32xf32, #tpu.memory_space<hbm>>) target(%arg11 : memref<1024x32xf32, #tpu.memory_space<vmem>>) offsets(%arg7 : memref<1024xi32, #tpu.memory_space<vmem>>) semaphore(%arg14 : memref<!tpu.dma_semaphore, #tpu.memory_space<semaphore_mem>>)
      } else {
      }
      %dma_wait3A_164 = arith.constant 0 : i32
      %dma_wait3A_165 = arith.constant 0 : i32
      %dma_wait3A_166 = tpu.memref_slice %arg2[%dma_wait3A_164, %dma_wait3A_165] : memref<88832x32xf32, #tpu.memory_space<hbm>> -> memref<88832x32xf32, #tpu.memory_space<hbm>>
      tpu.wait_indirect_dma semaphore(%arg15 : memref<!tpu.dma_semaphore, #tpu.memory_space<semaphore_mem>>) src(%dma_wait3A_166 : memref<88832x32xf32, #tpu.memory_space<hbm>>) dst(%arg12 : memref<1024x32xf32, #tpu.memory_space<vmem>>)
      "tpu.region"() ({
        %run_scoped3A = tpu.sem_alloc : memref<!tpu.dma_semaphore, #tpu.memory_space<semaphore_mem>>
        %dma_start3A_167 = arith.constant 0 : i32
        %dma_start3A_168 = arith.constant 0 : i32
        %dma_start3A_169 = tpu.memref_slice %arg13[%dma_start3A_167, %dma_start3A_168] : memref<22528x32xf32, #tpu.memory_space<vmem_shared>> -> memref<22528x32xf32, #tpu.memory_space<vmem_shared>>
        tpu.enqueue_indirect_dma source(%arg12 : memref<1024x32xf32, #tpu.memory_space<vmem>>) target(%dma_start3A_169 : memref<22528x32xf32, #tpu.memory_space<vmem_shared>>) offsets(%arg10 : memref<1024xi32, #tpu.memory_space<vmem>>) semaphore(%run_scoped3A : memref<!tpu.dma_semaphore, #tpu.memory_space<semaphore_mem>>) {add = true}
        %dma_wait3A_170 = arith.constant 0 : i32
        %dma_wait3A_171 = arith.constant 0 : i32
        %dma_wait3A_172 = tpu.memref_slice %arg13[%dma_wait3A_170, %dma_wait3A_171] : memref<22528x32xf32, #tpu.memory_space<vmem_shared>> -> memref<22528x32xf32, #tpu.memory_space<vmem_shared>>
        tpu.wait_indirect_dma semaphore(%run_scoped3A : memref<!tpu.dma_semaphore, #tpu.memory_space<semaphore_mem>>) src(%arg12 : memref<1024x32xf32, #tpu.memory_space<vmem>>) dst(%dma_wait3A_172 : memref<22528x32xf32, #tpu.memory_space<vmem_shared>>)
        tpu.yield
      }) : () -> ()
    }
    %scan3A_125 = arith.constant 11 : i32
    %barrier3A_126 = arith.constant 0 : index
    tpu.barrier barrier_id(%barrier3A_126)
    %mul3A_127 = arith.constant 32 : i32
    %mul3A_128 = arith.muli %add3A_69, %mul3A_127 : i32
    "tpu.region"() ({
      %run_scoped3A = tpu.sem_alloc : memref<!tpu.dma_semaphore, #tpu.memory_space<semaphore_mem>>
      %dma_start3A_129 = tpu.memref_slice %arg4[%multiple_of3A_3, %mul3A_128] : memref<22528x128xf32, #tpu.memory_space<hbm>> -> memref<1408x32xf32, #tpu.memory_space<hbm>>
      %dma_start3A_130 = arith.constant 0 : i32
      %dma_start3A_131 = tpu.memref_slice %arg13[%multiple_of3A_3, %dma_start3A_130] : memref<22528x32xf32, #tpu.memory_space<vmem_shared>> -> memref<1408x32xf32, #tpu.memory_space<vmem_shared>>
      tpu.enqueue_dma source(%dma_start3A_131 : memref<1408x32xf32, #tpu.memory_space<vmem_shared>>) target(%dma_start3A_129 : memref<1408x32xf32, #tpu.memory_space<hbm>>) target_semaphore(%run_scoped3A : memref<!tpu.dma_semaphore, #tpu.memory_space<semaphore_mem>>)
      %dma_wait3A_132 = tpu.memref_slice %arg4[%multiple_of3A_3, %mul3A_128] : memref<22528x128xf32, #tpu.memory_space<hbm>> -> memref<1408x32xf32, #tpu.memory_space<hbm>>
      %dma_wait3A_133 = arith.constant 0 : i32
      %dma_wait3A_134 = tpu.memref_slice %arg13[%multiple_of3A_3, %dma_wait3A_133] : memref<22528x32xf32, #tpu.memory_space<vmem_shared>> -> memref<1408x32xf32, #tpu.memory_space<vmem_shared>>
      tpu.wait_dma2 semaphore(%run_scoped3A : memref<!tpu.dma_semaphore, #tpu.memory_space<semaphore_mem>>) src(%dma_wait3A_134 : memref<1408x32xf32, #tpu.memory_space<vmem_shared>>) dst(%dma_wait3A_132 : memref<1408x32xf32, #tpu.memory_space<hbm>>)
      tpu.yield
    }) : () -> ()
    return
  }
}

module attributes {stable_mosaic.version = 14 : i64} {
  func.func @_sage_dense_body(%arg0: i32, %arg1: memref<2776x128xf32, #tpu.memory_space<vmem>>, %arg2: memref<2776x128xf32, #tpu.memory_space<vmem>>, %arg3: memref<2776x1xf32, #tpu.memory_space<vmem>>, %arg4: memref<128x128xf32, #tpu.memory_space<vmem>>, %arg5: memref<128x128xf32, #tpu.memory_space<vmem>>, %arg6: memref<1x128xf32, #tpu.memory_space<vmem>>, %arg7: memref<2776x128xf32, #tpu.memory_space<vmem>>, %arg8: memref<4x2776x32xf32, #tpu.memory_space<vmem>>) attributes {dimension_semantics = [#tpu.dimension_semantics<arbitrary>], iteration_bounds = array<i64: 8>, scalar_prefetch = 0 : i64, scratch_operands = 0 : i64, tpu.core_type = #tpu.core_type<tc>, window_params = [{transform_indices = @transform_0, window_bounds = array<i64: 2776, 128>}, {transform_indices = @transform_1, window_bounds = array<i64: 2776, 128>}, {transform_indices = @transform_2, window_bounds = array<i64: 2776, 1>}, {pipeline_mode = #tpu.pipeline_mode<synchronous>, transform_indices = @transform_3, window_bounds = array<i64: 128, 128>}, {pipeline_mode = #tpu.pipeline_mode<synchronous>, transform_indices = @transform_4, window_bounds = array<i64: 128, 128>}, {pipeline_mode = #tpu.pipeline_mode<synchronous>, transform_indices = @transform_5, window_bounds = array<i64: 1, 128>}, {transform_indices = @transform_6, window_bounds = array<i64: 2776, 128>}, {transform_indices = @transform_7, window_bounds = array<i64: 4, 2776, 32>}]} {
    %get3A = arith.constant 0 : index
    %get3A_0 = arith.constant 0 : index
    %get3A_1 = vector.load %arg3[%get3A, %get3A_0] : memref<2776x1xf32, #tpu.memory_space<vmem>>, vector<2776x1xf32>
    %max3A = arith.constant 1.000000e+00 : f32
    %max3A_2 = vector.broadcast %max3A : f32 to vector<2776x1xf32>
    %max3A_3 = arith.maximumf %get3A_1, %max3A_2 : vector<2776x1xf32>
    %div3A = arith.constant 1.000000e+00 : f32
    %div3A_4 = vector.broadcast %div3A : f32 to vector<2776x1xf32>
    %div3A_5 = arith.divf %div3A_4, %max3A_3 : vector<2776x1xf32>
    %get3A_6 = arith.constant 0 : index
    %get3A_7 = arith.constant 0 : index
    %get3A_8 = vector.load %arg1[%get3A_6, %get3A_7] : memref<2776x128xf32, #tpu.memory_space<vmem>>, vector<2776x128xf32>
    %get3A_9 = arith.constant 0 : index
    %get3A_10 = arith.constant 0 : index
    %get3A_11 = vector.load %arg4[%get3A_9, %get3A_10] : memref<128x128xf32, #tpu.memory_space<vmem>>, vector<128x128xf32>
    %dot_general3A = arith.constant dense<0.000000e+00> : vector<2776x128xf32>
    %dot_general3A_12 = tpu.matmul %get3A_8, %get3A_11, %dot_general3A {dimension_numbers = #tpu.dot_dimension_numbers<[1], [0], [0], [1], [0, 0, 1, 1], [], []>, transpose_lhs_hint = false} : vector<2776x128xf32>, vector<128x128xf32>, vector<2776x128xf32> -> vector<2776x128xf32>
    %get3A_13 = arith.constant 0 : index
    %get3A_14 = arith.constant 0 : index
    %get3A_15 = vector.load %arg2[%get3A_13, %get3A_14] : memref<2776x128xf32, #tpu.memory_space<vmem>>, vector<2776x128xf32>
    %mul3A = vector.broadcast %div3A_5 : vector<2776x1xf32> to vector<2776x128xf32>
    %mul3A_16 = arith.mulf %get3A_15, %mul3A : vector<2776x128xf32>
    %get3A_17 = arith.constant 0 : index
    %get3A_18 = arith.constant 0 : index
    %get3A_19 = vector.load %arg5[%get3A_17, %get3A_18] : memref<128x128xf32, #tpu.memory_space<vmem>>, vector<128x128xf32>
    %dot_general3A_20 = arith.constant dense<0.000000e+00> : vector<2776x128xf32>
    %dot_general3A_21 = tpu.matmul %mul3A_16, %get3A_19, %dot_general3A_20 {dimension_numbers = #tpu.dot_dimension_numbers<[1], [0], [0], [1], [0, 0, 1, 1], [], []>, transpose_lhs_hint = false} : vector<2776x128xf32>, vector<128x128xf32>, vector<2776x128xf32> -> vector<2776x128xf32>
    %add3A = arith.addf %dot_general3A_12, %dot_general3A_21 : vector<2776x128xf32>
    %get3A_22 = arith.constant 0 : index
    %get3A_23 = arith.constant 0 : index
    %get3A_24 = vector.load %arg6[%get3A_22, %get3A_23] : memref<1x128xf32, #tpu.memory_space<vmem>>, vector<1x128xf32>
    %add3A_25 = vector.broadcast %get3A_24 : vector<1x128xf32> to vector<2776x128xf32>
    %add3A_26 = arith.addf %add3A, %add3A_25 : vector<2776x128xf32>
    %integer_pow3A = arith.mulf %add3A_26, %add3A_26 : vector<2776x128xf32>
    %integer_pow3A_27 = arith.mulf %add3A_26, %integer_pow3A : vector<2776x128xf32>
    %mul3A_28 = arith.constant 4.471500e-02 : f32
    %mul3A_29 = vector.broadcast %mul3A_28 : f32 to vector<2776x128xf32>
    %mul3A_30 = arith.mulf %mul3A_29, %integer_pow3A_27 : vector<2776x128xf32>
    %add3A_31 = arith.addf %add3A_26, %mul3A_30 : vector<2776x128xf32>
    %mul3A_32 = arith.constant 0.797884583 : f32
    %mul3A_33 = vector.broadcast %mul3A_32 : f32 to vector<2776x128xf32>
    %mul3A_34 = arith.mulf %mul3A_33, %add3A_31 : vector<2776x128xf32>
    %tanh3A = math.tanh %mul3A_34 : vector<2776x128xf32>
    %add3A_35 = arith.constant 1.000000e+00 : f32
    %add3A_36 = vector.broadcast %add3A_35 : f32 to vector<2776x128xf32>
    %add3A_37 = arith.addf %add3A_36, %tanh3A : vector<2776x128xf32>
    %mul3A_38 = arith.constant 5.000000e-01 : f32
    %mul3A_39 = vector.broadcast %mul3A_38 : f32 to vector<2776x128xf32>
    %mul3A_40 = arith.mulf %mul3A_39, %add3A_37 : vector<2776x128xf32>
    %mul3A_41 = arith.mulf %add3A_26, %mul3A_40 : vector<2776x128xf32>
    %swap3A = arith.constant 0 : index
    %swap3A_42 = arith.constant 0 : index
    %swap3A_43 = vector.load %arg7[%swap3A, %swap3A_42] : memref<2776x128xf32, #tpu.memory_space<vmem>>, vector<2776x128xf32>
    tpu.vector_store %arg7[%swap3A, %swap3A_42], %mul3A_41 {strides = array<i32>} : memref<2776x128xf32, #tpu.memory_space<vmem>>, vector<2776x128xf32>,
    %slice3A = vector.extract_strided_slice %mul3A_41 {offsets = [0, 0], sizes = [2776, 32], strides = [1, 1]} : vector<2776x128xf32> to vector<2776x32xf32>
    %swap3A_44 = arith.constant 0 : index
    %swap3A_45 = arith.constant 0 : index
    %swap3A_46 = arith.constant 0 : index
    %swap3A_47 = vector.load %arg8[%swap3A_44, %swap3A_45, %swap3A_46] : memref<4x2776x32xf32, #tpu.memory_space<vmem>>, vector<1x2776x32xf32>
    %swap3A_48 = vector.shape_cast %swap3A_47 : vector<1x2776x32xf32> to vector<2776x32xf32>
    %swap3A_49 = vector.shape_cast %slice3A : vector<2776x32xf32> to vector<1x2776x32xf32>
    tpu.vector_store %arg8[%swap3A_44, %swap3A_45, %swap3A_46], %swap3A_49 {strides = array<i32>} : memref<4x2776x32xf32, #tpu.memory_space<vmem>>, vector<1x2776x32xf32>,
    %slice3A_50 = vector.extract_strided_slice %mul3A_41 {offsets = [0, 32], sizes = [2776, 32], strides = [1, 1]} : vector<2776x128xf32> to vector<2776x32xf32>
    %swap3A_51 = arith.constant 1 : index
    %swap3A_52 = arith.constant 0 : index
    %swap3A_53 = arith.constant 0 : index
    %swap3A_54 = vector.load %arg8[%swap3A_51, %swap3A_52, %swap3A_53] : memref<4x2776x32xf32, #tpu.memory_space<vmem>>, vector<1x2776x32xf32>
    %swap3A_55 = vector.shape_cast %swap3A_54 : vector<1x2776x32xf32> to vector<2776x32xf32>
    %swap3A_56 = vector.shape_cast %slice3A_50 : vector<2776x32xf32> to vector<1x2776x32xf32>
    tpu.vector_store %arg8[%swap3A_51, %swap3A_52, %swap3A_53], %swap3A_56 {strides = array<i32>} : memref<4x2776x32xf32, #tpu.memory_space<vmem>>, vector<1x2776x32xf32>,
    %slice3A_57 = vector.extract_strided_slice %mul3A_41 {offsets = [0, 64], sizes = [2776, 32], strides = [1, 1]} : vector<2776x128xf32> to vector<2776x32xf32>
    %swap3A_58 = arith.constant 2 : index
    %swap3A_59 = arith.constant 0 : index
    %swap3A_60 = arith.constant 0 : index
    %swap3A_61 = vector.load %arg8[%swap3A_58, %swap3A_59, %swap3A_60] : memref<4x2776x32xf32, #tpu.memory_space<vmem>>, vector<1x2776x32xf32>
    %swap3A_62 = vector.shape_cast %swap3A_61 : vector<1x2776x32xf32> to vector<2776x32xf32>
    %swap3A_63 = vector.shape_cast %slice3A_57 : vector<2776x32xf32> to vector<1x2776x32xf32>
    tpu.vector_store %arg8[%swap3A_58, %swap3A_59, %swap3A_60], %swap3A_63 {strides = array<i32>} : memref<4x2776x32xf32, #tpu.memory_space<vmem>>, vector<1x2776x32xf32>,
    %slice3A_64 = vector.extract_strided_slice %mul3A_41 {offsets = [0, 96], sizes = [2776, 32], strides = [1, 1]} : vector<2776x128xf32> to vector<2776x32xf32>
    %swap3A_65 = arith.constant 3 : index
    %swap3A_66 = arith.constant 0 : index
    %swap3A_67 = arith.constant 0 : index
    %swap3A_68 = vector.load %arg8[%swap3A_65, %swap3A_66, %swap3A_67] : memref<4x2776x32xf32, #tpu.memory_space<vmem>>, vector<1x2776x32xf32>
    %swap3A_69 = vector.shape_cast %swap3A_68 : vector<1x2776x32xf32> to vector<2776x32xf32>
    %swap3A_70 = vector.shape_cast %slice3A_64 : vector<2776x32xf32> to vector<1x2776x32xf32>
    tpu.vector_store %arg8[%swap3A_65, %swap3A_66, %swap3A_67], %swap3A_70 {strides = array<i32>} : memref<4x2776x32xf32, #tpu.memory_space<vmem>>, vector<1x2776x32xf32>,
    return
  }
  func.func @transform_0(%arg0: i32) -> (i32, i32) {
    %c0_i32 = arith.constant 0 : i32
    %c0_i32_0 = arith.constant 0 : i32
    return %arg0, %c0_i32 : i32, i32
  }
  func.func @transform_1(%arg0: i32) -> (i32, i32) {
    %c0_i32 = arith.constant 0 : i32
    %c0_i32_0 = arith.constant 0 : i32
    return %arg0, %c0_i32 : i32, i32
  }
  func.func @transform_2(%arg0: i32) -> (i32, i32) {
    %c0_i32 = arith.constant 0 : i32
    %c0_i32_0 = arith.constant 0 : i32
    return %arg0, %c0_i32 : i32, i32
  }
  func.func @transform_3(%arg0: i32) -> (i32, i32) {
    %c0_i32 = arith.constant 0 : i32
    %c0_i32_0 = arith.constant 0 : i32
    %c0_i32_1 = arith.constant 0 : i32
    return %c0_i32, %c0_i32_0 : i32, i32
  }
  func.func @transform_4(%arg0: i32) -> (i32, i32) {
    %c0_i32 = arith.constant 0 : i32
    %c0_i32_0 = arith.constant 0 : i32
    %c0_i32_1 = arith.constant 0 : i32
    return %c0_i32, %c0_i32_0 : i32, i32
  }
  func.func @transform_5(%arg0: i32) -> (i32, i32) {
    %c0_i32 = arith.constant 0 : i32
    %c0_i32_0 = arith.constant 0 : i32
    %c0_i32_1 = arith.constant 0 : i32
    return %c0_i32, %c0_i32_0 : i32, i32
  }
  func.func @transform_6(%arg0: i32) -> (i32, i32) {
    %c0_i32 = arith.constant 0 : i32
    %c0_i32_0 = arith.constant 0 : i32
    return %arg0, %c0_i32 : i32, i32
  }
  func.func @transform_7(%arg0: i32) -> (i32, i32, i32) {
    %c0_i32 = arith.constant 0 : i32
    %c0_i32_0 = arith.constant 0 : i32
    %c0_i32_1 = arith.constant 0 : i32
    return %c0_i32, %arg0, %c0_i32_0 : i32, i32, i32
  }
}

module attributes {stable_mosaic.version = 14 : i64} {
  func.func @_sage_pool_body(%arg0: i32, %arg1: memref<2776x128xf32, #tpu.memory_space<vmem>>, %arg2: memref<2776x128xf32, #tpu.memory_space<vmem>>, %arg3: memref<2776x1xf32, #tpu.memory_space<vmem>>, %arg4: memref<128x128xf32, #tpu.memory_space<vmem>>, %arg5: memref<128x128xf32, #tpu.memory_space<vmem>>, %arg6: memref<1x128xf32, #tpu.memory_space<vmem>>, %arg7: memref<347x16xf32, #tpu.memory_space<vmem>>, %arg8: memref<347x16xf32, #tpu.memory_space<vmem>>, %arg9: memref<128x128xf32, #tpu.memory_space<vmem>>, %arg10: memref<128x1xf32, #tpu.memory_space<vmem>>, %arg11: memref<128x1xf32, #tpu.memory_space<vmem>>, %arg12: memref<128x128xf32, #tpu.memory_space<vmem>>, %arg13: memref<128x1xf32, #tpu.memory_space<vmem>>, %arg14: memref<128x1xf32, #tpu.memory_space<vmem>>, %arg15: memref<347x16xf32, #tpu.memory_space<vmem>>) attributes {dimension_semantics = [#tpu.dimension_semantics<arbitrary>], iteration_bounds = array<i64: 8>, scalar_prefetch = 0 : i64, scratch_operands = 1 : i64, tpu.core_type = #tpu.core_type<tc>, window_params = [{transform_indices = @transform_0, window_bounds = array<i64: 2776, 128>}, {transform_indices = @transform_1, window_bounds = array<i64: 2776, 128>}, {transform_indices = @transform_2, window_bounds = array<i64: 2776, 1>}, {pipeline_mode = #tpu.pipeline_mode<synchronous>, transform_indices = @transform_3, window_bounds = array<i64: 128, 128>}, {pipeline_mode = #tpu.pipeline_mode<synchronous>, transform_indices = @transform_4, window_bounds = array<i64: 128, 128>}, {pipeline_mode = #tpu.pipeline_mode<synchronous>, transform_indices = @transform_5, window_bounds = array<i64: 1, 128>}, {pipeline_mode = #tpu.pipeline_mode<synchronous>, transform_indices = @transform_6, window_bounds = array<i64: 347, 16>}, {pipeline_mode = #tpu.pipeline_mode<synchronous>, transform_indices = @transform_7, window_bounds = array<i64: 347, 16>}, {pipeline_mode = #tpu.pipeline_mode<synchronous>, transform_indices = @transform_8, window_bounds = array<i64: 128, 128>}, {pipeline_mode = #tpu.pipeline_mode<synchronous>, transform_indices = @transform_9, window_bounds = array<i64: 128, 1>}, {pipeline_mode = #tpu.pipeline_mode<synchronous>, transform_indices = @transform_10, window_bounds = array<i64: 128, 1>}, {transform_indices = @transform_11, window_bounds = array<i64: 128, 128>}, {transform_indices = @transform_12, window_bounds = array<i64: 128, 1>}, {transform_indices = @transform_13, window_bounds = array<i64: 128, 1>}]} {
    %eq3A = arith.constant 0 : i32
    %eq3A_0 = arith.cmpi eq, %arg0, %eq3A : i32
    %convert_element_type3A = arith.extui %eq3A_0 : i1 to i32
    %cond3A = arith.constant 0 : i32
    %cond3A_1 = arith.cmpi ne, %convert_element_type3A, %cond3A : i32
    scf.if %cond3A_1 {
      %get3A_93 = arith.constant 0 : index
      %get3A_94 = arith.constant 0 : index
      %get3A_95 = vector.load %arg7[%get3A_93, %get3A_94] : memref<347x16xf32, #tpu.memory_space<vmem>>, vector<347x16xf32>
      %eq3A_96 = arith.constant 0.000000e+00 : f32
      %eq3A_97 = vector.broadcast %eq3A_96 : f32 to vector<347x16xf32>
      %eq3A_98 = arith.cmpf oeq, %get3A_95, %eq3A_97 : vector<347x16xf32>
      %get3A_99 = arith.constant 0 : index
      %get3A_100 = arith.constant 0 : index
      %get3A_101 = vector.load %arg8[%get3A_99, %get3A_100] : memref<347x16xf32, #tpu.memory_space<vmem>>, vector<347x16xf32>
      %jit3A = arith.constant -2.000000e+01 : f32
      %broadcast_in_dim3A = vector.broadcast %jit3A : f32 to vector<347x16xf32>
      %select_n3A = arith.select %eq3A_98, %broadcast_in_dim3A, %get3A_101 : vector<347x16xi1>, vector<347x16xf32>
      %reduce_max3A = arith.constant dense<0xFF800000> : vector<16xf32>
      %reduce_max3A_102 = vector.multi_reduction <maximumf>, %select_n3A, %reduce_max3A [0] : vector<347x16xf32> to vector<16xf32>
      %broadcast_in_dim3A_103 = vector.shape_cast %reduce_max3A_102 : vector<16xf32> to vector<1x16xf32>
      %sub3A = vector.broadcast %broadcast_in_dim3A_103 : vector<1x16xf32> to vector<347x16xf32>
      %sub3A_104 = arith.subf %select_n3A, %sub3A : vector<347x16xf32>
      %exp3A = math.exp %sub3A_104 : vector<347x16xf32>
      %reduce_sum3A = arith.constant dense<0.000000e+00> : vector<16xf32>
      %reduce_sum3A_105 = vector.multi_reduction <add>, %exp3A, %reduce_sum3A [0] : vector<347x16xf32> to vector<16xf32>
      %broadcast_in_dim3A_106 = vector.shape_cast %reduce_sum3A_105 : vector<16xf32> to vector<1x16xf32>
      %div3A_107 = vector.broadcast %broadcast_in_dim3A_106 : vector<1x16xf32> to vector<347x16xf32>
      %div3A_108 = arith.divf %exp3A, %div3A_107 : vector<347x16xf32>
      %swap3A_109 = arith.constant 0 : index
      %swap3A_110 = arith.constant 0 : index
      %swap3A_111 = vector.load %arg15[%swap3A_109, %swap3A_110] : memref<347x16xf32, #tpu.memory_space<vmem>>, vector<347x16xf32>
      tpu.vector_store %arg15[%swap3A_109, %swap3A_110], %div3A_108 {strides = array<i32>} : memref<347x16xf32, #tpu.memory_space<vmem>>, vector<347x16xf32>,
    } else {
    }
    %get3A = arith.constant 0 : index
    %get3A_2 = arith.constant 0 : index
    %get3A_3 = vector.load %arg3[%get3A, %get3A_2] : memref<2776x1xf32, #tpu.memory_space<vmem>>, vector<2776x1xf32>
    %max3A = arith.constant 1.000000e+00 : f32
    %max3A_4 = vector.broadcast %max3A : f32 to vector<2776x1xf32>
    %max3A_5 = arith.maximumf %get3A_3, %max3A_4 : vector<2776x1xf32>
    %div3A = arith.constant 1.000000e+00 : f32
    %div3A_6 = vector.broadcast %div3A : f32 to vector<2776x1xf32>
    %div3A_7 = arith.divf %div3A_6, %max3A_5 : vector<2776x1xf32>
    %get3A_8 = arith.constant 0 : index
    %get3A_9 = arith.constant 0 : index
    %get3A_10 = vector.load %arg1[%get3A_8, %get3A_9] : memref<2776x128xf32, #tpu.memory_space<vmem>>, vector<2776x128xf32>
    %get3A_11 = arith.constant 0 : index
    %get3A_12 = arith.constant 0 : index
    %get3A_13 = vector.load %arg4[%get3A_11, %get3A_12] : memref<128x128xf32, #tpu.memory_space<vmem>>, vector<128x128xf32>
    %dot_general3A = arith.constant dense<0.000000e+00> : vector<2776x128xf32>
    %dot_general3A_14 = tpu.matmul %get3A_10, %get3A_13, %dot_general3A {dimension_numbers = #tpu.dot_dimension_numbers<[1], [0], [0], [1], [0, 0, 1, 1], [], []>, transpose_lhs_hint = false} : vector<2776x128xf32>, vector<128x128xf32>, vector<2776x128xf32> -> vector<2776x128xf32>
    %get3A_15 = arith.constant 0 : index
    %get3A_16 = arith.constant 0 : index
    %get3A_17 = vector.load %arg2[%get3A_15, %get3A_16] : memref<2776x128xf32, #tpu.memory_space<vmem>>, vector<2776x128xf32>
    %mul3A = vector.broadcast %div3A_7 : vector<2776x1xf32> to vector<2776x128xf32>
    %mul3A_18 = arith.mulf %get3A_17, %mul3A : vector<2776x128xf32>
    %get3A_19 = arith.constant 0 : index
    %get3A_20 = arith.constant 0 : index
    %get3A_21 = vector.load %arg5[%get3A_19, %get3A_20] : memref<128x128xf32, #tpu.memory_space<vmem>>, vector<128x128xf32>
    %dot_general3A_22 = arith.constant dense<0.000000e+00> : vector<2776x128xf32>
    %dot_general3A_23 = tpu.matmul %mul3A_18, %get3A_21, %dot_general3A_22 {dimension_numbers = #tpu.dot_dimension_numbers<[1], [0], [0], [1], [0, 0, 1, 1], [], []>, transpose_lhs_hint = false} : vector<2776x128xf32>, vector<128x128xf32>, vector<2776x128xf32> -> vector<2776x128xf32>
    %add3A = arith.addf %dot_general3A_14, %dot_general3A_23 : vector<2776x128xf32>
    %get3A_24 = arith.constant 0 : index
    %get3A_25 = arith.constant 0 : index
    %get3A_26 = vector.load %arg6[%get3A_24, %get3A_25] : memref<1x128xf32, #tpu.memory_space<vmem>>, vector<1x128xf32>
    %add3A_27 = vector.broadcast %get3A_26 : vector<1x128xf32> to vector<2776x128xf32>
    %add3A_28 = arith.addf %add3A, %add3A_27 : vector<2776x128xf32>
    %integer_pow3A = arith.mulf %add3A_28, %add3A_28 : vector<2776x128xf32>
    %integer_pow3A_29 = arith.mulf %add3A_28, %integer_pow3A : vector<2776x128xf32>
    %mul3A_30 = arith.constant 4.471500e-02 : f32
    %mul3A_31 = vector.broadcast %mul3A_30 : f32 to vector<2776x128xf32>
    %mul3A_32 = arith.mulf %mul3A_31, %integer_pow3A_29 : vector<2776x128xf32>
    %add3A_33 = arith.addf %add3A_28, %mul3A_32 : vector<2776x128xf32>
    %mul3A_34 = arith.constant 0.797884583 : f32
    %mul3A_35 = vector.broadcast %mul3A_34 : f32 to vector<2776x128xf32>
    %mul3A_36 = arith.mulf %mul3A_35, %add3A_33 : vector<2776x128xf32>
    %tanh3A = math.tanh %mul3A_36 : vector<2776x128xf32>
    %add3A_37 = arith.constant 1.000000e+00 : f32
    %add3A_38 = vector.broadcast %add3A_37 : f32 to vector<2776x128xf32>
    %add3A_39 = arith.addf %add3A_38, %tanh3A : vector<2776x128xf32>
    %mul3A_40 = arith.constant 5.000000e-01 : f32
    %mul3A_41 = vector.broadcast %mul3A_40 : f32 to vector<2776x128xf32>
    %mul3A_42 = arith.mulf %mul3A_41, %add3A_39 : vector<2776x128xf32>
    %mul3A_43 = arith.mulf %add3A_28, %mul3A_42 : vector<2776x128xf32>
    %get3A_44 = arith.constant 0 : index
    %get3A_45 = arith.constant 0 : index
    %get3A_46 = vector.load %arg15[%get3A_44, %get3A_45] : memref<347x16xf32, #tpu.memory_space<vmem>>, vector<347x16xf32>
    %slice3A = vector.extract_strided_slice %mul3A_43 {offsets = [0, 0], sizes = [347, 128], strides = [1, 1]} : vector<2776x128xf32> to vector<347x128xf32>
    %dot_general3A_47 = arith.constant dense<0.000000e+00> : vector<16x128xf32>
    %dot_general3A_48 = tpu.matmul %get3A_46, %slice3A, %dot_general3A_47 {dimension_numbers = #tpu.dot_dimension_numbers<[0], [0], [1], [1], [0, 1, 1, 1], [], []>, transpose_lhs_hint = false} : vector<347x16xf32>, vector<347x128xf32>, vector<16x128xf32> -> vector<16x128xf32>
    %slice3A_49 = vector.extract_strided_slice %mul3A_43 {offsets = [347, 0], sizes = [347, 128], strides = [1, 1]} : vector<2776x128xf32> to vector<347x128xf32>
    %dot_general3A_50 = arith.constant dense<0.000000e+00> : vector<16x128xf32>
    %dot_general3A_51 = tpu.matmul %get3A_46, %slice3A_49, %dot_general3A_50 {dimension_numbers = #tpu.dot_dimension_numbers<[0], [0], [1], [1], [0, 1, 1, 1], [], []>, transpose_lhs_hint = false} : vector<347x16xf32>, vector<347x128xf32>, vector<16x128xf32> -> vector<16x128xf32>
    %slice3A_52 = vector.extract_strided_slice %mul3A_43 {offsets = [694, 0], sizes = [347, 128], strides = [1, 1]} : vector<2776x128xf32> to vector<347x128xf32>
    %dot_general3A_53 = arith.constant dense<0.000000e+00> : vector<16x128xf32>
    %dot_general3A_54 = tpu.matmul %get3A_46, %slice3A_52, %dot_general3A_53 {dimension_numbers = #tpu.dot_dimension_numbers<[0], [0], [1], [1], [0, 1, 1, 1], [], []>, transpose_lhs_hint = false} : vector<347x16xf32>, vector<347x128xf32>, vector<16x128xf32> -> vector<16x128xf32>
    %slice3A_55 = vector.extract_strided_slice %mul3A_43 {offsets = [1041, 0], sizes = [347, 128], strides = [1, 1]} : vector<2776x128xf32> to vector<347x128xf32>
    %dot_general3A_56 = arith.constant dense<0.000000e+00> : vector<16x128xf32>
    %dot_general3A_57 = tpu.matmul %get3A_46, %slice3A_55, %dot_general3A_56 {dimension_numbers = #tpu.dot_dimension_numbers<[0], [0], [1], [1], [0, 1, 1, 1], [], []>, transpose_lhs_hint = false} : vector<347x16xf32>, vector<347x128xf32>, vector<16x128xf32> -> vector<16x128xf32>
    %slice3A_58 = vector.extract_strided_slice %mul3A_43 {offsets = [1388, 0], sizes = [347, 128], strides = [1, 1]} : vector<2776x128xf32> to vector<347x128xf32>
    %dot_general3A_59 = arith.constant dense<0.000000e+00> : vector<16x128xf32>
    %dot_general3A_60 = tpu.matmul %get3A_46, %slice3A_58, %dot_general3A_59 {dimension_numbers = #tpu.dot_dimension_numbers<[0], [0], [1], [1], [0, 1, 1, 1], [], []>, transpose_lhs_hint = false} : vector<347x16xf32>, vector<347x128xf32>, vector<16x128xf32> -> vector<16x128xf32>
    %slice3A_61 = vector.extract_strided_slice %mul3A_43 {offsets = [1735, 0], sizes = [347, 128], strides = [1, 1]} : vector<2776x128xf32> to vector<347x128xf32>
    %dot_general3A_62 = arith.constant dense<0.000000e+00> : vector<16x128xf32>
    %dot_general3A_63 = tpu.matmul %get3A_46, %slice3A_61, %dot_general3A_62 {dimension_numbers = #tpu.dot_dimension_numbers<[0], [0], [1], [1], [0, 1, 1, 1], [], []>, transpose_lhs_hint = false} : vector<347x16xf32>, vector<347x128xf32>, vector<16x128xf32> -> vector<16x128xf32>
    %slice3A_64 = vector.extract_strided_slice %mul3A_43 {offsets = [2082, 0], sizes = [347, 128], strides = [1, 1]} : vector<2776x128xf32> to vector<347x128xf32>
    %dot_general3A_65 = arith.constant dense<0.000000e+00> : vector<16x128xf32>
    %dot_general3A_66 = tpu.matmul %get3A_46, %slice3A_64, %dot_general3A_65 {dimension_numbers = #tpu.dot_dimension_numbers<[0], [0], [1], [1], [0, 1, 1, 1], [], []>, transpose_lhs_hint = false} : vector<347x16xf32>, vector<347x128xf32>, vector<16x128xf32> -> vector<16x128xf32>
    %slice3A_67 = vector.extract_strided_slice %mul3A_43 {offsets = [2429, 0], sizes = [347, 128], strides = [1, 1]} : vector<2776x128xf32> to vector<347x128xf32>
    %dot_general3A_68 = arith.constant dense<0.000000e+00> : vector<16x128xf32>
    %dot_general3A_69 = tpu.matmul %get3A_46, %slice3A_67, %dot_general3A_68 {dimension_numbers = #tpu.dot_dimension_numbers<[0], [0], [1], [1], [0, 1, 1, 1], [], []>, transpose_lhs_hint = false} : vector<347x16xf32>, vector<347x128xf32>, vector<16x128xf32> -> vector<16x128xf32>
    %concatenate3A = tpu.concatenate %dot_general3A_48, %dot_general3A_51, %dot_general3A_54, %dot_general3A_57, %dot_general3A_60, %dot_general3A_63, %dot_general3A_66, %dot_general3A_69 in 0 : vector<16x128xf32>, vector<16x128xf32>, vector<16x128xf32>, vector<16x128xf32>, vector<16x128xf32>, vector<16x128xf32>, vector<16x128xf32>, vector<16x128xf32> -> vector<128x128xf32>
    %get3A_70 = arith.constant 0 : index
    %get3A_71 = arith.constant 0 : index
    %get3A_72 = vector.load %arg9[%get3A_70, %get3A_71] : memref<128x128xf32, #tpu.memory_space<vmem>>, vector<128x128xf32>
    %dot_general3A_73 = arith.constant dense<0.000000e+00> : vector<128x128xf32>
    %dot_general3A_74 = tpu.matmul %concatenate3A, %get3A_72, %dot_general3A_73 {dimension_numbers = #tpu.dot_dimension_numbers<[1], [0], [0], [1], [0, 0, 1, 1], [], []>, transpose_lhs_hint = false} : vector<128x128xf32>, vector<128x128xf32>, vector<128x128xf32> -> vector<128x128xf32>
    %get3A_75 = arith.constant 0 : index
    %get3A_76 = arith.constant 0 : index
    %get3A_77 = vector.load %arg10[%get3A_75, %get3A_76] : memref<128x1xf32, #tpu.memory_space<vmem>>, vector<128x1xf32>
    %dot_general3A_78 = arith.constant dense<0.000000e+00> : vector<128x1xf32>
    %dot_general3A_79 = tpu.matmul %dot_general3A_74, %get3A_77, %dot_general3A_78 {dimension_numbers = #tpu.dot_dimension_numbers<[1], [0], [0], [1], [0, 0, 1, 1], [], []>, transpose_lhs_hint = false} : vector<128x128xf32>, vector<128x1xf32>, vector<128x1xf32> -> vector<128x1xf32>
    %swap3A = arith.constant 0 : index
    %swap3A_80 = arith.constant 0 : index
    %swap3A_81 = vector.load %arg13[%swap3A, %swap3A_80] : memref<128x1xf32, #tpu.memory_space<vmem>>, vector<128x1xf32>
    tpu.vector_store %arg13[%swap3A, %swap3A_80], %dot_general3A_79 {strides = array<i32>} : memref<128x1xf32, #tpu.memory_space<vmem>>, vector<128x1xf32>,
    %get3A_82 = arith.constant 0 : index
    %get3A_83 = arith.constant 0 : index
    %get3A_84 = vector.load %arg11[%get3A_82, %get3A_83] : memref<128x1xf32, #tpu.memory_space<vmem>>, vector<128x1xf32>
    %dot_general3A_85 = arith.constant dense<0.000000e+00> : vector<128x1xf32>
    %dot_general3A_86 = tpu.matmul %dot_general3A_74, %get3A_84, %dot_general3A_85 {dimension_numbers = #tpu.dot_dimension_numbers<[1], [0], [0], [1], [0, 0, 1, 1], [], []>, transpose_lhs_hint = false} : vector<128x128xf32>, vector<128x1xf32>, vector<128x1xf32> -> vector<128x1xf32>
    %swap3A_87 = arith.constant 0 : index
    %swap3A_88 = arith.constant 0 : index
    %swap3A_89 = vector.load %arg14[%swap3A_87, %swap3A_88] : memref<128x1xf32, #tpu.memory_space<vmem>>, vector<128x1xf32>
    tpu.vector_store %arg14[%swap3A_87, %swap3A_88], %dot_general3A_86 {strides = array<i32>} : memref<128x1xf32, #tpu.memory_space<vmem>>, vector<128x1xf32>,
    %swap3A_90 = arith.constant 0 : index
    %swap3A_91 = arith.constant 0 : index
    %swap3A_92 = vector.load %arg12[%swap3A_90, %swap3A_91] : memref<128x128xf32, #tpu.memory_space<vmem>>, vector<128x128xf32>
    tpu.vector_store %arg12[%swap3A_90, %swap3A_91], %dot_general3A_74 {strides = array<i32>} : memref<128x128xf32, #tpu.memory_space<vmem>>, vector<128x128xf32>,
    return
  }
  func.func @transform_0(%arg0: i32) -> (i32, i32) {
    %c0_i32 = arith.constant 0 : i32
    %c0_i32_0 = arith.constant 0 : i32
    return %arg0, %c0_i32 : i32, i32
  }
  func.func @transform_1(%arg0: i32) -> (i32, i32) {
    %c0_i32 = arith.constant 0 : i32
    %c0_i32_0 = arith.constant 0 : i32
    return %arg0, %c0_i32 : i32, i32
  }
  func.func @transform_2(%arg0: i32) -> (i32, i32) {
    %c0_i32 = arith.constant 0 : i32
    %c0_i32_0 = arith.constant 0 : i32
    return %arg0, %c0_i32 : i32, i32
  }
  func.func @transform_3(%arg0: i32) -> (i32, i32) {
    %c0_i32 = arith.constant 0 : i32
    %c0_i32_0 = arith.constant 0 : i32
    %c0_i32_1 = arith.constant 0 : i32
    return %c0_i32, %c0_i32_0 : i32, i32
  }
  func.func @transform_4(%arg0: i32) -> (i32, i32) {
    %c0_i32 = arith.constant 0 : i32
    %c0_i32_0 = arith.constant 0 : i32
    %c0_i32_1 = arith.constant 0 : i32
    return %c0_i32, %c0_i32_0 : i32, i32
  }
  func.func @transform_5(%arg0: i32) -> (i32, i32) {
    %c0_i32 = arith.constant 0 : i32
    %c0_i32_0 = arith.constant 0 : i32
    %c0_i32_1 = arith.constant 0 : i32
    return %c0_i32, %c0_i32_0 : i32, i32
  }
  func.func @transform_6(%arg0: i32) -> (i32, i32) {
    %c0_i32 = arith.constant 0 : i32
    %c0_i32_0 = arith.constant 0 : i32
    %c0_i32_1 = arith.constant 0 : i32
    return %c0_i32, %c0_i32_0 : i32, i32
  }
  func.func @transform_7(%arg0: i32) -> (i32, i32) {
    %c0_i32 = arith.constant 0 : i32
    %c0_i32_0 = arith.constant 0 : i32
    %c0_i32_1 = arith.constant 0 : i32
    return %c0_i32, %c0_i32_0 : i32, i32
  }
  func.func @transform_8(%arg0: i32) -> (i32, i32) {
    %c0_i32 = arith.constant 0 : i32
    %c0_i32_0 = arith.constant 0 : i32
    %c0_i32_1 = arith.constant 0 : i32
    return %c0_i32, %c0_i32_0 : i32, i32
  }
  func.func @transform_9(%arg0: i32) -> (i32, i32) {
    %c0_i32 = arith.constant 0 : i32
    %c0_i32_0 = arith.constant 0 : i32
    %c0_i32_1 = arith.constant 0 : i32
    return %c0_i32, %c0_i32_0 : i32, i32
  }
  func.func @transform_10(%arg0: i32) -> (i32, i32) {
    %c0_i32 = arith.constant 0 : i32
    %c0_i32_0 = arith.constant 0 : i32
    %c0_i32_1 = arith.constant 0 : i32
    return %c0_i32, %c0_i32_0 : i32, i32
  }
  func.func @transform_11(%arg0: i32) -> (i32, i32) {
    %c0_i32 = arith.constant 0 : i32
    %c0_i32_0 = arith.constant 0 : i32
    return %arg0, %c0_i32 : i32, i32
  }
  func.func @transform_12(%arg0: i32) -> (i32, i32) {
    %c0_i32 = arith.constant 0 : i32
    %c0_i32_0 = arith.constant 0 : i32
    return %arg0, %c0_i32 : i32, i32
  }
  func.func @transform_13(%arg0: i32) -> (i32, i32) {
    %c0_i32 = arith.constant 0 : i32
    %c0_i32_0 = arith.constant 0 : i32
    return %arg0, %c0_i32 : i32, i32
  }
}

module attributes {stable_mosaic.version = 14 : i64} {
  func.func @_gat_mid_body(%arg0: memref<1024x128xf32, #tpu.memory_space<vmem>>, %arg1: memref<1x128xf32, #tpu.memory_space<vmem>>, %arg2: memref<128x128xf32, #tpu.memory_space<vmem>>, %arg3: memref<128x1xf32, #tpu.memory_space<vmem>>, %arg4: memref<128x1xf32, #tpu.memory_space<vmem>>, %arg5: memref<1024x128xf32, #tpu.memory_space<vmem>>, %arg6: memref<1024x1xf32, #tpu.memory_space<vmem>>, %arg7: memref<1024x1xf32, #tpu.memory_space<vmem>>) attributes {dimension_semantics = [], scalar_prefetch = 0 : i64, scratch_operands = 0 : i64, tpu.core_type = #tpu.core_type<tc>} {
    %get3A = arith.constant 0 : index
    %get3A_0 = arith.constant 0 : index
    %get3A_1 = vector.load %arg0[%get3A, %get3A_0] : memref<1024x128xf32, #tpu.memory_space<vmem>>, vector<1024x128xf32>
    %get3A_2 = arith.constant 0 : index
    %get3A_3 = arith.constant 0 : index
    %get3A_4 = vector.load %arg1[%get3A_2, %get3A_3] : memref<1x128xf32, #tpu.memory_space<vmem>>, vector<1x128xf32>
    %add3A = vector.broadcast %get3A_4 : vector<1x128xf32> to vector<1024x128xf32>
    %add3A_5 = arith.addf %get3A_1, %add3A : vector<1024x128xf32>
    %integer_pow3A = arith.mulf %add3A_5, %add3A_5 : vector<1024x128xf32>
    %integer_pow3A_6 = arith.mulf %add3A_5, %integer_pow3A : vector<1024x128xf32>
    %mul3A = arith.constant 4.471500e-02 : f32
    %mul3A_7 = vector.broadcast %mul3A : f32 to vector<1024x128xf32>
    %mul3A_8 = arith.mulf %mul3A_7, %integer_pow3A_6 : vector<1024x128xf32>
    %add3A_9 = arith.addf %add3A_5, %mul3A_8 : vector<1024x128xf32>
    %mul3A_10 = arith.constant 0.797884583 : f32
    %mul3A_11 = vector.broadcast %mul3A_10 : f32 to vector<1024x128xf32>
    %mul3A_12 = arith.mulf %mul3A_11, %add3A_9 : vector<1024x128xf32>
    %tanh3A = math.tanh %mul3A_12 : vector<1024x128xf32>
    %add3A_13 = arith.constant 1.000000e+00 : f32
    %add3A_14 = vector.broadcast %add3A_13 : f32 to vector<1024x128xf32>
    %add3A_15 = arith.addf %add3A_14, %tanh3A : vector<1024x128xf32>
    %mul3A_16 = arith.constant 5.000000e-01 : f32
    %mul3A_17 = vector.broadcast %mul3A_16 : f32 to vector<1024x128xf32>
    %mul3A_18 = arith.mulf %mul3A_17, %add3A_15 : vector<1024x128xf32>
    %mul3A_19 = arith.mulf %add3A_5, %mul3A_18 : vector<1024x128xf32>
    %get3A_20 = arith.constant 0 : index
    %get3A_21 = arith.constant 0 : index
    %get3A_22 = vector.load %arg2[%get3A_20, %get3A_21] : memref<128x128xf32, #tpu.memory_space<vmem>>, vector<128x128xf32>
    %dot_general3A = arith.constant dense<0.000000e+00> : vector<1024x128xf32>
    %dot_general3A_23 = tpu.matmul %mul3A_19, %get3A_22, %dot_general3A {dimension_numbers = #tpu.dot_dimension_numbers<[1], [0], [0], [1], [0, 0, 1, 1], [], []>, transpose_lhs_hint = false} : vector<1024x128xf32>, vector<128x128xf32>, vector<1024x128xf32> -> vector<1024x128xf32>
    %get3A_24 = arith.constant 0 : index
    %get3A_25 = arith.constant 0 : index
    %get3A_26 = vector.load %arg3[%get3A_24, %get3A_25] : memref<128x1xf32, #tpu.memory_space<vmem>>, vector<128x1xf32>
    %dot_general3A_27 = arith.constant dense<0.000000e+00> : vector<1024x1xf32>
    %dot_general3A_28 = tpu.matmul %dot_general3A_23, %get3A_26, %dot_general3A_27 {dimension_numbers = #tpu.dot_dimension_numbers<[1], [0], [0], [1], [0, 0, 1, 1], [], []>, transpose_lhs_hint = false} : vector<1024x128xf32>, vector<128x1xf32>, vector<1024x1xf32> -> vector<1024x1xf32>
    %swap3A = arith.constant 0 : index
    %swap3A_29 = arith.constant 0 : index
    %swap3A_30 = vector.load %arg6[%swap3A, %swap3A_29] : memref<1024x1xf32, #tpu.memory_space<vmem>>, vector<1024x1xf32>
    tpu.vector_store %arg6[%swap3A, %swap3A_29], %dot_general3A_28 {strides = array<i32>} : memref<1024x1xf32, #tpu.memory_space<vmem>>, vector<1024x1xf32>,
    %get3A_31 = arith.constant 0 : index
    %get3A_32 = arith.constant 0 : index
    %get3A_33 = vector.load %arg4[%get3A_31, %get3A_32] : memref<128x1xf32, #tpu.memory_space<vmem>>, vector<128x1xf32>
    %dot_general3A_34 = arith.constant dense<0.000000e+00> : vector<1024x1xf32>
    %dot_general3A_35 = tpu.matmul %dot_general3A_23, %get3A_33, %dot_general3A_34 {dimension_numbers = #tpu.dot_dimension_numbers<[1], [0], [0], [1], [0, 0, 1, 1], [], []>, transpose_lhs_hint = false} : vector<1024x128xf32>, vector<128x1xf32>, vector<1024x1xf32> -> vector<1024x1xf32>
    %swap3A_36 = arith.constant 0 : index
    %swap3A_37 = arith.constant 0 : index
    %swap3A_38 = vector.load %arg7[%swap3A_36, %swap3A_37] : memref<1024x1xf32, #tpu.memory_space<vmem>>, vector<1024x1xf32>
    tpu.vector_store %arg7[%swap3A_36, %swap3A_37], %dot_general3A_35 {strides = array<i32>} : memref<1024x1xf32, #tpu.memory_space<vmem>>, vector<1024x1xf32>,
    %swap3A_39 = arith.constant 0 : index
    %swap3A_40 = arith.constant 0 : index
    %swap3A_41 = vector.load %arg5[%swap3A_39, %swap3A_40] : memref<1024x128xf32, #tpu.memory_space<vmem>>, vector<1024x128xf32>
    tpu.vector_store %arg5[%swap3A_39, %swap3A_40], %dot_general3A_23 {strides = array<i32>} : memref<1024x128xf32, #tpu.memory_space<vmem>>, vector<1024x128xf32>,
    return
  }
}

module attributes {stable_mosaic.version = 14 : i64} {
  func.func @_head_body(%arg0: memref<1024x128xf32, #tpu.memory_space<vmem>>, %arg1: memref<1x128xf32, #tpu.memory_space<vmem>>, %arg2: memref<128x4xf32, #tpu.memory_space<vmem>>, %arg3: memref<1x4xf32, #tpu.memory_space<vmem>>, %arg4: memref<1024x4xf32, #tpu.memory_space<vmem>>, %arg5: memref<64x1024xf32, #tpu.memory_space<vmem>>, %arg6: memref<1x1xf32, #tpu.memory_space<vmem>>, %arg7: memref<64x4xf32, #tpu.memory_space<vmem>>) attributes {dimension_semantics = [], scalar_prefetch = 0 : i64, scratch_operands = 0 : i64, tpu.core_type = #tpu.core_type<tc>} {
    %get3A = arith.constant 0 : index
    %get3A_0 = arith.constant 0 : index
    %get3A_1 = vector.load %arg0[%get3A, %get3A_0] : memref<1024x128xf32, #tpu.memory_space<vmem>>, vector<1024x128xf32>
    %get3A_2 = arith.constant 0 : index
    %get3A_3 = arith.constant 0 : index
    %get3A_4 = vector.load %arg1[%get3A_2, %get3A_3] : memref<1x128xf32, #tpu.memory_space<vmem>>, vector<1x128xf32>
    %add3A = vector.broadcast %get3A_4 : vector<1x128xf32> to vector<1024x128xf32>
    %add3A_5 = arith.addf %get3A_1, %add3A : vector<1024x128xf32>
    %integer_pow3A = arith.mulf %add3A_5, %add3A_5 : vector<1024x128xf32>
    %integer_pow3A_6 = arith.mulf %add3A_5, %integer_pow3A : vector<1024x128xf32>
    %mul3A = arith.constant 4.471500e-02 : f32
    %mul3A_7 = vector.broadcast %mul3A : f32 to vector<1024x128xf32>
    %mul3A_8 = arith.mulf %mul3A_7, %integer_pow3A_6 : vector<1024x128xf32>
    %add3A_9 = arith.addf %add3A_5, %mul3A_8 : vector<1024x128xf32>
    %mul3A_10 = arith.constant 0.797884583 : f32
    %mul3A_11 = vector.broadcast %mul3A_10 : f32 to vector<1024x128xf32>
    %mul3A_12 = arith.mulf %mul3A_11, %add3A_9 : vector<1024x128xf32>
    %tanh3A = math.tanh %mul3A_12 : vector<1024x128xf32>
    %add3A_13 = arith.constant 1.000000e+00 : f32
    %add3A_14 = vector.broadcast %add3A_13 : f32 to vector<1024x128xf32>
    %add3A_15 = arith.addf %add3A_14, %tanh3A : vector<1024x128xf32>
    %mul3A_16 = arith.constant 5.000000e-01 : f32
    %mul3A_17 = vector.broadcast %mul3A_16 : f32 to vector<1024x128xf32>
    %mul3A_18 = arith.mulf %mul3A_17, %add3A_15 : vector<1024x128xf32>
    %mul3A_19 = arith.mulf %add3A_5, %mul3A_18 : vector<1024x128xf32>
    %get3A_20 = arith.constant 0 : index
    %get3A_21 = arith.constant 0 : index
    %get3A_22 = vector.load %arg2[%get3A_20, %get3A_21] : memref<128x4xf32, #tpu.memory_space<vmem>>, vector<128x4xf32>
    %dot_general3A = arith.constant dense<0.000000e+00> : vector<1024x4xf32>
    %dot_general3A_23 = tpu.matmul %mul3A_19, %get3A_22, %dot_general3A {dimension_numbers = #tpu.dot_dimension_numbers<[1], [0], [0], [1], [0, 0, 1, 1], [], []>, transpose_lhs_hint = false} : vector<1024x128xf32>, vector<128x4xf32>, vector<1024x4xf32> -> vector<1024x4xf32>
    %get3A_24 = arith.constant 0 : index
    %get3A_25 = arith.constant 0 : index
    %get3A_26 = vector.load %arg3[%get3A_24, %get3A_25] : memref<1x4xf32, #tpu.memory_space<vmem>>, vector<1x4xf32>
    %add3A_27 = vector.broadcast %get3A_26 : vector<1x4xf32> to vector<1024x4xf32>
    %add3A_28 = arith.addf %dot_general3A_23, %add3A_27 : vector<1024x4xf32>
    %get3A_29 = arith.constant 0 : index
    %get3A_30 = arith.constant 0 : index
    %get3A_31 = vector.load %arg4[%get3A_29, %get3A_30] : memref<1024x4xf32, #tpu.memory_space<vmem>>, vector<1024x4xf32>
    %mul3A_32 = arith.mulf %add3A_28, %get3A_31 : vector<1024x4xf32>
    %get3A_33 = arith.constant 0 : index
    %get3A_34 = arith.constant 0 : index
    %get3A_35 = vector.load %arg5[%get3A_33, %get3A_34] : memref<64x1024xf32, #tpu.memory_space<vmem>>, vector<64x1024xf32>
    %dot_general3A_36 = arith.constant dense<0.000000e+00> : vector<64x4xf32>
    %dot_general3A_37 = tpu.matmul %get3A_35, %mul3A_32, %dot_general3A_36 {dimension_numbers = #tpu.dot_dimension_numbers<[1], [0], [0], [1], [0, 0, 1, 1], [], []>, transpose_lhs_hint = false} : vector<64x1024xf32>, vector<1024x4xf32>, vector<64x4xf32> -> vector<64x4xf32>
    %get3A_38 = arith.constant 0 : index
    %get3A_39 = arith.constant 0 : index
    %get3A_40 = vector.load %arg6[%get3A_38, %get3A_39] : memref<1x1xf32, #tpu.memory_space<vmem>>, vector<1x1xf32>
    %get3A_41 = vector.extract %get3A_40[0, 0] : f32 from vector<1x1xf32>
    %add3A_42 = vector.broadcast %get3A_41 : f32 to vector<64x4xf32>
    %add3A_43 = arith.addf %dot_general3A_37, %add3A_42 : vector<64x4xf32>
    %swap3A = arith.constant 0 : index
    %swap3A_44 = arith.constant 0 : index
    %swap3A_45 = vector.load %arg7[%swap3A, %swap3A_44] : memref<64x4xf32, #tpu.memory_space<vmem>>, vector<64x4xf32>
    tpu.vector_store %arg7[%swap3A, %swap3A_44], %add3A_43 {strides = array<i32>} : memref<64x4xf32, #tpu.memory_space<vmem>>, vector<64x4xf32>,
    return
  }
}

</mosaic_0001>

<sc_bundles>
// kernel: kernel.10.cloned.1.call-start
scs
__scs_entry_jumppad:
0x0: {  	(pc) =	sbr.rel $0x88, $3  }
0x1: {  	(tag) =	ssettag $0x0;
	lr =	simm.s32 $0x1  }
0x2: {  	[smem:$0x3F8A] =	sst lr;
	_ =	strace $0xD0000000  }
0x3: {  	_ = 	snop  }
0x4: {  	_ = 	snop  }
0x5: {  	_ = 	snop  }
0x6: {  	_ = 	snop  }
0x7: {  	_ = 	snop  }
__scs_overlays_trampoline_lowered:
0x8: {  	[smem:$0x3F99] =	sst s0  }
0x9: {  	[smem:$0x3F9A] =	sst s1  }
0xa: {  	[smem:$0x3F9B] =	sst s2  }
0xb: {  	[smem:$0x3F9C] =	sst s3  }
0xc: {  	[smem:$0x3F9D] =	sst s4  }
0xd: {  	[smem:$0x3F9E] =	sst s5  }
0xe: {  	[smem:$0x3F9F] =	sst s6  }
0xf: {  	[smem:$0x3FA0] =	sst s7  }
0x10: {  	[smem:$0x3FA1] =	sst s8  }
0x11: {  	[smem:$0x3FA2] =	sst s9;
	s0 =	simm.s32 @!p0 $0x0  }
0x12: {  	s1 =	sld [smem:$0x3F88];
	s0 =	simm.s32 @p0 $0x1  }
0x13: {  	[smem:$0x3FA3] =	sst s0;
	s0 =	simm.s32 @!p1 $0x0  }
0x14: {  	s2 =	sld [smem:$0x3F87];
	s0 =	simm.s32 @p1 $0x1  }
0x15: {  	[smem:$0x3FA4] =	sst s0;
	s0 =	simm.s32 @!p2 $0x0  }
0x16: {  	s3 =	sld [smem:$0x3FDB];
	s0 =	simm.s32 @p2 $0x1  }
0x17: {  	s4 =	simm.s32 $0x1BF5;
	[smem:$0x3FA6] =	sst s0  }
0x18: {  	s0 =	sld [smem:$0x3F89];
	_ =	swait.ge [sflag:s4], $0x0  }
0x19: {  	s7 =	sld [smem:$0x3F8A]  }
0x1a: {  	s8 =	sadd.s32 $0xFFFFE003, lr  }
0x1b: {  	s9 =	sadd.s32 $0xFFFFFEF7, lr;
	s5 =	simm.s32 $0xFFFFFFFF;
	p2 =	slt.u32 s8, $0xFFFFF086  }
0x1c: {  	p1 =	slt.u32 s9, $0xF7A;
	s5 =	simm.s32 @!p2 $0x0  }
0x1d: {  	s5 =	simm.s32 @p1 $0x1;
	p0 =	seq.s32 s7, s2  }
0x1e: {  	s7 =	smul.u32 @!p0 $0xF7A, s2;
	p2 =	seq.s32 @!p0 s5, $0x0  }
0x1f: {  	s9 =	smul.u32 $0xF7A, s1;
	s8 =	simm.s32 @!p0 $0x1BF5;
	p2 =	por !p2, p0  }
0x20: {  	[sflag:s8] =	ssyncset.s32 @!p0 $0xFFFFF086;
	s6 =	sadd.s32 @!p0 s3, s7;
	s7 =	simm.s32 @!p0 $0x108  }
0x21: {  	s3 =	sadd.s32 s3, s9;
	s6 =	sadd.s32 @!p0 $0x88, s6;
	s7 =	simm.s32 @p2 $0x1082  }
0x22: {  	[simem:s7], [sflag:s8] =	dma.local @!p0 [hbm:s6], $0xF7A  }
0x23: {  	s9 =	sor.u32 $0xD0000000, s2;
	s6 =	simm.s32 $0x108;
	_ =	swait.ge @!p0 [sflag:s8], $0x0  }
0x24: {  	s3 =	sadd.s32 $0x88, s3;
	s6 =	simm.s32 @!p1 $0x1082;
	[sflag:s4] =	ssyncset.s32 $0xFFFFF086  }
0x25: {  	[simem:s6], [sflag:s4] =	dma.local [hbm:s3], $0xF7A  }
0x26: {  	[smem:$0x3F8A] =	sst s1;
	(tag) =	ssettag s2;
	_ =	strace s9  }
0x27: {  	s1 =	sld [smem:$0x3F9A]  }
0x28: {  	s2 =	sld [smem:$0x3F9B]  }
0x29: {  	s4 =	sld [smem:$0x3F9D]  }
0x2a: {  	p0 =	seq.s32 s5, $0x0;
	s5 =	sld [smem:$0x3F9E]  }
0x2b: {  	s6 =	sld [smem:$0x3F9F]  }
0x2c: {  	s7 =	sld [smem:$0x3FA0]  }
0x2d: {  	s3 =	simm.s32 $0x108;
	s8 =	sld [smem:$0x3FA1]  }
0x2e: {  	s3 =	simm.s32 @!p0 $0x1082;
	s9 =	sld [smem:$0x3FA2]  }
0x2f: {  	lr =	sadd.s32 s0, s3;
	s0 =	sld [smem:$0x3F99]  }
0x30: {  	s3 =	sld [smem:$0x3F9C]  }
0x31: {  	[smem:$0x3FA5] =	sst s10  }
0x32: {  	s10 =	sld [smem:$0x3FA3];
	_ =	sdelay $0x3  }
0x33: {  	p0 =	seq.s32 s10, $0x1;
	s10 =	sld [smem:$0x3FA5];
	_ =	sdelay $0x3  }
0x34: {  	[smem:$0x3FA5] =	sst s10  }
0x35: {  	s10 =	sld [smem:$0x3FA4];
	_ =	sdelay $0x3  }
0x36: {  	p1 =	seq.s32 s10, $0x1;
	s10 =	sld [smem:$0x3FA5];
	_ =	sdelay $0x3  }
0x37: {  	[smem:$0x3FA5] =	sst s10  }
0x38: {  	s10 =	sld [smem:$0x3FA6]  }
0x39: {  	_ = 	snop;
	(pc) =	sbr.ind lr, $3  }
0x3a: {  	_ = 	snop  }
0x3b: {  	_ = 	snop  }
0x3c: {  	p2 =	seq.s32 s10, $0x1;
	s10 =	sld [smem:$0x3FA5]  }
0x3d: {  	_ =	shalt  }
0x3e: {  	_ =	shalt  }
0x3f: {  	_ =	shalt  }
0x40: {  	_ =	shalt  }
0x41: {  	_ =	shalt  }
0x42: {  	_ =	shalt  }
0x43: {  	_ =	shalt  }
0x44: {  	_ =	shalt  }
0x45: {  	_ =	shalt  }
0x46: {  	_ =	shalt  }
0x47: {  	_ =	shalt  }
0x48: {  	_ =	shalt  }
0x49: {  	_ =	shalt  }
0x4a: {  	_ =	shalt  }
0x4b: {  	_ =	shalt  }
0x4c: {  	_ =	shalt  }
0x4d: {  	_ =	shalt  }
0x4e: {  	_ =	shalt  }
0x4f: {  	_ =	shalt  }
0x50: {  	_ =	shalt  }
0x51: {  	_ =	shalt  }
0x52: {  	_ =	shalt  }
0x53: {  	_ =	shalt  }
0x54: {  	_ =	shalt  }
0x55: {  	_ =	shalt  }
0x56: {  	_ =	shalt  }
0x57: {  	_ =	shalt  }
0x58: {  	_ =	shalt  }
0x59: {  	_ =	shalt  }
0x5a: {  	_ =	shalt  }
0x5b: {  	_ =	shalt  }
0x5c: {  	_ =	shalt  }
0x5d: {  	_ =	shalt  }
0x5e: {  	_ =	shalt  }
0x5f: {  	_ =	shalt  }
0x60: {  	_ =	shalt  }
0x61: {  	_ =	shalt  }
0x62: {  	_ =	shalt  }
0x63: {  	_ =	shalt  }
0x64: {  	_ =	shalt  }
0x65: {  	_ =	shalt  }
0x66: {  	_ =	shalt  }
0x67: {  	_ =	shalt  }
0x68: {  	_ =	shalt  }
0x69: {  	_ =	shalt  }
0x6a: {  	_ =	shalt  }
0x6b: {  	_ =	shalt  }
0x6c: {  	_ =	shalt  }
0x6d: {  	_ =	shalt  }
0x6e: {  	_ =	shalt  }
0x6f: {  	_ =	shalt  }
0x70: {  	_ =	shalt  }
0x71: {  	_ =	shalt  }
0x72: {  	_ =	shalt  }
0x73: {  	_ =	shalt  }
0x74: {  	_ =	shalt  }
0x75: {  	_ =	shalt  }
0x76: {  	_ =	shalt  }
0x77: {  	_ =	shalt  }
0x78: {  	_ =	shalt  }
0x79: {  	_ =	shalt  }
0x7a: {  	_ =	shalt  }
0x7b: {  	_ =	shalt  }
0x7c: {  	_ =	shalt  }
0x7d: {  	_ =	shalt  }
0x7e: {  	_ =	shalt  }
0x7f: {  	_ =	shalt  }
0x80: {  	_ =	shalt  }
0x81: {  	_ =	shalt  }
0x82: {  	_ =	shalt  }
0x83: {  	_ =	shalt  }
0x84: {  	_ =	shalt  }
0x85: {  	_ =	shalt  }
0x86: {  	_ =	shalt  }
0x87: {  	_ =	shalt  }
.Lfunc_end0:
.L_simem_size_0:
called_computation_lowered:
.L_overlay_start_0:
0x88: {  	s2 =	sld [smem:$0x3FD9]  }
0x89: {  	s3 =	sld [smem:$0x3FFE];
	_ =	sdelay $0x1  }
0x8a: {  	s1 =	srdreg.scid  }
0x8b: {  	s0 =	sand.u32 $0x1, s1  }
0x8c: {  	s16 =	sshll.u32 s0, $0xA;
	s2 =	sadd.s32 s3, s2  }
0x8d: {  	s2 =	sadd.s32 s2, s16  }
0x8e: {  	[smem:$0x3FB1] =	sst s2  }
0x8f: {  	_ = 	snop  }
0x90: {  	(tm) =	ssettm $0x1  }
0x91: {  	s17 =	sld [smem:$0x3FFB];
	_ =	sdelay $0x3  }
0x92: {  	_ =	strace s17  }
0x93: {  	s2 =	sld [smem:$0x3FFC];
	_ =	sdelay $0x3  }
0x94: {  	_ =	strace s2  }
0x95: {  	s2 =	sld [smem:$0x3FFD];
	_ =	sdelay $0x3  }
0x96: {  	_ =	strace s2  }
0x97: {  	_ =	strace $0x8FFFFFFF  }
0x98: {  	s18 =	sld [smem:$0x3FDB];
	_ =	sdelay $0x1  }
0x99: {  	s19 =	simm.s32 $_scs_section_size  }
0x9a: {  	s4 =	simm.s32 $_size__tile_overlayer_lowered;
	s5 =	simm.s32 $_tile_overlayer_lowered  }
0x9b: {  	s22 =	simm.s32 $0x1BFF;
	s21 =	sshll.u32 s5, $0x1;
	s2 =	sadd.s32 s19, s18  }
0x9c: {  	s6 =	simm.s32 $0x0;
	s20 =	sshll.u32 s4, $0x1;
	s4 =	sadd.s32 s21, s2  }
0x9d: {  	[timem:s6], [sflag:s22] =	dma.local [hbm:s4], s20  }
0x9e: {  	_ =	swait.ge [sflag:s22], s20  }
0x9f: {  	s3 =	ssub.s32 $0x0, s20;
	[sflag:s22] =	ssyncset.done $0x0  }
0xa0: {  	[sflag:s22] =	ssyncadd.s32 s3;
	_ =	sdelay $0x1  }
0xa1: {  	s23 =	simm.s32 $0x1B8B  }
0xa2: {  	_ =	swait.ge [sflag:s23], $0x1  }
0xa3: {  	[sflag:s23] =	ssyncset.done $0x0  }
0xa4: {  	s25 =	simm.s32 $0x1B8E;
	s24 =	sld [smem:$0x3FFE];
	[sflag:s23] =	ssyncadd.s32 $0xFFFFFFFF  }
0xa5: {  	s26 =	simm.s32 $execute0_lowered;
	[smem:$0x3FD2] =	sst s25  }
0xa6: {  	s4 =	sshll.u32 s26, $0x1;
	_ =	strace $0x80000046;
	[dreg:$0x1] =	wrdreg $0xFFFFFFFF  }
0xa7: {  	s28 =	simm.s32 $_size_execute0_lowered;
	s2 =	sadd.s32 s2, s4;
	[dreg:$0x0] =	wrdreg $0x0  }
0xa8: {  	s4 =	sshll.u32 s28, $0x1;
	[dreg:$0x2] =	wrdreg s2  }
0xa9: {  	[dreg:$0x3] =	wrdreg s4  }
0xaa: {  	[dreg:$0x4] =	wrdreg $0xC0  }
0xab: {  	_ =	task [dreg:s6], $0x5FFFF  }
0xac: {  	[dreg:$0x1] =	wrdreg $0xFFFFFFFF  }
0xad: {  	[dreg:$0x0] =	wrdreg $0x60  }
0xae: {  	[dreg:$0x2] =	wrdreg s24  }
0xaf: {  	[dreg:$0x3] =	wrdreg $0x118000  }
0xb0: {  	[dreg:$0x4] =	wrdreg $0x1E2B00  }
0xb1: {  	[dreg:$0x5] =	wrdreg $0x9  }
0xb2: {  	_ =	task.clear_ibuf [dreg:s6], $0x6FFFF;
	_ =	strace $0x90000046  }
0xb3: {  	s29 =	simm.s32 $0x9;
	_ =	strace $0x80000048  }
0xb4: {  	_ =	swait.ge [sflag:s29], $0x1  }
0xb5: {  	[sflag:s29] =	ssyncadd.s32 $0xFFFFFFFF  }
0xb6: {  	_ =	strace $0x90000048  }
0xb7: {  	_ =	sfence  }
0xb8: {  	s30 =	sld [smem:$0x0];
	_ =	sdelay $0x2  }
0xb9: {  	s31 =	sshll.u32 s1, $0xD;
	s1 =	sshrl.u32 s1, $0x2  }
0xba: {  	s3 =	sand.u32 $0x4000, s31;
	s1 =	sadd.s32 s1, s30  }
0xbb: {  	s0 =	sor.u32 s3, s0;
	s1 =	sshll.u32 s1, $0x11  }
0xbc: {  	s0 =	sor.u32 s1, s0  }
0xbd: {  	s0 =	sadd.s32 $0x8F2B, s0  }
0xbe: {  	[sflag:s0] =	ssyncadd.remote.s32 $0x1  }
0xbf: {  	_ =	sfence.sel $0xFFFF  }
0xc0: {  	[dreg:$0x0] =	wrdreg $0xFFFFFFFF;
	(pc) =	sbr.abs _section_cstart, $3  }
0xc1: {  	[dreg:$0x1] =	wrdreg $0xFFFFFFFF  }
0xc2: {  	_ =	task.clear_ibuf [dreg:s6], $0x2FFFF;
	_ =	strace $0x9FFFFFFF  }
0xc3: {  	(tm) =	ssettm $0x7FFFFFFF  }
tec
execute0_lowered:
.L_overlay_start_1:
0x0: {  	(tag) =	ssettag $0x1  }
0x1: {  	s0 =	rddreg [dreg:$0x0]  }
0x2: {  	s1 =	rddreg [dreg:$0x1]  }
0x3: {  	s3 =	rddreg [dreg:$0x2];
	s4 =	simm.s32 $0x0;
	s20 =	stileid.u32  }
0x4: {  	s7 =	srdreg.scid;
	s29 =	simm.s32 $0x1000;
	s30 =	simm.s32 $0x6  }
0x5: {  	[smem:$0x7FF] =	sst s4;
	s2 =	smul.u32 $0x580, s20;
	s5 =	sadd.s32 $0x15F400, s0  }
0x6: {  	s6 =	sadd.s32 $0x4400, s0;
	s7 =	sand.u32 $0x1, s7;
	s10 =	smul.u32 $0x2C000, s20  }
0x7: {  	s11 =	sadd.s32 $0x10000, s0;
	_ =	strace $0x80000047;
	s9 =	ssub.s32 $0x2, s7  }
0x8: {  	s16 =	sshllo.u32 s7, $0x1;
	s31 =	sshll.u32 s7, $0x6;
	p0 =	sne.s32 s7, $0x0  }
0x9: {  	s7 =	smul.u32 $0xAD80, s7;
	s8 =	sshrl.u32 s2, $0x3;
	s21 =	sshrl.u32 s9, $0x1  }
0xa: {  	s22 =	sshrl.u32 s10, $0x2;
	s12 =	sadd.s32 $0xB0, s2;
	s13 =	sadd.s32 $0x160, s2  }
0xb: {  	s14 =	sadd.s32 $0x210, s2;
	s15 =	sadd.s32 $0x2C0, s2;
	s17 =	sshll.u32 s16, $0x5  }
0xc: {  	s18 =	sadd.s32 $0x370, s2;
	s0 =	sadd.s32 s8, s0;
	s8 =	ssub.s32 s9, s21  }
0xd: {  	s9 =	sadd.s32 s22, s1;
	s23 =	sshll.u32 s12, $0x5;
	s24 =	sshll.u32 s13, $0x5  }
0xe: {  	s25 =	sshll.u32 s14, $0x5;
	[dreg:$0x4] =	wrdreg s9;
	s9 =	sadd.s32 s23, s1  }
0xf: {  	s26 =	sshll.u32 s15, $0x5;
	s0 =	sadd.s32 $0xF400, s0;
	[dreg:$0x5] =	wrdreg s9  }
0x10: {  	s21 =	sadd.s32 $0x4D0, s2;
	s9 =	sadd.s32 s24, s1;
	[dreg:$0x17] =	wrdreg s0  }
0x11: {  	s22 =	sshll.u32 s18, $0x5;
	[dreg:$0x6] =	wrdreg s9;
	s9 =	sadd.s32 s25, s1  }
0x12: {  	[dreg:$0x7] =	wrdreg s9;
	s9 =	sadd.s32 s26, s1;
	s26 =	sadd.s32 s12, s3  }
0x13: {  	s12 =	smul.u32 $0x5800, s20;
	s20 =	simm.s32 $0x1800;
	[dreg:$0x8] =	wrdreg s9  }
0x14: {  	s9 =	sor.u32 s31, s10;
	s10 =	sor.u32 s10, s17;
	s17 =	sadd.s32 $0x420, s2  }
0x15: {  	s2 =	sadd.s32 s2, s3;
	[dreg:$0xf] =	wrdreg s26;
	s31 =	sadd.s32 s13, s3  }
0x16: {  	s13 =	sadd.s32 s18, s3;
	s18 =	simm.s32 $0x3;
	[dreg:$0xe] =	wrdreg s2  }
0x17: {  	s9 =	sshrl.u32 s9, $0x3;
	s10 =	sshrl.u32 s10, $0x3;
	[dreg:$0x10] =	wrdreg s31  }
0x18: {  	s23 =	sshll.u32 s17, $0x5;
	[dreg:$0x13] =	wrdreg s13;
	s26 =	sadd.s32 $0xC00, s12  }
0x19: {  	s28 =	sadd.s32 $0x1000, s12;
	s2 =	simm.s32 $0x1C800;
	s9 =	sadd.s32 s11, s9  }
0x1a: {  	s13 =	simm.s32 $0x400;
	s19 =	sadd.s32 s11, s10;
	[dreg:$0x9] =	wrdreg s9  }
0x1b: {  	s10 =	sadd.s32 s22, s1;
	s24 =	sadd.s32 s23, s1;
	[dreg:$0xa] =	wrdreg s19  }
0x1c: {  	s11 =	sadd.s32 s15, s3;
	s15 =	sshrl.u32 s12, $0x3;
	[dreg:$0xb] =	wrdreg s10  }
0x1d: {  	s12 =	simm.s32 $0x5;
	s22 =	simm.s32 $0xC00;
	[dreg:$0xc] =	wrdreg s24  }
0x1e: {  	s23 =	simm.s32 $0x9800;
	s10 =	sadd.s32 s14, s3;
	[dreg:$0x12] =	wrdreg s11  }
0x1f: {  	s19 =	sshll.u32 s21, $0x5;
	s14 =	sadd.s32 s17, s3;
	[dreg:$0x11] =	wrdreg s10  }
0x20: {  	s9 =	sadd.s32 s21, s3;
	s17 =	smul.u32 $0x56C0, s16;
	[dreg:$0x14] =	wrdreg s14  }
0x21: {  	s24 =	smax.u32 s8, $0x1;
	s21 =	simm.s32 $0x4;
	[dreg:$0x15] =	wrdreg s9  }
.Ltmp0:
0x22: {  	s25 =	sadd.s32 s19, s1;
	[dreg:$0x18] =	wrdreg s24;
	(pc) =	sbr.rel .LBB2_1-.Ltmp0, $4  }
0x23: {  	s8 =	simm.s32 $0x2;
	s9 =	sadd.s32 s6, s15;
	[dreg:$0xd] =	wrdreg s25  }
0x24: {  	s19 =	simm.s32 $0x800;
	s25 =	sadd.s32 $0x80, s9;
	[dreg:$0x16] =	wrdreg s9  }
0x25: {  	v2 =	vimm.f32 $0.0e+00;
	s24 =	simm.s32 $0x1;
	s31 =	sadd.s32 $0x100, s9;
	[dreg:$0x19] =	wrdreg s25  }
0x26: {  	v3 =	vimm.f32 $1.000000000e+00;
	v0 =	vmov s7;
	s10 =	simm.s32 $0x0;
	v1 =	vmov s17;
	s9 =	simm.s32 $0x1400;
	[dreg:$0x1a] =	wrdreg s31  }
.LBB2_28:
0x27: {  	[bflag:$0x0] =	sbarrier.arrive $0xFFFF  }
0x28: {  	s7 =	simm.s32 $0x10;
	s0 =	rddreg [dreg:$0xa]  }
0x29: {  	[hbm:s0@s7], [sflag:s11] =	dma.strided [spmem:s14@s21], $0x1600, s24, $0x4   }
0x2a: {  	_ =	swait.ge [sflag:s12], $0x1600  }
0x2b: {  	s10 =	sadd.s32 $0x1, s10;
	s31 =	rddreg [dreg:$0x18]  }
0x2c: {  	p1 =	sne.s32 s10, s31  }
.Ltmp1:
0x2d: {  	_ = 	snop;
	(pc) =	sbr.rel @!p1 .LBB2_29-.Ltmp1, $3  }
0x2e: {  	_ =	sdelay $0x1  }
0x2f: {  	[sflag:s12] =	ssyncset.done $0x0  }
0x30: {  	[sflag:s12] =	ssyncadd.s32 $0xFFFFEA00  }
.LBB2_1:
0x31: {  	s0 =	sand.u32 $0x7F80, s4  }
0x32: {  	s7 =	sand.u32 $0x10, s4;
	s11 =	sshrl.u32 s0, $0x2  }
0x33: {  	s0 =	simm.s32 $0x40;
	s11 =	sor.u32 s7, s11;
	s7 =	simm.s32 $0x0  }
.LBB2_2:
0x34: {  	p1 =	sne.s32 s0, $0x57C0  }
0x35: {  	[tilespmem:s11+$0x1C800] =	vst v2;
	s7 =	sadd.s32 $0x10, s7;
	s11 =	smov.u32 s0;
	s0 =	sadd.s32 $0x40, s0  }
.Ltmp2:
0x36: {  	(pc) =	sbr.rel @p1 .LBB2_2-.Ltmp2, $4  }
0x37: {  	_ = 	snop  }
0x38: {  	s11 =	sand.u32 $0x7F80, s11  }
0x39: {  	s14 =	sand.u32 $0x10, s7;
	s11 =	sshrl.u32 s11, $0x2  }
0x3a: {  	s11 =	sor.u32 s14, s11  }
.Ltmp3:
0x3b: {  	(pc) =	sbr.rel @p0 .LBB2_7-.Ltmp3, $2  }
0x3c: {  	_ =	sdelay $0x2  }
0x3d: {  	[tilespmem:s11+$0x1C800] =	vst v2  }
0x3e: {  	s0 =	simm.s32 $0x40;
	s7 =	simm.s32 $0x0  }
.LBB2_5:
0x3f: {  	p1 =	sne.s32 s0, $0xFC0;
	[tilespmem:s7+$0x1DE00] =	vst v3;
	s7 =	smov.u32 s0;
	s0 =	sadd.s32 $0x40, s0  }
.Ltmp4:
0x40: {  	(pc) =	sbr.rel @p1 .LBB2_5-.Ltmp4, $2  }
0x41: {  	_ =	sdelay $0x2  }
0x42: {  	s7 =	sshra.s32 s7, $0x2  }
0x43: {  	[tilespmem:s7+$0x1DE00] =	vst v3  }
0x44: {  	[tilespmem:$0x1E200] =	vst v2  }
0x45: {  	[tilespmem:$0x1E210] =	vst v2  }
0x46: {  	[tilespmem:$0x1E220] =	vst v2  }
0x47: {  	[tilespmem:$0x1E230] =	vst v2  }
0x48: {  	[tilespmem:$0x1E240] =	vst v2  }
0x49: {  	[tilespmem:$0x1E250] =	vst v2  }
0x4a: {  	[tilespmem:$0x1E260] =	vst v2  }
0x4b: {  	[tilespmem:$0x1E270] =	vst v2  }
0x4c: {  	[tilespmem:$0x1E280] =	vst v2  }
0x4d: {  	[tilespmem:$0x1E290] =	vst v2  }
0x4e: {  	[tilespmem:$0x1E2A0] =	vst v2  }
.LBB2_7:
0x4f: {  	s0 =	rddreg [dreg:$0x4]  }
0x50: {  	[spmem:s0] =	stream.linear.scatter [tilespmem:s2], [sflag:$0x5], $0x1600, $0x38;
	[tilespmem:$0x1E830] =	vst v63  }
0x51: {  	_ =	swait.ge [sflag:s12], $0x1600  }
0x52: {  	[sflag:s12] =	ssyncset.done $0x0  }
0x53: {  	s31 =	rddreg [dreg:$0x5];
	[sflag:s12] =	ssyncadd.s32 $0xFFFFEA00  }
0x54: {  	[spmem:s31] =	stream.linear.scatter [tilespmem:s2], [sflag:$0x5], $0x1600, $0x38;
	[tilespmem:$0x1E830] =	vst v63  }
0x55: {  	_ =	swait.ge [sflag:s12], $0x1600  }
0x56: {  	[sflag:s12] =	ssyncset.done $0x0  }
0x57: {  	s7 =	rddreg [dreg:$0x6];
	[sflag:s12] =	ssyncadd.s32 $0xFFFFEA00  }
0x58: {  	[spmem:s7] =	stream.linear.scatter [tilespmem:s2], [sflag:$0x5], $0x1600, $0x38;
	[tilespmem:$0x1E830] =	vst v63  }
0x59: {  	_ =	swait.ge [sflag:s12], $0x1600  }
0x5a: {  	[sflag:s12] =	ssyncset.done $0x0  }
0x5b: {  	s11 =	rddreg [dreg:$0x7];
	[sflag:s12] =	ssyncadd.s32 $0xFFFFEA00  }
0x5c: {  	[spmem:s11] =	stream.linear.scatter [tilespmem:s2], [sflag:$0x5], $0x1600, $0x38;
	[tilespmem:$0x1E830] =	vst v63  }
0x5d: {  	_ =	swait.ge [sflag:s12], $0x1600  }
0x5e: {  	[sflag:s12] =	ssyncset.done $0x0  }
0x5f: {  	s14 =	rddreg [dreg:$0x8];
	[sflag:s12] =	ssyncadd.s32 $0xFFFFEA00  }
0x60: {  	[spmem:s14] =	stream.linear.scatter [tilespmem:s2], [sflag:$0x5], $0x1600, $0x38;
	[tilespmem:$0x1E830] =	vst v63  }
0x61: {  	_ =	swait.ge [sflag:s12], $0x1600  }
0x62: {  	[sflag:s12] =	ssyncset.done $0x0  }
0x63: {  	s15 =	rddreg [dreg:$0xb];
	[sflag:s12] =	ssyncadd.s32 $0xFFFFEA00  }
0x64: {  	[spmem:s15] =	stream.linear.scatter [tilespmem:s2], [sflag:$0x5], $0x1600, $0x38;
	[tilespmem:$0x1E830] =	vst v63  }
0x65: {  	_ =	swait.ge [sflag:s12], $0x1600  }
0x66: {  	[sflag:s12] =	ssyncset.done $0x0  }
0x67: {  	s16 =	rddreg [dreg:$0xc];
	[sflag:s12] =	ssyncadd.s32 $0xFFFFEA00  }
0x68: {  	[spmem:s16] =	stream.linear.scatter [tilespmem:s2], [sflag:$0x5], $0x1600, $0x38;
	[tilespmem:$0x1E830] =	vst v63  }
0x69: {  	_ =	swait.ge [sflag:s12], $0x1600  }
0x6a: {  	[sflag:s12] =	ssyncset.done $0x0  }
0x6b: {  	s17 =	rddreg [dreg:$0xd];
	[sflag:s12] =	ssyncadd.s32 $0xFFFFEA00  }
0x6c: {  	[spmem:s17] =	stream.linear.scatter [tilespmem:s2], [sflag:$0x5], $0x1600, $0x38;
	[tilespmem:$0x1E830] =	vst v63  }
0x6d: {  	_ =	swait.ge [sflag:s12], $0x1600  }
0x6e: {  	[sflag:s12] =	ssyncset.done $0x0  }
0x6f: {  	s0 =	simm.s32 @!p0 $0x1E200;
	s7 =	rddreg [dreg:$0xe];
	[sflag:s12] =	ssyncadd.s32 $0xFFFFEA00  }
0x70: {  	[spmem:s7] =	stream.linear.scatter @!p0 [tilespmem:s0], [sflag:$0x5], $0xB0, $0x38;
	[tilespmem:$0x1E830] =	vst v63  }
0x71: {  	s7 =	simm.s32 @!p0 $0x5  }
0x72: {  	_ =	swait.ge @!p0 [sflag:s7], $0xB0  }
0x73: {  	[sflag:s7] =	ssyncset.done @!p0 $0x0  }
0x74: {  	s11 =	rddreg [dreg:$0xf];
	[sflag:s7] =	ssyncadd.s32 @!p0 $0xFFFFFF50  }
0x75: {  	[spmem:s11] =	stream.linear.scatter @!p0 [tilespmem:s0], [sflag:$0x5], $0xB0, $0x38;
	[tilespmem:$0x1E830] =	vst v63  }
0x76: {  	_ =	swait.ge @!p0 [sflag:s7], $0xB0  }
0x77: {  	[sflag:s7] =	ssyncset.done @!p0 $0x0  }
0x78: {  	s11 =	rddreg [dreg:$0x10];
	[sflag:s7] =	ssyncadd.s32 @!p0 $0xFFFFFF50  }
0x79: {  	[spmem:s11] =	stream.linear.scatter @!p0 [tilespmem:s0], [sflag:$0x5], $0xB0, $0x38;
	[tilespmem:$0x1E830] =	vst v63  }
0x7a: {  	_ =	swait.ge @!p0 [sflag:s7], $0xB0  }
0x7b: {  	[sflag:s7] =	ssyncset.done @!p0 $0x0  }
0x7c: {  	s11 =	rddreg [dreg:$0x11];
	[sflag:s7] =	ssyncadd.s32 @!p0 $0xFFFFFF50  }
0x7d: {  	[spmem:s11] =	stream.linear.scatter @!p0 [tilespmem:s0], [sflag:$0x5], $0xB0, $0x38;
	[tilespmem:$0x1E830] =	vst v63  }
0x7e: {  	_ =	swait.ge @!p0 [sflag:s7], $0xB0  }
0x7f: {  	[sflag:s7] =	ssyncset.done @!p0 $0x0  }
0x80: {  	s11 =	rddreg [dreg:$0x12];
	[sflag:s7] =	ssyncadd.s32 @!p0 $0xFFFFFF50  }
0x81: {  	[spmem:s11] =	stream.linear.scatter @!p0 [tilespmem:s0], [sflag:$0x5], $0xB0, $0x38;
	[tilespmem:$0x1E830] =	vst v63  }
0x82: {  	_ =	swait.ge @!p0 [sflag:s7], $0xB0  }
0x83: {  	[sflag:s7] =	ssyncset.done @!p0 $0x0  }
0x84: {  	s11 =	rddreg [dreg:$0x13];
	[sflag:s7] =	ssyncadd.s32 @!p0 $0xFFFFFF50  }
0x85: {  	[spmem:s11] =	stream.linear.scatter @!p0 [tilespmem:s0], [sflag:$0x5], $0xB0, $0x38;
	[tilespmem:$0x1E830] =	vst v63  }
0x86: {  	_ =	swait.ge @!p0 [sflag:s7], $0xB0  }
0x87: {  	[sflag:s7] =	ssyncset.done @!p0 $0x0  }
0x88: {  	s11 =	rddreg [dreg:$0x14];
	[sflag:s7] =	ssyncadd.s32 @!p0 $0xFFFFFF50  }
0x89: {  	[spmem:s11] =	stream.linear.scatter @!p0 [tilespmem:s0], [sflag:$0x5], $0xB0, $0x38;
	[tilespmem:$0x1E830] =	vst v63  }
0x8a: {  	_ =	swait.ge @!p0 [sflag:s7], $0xB0  }
0x8b: {  	[sflag:s7] =	ssyncset.done @!p0 $0x0  }
0x8c: {  	s11 =	rddreg [dreg:$0x15];
	[sflag:s7] =	ssyncadd.s32 @!p0 $0xFFFFFF50  }
0x8d: {  	[spmem:s11] =	stream.linear.scatter @!p0 [tilespmem:s0], [sflag:$0x5], $0xB0, $0x38;
	[tilespmem:$0x1E830] =	vst v63  }
0x8e: {  	_ =	swait.ge @!p0 [sflag:s7], $0xB0  }
0x8f: {  	[sflag:s7] =	ssyncset.done @!p0 $0x0  }
0x90: {  	[sflag:s7] =	ssyncadd.s32 @!p0 $0xFFFFFF50  }
0x91: {  	[bflag:$0x0] =	sbarrier.arrive $0xFFFF  }
0x92: {  	s25 =	rddreg [dreg:$0x16]  }
0x93: {  	[tilespmem:s4], [sflag:$0x3] =	stream.linear.gather [hbm4b:s25+s4], $0x400, $0x38;
	[tilespmem:$0x1E830] =	vst v63  }
0x94: {  	s31 =	rddreg [dreg:$0x19]  }
0x95: {  	[tilespmem:s13], [sflag:$0x4] =	stream.linear.gather [hbm4b:s31+s4], $0x400, $0x38;
	[tilespmem:$0x1E830] =	vst v63  }
0x96: {  	_ =	swait.ge [sflag:s18], $0x400  }
0x97: {  	[sflag:s18] =	ssyncset.done $0x0  }
0x98: {  	s11 =	simm.s32 $0x20;
	[sflag:s18] =	ssyncadd.s32 $0xFFFFFC00  }
0x99: {  	v4 =	vld [tilespmem:s11+$0xFFFFFFE0];
	_ =	sdelay $0x4  }
0x9a: {  	v5 =	vshra.s32 v4, $0xF  }
0x9b: {  	s14 =	simm.s32 $0x820;
	v5 =	vadd.s32 v0, v5  }
0x9c: {  	s0 =	simm.s32 $0x1020;
	v4 =	vand.u32 $0x7FFF, v4;
	[tilespmem:s14+$0xFFFFFFE0] =	vst v5  }
0x9d: {  	[tilespmem:s0+$0xFFFFFFE0] =	vst v4  }
0x9e: {  	v4 =	vld [tilespmem:s11+$0xFFFFFFF0];
	_ =	sdelay $0x4  }
0x9f: {  	v5 =	vshra.s32 v4, $0xF  }
0xa0: {  	v5 =	vadd.s32 v0, v5  }
0xa1: {  	v4 =	vand.u32 $0x7FFF, v4;
	[tilespmem:s14+$0xFFFFFFF0] =	vst v5  }
0xa2: {  	[tilespmem:s0+$0xFFFFFFF0] =	vst v4  }
0xa3: {  	v4 =	vld [tilespmem:s11+$0x0];
	_ =	sdelay $0x4  }
0xa4: {  	v5 =	vshra.s32 v4, $0xF  }
0xa5: {  	v5 =	vadd.s32 v0, v5  }
0xa6: {  	v4 =	vand.u32 $0x7FFF, v4;
	[tilespmem:s14+$0x0] =	vst v5  }
0xa7: {  	[tilespmem:s0+$0x0] =	vst v4  }
0xa8: {  	v4 =	vld [tilespmem:s11+$0x10];
	_ =	sdelay $0x4  }
0xa9: {  	v5 =	vshra.s32 v4, $0xF  }
0xaa: {  	v5 =	vadd.s32 v0, v5  }
0xab: {  	s15 =	simm.s32 $0x0;
	s16 =	simm.s32 $0x1060;
	v4 =	vand.u32 $0x7FFF, v4;
	[tilespmem:s14+$0x10] =	vst v5  }
.LBB2_8:
0xac: {  	s15 =	sadd.s32 $0x4, s15;
	[tilespmem:s0+$0x10] =	vst v4;
	s11 =	sadd.s32 $0x40, s11;
	s14 =	sadd.s32 $0x40, s14  }
0xad: {  	s0 =	smov.u32 s16;
	v4 =	vld [tilespmem:s11+$0xFFFFFFE0];
	p1 =	slt.u32 s15, $0x3C;
	_ =	sdelay $0x4  }
0xae: {  	v5 =	vshra.s32 v4, $0xF  }
0xaf: {  	v5 =	vadd.s32 v0, v5  }
0xb0: {  	v4 =	vand.u32 $0x7FFF, v4;
	[tilespmem:s14+$0xFFFFFFE0] =	vst v5  }
0xb1: {  	[tilespmem:s16+$0xFFFFFFE0] =	vst v4  }
0xb2: {  	v4 =	vld [tilespmem:s11+$0xFFFFFFF0];
	_ =	sdelay $0x4  }
0xb3: {  	v5 =	vshra.s32 v4, $0xF  }
0xb4: {  	v5 =	vadd.s32 v0, v5  }
0xb5: {  	v4 =	vand.u32 $0x7FFF, v4;
	[tilespmem:s14+$0xFFFFFFF0] =	vst v5  }
0xb6: {  	[tilespmem:s16+$0xFFFFFFF0] =	vst v4  }
0xb7: {  	v4 =	vld [tilespmem:s11+$0x0];
	_ =	sdelay $0x4  }
0xb8: {  	v5 =	vshra.s32 v4, $0xF  }
0xb9: {  	v5 =	vadd.s32 v0, v5  }
0xba: {  	v4 =	vand.u32 $0x7FFF, v4;
	[tilespmem:s14+$0x0] =	vst v5  }
0xbb: {  	[tilespmem:s16+$0x0] =	vst v4  }
0xbc: {  	v4 =	vld [tilespmem:s11+$0x10];
	_ =	sdelay $0x2  }
.Ltmp5:
0xbd: {  	(pc) =	sbr.rel @p1 .LBB2_8-.Ltmp5, $4  }
0xbe: {  	_ = 	snop  }
0xbf: {  	v5 =	vshra.s32 v4, $0xF  }
0xc0: {  	v5 =	vadd.s32 v0, v5  }
0xc1: {  	s16 =	sadd.s32 $0x40, s16;
	v4 =	vand.u32 $0x7FFF, v4;
	[tilespmem:s14+$0x10] =	vst v5  }
.Ltmp6:
0xc2: {  	(pc) =	sbr.rel .LBB2_10-.Ltmp6, $4  }
0xc3: {  	[tilespmem:s0+$0x10] =	vst v4;
	s11 =	simm.s32 $0x0;
	s31 =	rddreg [dreg:$0x1a]  }
0xc4: {  	[tilespmem:s11], [sflag:$0x3] =	stream.linear.gather [hbm4b:s31+s11], $0x400, $0x38;
	[tilespmem:$0x1E830] =	vst v63  }
0xc5: {  	_ = 	snop  }
0xc6: {  	[tilespmem:s20], [sflag:$0x1] =	stream.indirect.gather [hbm4b:s5+s13], $0x20, s19, s13, $0xb8;
	[tilespmem:$0x1E830] =	vst v63  }
.LBB2_16:
0xc7: {  	_ =	swait.ge [sflag:s8], $0x8000  }
0xc8: {  	[sflag:s8] =	ssyncset.done $0x0  }
0xc9: {  	[sflag:s8] =	ssyncadd.s32 $0xFFFF8000  }
0xca: {  	[spmem:s1] =	stream.indirect.scatter.add.f32 [tilespmem:s23], [sflag:$0x6], $0x20, s9, s13, $0xb8;
	[tilespmem:$0x1E830] =	vst v63  }
0xcb: {  	_ =	swait.ge [sflag:s30], $0x8000  }
0xcc: {  	s11 =	sadd.s32 $0x1, s11;
	[sflag:s30] =	ssyncset.done $0x0  }
0xcd: {  	s0 =	simm.s32 @!p0 $0x1400;
	p1 =	sne.s32 s11, $0xB;
	[sflag:s30] =	ssyncadd.s32 $0xFFFF8000  }
0xce: {  	[spmem:s3] =	stream.indirect.scatter.add.f32 @!p0 [tilespmem:s16], [sflag:$0x5], $0x1, s0, s15, $0xb8;
	[tilespmem:$0x1E830] =	vst v63  }
.Ltmp7:
0xcf: {  	_ = 	snop;
	(pc) =	sbr.rel @!p1 .LBB2_17-.Ltmp7, $4  }
0xd0: {  	s0 =	simm.s32 @!p0 $0x5  }
0xd1: {  	_ =	swait.ge @!p0 [sflag:s0], $0x400  }
0xd2: {  	[sflag:s0] =	ssyncset.done @!p0 $0x0  }
0xd3: {  	[sflag:s0] =	ssyncadd.s32 @!p0 $0xFFFFFC00  }
.LBB2_10:
0xd4: {  	_ =	swait.ge [sflag:s21], $0x400  }
0xd5: {  	[sflag:s21] =	ssyncset.done $0x0  }
0xd6: {  	s14 =	simm.s32 $0x420;
	[sflag:s21] =	ssyncadd.s32 $0xFFFFFC00  }
0xd7: {  	v4 =	vld [tilespmem:s14+$0xFFFFFFE0];
	_ =	sdelay $0x4  }
0xd8: {  	v5 =	vshra.s32 v4, $0xF  }
0xd9: {  	s15 =	simm.s32 $0xC20;
	v5 =	vadd.s32 v0, v5  }
0xda: {  	s16 =	simm.s32 $0x1420;
	v4 =	vand.u32 $0x7FFF, v4;
	[tilespmem:s15+$0xFFFFFFE0] =	vst v5  }
0xdb: {  	[tilespmem:s16+$0xFFFFFFE0] =	vst v4  }
0xdc: {  	v4 =	vld [tilespmem:s14+$0xFFFFFFF0];
	_ =	sdelay $0x4  }
0xdd: {  	v5 =	vshra.s32 v4, $0xF  }
0xde: {  	v5 =	vadd.s32 v0, v5  }
0xdf: {  	v4 =	vand.u32 $0x7FFF, v4;
	[tilespmem:s15+$0xFFFFFFF0] =	vst v5  }
0xe0: {  	[tilespmem:s16+$0xFFFFFFF0] =	vst v4  }
0xe1: {  	v4 =	vld [tilespmem:s14+$0x0];
	_ =	sdelay $0x4  }
0xe2: {  	v5 =	vshra.s32 v4, $0xF  }
0xe3: {  	v5 =	vadd.s32 v0, v5  }
0xe4: {  	v4 =	vand.u32 $0x7FFF, v4;
	[tilespmem:s15+$0x0] =	vst v5  }
0xe5: {  	[tilespmem:s16+$0x0] =	vst v4  }
0xe6: {  	v4 =	vld [tilespmem:s14+$0x10];
	_ =	sdelay $0x4  }
0xe7: {  	v5 =	vshra.s32 v4, $0xF  }
0xe8: {  	v5 =	vadd.s32 v0, v5  }
0xe9: {  	s0 =	simm.s32 $0x0;
	s17 =	simm.s32 $0x1460;
	v4 =	vand.u32 $0x7FFF, v4;
	[tilespmem:s15+$0x10] =	vst v5  }
.LBB2_11:
0xea: {  	s0 =	sadd.s32 $0x4, s0;
	[tilespmem:s16+$0x10] =	vst v4;
	s14 =	sadd.s32 $0x40, s14;
	s15 =	sadd.s32 $0x40, s15  }
0xeb: {  	s16 =	smov.u32 s17;
	v4 =	vld [tilespmem:s14+$0xFFFFFFE0];
	p1 =	slt.u32 s0, $0x3C;
	_ =	sdelay $0x4  }
0xec: {  	v5 =	vshra.s32 v4, $0xF  }
0xed: {  	v5 =	vadd.s32 v0, v5  }
0xee: {  	v4 =	vand.u32 $0x7FFF, v4;
	[tilespmem:s15+$0xFFFFFFE0] =	vst v5  }
0xef: {  	[tilespmem:s17+$0xFFFFFFE0] =	vst v4  }
0xf0: {  	v4 =	vld [tilespmem:s14+$0xFFFFFFF0];
	_ =	sdelay $0x4  }
0xf1: {  	v5 =	vshra.s32 v4, $0xF  }
0xf2: {  	v5 =	vadd.s32 v0, v5  }
0xf3: {  	v4 =	vand.u32 $0x7FFF, v4;
	[tilespmem:s15+$0xFFFFFFF0] =	vst v5  }
0xf4: {  	[tilespmem:s17+$0xFFFFFFF0] =	vst v4  }
0xf5: {  	v4 =	vld [tilespmem:s14+$0x0];
	_ =	sdelay $0x4  }
0xf6: {  	v5 =	vshra.s32 v4, $0xF  }
0xf7: {  	v5 =	vadd.s32 v0, v5  }
0xf8: {  	v4 =	vand.u32 $0x7FFF, v4;
	[tilespmem:s15+$0x0] =	vst v5  }
0xf9: {  	[tilespmem:s17+$0x0] =	vst v4  }
0xfa: {  	v4 =	vld [tilespmem:s14+$0x10];
	_ =	sdelay $0x2  }
.Ltmp8:
0xfb: {  	(pc) =	sbr.rel @p1 .LBB2_11-.Ltmp8, $4  }
0xfc: {  	_ = 	snop  }
0xfd: {  	v5 =	vshra.s32 v4, $0xF  }
0xfe: {  	v5 =	vadd.s32 v0, v5  }
0xff: {  	s17 =	sadd.s32 $0x40, s17;
	v4 =	vand.u32 $0x7FFF, v4;
	[tilespmem:s15+$0x10] =	vst v5  }
0x100: {  	s14 =	sshll.u32 s11, $0xB;
	p1 =	seq.s32 s11, $0xA  }
0x101: {  	s0 =	sadd.s32 @!p1 s14, s26  }
0x102: {  	s0 =	sshrl.u32 @!p1 s0, $0x3  }
0x103: {  	[tilespmem:s16+$0x10] =	vst v4;
	s7 =	simm.s32 @!p1 $0x0;
	s15 =	simm.s32 @!p1 $0x400;
	s0 =	sadd.s32 @!p1 s6, s0  }
0x104: {  	[tilespmem:s15], [sflag:$0x4] =	stream.linear.gather @!p1 [hbm4b:s0+s7], $0x400, $0x38;
	[tilespmem:$0x1E830] =	vst v63  }
0x105: {  	_ = 	snop  }
0x106: {  	[tilespmem:s23], [sflag:$0x2] =	stream.indirect.gather [hbm4b:s5+s13], $0x20, s22, s13, $0xb8;
	[tilespmem:$0x1E830] =	vst v63  }
0x107: {  	_ =	swait.ge [sflag:s24], $0x8000  }
0x108: {  	[sflag:s24] =	ssyncset.done $0x0  }
0x109: {  	[sflag:s24] =	ssyncadd.s32 $0xFFFF8000  }
0x10a: {  	[spmem:s1] =	stream.indirect.scatter.add.f32 [tilespmem:s20], [sflag:$0x6], $0x20, s29, s13, $0xb8;
	[tilespmem:$0x1E830] =	vst v63  }
0x10b: {  	_ =	swait.ge [sflag:s30], $0x8000  }
0x10c: {  	s16 =	simm.s32 @!p0 $0x1DE00;
	[sflag:s30] =	ssyncset.done $0x0  }
0x10d: {  	s15 =	simm.s32 @!p0 $0x400;
	s0 =	simm.s32 @!p0 $0x1000;
	[sflag:s30] =	ssyncadd.s32 $0xFFFF8000  }
0x10e: {  	[spmem:s3] =	stream.indirect.scatter.add.f32 @!p0 [tilespmem:s16], [sflag:$0x6], $0x1, s0, s15, $0xb8;
	[tilespmem:$0x1E830] =	vst v63  }
.Ltmp9:
0x10f: {  	_ = 	snop;
	(pc) =	sbr.rel @p1 .LBB2_16-.Ltmp9, $4  }
0x110: {  	s0 =	simm.s32 @!p0 $0x6  }
0x111: {  	_ =	swait.ge @!p0 [sflag:s0], $0x400  }
0x112: {  	[sflag:s0] =	ssyncset.done @!p0 $0x0  }
0x113: {  	[sflag:s0] =	ssyncadd.s32 @!p0 $0xFFFFFC00  }
0x114: {  	_ =	swait.ge [sflag:s18], $0x400  }
0x115: {  	[sflag:s18] =	ssyncset.done $0x0  }
0x116: {  	s17 =	simm.s32 $0x20;
	[sflag:s18] =	ssyncadd.s32 $0xFFFFFC00  }
0x117: {  	v4 =	vld [tilespmem:s17+$0xFFFFFFE0];
	_ =	sdelay $0x4  }
0x118: {  	v5 =	vshra.s32 v4, $0xF  }
0x119: {  	s31 =	simm.s32 $0x820;
	v5 =	vadd.s32 v0, v5  }
0x11a: {  	s0 =	simm.s32 $0x1020;
	v4 =	vand.u32 $0x7FFF, v4;
	[tilespmem:s31+$0xFFFFFFE0] =	vst v5  }
0x11b: {  	[tilespmem:s0+$0xFFFFFFE0] =	vst v4  }
0x11c: {  	v4 =	vld [tilespmem:s17+$0xFFFFFFF0];
	_ =	sdelay $0x4  }
0x11d: {  	v5 =	vshra.s32 v4, $0xF  }
0x11e: {  	v5 =	vadd.s32 v0, v5  }
0x11f: {  	v4 =	vand.u32 $0x7FFF, v4;
	[tilespmem:s31+$0xFFFFFFF0] =	vst v5  }
0x120: {  	[tilespmem:s0+$0xFFFFFFF0] =	vst v4  }
0x121: {  	v4 =	vld [tilespmem:s17+$0x0];
	_ =	sdelay $0x4  }
0x122: {  	v5 =	vshra.s32 v4, $0xF  }
0x123: {  	v5 =	vadd.s32 v0, v5  }
0x124: {  	v4 =	vand.u32 $0x7FFF, v4;
	[tilespmem:s31+$0x0] =	vst v5  }
0x125: {  	[tilespmem:s0+$0x0] =	vst v4  }
0x126: {  	v4 =	vld [tilespmem:s17+$0x10];
	_ =	sdelay $0x4  }
0x127: {  	v5 =	vshra.s32 v4, $0xF  }
0x128: {  	v5 =	vadd.s32 v0, v5  }
0x129: {  	s25 =	simm.s32 $0x0;
	s7 =	simm.s32 $0x1060;
	v4 =	vand.u32 $0x7FFF, v4;
	[tilespmem:s31+$0x10] =	vst v5  }
.LBB2_14:
0x12a: {  	s25 =	sadd.s32 $0x4, s25;
	[tilespmem:s0+$0x10] =	vst v4;
	s17 =	sadd.s32 $0x40, s17;
	s31 =	sadd.s32 $0x40, s31  }
0x12b: {  	s0 =	smov.u32 s7;
	v4 =	vld [tilespmem:s17+$0xFFFFFFE0];
	p1 =	slt.u32 s25, $0x3C;
	_ =	sdelay $0x4  }
0x12c: {  	v5 =	vshra.s32 v4, $0xF  }
0x12d: {  	v5 =	vadd.s32 v0, v5  }
0x12e: {  	v4 =	vand.u32 $0x7FFF, v4;
	[tilespmem:s31+$0xFFFFFFE0] =	vst v5  }
0x12f: {  	[tilespmem:s7+$0xFFFFFFE0] =	vst v4  }
0x130: {  	v4 =	vld [tilespmem:s17+$0xFFFFFFF0];
	_ =	sdelay $0x4  }
0x131: {  	v5 =	vshra.s32 v4, $0xF  }
0x132: {  	v5 =	vadd.s32 v0, v5  }
0x133: {  	v4 =	vand.u32 $0x7FFF, v4;
	[tilespmem:s31+$0xFFFFFFF0] =	vst v5  }
0x134: {  	[tilespmem:s7+$0xFFFFFFF0] =	vst v4  }
0x135: {  	v4 =	vld [tilespmem:s17+$0x0];
	_ =	sdelay $0x4  }
0x136: {  	v5 =	vshra.s32 v4, $0xF  }
0x137: {  	v5 =	vadd.s32 v0, v5  }
0x138: {  	v4 =	vand.u32 $0x7FFF, v4;
	[tilespmem:s31+$0x0] =	vst v5  }
0x139: {  	[tilespmem:s7+$0x0] =	vst v4  }
0x13a: {  	v4 =	vld [tilespmem:s17+$0x10];
	_ =	sdelay $0x2  }
.Ltmp10:
0x13b: {  	(pc) =	sbr.rel @p1 .LBB2_14-.Ltmp10, $4  }
0x13c: {  	_ = 	snop  }
0x13d: {  	v5 =	vshra.s32 v4, $0xF  }
0x13e: {  	v5 =	vadd.s32 v0, v5  }
0x13f: {  	s7 =	sadd.s32 $0x40, s7;
	v4 =	vand.u32 $0x7FFF, v4;
	[tilespmem:s31+$0x10] =	vst v5  }
0x140: {  	p1 =	sgt.u32 s11, $0x8  }
0x141: {  	s7 =	sadd.s32 @!p1 s14, s28  }
.Ltmp11:
0x142: {  	s7 =	sshrl.u32 @!p1 s7, $0x3;
	(pc) =	sbr.rel .LBB2_16-.Ltmp11, $4  }
0x143: {  	[tilespmem:s0+$0x10] =	vst v4;
	s0 =	sadd.s32 @!p1 s6, s7;
	s7 =	simm.s32 @!p1 $0x0  }
0x144: {  	[tilespmem:s7], [sflag:$0x3] =	stream.linear.gather @!p1 [hbm4b:s0+s7], $0x400, $0x38;
	[tilespmem:$0x1E830] =	vst v63  }
0x145: {  	_ = 	snop  }
0x146: {  	[tilespmem:s20], [sflag:$0x1] =	stream.indirect.gather [hbm4b:s5+s13], $0x20, s19, s13, $0xb8;
	[tilespmem:$0x1E830] =	vst v63  }
.LBB2_17:
0x147: {  	s7 =	stileid.u32;
	[bflag:$0x0] =	sbarrier.arrive $0xFFFF  }
0x148: {  	s16 =	simm.s32 $0x10;
	s7 =	sshll.u32 s7, $0x6;
	s15 =	rddreg [dreg:$0x4]  }
0x149: {  	s31 =	rddreg [dreg:$0x9];
	s11 =	sor.u32 $0x1C05, s7;
	s14 =	sshrl.u32 s15, $0x3  }
0x14a: {  	[hbm:s31@s16], [sflag:s11] =	dma.strided [spmem:s14@s21], $0x1600, s24, $0x4   }
0x14b: {  	_ =	swait.ge [sflag:s12], $0x1600  }
0x14c: {  	[sflag:s12] =	ssyncset.done $0x0;
	s7 =	rddreg [dreg:$0xe]  }
0x14d: {  	s16 =	rddreg [dreg:$0x17];
	[sflag:s12] =	ssyncadd.s32 $0xFFFFEA00;
	s7 =	sshrl.u32 @!p0 s7, $0x3  }
0x14e: {  	[hbm:s16], [sflag:s11] =	dma.local @!p0 [spmem:s7], $0xB0  }
0x14f: {  	_ =	swait.ge @!p0 [sflag:s0], $0xB0  }
0x150: {  	[sflag:s0] =	ssyncset.done @!p0 $0x0  }
0x151: {  	[sflag:s0] =	ssyncadd.s32 @!p0 $0xFFFFFF50  }
0x152: {  	[spmem:s15] =	stream.linear.scatter [tilespmem:s2], [sflag:$0x5], $0x1600, $0x38;
	[tilespmem:$0x1E830] =	vst v63  }
0x153: {  	_ =	swait.ge [sflag:s12], $0x1600  }
0x154: {  	[sflag:s12] =	ssyncset.done $0x0  }
0x155: {  	s17 =	rddreg [dreg:$0x5];
	[sflag:s12] =	ssyncadd.s32 $0xFFFFEA00  }
0x156: {  	[spmem:s17] =	stream.linear.scatter [tilespmem:s2], [sflag:$0x5], $0x1600, $0x38;
	[tilespmem:$0x1E830] =	vst v63  }
0x157: {  	_ =	swait.ge [sflag:s12], $0x1600  }
0x158: {  	[sflag:s12] =	ssyncset.done $0x0  }
0x159: {  	s25 =	rddreg [dreg:$0x6];
	[sflag:s12] =	ssyncadd.s32 $0xFFFFEA00  }
0x15a: {  	[spmem:s25] =	stream.linear.scatter [tilespmem:s2], [sflag:$0x5], $0x1600, $0x38;
	[tilespmem:$0x1E830] =	vst v63  }
0x15b: {  	_ =	swait.ge [sflag:s12], $0x1600  }
0x15c: {  	[sflag:s12] =	ssyncset.done $0x0  }
0x15d: {  	s31 =	rddreg [dreg:$0x7];
	[sflag:s12] =	ssyncadd.s32 $0xFFFFEA00  }
0x15e: {  	[spmem:s31] =	stream.linear.scatter [tilespmem:s2], [sflag:$0x5], $0x1600, $0x38;
	[tilespmem:$0x1E830] =	vst v63  }
0x15f: {  	_ =	swait.ge [sflag:s12], $0x1600  }
0x160: {  	[sflag:s12] =	ssyncset.done $0x0  }
0x161: {  	s7 =	rddreg [dreg:$0x8];
	[sflag:s12] =	ssyncadd.s32 $0xFFFFEA00  }
0x162: {  	[spmem:s7] =	stream.linear.scatter [tilespmem:s2], [sflag:$0x5], $0x1600, $0x38;
	[tilespmem:$0x1E830] =	vst v63  }
0x163: {  	_ =	swait.ge [sflag:s12], $0x1600  }
0x164: {  	[sflag:s12] =	ssyncset.done $0x0  }
0x165: {  	s15 =	rddreg [dreg:$0xb];
	[sflag:s12] =	ssyncadd.s32 $0xFFFFEA00  }
0x166: {  	[spmem:s15] =	stream.linear.scatter [tilespmem:s2], [sflag:$0x5], $0x1600, $0x38;
	[tilespmem:$0x1E830] =	vst v63  }
0x167: {  	_ =	swait.ge [sflag:s12], $0x1600  }
0x168: {  	[sflag:s12] =	ssyncset.done $0x0  }
0x169: {  	s16 =	rddreg [dreg:$0xc];
	[sflag:s12] =	ssyncadd.s32 $0xFFFFEA00  }
0x16a: {  	[spmem:s16] =	stream.linear.scatter [tilespmem:s2], [sflag:$0x5], $0x1600, $0x38;
	[tilespmem:$0x1E830] =	vst v63  }
0x16b: {  	_ =	swait.ge [sflag:s12], $0x1600  }
0x16c: {  	[sflag:s12] =	ssyncset.done $0x0  }
0x16d: {  	s17 =	rddreg [dreg:$0xd];
	[sflag:s12] =	ssyncadd.s32 $0xFFFFEA00  }
0x16e: {  	[spmem:s17] =	stream.linear.scatter [tilespmem:s2], [sflag:$0x5], $0x1600, $0x38;
	[tilespmem:$0x1E830] =	vst v63  }
0x16f: {  	_ =	swait.ge [sflag:s12], $0x1600  }
0x170: {  	[sflag:s12] =	ssyncset.done $0x0  }
0x171: {  	[sflag:s12] =	ssyncadd.s32 $0xFFFFEA00  }
0x172: {  	[bflag:$0x0] =	sbarrier.arrive $0xFFFF  }
0x173: {  	s25 =	rddreg [dreg:$0x16]  }
0x174: {  	[tilespmem:s4], [sflag:$0x3] =	stream.linear.gather [hbm4b:s25+s4], $0x400, $0x38;
	[tilespmem:$0x1E830] =	vst v63  }
0x175: {  	s31 =	rddreg [dreg:$0x19]  }
0x176: {  	[tilespmem:s13], [sflag:$0x4] =	stream.linear.gather [hbm4b:s31+s4], $0x400, $0x38;
	[tilespmem:$0x1E830] =	vst v63  }
0x177: {  	_ =	swait.ge [sflag:s18], $0x400  }
0x178: {  	[sflag:s18] =	ssyncset.done $0x0  }
0x179: {  	s15 =	simm.s32 $0x20;
	[sflag:s18] =	ssyncadd.s32 $0xFFFFFC00  }
0x17a: {  	v4 =	vld [tilespmem:s15+$0xFFFFFFE0];
	_ =	sdelay $0x4  }
0x17b: {  	v5 =	vshra.s32 v4, $0xF  }
0x17c: {  	s16 =	simm.s32 $0x820;
	v5 =	vadd.s32 v1, v5  }
0x17d: {  	s0 =	simm.s32 $0x1020;
	v4 =	vand.u32 $0x7FFF, v4;
	[tilespmem:s16+$0xFFFFFFE0] =	vst v5  }
0x17e: {  	[tilespmem:s0+$0xFFFFFFE0] =	vst v4  }
0x17f: {  	v4 =	vld [tilespmem:s15+$0xFFFFFFF0];
	_ =	sdelay $0x4  }
0x180: {  	v5 =	vshra.s32 v4, $0xF  }
0x181: {  	v5 =	vadd.s32 v1, v5  }
0x182: {  	v4 =	vand.u32 $0x7FFF, v4;
	[tilespmem:s16+$0xFFFFFFF0] =	vst v5  }
0x183: {  	[tilespmem:s0+$0xFFFFFFF0] =	vst v4  }
0x184: {  	v4 =	vld [tilespmem:s15+$0x0];
	_ =	sdelay $0x4  }
0x185: {  	v5 =	vshra.s32 v4, $0xF  }
0x186: {  	v5 =	vadd.s32 v1, v5  }
0x187: {  	v4 =	vand.u32 $0x7FFF, v4;
	[tilespmem:s16+$0x0] =	vst v5  }
0x188: {  	[tilespmem:s0+$0x0] =	vst v4  }
0x189: {  	v4 =	vld [tilespmem:s15+$0x10];
	_ =	sdelay $0x4  }
0x18a: {  	v5 =	vshra.s32 v4, $0xF  }
0x18b: {  	v5 =	vadd.s32 v1, v5  }
0x18c: {  	s7 =	simm.s32 $0x1060;
	s17 =	simm.s32 $0x0;
	v4 =	vand.u32 $0x7FFF, v4;
	[tilespmem:s16+$0x10] =	vst v5  }
.LBB2_18:
0x18d: {  	s17 =	sadd.s32 $0x4, s17;
	[tilespmem:s0+$0x10] =	vst v4;
	s15 =	sadd.s32 $0x40, s15;
	s16 =	sadd.s32 $0x40, s16  }
0x18e: {  	s0 =	smov.u32 s7;
	v4 =	vld [tilespmem:s15+$0xFFFFFFE0];
	p1 =	slt.u32 s17, $0x3C;
	_ =	sdelay $0x4  }
0x18f: {  	v5 =	vshra.s32 v4, $0xF  }
0x190: {  	v5 =	vadd.s32 v1, v5  }
0x191: {  	v4 =	vand.u32 $0x7FFF, v4;
	[tilespmem:s16+$0xFFFFFFE0] =	vst v5  }
0x192: {  	[tilespmem:s7+$0xFFFFFFE0] =	vst v4  }
0x193: {  	v4 =	vld [tilespmem:s15+$0xFFFFFFF0];
	_ =	sdelay $0x4  }
0x194: {  	v5 =	vshra.s32 v4, $0xF  }
0x195: {  	v5 =	vadd.s32 v1, v5  }
0x196: {  	v4 =	vand.u32 $0x7FFF, v4;
	[tilespmem:s16+$0xFFFFFFF0] =	vst v5  }
0x197: {  	[tilespmem:s7+$0xFFFFFFF0] =	vst v4  }
0x198: {  	v4 =	vld [tilespmem:s15+$0x0];
	_ =	sdelay $0x4  }
0x199: {  	v5 =	vshra.s32 v4, $0xF  }
0x19a: {  	v5 =	vadd.s32 v1, v5  }
0x19b: {  	v4 =	vand.u32 $0x7FFF, v4;
	[tilespmem:s16+$0x0] =	vst v5  }
0x19c: {  	[tilespmem:s7+$0x0] =	vst v4  }
0x19d: {  	v4 =	vld [tilespmem:s15+$0x10];
	_ =	sdelay $0x2  }
.Ltmp12:
0x19e: {  	(pc) =	sbr.rel @p1 .LBB2_18-.Ltmp12, $4  }
0x19f: {  	_ = 	snop  }
0x1a0: {  	v5 =	vshra.s32 v4, $0xF  }
0x1a1: {  	v5 =	vadd.s32 v1, v5  }
0x1a2: {  	s7 =	sadd.s32 $0x40, s7;
	v4 =	vand.u32 $0x7FFF, v4;
	[tilespmem:s16+$0x10] =	vst v5  }
.Ltmp13:
0x1a3: {  	(pc) =	sbr.rel .LBB2_20-.Ltmp13, $4  }
0x1a4: {  	[tilespmem:s0+$0x10] =	vst v4;
	s15 =	simm.s32 $0x0;
	s31 =	rddreg [dreg:$0x1a]  }
0x1a5: {  	[tilespmem:s15], [sflag:$0x3] =	stream.linear.gather [hbm4b:s31+s15], $0x400, $0x38;
	[tilespmem:$0x1E830] =	vst v63  }
0x1a6: {  	_ = 	snop  }
0x1a7: {  	[tilespmem:s20], [sflag:$0x1] =	stream.indirect.gather [hbm4b:s5+s13], $0x20, s19, s13, $0xb8;
	[tilespmem:$0x1E830] =	vst v63  }
.LBB2_26:
0x1a8: {  	[tilespmem:s23], [sflag:$0x2] =	stream.indirect.gather [hbm4b:s5+s13], $0x20, s22, s13, $0xb8;
	[tilespmem:$0x1E830] =	vst v63  }
0x1a9: {  	_ =	swait.ge [sflag:s24], $0x8000  }
0x1aa: {  	[sflag:s24] =	ssyncset.done $0x0  }
0x1ab: {  	[sflag:s24] =	ssyncadd.s32 $0xFFFF8000  }
0x1ac: {  	[spmem:s1] =	stream.indirect.scatter.add.f32 [tilespmem:s20], [sflag:$0x5], $0x20, s29, s13, $0xb8;
	[tilespmem:$0x1E830] =	vst v63  }
0x1ad: {  	_ =	swait.ge [sflag:s12], $0x8000  }
0x1ae: {  	[sflag:s12] =	ssyncset.done $0x0  }
0x1af: {  	[sflag:s12] =	ssyncadd.s32 $0xFFFF8000  }
.LBB2_27:
0x1b0: {  	_ =	swait.ge [sflag:s8], $0x8000;
	s15 =	sadd.s32 $0x1, s15  }
0x1b1: {  	[sflag:s8] =	ssyncset.done $0x0;
	p1 =	sne.s32 s15, $0xB  }
.Ltmp14:
0x1b2: {  	[sflag:s8] =	ssyncadd.s32 $0xFFFF8000;
	(pc) =	sbr.rel @!p1 .LBB2_28-.Ltmp14, $4  }
0x1b3: {  	[spmem:s1] =	stream.indirect.scatter.add.f32 [tilespmem:s23], [sflag:$0x5], $0x20, s9, s13, $0xb8;
	[tilespmem:$0x1E830] =	vst v63  }
0x1b4: {  	_ =	swait.ge [sflag:s12], $0x8000  }
0x1b5: {  	[sflag:s12] =	ssyncset.done $0x0  }
0x1b6: {  	[sflag:s12] =	ssyncadd.s32 $0xFFFF8000  }
.LBB2_20:
0x1b7: {  	_ =	swait.ge [sflag:s21], $0x400  }
0x1b8: {  	[sflag:s21] =	ssyncset.done $0x0  }
0x1b9: {  	s16 =	simm.s32 $0x420;
	[sflag:s21] =	ssyncadd.s32 $0xFFFFFC00  }
0x1ba: {  	v4 =	vld [tilespmem:s16+$0xFFFFFFE0];
	_ =	sdelay $0x4  }
0x1bb: {  	v5 =	vshra.s32 v4, $0xF  }
0x1bc: {  	s17 =	simm.s32 $0xC20;
	v5 =	vadd.s32 v1, v5  }
0x1bd: {  	s0 =	simm.s32 $0x1420;
	v4 =	vand.u32 $0x7FFF, v4;
	[tilespmem:s17+$0xFFFFFFE0] =	vst v5  }
0x1be: {  	[tilespmem:s0+$0xFFFFFFE0] =	vst v4  }
0x1bf: {  	v4 =	vld [tilespmem:s16+$0xFFFFFFF0];
	_ =	sdelay $0x4  }
0x1c0: {  	v5 =	vshra.s32 v4, $0xF  }
0x1c1: {  	v5 =	vadd.s32 v1, v5  }
0x1c2: {  	v4 =	vand.u32 $0x7FFF, v4;
	[tilespmem:s17+$0xFFFFFFF0] =	vst v5  }
0x1c3: {  	[tilespmem:s0+$0xFFFFFFF0] =	vst v4  }
0x1c4: {  	v4 =	vld [tilespmem:s16+$0x0];
	_ =	sdelay $0x4  }
0x1c5: {  	v5 =	vshra.s32 v4, $0xF  }
0x1c6: {  	v5 =	vadd.s32 v1, v5  }
0x1c7: {  	v4 =	vand.u32 $0x7FFF, v4;
	[tilespmem:s17+$0x0] =	vst v5  }
0x1c8: {  	[tilespmem:s0+$0x0] =	vst v4  }
0x1c9: {  	v4 =	vld [tilespmem:s16+$0x10];
	_ =	sdelay $0x4  }
0x1ca: {  	v5 =	vshra.s32 v4, $0xF  }
0x1cb: {  	v5 =	vadd.s32 v1, v5  }
0x1cc: {  	s25 =	simm.s32 $0x0;
	s7 =	simm.s32 $0x1460;
	v4 =	vand.u32 $0x7FFF, v4;
	[tilespmem:s17+$0x10] =	vst v5  }
.LBB2_21:
0x1cd: {  	s25 =	sadd.s32 $0x4, s25;
	[tilespmem:s0+$0x10] =	vst v4;
	s16 =	sadd.s32 $0x40, s16;
	s17 =	sadd.s32 $0x40, s17  }
0x1ce: {  	s0 =	smov.u32 s7;
	v4 =	vld [tilespmem:s16+$0xFFFFFFE0];
	p1 =	slt.u32 s25, $0x3C;
	_ =	sdelay $0x4  }
0x1cf: {  	v5 =	vshra.s32 v4, $0xF  }
0x1d0: {  	v5 =	vadd.s32 v1, v5  }
0x1d1: {  	v4 =	vand.u32 $0x7FFF, v4;
	[tilespmem:s17+$0xFFFFFFE0] =	vst v5  }
0x1d2: {  	[tilespmem:s7+$0xFFFFFFE0] =	vst v4  }
0x1d3: {  	v4 =	vld [tilespmem:s16+$0xFFFFFFF0];
	_ =	sdelay $0x4  }
0x1d4: {  	v5 =	vshra.s32 v4, $0xF  }
0x1d5: {  	v5 =	vadd.s32 v1, v5  }
0x1d6: {  	v4 =	vand.u32 $0x7FFF, v4;
	[tilespmem:s17+$0xFFFFFFF0] =	vst v5  }
0x1d7: {  	[tilespmem:s7+$0xFFFFFFF0] =	vst v4  }
0x1d8: {  	v4 =	vld [tilespmem:s16+$0x0];
	_ =	sdelay $0x4  }
0x1d9: {  	v5 =	vshra.s32 v4, $0xF  }
0x1da: {  	v5 =	vadd.s32 v1, v5  }
0x1db: {  	v4 =	vand.u32 $0x7FFF, v4;
	[tilespmem:s17+$0x0] =	vst v5  }
0x1dc: {  	[tilespmem:s7+$0x0] =	vst v4  }
0x1dd: {  	v4 =	vld [tilespmem:s16+$0x10];
	_ =	sdelay $0x2  }
.Ltmp15:
0x1de: {  	(pc) =	sbr.rel @p1 .LBB2_21-.Ltmp15, $4  }
0x1df: {  	_ = 	snop  }
0x1e0: {  	v5 =	vshra.s32 v4, $0xF  }
0x1e1: {  	v5 =	vadd.s32 v1, v5  }
0x1e2: {  	s7 =	sadd.s32 $0x40, s7;
	v4 =	vand.u32 $0x7FFF, v4;
	[tilespmem:s17+$0x10] =	vst v5  }
0x1e3: {  	p1 =	seq.s32 s15, $0xA  }
.Ltmp16:
0x1e4: {  	_ = 	snop;
	(pc) =	sbr.rel @p1 .LBB2_26-.Ltmp16, $2  }
0x1e5: {  	_ =	sdelay $0x2  }
0x1e6: {  	[tilespmem:s0+$0x10] =	vst v4  }
0x1e7: {  	s16 =	sshll.u32 s15, $0xB  }
0x1e8: {  	s0 =	sadd.s32 s16, s26  }
0x1e9: {  	s0 =	sshrl.u32 s0, $0x3  }
0x1ea: {  	s0 =	sadd.s32 s6, s0  }
0x1eb: {  	[tilespmem:s13], [sflag:$0x4] =	stream.linear.gather [hbm4b:s0+s4], $0x400, $0x38;
	[tilespmem:$0x1E830] =	vst v63  }
0x1ec: {  	_ = 	snop  }
0x1ed: {  	[tilespmem:s23], [sflag:$0x2] =	stream.indirect.gather [hbm4b:s5+s13], $0x20, s22, s13, $0xb8;
	[tilespmem:$0x1E830] =	vst v63  }
0x1ee: {  	_ =	swait.ge [sflag:s24], $0x8000  }
0x1ef: {  	[sflag:s24] =	ssyncset.done $0x0  }
0x1f0: {  	[sflag:s24] =	ssyncadd.s32 $0xFFFF8000  }
0x1f1: {  	[spmem:s1] =	stream.indirect.scatter.add.f32 [tilespmem:s20], [sflag:$0x5], $0x20, s29, s13, $0xb8;
	[tilespmem:$0x1E830] =	vst v63  }
0x1f2: {  	_ =	swait.ge [sflag:s12], $0x8000  }
0x1f3: {  	[sflag:s12] =	ssyncset.done $0x0  }
0x1f4: {  	[sflag:s12] =	ssyncadd.s32 $0xFFFF8000  }
0x1f5: {  	_ =	swait.ge [sflag:s18], $0x400  }
0x1f6: {  	[sflag:s18] =	ssyncset.done $0x0  }
0x1f7: {  	s17 =	simm.s32 $0x20;
	[sflag:s18] =	ssyncadd.s32 $0xFFFFFC00  }
0x1f8: {  	v4 =	vld [tilespmem:s17+$0xFFFFFFE0];
	_ =	sdelay $0x4  }
0x1f9: {  	v5 =	vshra.s32 v4, $0xF  }
0x1fa: {  	s31 =	simm.s32 $0x820;
	v5 =	vadd.s32 v1, v5  }
0x1fb: {  	s0 =	simm.s32 $0x1020;
	v4 =	vand.u32 $0x7FFF, v4;
	[tilespmem:s31+$0xFFFFFFE0] =	vst v5  }
0x1fc: {  	[tilespmem:s0+$0xFFFFFFE0] =	vst v4  }
0x1fd: {  	v4 =	vld [tilespmem:s17+$0xFFFFFFF0];
	_ =	sdelay $0x4  }
0x1fe: {  	v5 =	vshra.s32 v4, $0xF  }
0x1ff: {  	v5 =	vadd.s32 v1, v5  }
0x200: {  	v4 =	vand.u32 $0x7FFF, v4;
	[tilespmem:s31+$0xFFFFFFF0] =	vst v5  }
0x201: {  	[tilespmem:s0+$0xFFFFFFF0] =	vst v4  }
0x202: {  	v4 =	vld [tilespmem:s17+$0x0];
	_ =	sdelay $0x4  }
0x203: {  	v5 =	vshra.s32 v4, $0xF  }
0x204: {  	v5 =	vadd.s32 v1, v5  }
0x205: {  	v4 =	vand.u32 $0x7FFF, v4;
	[tilespmem:s31+$0x0] =	vst v5  }
0x206: {  	[tilespmem:s0+$0x0] =	vst v4  }
0x207: {  	v4 =	vld [tilespmem:s17+$0x10];
	_ =	sdelay $0x4  }
0x208: {  	v5 =	vshra.s32 v4, $0xF  }
0x209: {  	v5 =	vadd.s32 v1, v5  }
0x20a: {  	s25 =	simm.s32 $0x0;
	s7 =	simm.s32 $0x1060;
	v4 =	vand.u32 $0x7FFF, v4;
	[tilespmem:s31+$0x10] =	vst v5  }
.LBB2_24:
0x20b: {  	s25 =	sadd.s32 $0x4, s25;
	[tilespmem:s0+$0x10] =	vst v4;
	s17 =	sadd.s32 $0x40, s17;
	s31 =	sadd.s32 $0x40, s31  }
0x20c: {  	s0 =	smov.u32 s7;
	v4 =	vld [tilespmem:s17+$0xFFFFFFE0];
	p1 =	slt.u32 s25, $0x3C;
	_ =	sdelay $0x4  }
0x20d: {  	v5 =	vshra.s32 v4, $0xF  }
0x20e: {  	v5 =	vadd.s32 v1, v5  }
0x20f: {  	v4 =	vand.u32 $0x7FFF, v4;
	[tilespmem:s31+$0xFFFFFFE0] =	vst v5  }
0x210: {  	[tilespmem:s7+$0xFFFFFFE0] =	vst v4  }
0x211: {  	v4 =	vld [tilespmem:s17+$0xFFFFFFF0];
	_ =	sdelay $0x4  }
0x212: {  	v5 =	vshra.s32 v4, $0xF  }
0x213: {  	v5 =	vadd.s32 v1, v5  }
0x214: {  	v4 =	vand.u32 $0x7FFF, v4;
	[tilespmem:s31+$0xFFFFFFF0] =	vst v5  }
0x215: {  	[tilespmem:s7+$0xFFFFFFF0] =	vst v4  }
0x216: {  	v4 =	vld [tilespmem:s17+$0x0];
	_ =	sdelay $0x4  }
0x217: {  	v5 =	vshra.s32 v4, $0xF  }
0x218: {  	v5 =	vadd.s32 v1, v5  }
0x219: {  	v4 =	vand.u32 $0x7FFF, v4;
	[tilespmem:s31+$0x0] =	vst v5  }
0x21a: {  	[tilespmem:s7+$0x0] =	vst v4  }
0x21b: {  	v4 =	vld [tilespmem:s17+$0x10];
	_ =	sdelay $0x2  }
.Ltmp17:
0x21c: {  	(pc) =	sbr.rel @p1 .LBB2_24-.Ltmp17, $4  }
0x21d: {  	_ = 	snop  }
0x21e: {  	v5 =	vshra.s32 v4, $0xF  }
0x21f: {  	v5 =	vadd.s32 v1, v5  }
0x220: {  	s7 =	sadd.s32 $0x40, s7;
	v4 =	vand.u32 $0x7FFF, v4;
	[tilespmem:s31+$0x10] =	vst v5  }
0x221: {  	p1 =	sgt.u32 s15, $0x8  }
0x222: {  	s7 =	sadd.s32 @!p1 s16, s28  }
.Ltmp18:
0x223: {  	s7 =	sshrl.u32 @!p1 s7, $0x3;
	(pc) =	sbr.rel .LBB2_27-.Ltmp18, $4  }
0x224: {  	[tilespmem:s0+$0x10] =	vst v4;
	s0 =	sadd.s32 @!p1 s6, s7;
	s7 =	simm.s32 @!p1 $0x0  }
0x225: {  	[tilespmem:s7], [sflag:$0x3] =	stream.linear.gather @!p1 [hbm4b:s0+s7], $0x400, $0x38;
	[tilespmem:$0x1E830] =	vst v63  }
0x226: {  	_ = 	snop  }
0x227: {  	[tilespmem:s20], [sflag:$0x1] =	stream.indirect.gather [hbm4b:s5+s13], $0x20, s19, s13, $0xb8;
	[tilespmem:$0x1E830] =	vst v63  }
.LBB2_29:
0x228: {  	_ =	sfence.sel $0x180000  }
0x229: {  	[bflag:$0x0] =	sbarrier.arrive $0xFFFF  }
0x22a: {  	_ =	strace $0x90000047  }
0x22b: {  	s0 =	stileid.u32;
	[bflag:$0x2] =	sbarrier.arrive $0xFFFF  }
0x22c: {  	p0 =	sne.s32 s0, $0x0;
	s0 =	rddreg [dreg:$0x3]  }
0x22d: {  	s0 =	sadd.s32 @!p0 $0x100000, s0  }
0x22e: {  	[sflag:s0] =	ssyncadd.tile.s32 @!p0 $0x1;
	_ =	shalt  }
.Lfunc_end2:
_tile_overlayer_lowered:
.L_overlay_start_2:
0x22f: {  	(tag) =	ssettag $0x2  }
0x230: {  	s0 =	rddreg [dreg:$0x0];
	s2 =	stileid.u32  }
0x231: {  	s1 =	rddreg [dreg:$0x1];
	p0 =	sne.s32 s2, $0x0  }
0x232: {  	s3 =	rddreg [dreg:$0x2];
	[bflag:$0x3] =	sbarrier.arrive $0xFFFF;
	s2 =	simm.s32 @!p0 $0x1C05  }
0x233: {  	[timem:s3], [sflag:s2] =	dma.local @!p0 [hbm:s0], s1  }
0x234: {  	s0 =	simm.s32 @!p0 $0x5  }
0x235: {  	_ =	swait.ge @!p0 [sflag:s0], s1  }
0x236: {  	s1 =	ssub.s32 @!p0 $0x0, s1;
	[sflag:s0] =	ssyncset.done @!p0 $0x0  }
0x237: {  	[sflag:s0] =	ssyncadd.s32 @!p0 s1  }
0x238: {  	[bflag:$0x3] =	sbarrier.arrive $0xFFFF  }
0x239: {  	_ =	shalt  }

// kernel: kernel.13.cloned.1.call-start
scs
__scs_entry_jumppad:
0x0: {  	(pc) =	sbr.rel $0x88, $3  }
0x1: {  	(tag) =	ssettag $0x0;
	lr =	simm.s32 $0x1  }
0x2: {  	[smem:$0x3F8A] =	sst lr;
	_ =	strace $0xD0000000  }
0x3: {  	_ = 	snop  }
0x4: {  	_ = 	snop  }
0x5: {  	_ = 	snop  }
0x6: {  	_ = 	snop  }
0x7: {  	_ = 	snop  }
__scs_overlays_trampoline_lowered:
0x8: {  	[smem:$0x3F99] =	sst s0  }
0x9: {  	[smem:$0x3F9A] =	sst s1  }
0xa: {  	[smem:$0x3F9B] =	sst s2  }
0xb: {  	[smem:$0x3F9C] =	sst s3  }
0xc: {  	[smem:$0x3F9D] =	sst s4  }
0xd: {  	[smem:$0x3F9E] =	sst s5  }
0xe: {  	[smem:$0x3F9F] =	sst s6  }
0xf: {  	[smem:$0x3FA0] =	sst s7  }
0x10: {  	[smem:$0x3FA1] =	sst s8  }
0x11: {  	[smem:$0x3FA2] =	sst s9;
	s0 =	simm.s32 @!p0 $0x0  }
0x12: {  	s1 =	sld [smem:$0x3F88];
	s0 =	simm.s32 @p0 $0x1  }
0x13: {  	[smem:$0x3FA3] =	sst s0;
	s0 =	simm.s32 @!p1 $0x0  }
0x14: {  	s2 =	sld [smem:$0x3F87];
	s0 =	simm.s32 @p1 $0x1  }
0x15: {  	[smem:$0x3FA4] =	sst s0;
	s0 =	simm.s32 @!p2 $0x0  }
0x16: {  	s3 =	sld [smem:$0x3FDB];
	s0 =	simm.s32 @p2 $0x1  }
0x17: {  	s4 =	simm.s32 $0x1BF5;
	[smem:$0x3FA6] =	sst s0  }
0x18: {  	s0 =	sld [smem:$0x3F89];
	_ =	swait.ge [sflag:s4], $0x0  }
0x19: {  	s7 =	sld [smem:$0x3F8A]  }
0x1a: {  	s8 =	sadd.s32 $0xFFFFE003, lr  }
0x1b: {  	s9 =	sadd.s32 $0xFFFFFEF7, lr;
	s5 =	simm.s32 $0xFFFFFFFF;
	p2 =	slt.u32 s8, $0xFFFFF086  }
0x1c: {  	p1 =	slt.u32 s9, $0xF7A;
	s5 =	simm.s32 @!p2 $0x0  }
0x1d: {  	s5 =	simm.s32 @p1 $0x1;
	p0 =	seq.s32 s7, s2  }
0x1e: {  	s7 =	smul.u32 @!p0 $0xF7A, s2;
	p2 =	seq.s32 @!p0 s5, $0x0  }
0x1f: {  	s9 =	smul.u32 $0xF7A, s1;
	s8 =	simm.s32 @!p0 $0x1BF5;
	p2 =	por !p2, p0  }
0x20: {  	[sflag:s8] =	ssyncset.s32 @!p0 $0xFFFFF086;
	s6 =	sadd.s32 @!p0 s3, s7;
	s7 =	simm.s32 @!p0 $0x108  }
0x21: {  	s3 =	sadd.s32 s3, s9;
	s6 =	sadd.s32 @!p0 $0x88, s6;
	s7 =	simm.s32 @p2 $0x1082  }
0x22: {  	[simem:s7], [sflag:s8] =	dma.local @!p0 [hbm:s6], $0xF7A  }
0x23: {  	s9 =	sor.u32 $0xD0000000, s2;
	s6 =	simm.s32 $0x108;
	_ =	swait.ge @!p0 [sflag:s8], $0x0  }
0x24: {  	s3 =	sadd.s32 $0x88, s3;
	s6 =	simm.s32 @!p1 $0x1082;
	[sflag:s4] =	ssyncset.s32 $0xFFFFF086  }
0x25: {  	[simem:s6], [sflag:s4] =	dma.local [hbm:s3], $0xF7A  }
0x26: {  	[smem:$0x3F8A] =	sst s1;
	(tag) =	ssettag s2;
	_ =	strace s9  }
0x27: {  	s1 =	sld [smem:$0x3F9A]  }
0x28: {  	s2 =	sld [smem:$0x3F9B]  }
0x29: {  	s4 =	sld [smem:$0x3F9D]  }
0x2a: {  	p0 =	seq.s32 s5, $0x0;
	s5 =	sld [smem:$0x3F9E]  }
0x2b: {  	s6 =	sld [smem:$0x3F9F]  }
0x2c: {  	s7 =	sld [smem:$0x3FA0]  }
0x2d: {  	s3 =	simm.s32 $0x108;
	s8 =	sld [smem:$0x3FA1]  }
0x2e: {  	s3 =	simm.s32 @!p0 $0x1082;
	s9 =	sld [smem:$0x3FA2]  }
0x2f: {  	lr =	sadd.s32 s0, s3;
	s0 =	sld [smem:$0x3F99]  }
0x30: {  	s3 =	sld [smem:$0x3F9C]  }
0x31: {  	[smem:$0x3FA5] =	sst s10  }
0x32: {  	s10 =	sld [smem:$0x3FA3];
	_ =	sdelay $0x3  }
0x33: {  	p0 =	seq.s32 s10, $0x1;
	s10 =	sld [smem:$0x3FA5];
	_ =	sdelay $0x3  }
0x34: {  	[smem:$0x3FA5] =	sst s10  }
0x35: {  	s10 =	sld [smem:$0x3FA4];
	_ =	sdelay $0x3  }
0x36: {  	p1 =	seq.s32 s10, $0x1;
	s10 =	sld [smem:$0x3FA5];
	_ =	sdelay $0x3  }
0x37: {  	[smem:$0x3FA5] =	sst s10  }
0x38: {  	s10 =	sld [smem:$0x3FA6]  }
0x39: {  	_ = 	snop;
	(pc) =	sbr.ind lr, $3  }
0x3a: {  	_ = 	snop  }
0x3b: {  	_ = 	snop  }
0x3c: {  	p2 =	seq.s32 s10, $0x1;
	s10 =	sld [smem:$0x3FA5]  }
0x3d: {  	_ =	shalt  }
0x3e: {  	_ =	shalt  }
0x3f: {  	_ =	shalt  }
0x40: {  	_ =	shalt  }
0x41: {  	_ =	shalt  }
0x42: {  	_ =	shalt  }
0x43: {  	_ =	shalt  }
0x44: {  	_ =	shalt  }
0x45: {  	_ =	shalt  }
0x46: {  	_ =	shalt  }
0x47: {  	_ =	shalt  }
0x48: {  	_ =	shalt  }
0x49: {  	_ =	shalt  }
0x4a: {  	_ =	shalt  }
0x4b: {  	_ =	shalt  }
0x4c: {  	_ =	shalt  }
0x4d: {  	_ =	shalt  }
0x4e: {  	_ =	shalt  }
0x4f: {  	_ =	shalt  }
0x50: {  	_ =	shalt  }
0x51: {  	_ =	shalt  }
0x52: {  	_ =	shalt  }
0x53: {  	_ =	shalt  }
0x54: {  	_ =	shalt  }
0x55: {  	_ =	shalt  }
0x56: {  	_ =	shalt  }
0x57: {  	_ =	shalt  }
0x58: {  	_ =	shalt  }
0x59: {  	_ =	shalt  }
0x5a: {  	_ =	shalt  }
0x5b: {  	_ =	shalt  }
0x5c: {  	_ =	shalt  }
0x5d: {  	_ =	shalt  }
0x5e: {  	_ =	shalt  }
0x5f: {  	_ =	shalt  }
0x60: {  	_ =	shalt  }
0x61: {  	_ =	shalt  }
0x62: {  	_ =	shalt  }
0x63: {  	_ =	shalt  }
0x64: {  	_ =	shalt  }
0x65: {  	_ =	shalt  }
0x66: {  	_ =	shalt  }
0x67: {  	_ =	shalt  }
0x68: {  	_ =	shalt  }
0x69: {  	_ =	shalt  }
0x6a: {  	_ =	shalt  }
0x6b: {  	_ =	shalt  }
0x6c: {  	_ =	shalt  }
0x6d: {  	_ =	shalt  }
0x6e: {  	_ =	shalt  }
0x6f: {  	_ =	shalt  }
0x70: {  	_ =	shalt  }
0x71: {  	_ =	shalt  }
0x72: {  	_ =	shalt  }
0x73: {  	_ =	shalt  }
0x74: {  	_ =	shalt  }
0x75: {  	_ =	shalt  }
0x76: {  	_ =	shalt  }
0x77: {  	_ =	shalt  }
0x78: {  	_ =	shalt  }
0x79: {  	_ =	shalt  }
0x7a: {  	_ =	shalt  }
0x7b: {  	_ =	shalt  }
0x7c: {  	_ =	shalt  }
0x7d: {  	_ =	shalt  }
0x7e: {  	_ =	shalt  }
0x7f: {  	_ =	shalt  }
0x80: {  	_ =	shalt  }
0x81: {  	_ =	shalt  }
0x82: {  	_ =	shalt  }
0x83: {  	_ =	shalt  }
0x84: {  	_ =	shalt  }
0x85: {  	_ =	shalt  }
0x86: {  	_ =	shalt  }
0x87: {  	_ =	shalt  }
.Lfunc_end0:
.L_simem_size_0:
called_computation.1_lowered:
.L_overlay_start_0:
0x88: {  	s2 =	sld [smem:$0x3FD9]  }
0x89: {  	s3 =	sld [smem:$0x3FFE];
	_ =	sdelay $0x1  }
0x8a: {  	s1 =	srdreg.scid  }
0x8b: {  	s0 =	sand.u32 $0x1, s1  }
0x8c: {  	s16 =	sshll.u32 s0, $0xA;
	s2 =	sadd.s32 s3, s2  }
0x8d: {  	s2 =	sadd.s32 s2, s16  }
0x8e: {  	[smem:$0x3FB1] =	sst s2  }
0x8f: {  	_ = 	snop  }
0x90: {  	(tm) =	ssettm $0x1  }
0x91: {  	s17 =	sld [smem:$0x3FFB];
	_ =	sdelay $0x3  }
0x92: {  	_ =	strace s17  }
0x93: {  	s2 =	sld [smem:$0x3FFC];
	_ =	sdelay $0x3  }
0x94: {  	_ =	strace s2  }
0x95: {  	s2 =	sld [smem:$0x3FFD];
	_ =	sdelay $0x3  }
0x96: {  	_ =	strace s2  }
0x97: {  	_ =	strace $0x8FFFFFFF  }
0x98: {  	s18 =	sld [smem:$0x3FDB];
	_ =	sdelay $0x1  }
0x99: {  	s19 =	simm.s32 $_scs_section_size  }
0x9a: {  	s4 =	simm.s32 $_size__tile_overlayer_lowered;
	s5 =	simm.s32 $_tile_overlayer_lowered  }
0x9b: {  	s22 =	simm.s32 $0x1BFF;
	s21 =	sshll.u32 s5, $0x1;
	s2 =	sadd.s32 s19, s18  }
0x9c: {  	s6 =	simm.s32 $0x0;
	s20 =	sshll.u32 s4, $0x1;
	s4 =	sadd.s32 s21, s2  }
0x9d: {  	[timem:s6], [sflag:s22] =	dma.local [hbm:s4], s20  }
0x9e: {  	_ =	swait.ge [sflag:s22], s20  }
0x9f: {  	s3 =	ssub.s32 $0x0, s20;
	[sflag:s22] =	ssyncset.done $0x0  }
0xa0: {  	[sflag:s22] =	ssyncadd.s32 s3;
	_ =	sdelay $0x1  }
0xa1: {  	s23 =	simm.s32 $0x1B8B  }
0xa2: {  	_ =	swait.ge [sflag:s23], $0x1  }
0xa3: {  	[sflag:s23] =	ssyncset.done $0x0  }
0xa4: {  	s25 =	simm.s32 $0x1B8E;
	s24 =	sld [smem:$0x3FFE];
	[sflag:s23] =	ssyncadd.s32 $0xFFFFFFFF  }
0xa5: {  	s26 =	simm.s32 $execute0_lowered;
	[smem:$0x3FD2] =	sst s25  }
0xa6: {  	s4 =	sshll.u32 s26, $0x1;
	_ =	strace $0x80000049;
	[dreg:$0x1] =	wrdreg $0xFFFFFFFF  }
0xa7: {  	s28 =	simm.s32 $_size_execute0_lowered;
	s2 =	sadd.s32 s2, s4;
	[dreg:$0x0] =	wrdreg $0x0  }
0xa8: {  	s4 =	sshll.u32 s28, $0x1;
	[dreg:$0x2] =	wrdreg s2  }
0xa9: {  	[dreg:$0x3] =	wrdreg s4  }
0xaa: {  	[dreg:$0x4] =	wrdreg $0xC0  }
0xab: {  	_ =	task [dreg:s6], $0x5FFFF  }
0xac: {  	[dreg:$0x1] =	wrdreg $0xFFFFFFFF  }
0xad: {  	[dreg:$0x0] =	wrdreg $0x60  }
0xae: {  	[dreg:$0x2] =	wrdreg s24  }
0xaf: {  	[dreg:$0x3] =	wrdreg $0x118000  }
0xb0: {  	[dreg:$0x4] =	wrdreg $0x9  }
0xb1: {  	_ =	task.clear_ibuf [dreg:s6], $0x5FFFF;
	_ =	strace $0x90000049  }
0xb2: {  	s29 =	simm.s32 $0x9;
	_ =	strace $0x8000004B  }
0xb3: {  	_ =	swait.ge [sflag:s29], $0x1  }
0xb4: {  	[sflag:s29] =	ssyncadd.s32 $0xFFFFFFFF  }
0xb5: {  	_ =	strace $0x9000004B  }
0xb6: {  	_ =	sfence  }
0xb7: {  	s30 =	sld [smem:$0x0];
	_ =	sdelay $0x2  }
0xb8: {  	s31 =	sshll.u32 s1, $0xD;
	s1 =	sshrl.u32 s1, $0x2  }
0xb9: {  	s3 =	sand.u32 $0x4000, s31;
	s1 =	sadd.s32 s1, s30  }
0xba: {  	s0 =	sor.u32 s3, s0;
	s1 =	sshll.u32 s1, $0x11  }
0xbb: {  	s0 =	sor.u32 s1, s0  }
0xbc: {  	s0 =	sadd.s32 $0x8F2B, s0  }
0xbd: {  	[sflag:s0] =	ssyncadd.remote.s32 $0x1  }
0xbe: {  	_ =	sfence.sel $0xFFFF  }
0xbf: {  	[dreg:$0x0] =	wrdreg $0xFFFFFFFF;
	(pc) =	sbr.abs _section_cstart, $3  }
0xc0: {  	[dreg:$0x1] =	wrdreg $0xFFFFFFFF  }
0xc1: {  	_ =	task.clear_ibuf [dreg:s6], $0x2FFFF;
	_ =	strace $0x9FFFFFFF  }
0xc2: {  	(tm) =	ssettm $0x7FFFFFFF  }
0xc3: {  	_ =	shalt  }
tec
execute0_lowered:
.L_overlay_start_1:
0x0: {  	(tag) =	ssettag $0x1  }
0x1: {  	s0 =	rddreg [dreg:$0x0]  }
0x2: {  	s2 =	rddreg [dreg:$0x1];
	s3 =	simm.s32 $0x0;
	s10 =	stileid.u32  }
0x3: {  	s1 =	srdreg.scid;
	s22 =	simm.s32 $0x1C800;
	s23 =	simm.s32 $0x5  }
0x4: {  	s28 =	simm.s32 $0x1800;
	s29 =	simm.s32 $0x4;
	s30 =	simm.s32 $0xC00  }
0x5: {  	s31 =	simm.s32 $0x9800;
	[smem:$0x7FF] =	sst s3;
	s7 =	smul.u32 $0x2C000, s10  }
0x6: {  	s4 =	sadd.s32 $0xF400, s0;
	s1 =	sand.u32 $0x1, s1;
	s5 =	sadd.s32 $0x4400, s0  }
0x7: {  	s0 =	sadd.s32 $0xBEC00, s0;
	s24 =	smul.u32 $0x5800, s10;
	_ =	strace $0x8000004A  }
0x8: {  	s8 =	ssub.s32 $0x2, s1;
	s16 =	smul.u32 $0xAD80, s1;
	s6 =	sshrl.u32 s7, $0x2  }
0x9: {  	s18 =	sshll.u32 s1, $0x6;
	s1 =	sshllo.u32 s1, $0x1;
	s6 =	sadd.s32 s6, s2  }
0xa: {  	s9 =	sshrl.u32 s8, $0x1;
	s14 =	sshrl.u32 s24, $0x3;
	s25 =	sadd.s32 $0x2C00, s6  }
0xb: {  	s19 =	sshll.u32 s1, $0x5;
	s26 =	sadd.s32 $0x4200, s6;
	[dreg:$0x3] =	wrdreg s25  }
0xc: {  	s17 =	sadd.s32 $0xC00, s24;
	s11 =	sadd.s32 $0x5800, s6;
	[dreg:$0x4] =	wrdreg s26  }
0xd: {  	s21 =	smul.u32 $0x56C0, s1;
	s12 =	sadd.s32 $0x6E00, s6;
	[dreg:$0x5] =	wrdreg s11  }
0xe: {  	s1 =	simm.s32 $0x1000;
	s13 =	sadd.s32 $0x8400, s6;
	[dreg:$0x6] =	wrdreg s12  }
0xf: {  	s8 =	ssub.s32 s8, s9;
	[dreg:$0x7] =	wrdreg s13;
	s11 =	sadd.s32 $0x9A00, s6  }
0x10: {  	s15 =	sadd.s32 $0x1600, s6;
	s12 =	sadd.s32 s5, s14;
	[dreg:$0x8] =	wrdreg s11  }
0x11: {  	v1 =	vmov s21;
	s21 =	simm.s32 $0x0;
	s26 =	smax.u32 s8, $0x1;
	[dreg:$0x9] =	wrdreg s12  }
0x12: {  	s25 =	simm.s32 $0x3;
	s10 =	sadd.s32 $0x80, s12;
	[dreg:$0xe] =	wrdreg s26  }
0x13: {  	s12 =	sadd.s32 $0x100, s12;
	s26 =	simm.s32 $0x800;
	[dreg:$0xa] =	wrdreg s10  }
.Ltmp0:
0x14: {  	[dreg:$0xb] =	wrdreg s12;
	s10 =	sor.u32 s18, s7;
	(pc) =	sbr.rel .LBB2_1-.Ltmp0, $4  }
0x15: {  	s7 =	sor.u32 s7, s19;
	s18 =	sadd.s32 $0x1000, s24;
	s10 =	sshrl.u32 s10, $0x3  }
0x16: {  	s24 =	simm.s32 $0x400;
	s7 =	sshrl.u32 s7, $0x3;
	s20 =	sadd.s32 s0, s10  }
0x17: {  	s19 =	simm.s32 $0x2;
	s0 =	sadd.s32 s0, s7;
	[dreg:$0xc] =	wrdreg s20  }
0x18: {  	v2 =	vimm.f32 $0.0e+00;
	v0 =	vmov s16;
	[dreg:$0xd] =	wrdreg s0;
	s0 =	simm.s32 $0x1;
	s20 =	simm.s32 $0x1400  }
.LBB2_25:
0x19: {  	[bflag:$0x0] =	sbarrier.arrive $0xFFFF  }
0x1a: {  	s10 =	simm.s32 $0x10;
	s9 =	rddreg [dreg:$0xd]  }
0x1b: {  	[hbm:s9@s10], [sflag:s7] =	dma.strided [spmem:s8@s29], $0x1600, s0, $0x4   }
0x1c: {  	_ =	swait.ge [sflag:s23], $0x1600  }
0x1d: {  	s21 =	sadd.s32 $0x1, s21;
	s16 =	rddreg [dreg:$0xe]  }
0x1e: {  	p0 =	sne.s32 s21, s16  }
.Ltmp1:
0x1f: {  	_ = 	snop;
	(pc) =	sbr.rel @!p0 .LBB2_26-.Ltmp1, $3  }
0x20: {  	_ =	sdelay $0x1  }
0x21: {  	[sflag:s23] =	ssyncset.done $0x0  }
0x22: {  	s15 =	smov.u32 s14;
	[sflag:s23] =	ssyncadd.s32 $0xFFFFEA00  }
.LBB2_1:
0x23: {  	s7 =	sand.u32 $0x7F80, s3  }
0x24: {  	s8 =	sand.u32 $0x10, s3;
	s9 =	sshrl.u32 s7, $0x2  }
0x25: {  	s7 =	simm.s32 $0x40;
	s9 =	sor.u32 s8, s9;
	s8 =	simm.s32 $0x0  }
.LBB2_2:
0x26: {  	p0 =	sne.s32 s7, $0x57C0  }
0x27: {  	[tilespmem:s9+$0x1C800] =	vst v2;
	s8 =	sadd.s32 $0x10, s8;
	s9 =	smov.u32 s7;
	s7 =	sadd.s32 $0x40, s7  }
.Ltmp2:
0x28: {  	(pc) =	sbr.rel @p0 .LBB2_2-.Ltmp2, $4  }
0x29: {  	_ = 	snop  }
0x2a: {  	s9 =	sand.u32 $0x7F80, s9  }
0x2b: {  	s10 =	sand.u32 $0x10, s8;
	s9 =	sshrl.u32 s9, $0x2  }
0x2c: {  	s9 =	sor.u32 s10, s9  }
0x2d: {  	[tilespmem:s9+$0x1C800] =	vst v2  }
0x2e: {  	[spmem:s6] =	stream.linear.scatter [tilespmem:s22], [sflag:$0x5], $0x1600, $0x38;
	[tilespmem:$0x1DE00] =	vst v63  }
0x2f: {  	_ =	swait.ge [sflag:s23], $0x1600  }
0x30: {  	[sflag:s23] =	ssyncset.done $0x0  }
0x31: {  	[sflag:s23] =	ssyncadd.s32 $0xFFFFEA00  }
0x32: {  	[spmem:s15] =	stream.linear.scatter [tilespmem:s22], [sflag:$0x5], $0x1600, $0x38;
	[tilespmem:$0x1DE00] =	vst v63  }
0x33: {  	_ =	swait.ge [sflag:s23], $0x1600  }
0x34: {  	[sflag:s23] =	ssyncset.done $0x0  }
0x35: {  	s7 =	rddreg [dreg:$0x3];
	[sflag:s23] =	ssyncadd.s32 $0xFFFFEA00  }
0x36: {  	[spmem:s7] =	stream.linear.scatter [tilespmem:s22], [sflag:$0x5], $0x1600, $0x38;
	[tilespmem:$0x1DE00] =	vst v63  }
0x37: {  	_ =	swait.ge [sflag:s23], $0x1600  }
0x38: {  	[sflag:s23] =	ssyncset.done $0x0  }
0x39: {  	s9 =	rddreg [dreg:$0x4];
	[sflag:s23] =	ssyncadd.s32 $0xFFFFEA00  }
0x3a: {  	[spmem:s9] =	stream.linear.scatter [tilespmem:s22], [sflag:$0x5], $0x1600, $0x38;
	[tilespmem:$0x1DE00] =	vst v63  }
0x3b: {  	_ =	swait.ge [sflag:s23], $0x1600  }
0x3c: {  	[sflag:s23] =	ssyncset.done $0x0  }
0x3d: {  	s10 =	rddreg [dreg:$0x5];
	[sflag:s23] =	ssyncadd.s32 $0xFFFFEA00  }
0x3e: {  	[spmem:s10] =	stream.linear.scatter [tilespmem:s22], [sflag:$0x5], $0x1600, $0x38;
	[tilespmem:$0x1DE00] =	vst v63  }
0x3f: {  	_ =	swait.ge [sflag:s23], $0x1600  }
0x40: {  	[sflag:s23] =	ssyncset.done $0x0  }
0x41: {  	s11 =	rddreg [dreg:$0x6];
	[sflag:s23] =	ssyncadd.s32 $0xFFFFEA00  }
0x42: {  	[spmem:s11] =	stream.linear.scatter [tilespmem:s22], [sflag:$0x5], $0x1600, $0x38;
	[tilespmem:$0x1DE00] =	vst v63  }
0x43: {  	_ =	swait.ge [sflag:s23], $0x1600  }
0x44: {  	[sflag:s23] =	ssyncset.done $0x0  }
0x45: {  	s12 =	rddreg [dreg:$0x7];
	[sflag:s23] =	ssyncadd.s32 $0xFFFFEA00  }
0x46: {  	[spmem:s12] =	stream.linear.scatter [tilespmem:s22], [sflag:$0x5], $0x1600, $0x38;
	[tilespmem:$0x1DE00] =	vst v63  }
0x47: {  	_ =	swait.ge [sflag:s23], $0x1600  }
0x48: {  	[sflag:s23] =	ssyncset.done $0x0  }
0x49: {  	s13 =	rddreg [dreg:$0x8];
	[sflag:s23] =	ssyncadd.s32 $0xFFFFEA00  }
0x4a: {  	[spmem:s13] =	stream.linear.scatter [tilespmem:s22], [sflag:$0x5], $0x1600, $0x38;
	[tilespmem:$0x1DE00] =	vst v63  }
0x4b: {  	_ =	swait.ge [sflag:s23], $0x1600  }
0x4c: {  	[sflag:s23] =	ssyncset.done $0x0  }
0x4d: {  	[sflag:s23] =	ssyncadd.s32 $0xFFFFEA00  }
0x4e: {  	[bflag:$0x0] =	sbarrier.arrive $0xFFFF  }
0x4f: {  	s14 =	rddreg [dreg:$0x9]  }
0x50: {  	[tilespmem:s3], [sflag:$0x3] =	stream.linear.gather [hbm4b:s14+s3], $0x400, $0x38;
	[tilespmem:$0x1DE00] =	vst v63  }
0x51: {  	s16 =	rddreg [dreg:$0xa]  }
0x52: {  	[tilespmem:s24], [sflag:$0x4] =	stream.linear.gather [hbm4b:s16+s3], $0x400, $0x38;
	[tilespmem:$0x1DE00] =	vst v63  }
0x53: {  	_ =	swait.ge [sflag:s25], $0x400  }
0x54: {  	[sflag:s25] =	ssyncset.done $0x0  }
0x55: {  	s7 =	simm.s32 $0x20;
	[sflag:s25] =	ssyncadd.s32 $0xFFFFFC00  }
0x56: {  	v3 =	vld [tilespmem:s7+$0xFFFFFFE0];
	_ =	sdelay $0x4  }
0x57: {  	v4 =	vshra.s32 v3, $0xF  }
0x58: {  	s8 =	simm.s32 $0x820;
	v4 =	vadd.s32 v0, v4  }
0x59: {  	s9 =	simm.s32 $0x1020;
	v3 =	vand.u32 $0x7FFF, v3;
	[tilespmem:s8+$0xFFFFFFE0] =	vst v4  }
0x5a: {  	[tilespmem:s9+$0xFFFFFFE0] =	vst v3  }
0x5b: {  	v3 =	vld [tilespmem:s7+$0xFFFFFFF0];
	_ =	sdelay $0x4  }
0x5c: {  	v4 =	vshra.s32 v3, $0xF  }
0x5d: {  	v4 =	vadd.s32 v0, v4  }
0x5e: {  	v3 =	vand.u32 $0x7FFF, v3;
	[tilespmem:s8+$0xFFFFFFF0] =	vst v4  }
0x5f: {  	[tilespmem:s9+$0xFFFFFFF0] =	vst v3  }
0x60: {  	v3 =	vld [tilespmem:s7+$0x0];
	_ =	sdelay $0x4  }
0x61: {  	v4 =	vshra.s32 v3, $0xF  }
0x62: {  	v4 =	vadd.s32 v0, v4  }
0x63: {  	v3 =	vand.u32 $0x7FFF, v3;
	[tilespmem:s8+$0x0] =	vst v4  }
0x64: {  	[tilespmem:s9+$0x0] =	vst v3  }
0x65: {  	v3 =	vld [tilespmem:s7+$0x10];
	_ =	sdelay $0x4  }
0x66: {  	v4 =	vshra.s32 v3, $0xF  }
0x67: {  	v4 =	vadd.s32 v0, v4  }
0x68: {  	s10 =	simm.s32 $0x0;
	s11 =	simm.s32 $0x1060;
	v3 =	vand.u32 $0x7FFF, v3;
	[tilespmem:s8+$0x10] =	vst v4  }
.LBB2_4:
0x69: {  	s10 =	sadd.s32 $0x4, s10;
	[tilespmem:s9+$0x10] =	vst v3;
	s7 =	sadd.s32 $0x40, s7;
	s8 =	sadd.s32 $0x40, s8  }
0x6a: {  	s9 =	smov.u32 s11;
	v3 =	vld [tilespmem:s7+$0xFFFFFFE0];
	p0 =	slt.u32 s10, $0x3C;
	_ =	sdelay $0x4  }
0x6b: {  	v4 =	vshra.s32 v3, $0xF  }
0x6c: {  	v4 =	vadd.s32 v0, v4  }
0x6d: {  	v3 =	vand.u32 $0x7FFF, v3;
	[tilespmem:s8+$0xFFFFFFE0] =	vst v4  }
0x6e: {  	[tilespmem:s11+$0xFFFFFFE0] =	vst v3  }
0x6f: {  	v3 =	vld [tilespmem:s7+$0xFFFFFFF0];
	_ =	sdelay $0x4  }
0x70: {  	v4 =	vshra.s32 v3, $0xF  }
0x71: {  	v4 =	vadd.s32 v0, v4  }
0x72: {  	v3 =	vand.u32 $0x7FFF, v3;
	[tilespmem:s8+$0xFFFFFFF0] =	vst v4  }
0x73: {  	[tilespmem:s11+$0xFFFFFFF0] =	vst v3  }
0x74: {  	v3 =	vld [tilespmem:s7+$0x0];
	_ =	sdelay $0x4  }
0x75: {  	v4 =	vshra.s32 v3, $0xF  }
0x76: {  	v4 =	vadd.s32 v0, v4  }
0x77: {  	v3 =	vand.u32 $0x7FFF, v3;
	[tilespmem:s8+$0x0] =	vst v4  }
0x78: {  	[tilespmem:s11+$0x0] =	vst v3  }
0x79: {  	v3 =	vld [tilespmem:s7+$0x10];
	_ =	sdelay $0x2  }
.Ltmp3:
0x7a: {  	(pc) =	sbr.rel @p0 .LBB2_4-.Ltmp3, $4  }
0x7b: {  	_ = 	snop  }
0x7c: {  	v4 =	vshra.s32 v3, $0xF  }
0x7d: {  	v4 =	vadd.s32 v0, v4  }
0x7e: {  	s11 =	sadd.s32 $0x40, s11;
	v3 =	vand.u32 $0x7FFF, v3;
	[tilespmem:s8+$0x10] =	vst v4  }
.Ltmp4:
0x7f: {  	(pc) =	sbr.rel .LBB2_6-.Ltmp4, $4  }
0x80: {  	[tilespmem:s9+$0x10] =	vst v3;
	s7 =	simm.s32 $0x0;
	s8 =	rddreg [dreg:$0xb]  }
0x81: {  	[tilespmem:s7], [sflag:$0x3] =	stream.linear.gather [hbm4b:s8+s7], $0x400, $0x38;
	[tilespmem:$0x1DE00] =	vst v63  }
0x82: {  	_ = 	snop  }
0x83: {  	[tilespmem:s28], [sflag:$0x1] =	stream.indirect.gather [hbm4b:s4+s24], $0x20, s26, s24, $0xb8;
	[tilespmem:$0x1DE00] =	vst v63  }
.LBB2_12:
0x84: {  	[tilespmem:s31], [sflag:$0x2] =	stream.indirect.gather [hbm4b:s4+s24], $0x20, s30, s24, $0xb8;
	[tilespmem:$0x1DE00] =	vst v63  }
0x85: {  	_ =	swait.ge [sflag:s0], $0x8000  }
0x86: {  	[sflag:s0] =	ssyncset.done $0x0  }
0x87: {  	[sflag:s0] =	ssyncadd.s32 $0xFFFF8000  }
0x88: {  	[spmem:s2] =	stream.indirect.scatter.add.f32 [tilespmem:s28], [sflag:$0x5], $0x20, s1, s24, $0xb8;
	[tilespmem:$0x1DE00] =	vst v63  }
0x89: {  	_ =	swait.ge [sflag:s23], $0x8000  }
0x8a: {  	[sflag:s23] =	ssyncset.done $0x0  }
0x8b: {  	[sflag:s23] =	ssyncadd.s32 $0xFFFF8000  }
.LBB2_13:
0x8c: {  	_ =	swait.ge [sflag:s19], $0x8000;
	s7 =	sadd.s32 $0x1, s7  }
0x8d: {  	[sflag:s19] =	ssyncset.done $0x0;
	p0 =	sne.s32 s7, $0xB  }
.Ltmp5:
0x8e: {  	[sflag:s19] =	ssyncadd.s32 $0xFFFF8000;
	(pc) =	sbr.rel @!p0 .LBB2_14-.Ltmp5, $4  }
0x8f: {  	[spmem:s2] =	stream.indirect.scatter.add.f32 [tilespmem:s31], [sflag:$0x5], $0x20, s20, s24, $0xb8;
	[tilespmem:$0x1DE00] =	vst v63  }
0x90: {  	_ =	swait.ge [sflag:s23], $0x8000  }
0x91: {  	[sflag:s23] =	ssyncset.done $0x0  }
0x92: {  	[sflag:s23] =	ssyncadd.s32 $0xFFFF8000  }
.LBB2_6:
0x93: {  	_ =	swait.ge [sflag:s29], $0x400  }
0x94: {  	[sflag:s29] =	ssyncset.done $0x0  }
0x95: {  	s8 =	simm.s32 $0x420;
	[sflag:s29] =	ssyncadd.s32 $0xFFFFFC00  }
0x96: {  	v3 =	vld [tilespmem:s8+$0xFFFFFFE0];
	_ =	sdelay $0x4  }
0x97: {  	v4 =	vshra.s32 v3, $0xF  }
0x98: {  	s9 =	simm.s32 $0xC20;
	v4 =	vadd.s32 v0, v4  }
0x99: {  	s10 =	simm.s32 $0x1420;
	v3 =	vand.u32 $0x7FFF, v3;
	[tilespmem:s9+$0xFFFFFFE0] =	vst v4  }
0x9a: {  	[tilespmem:s10+$0xFFFFFFE0] =	vst v3  }
0x9b: {  	v3 =	vld [tilespmem:s8+$0xFFFFFFF0];
	_ =	sdelay $0x4  }
0x9c: {  	v4 =	vshra.s32 v3, $0xF  }
0x9d: {  	v4 =	vadd.s32 v0, v4  }
0x9e: {  	v3 =	vand.u32 $0x7FFF, v3;
	[tilespmem:s9+$0xFFFFFFF0] =	vst v4  }
0x9f: {  	[tilespmem:s10+$0xFFFFFFF0] =	vst v3  }
0xa0: {  	v3 =	vld [tilespmem:s8+$0x0];
	_ =	sdelay $0x4  }
0xa1: {  	v4 =	vshra.s32 v3, $0xF  }
0xa2: {  	v4 =	vadd.s32 v0, v4  }
0xa3: {  	v3 =	vand.u32 $0x7FFF, v3;
	[tilespmem:s9+$0x0] =	vst v4  }
0xa4: {  	[tilespmem:s10+$0x0] =	vst v3  }
0xa5: {  	v3 =	vld [tilespmem:s8+$0x10];
	_ =	sdelay $0x4  }
0xa6: {  	v4 =	vshra.s32 v3, $0xF  }
0xa7: {  	v4 =	vadd.s32 v0, v4  }
0xa8: {  	s11 =	simm.s32 $0x0;
	s12 =	simm.s32 $0x1460;
	v3 =	vand.u32 $0x7FFF, v3;
	[tilespmem:s9+$0x10] =	vst v4  }
.LBB2_7:
0xa9: {  	s11 =	sadd.s32 $0x4, s11;
	[tilespmem:s10+$0x10] =	vst v3;
	s8 =	sadd.s32 $0x40, s8;
	s9 =	sadd.s32 $0x40, s9  }
0xaa: {  	s10 =	smov.u32 s12;
	v3 =	vld [tilespmem:s8+$0xFFFFFFE0];
	p0 =	slt.u32 s11, $0x3C;
	_ =	sdelay $0x4  }
0xab: {  	v4 =	vshra.s32 v3, $0xF  }
0xac: {  	v4 =	vadd.s32 v0, v4  }
0xad: {  	v3 =	vand.u32 $0x7FFF, v3;
	[tilespmem:s9+$0xFFFFFFE0] =	vst v4  }
0xae: {  	[tilespmem:s12+$0xFFFFFFE0] =	vst v3  }
0xaf: {  	v3 =	vld [tilespmem:s8+$0xFFFFFFF0];
	_ =	sdelay $0x4  }
0xb0: {  	v4 =	vshra.s32 v3, $0xF  }
0xb1: {  	v4 =	vadd.s32 v0, v4  }
0xb2: {  	v3 =	vand.u32 $0x7FFF, v3;
	[tilespmem:s9+$0xFFFFFFF0] =	vst v4  }
0xb3: {  	[tilespmem:s12+$0xFFFFFFF0] =	vst v3  }
0xb4: {  	v3 =	vld [tilespmem:s8+$0x0];
	_ =	sdelay $0x4  }
0xb5: {  	v4 =	vshra.s32 v3, $0xF  }
0xb6: {  	v4 =	vadd.s32 v0, v4  }
0xb7: {  	v3 =	vand.u32 $0x7FFF, v3;
	[tilespmem:s9+$0x0] =	vst v4  }
0xb8: {  	[tilespmem:s12+$0x0] =	vst v3  }
0xb9: {  	v3 =	vld [tilespmem:s8+$0x10];
	_ =	sdelay $0x2  }
.Ltmp6:
0xba: {  	(pc) =	sbr.rel @p0 .LBB2_7-.Ltmp6, $4  }
0xbb: {  	_ = 	snop  }
0xbc: {  	v4 =	vshra.s32 v3, $0xF  }
0xbd: {  	v4 =	vadd.s32 v0, v4  }
0xbe: {  	s12 =	sadd.s32 $0x40, s12;
	v3 =	vand.u32 $0x7FFF, v3;
	[tilespmem:s9+$0x10] =	vst v4  }
0xbf: {  	p0 =	seq.s32 s7, $0xA  }
.Ltmp7:
0xc0: {  	_ = 	snop;
	(pc) =	sbr.rel @p0 .LBB2_12-.Ltmp7, $2  }
0xc1: {  	_ =	sdelay $0x2  }
0xc2: {  	[tilespmem:s10+$0x10] =	vst v3  }
0xc3: {  	s8 =	sshll.u32 s7, $0xB  }
0xc4: {  	s9 =	sadd.s32 s8, s17  }
0xc5: {  	s9 =	sshrl.u32 s9, $0x3  }
0xc6: {  	s9 =	sadd.s32 s5, s9  }
0xc7: {  	[tilespmem:s24], [sflag:$0x4] =	stream.linear.gather [hbm4b:s9+s3], $0x400, $0x38;
	[tilespmem:$0x1DE00] =	vst v63  }
0xc8: {  	_ = 	snop  }
0xc9: {  	[tilespmem:s31], [sflag:$0x2] =	stream.indirect.gather [hbm4b:s4+s24], $0x20, s30, s24, $0xb8;
	[tilespmem:$0x1DE00] =	vst v63  }
0xca: {  	_ =	swait.ge [sflag:s0], $0x8000  }
0xcb: {  	[sflag:s0] =	ssyncset.done $0x0  }
0xcc: {  	[sflag:s0] =	ssyncadd.s32 $0xFFFF8000  }
0xcd: {  	[spmem:s2] =	stream.indirect.scatter.add.f32 [tilespmem:s28], [sflag:$0x5], $0x20, s1, s24, $0xb8;
	[tilespmem:$0x1DE00] =	vst v63  }
0xce: {  	_ =	swait.ge [sflag:s23], $0x8000  }
0xcf: {  	[sflag:s23] =	ssyncset.done $0x0  }
0xd0: {  	[sflag:s23] =	ssyncadd.s32 $0xFFFF8000  }
0xd1: {  	_ =	swait.ge [sflag:s25], $0x400  }
0xd2: {  	[sflag:s25] =	ssyncset.done $0x0  }
0xd3: {  	s9 =	simm.s32 $0x20;
	[sflag:s25] =	ssyncadd.s32 $0xFFFFFC00  }
0xd4: {  	v3 =	vld [tilespmem:s9+$0xFFFFFFE0];
	_ =	sdelay $0x4  }
0xd5: {  	v4 =	vshra.s32 v3, $0xF  }
0xd6: {  	s10 =	simm.s32 $0x820;
	v4 =	vadd.s32 v0, v4  }
0xd7: {  	s11 =	simm.s32 $0x1020;
	v3 =	vand.u32 $0x7FFF, v3;
	[tilespmem:s10+$0xFFFFFFE0] =	vst v4  }
0xd8: {  	[tilespmem:s11+$0xFFFFFFE0] =	vst v3  }
0xd9: {  	v3 =	vld [tilespmem:s9+$0xFFFFFFF0];
	_ =	sdelay $0x4  }
0xda: {  	v4 =	vshra.s32 v3, $0xF  }
0xdb: {  	v4 =	vadd.s32 v0, v4  }
0xdc: {  	v3 =	vand.u32 $0x7FFF, v3;
	[tilespmem:s10+$0xFFFFFFF0] =	vst v4  }
0xdd: {  	[tilespmem:s11+$0xFFFFFFF0] =	vst v3  }
0xde: {  	v3 =	vld [tilespmem:s9+$0x0];
	_ =	sdelay $0x4  }
0xdf: {  	v4 =	vshra.s32 v3, $0xF  }
0xe0: {  	v4 =	vadd.s32 v0, v4  }
0xe1: {  	v3 =	vand.u32 $0x7FFF, v3;
	[tilespmem:s10+$0x0] =	vst v4  }
0xe2: {  	[tilespmem:s11+$0x0] =	vst v3  }
0xe3: {  	v3 =	vld [tilespmem:s9+$0x10];
	_ =	sdelay $0x4  }
0xe4: {  	v4 =	vshra.s32 v3, $0xF  }
0xe5: {  	v4 =	vadd.s32 v0, v4  }
0xe6: {  	s12 =	simm.s32 $0x0;
	s13 =	simm.s32 $0x1060;
	v3 =	vand.u32 $0x7FFF, v3;
	[tilespmem:s10+$0x10] =	vst v4  }
.LBB2_10:
0xe7: {  	s12 =	sadd.s32 $0x4, s12;
	[tilespmem:s11+$0x10] =	vst v3;
	s9 =	sadd.s32 $0x40, s9;
	s10 =	sadd.s32 $0x40, s10  }
0xe8: {  	s11 =	smov.u32 s13;
	v3 =	vld [tilespmem:s9+$0xFFFFFFE0];
	p0 =	slt.u32 s12, $0x3C;
	_ =	sdelay $0x4  }
0xe9: {  	v4 =	vshra.s32 v3, $0xF  }
0xea: {  	v4 =	vadd.s32 v0, v4  }
0xeb: {  	v3 =	vand.u32 $0x7FFF, v3;
	[tilespmem:s10+$0xFFFFFFE0] =	vst v4  }
0xec: {  	[tilespmem:s13+$0xFFFFFFE0] =	vst v3  }
0xed: {  	v3 =	vld [tilespmem:s9+$0xFFFFFFF0];
	_ =	sdelay $0x4  }
0xee: {  	v4 =	vshra.s32 v3, $0xF  }
0xef: {  	v4 =	vadd.s32 v0, v4  }
0xf0: {  	v3 =	vand.u32 $0x7FFF, v3;
	[tilespmem:s10+$0xFFFFFFF0] =	vst v4  }
0xf1: {  	[tilespmem:s13+$0xFFFFFFF0] =	vst v3  }
0xf2: {  	v3 =	vld [tilespmem:s9+$0x0];
	_ =	sdelay $0x4  }
0xf3: {  	v4 =	vshra.s32 v3, $0xF  }
0xf4: {  	v4 =	vadd.s32 v0, v4  }
0xf5: {  	v3 =	vand.u32 $0x7FFF, v3;
	[tilespmem:s10+$0x0] =	vst v4  }
0xf6: {  	[tilespmem:s13+$0x0] =	vst v3  }
0xf7: {  	v3 =	vld [tilespmem:s9+$0x10];
	_ =	sdelay $0x2  }
.Ltmp8:
0xf8: {  	(pc) =	sbr.rel @p0 .LBB2_10-.Ltmp8, $4  }
0xf9: {  	_ = 	snop  }
0xfa: {  	v4 =	vshra.s32 v3, $0xF  }
0xfb: {  	v4 =	vadd.s32 v0, v4  }
0xfc: {  	s13 =	sadd.s32 $0x40, s13;
	v3 =	vand.u32 $0x7FFF, v3;
	[tilespmem:s10+$0x10] =	vst v4  }
0xfd: {  	p0 =	sgt.u32 s7, $0x8  }
0xfe: {  	s8 =	sadd.s32 @!p0 s8, s18  }
.Ltmp9:
0xff: {  	s8 =	sshrl.u32 @!p0 s8, $0x3;
	(pc) =	sbr.rel .LBB2_13-.Ltmp9, $4  }
0x100: {  	[tilespmem:s11+$0x10] =	vst v3;
	s9 =	simm.s32 @!p0 $0x0;
	s8 =	sadd.s32 @!p0 s5, s8  }
0x101: {  	[tilespmem:s9], [sflag:$0x3] =	stream.linear.gather @!p0 [hbm4b:s8+s9], $0x400, $0x38;
	[tilespmem:$0x1DE00] =	vst v63  }
0x102: {  	_ = 	snop  }
0x103: {  	[tilespmem:s28], [sflag:$0x1] =	stream.indirect.gather [hbm4b:s4+s24], $0x20, s26, s24, $0xb8;
	[tilespmem:$0x1DE00] =	vst v63  }
.LBB2_14:
0x104: {  	s7 =	stileid.u32  }
0x105: {  	[bflag:$0x0] =	sbarrier.arrive $0xFFFF;
	s8 =	sshrl.u32 s6, $0x3;
	s7 =	sshll.u32 s7, $0x6  }
0x106: {  	s10 =	simm.s32 $0x10;
	s9 =	rddreg [dreg:$0xc];
	s7 =	sor.u32 $0x1C05, s7  }
0x107: {  	[hbm:s9@s10], [sflag:s7] =	dma.strided [spmem:s8@s29], $0x1600, s0, $0x4   }
0x108: {  	_ =	swait.ge [sflag:s23], $0x1600  }
0x109: {  	[sflag:s23] =	ssyncset.done $0x0  }
0x10a: {  	[sflag:s23] =	ssyncadd.s32 $0xFFFFEA00  }
0x10b: {  	[spmem:s6] =	stream.linear.scatter [tilespmem:s22], [sflag:$0x5], $0x1600, $0x38;
	[tilespmem:$0x1DE00] =	vst v63  }
0x10c: {  	_ =	swait.ge [sflag:s23], $0x1600  }
0x10d: {  	[sflag:s23] =	ssyncset.done $0x0  }
0x10e: {  	[sflag:s23] =	ssyncadd.s32 $0xFFFFEA00  }
0x10f: {  	[spmem:s15] =	stream.linear.scatter [tilespmem:s22], [sflag:$0x5], $0x1600, $0x38;
	[tilespmem:$0x1DE00] =	vst v63  }
0x110: {  	_ =	swait.ge [sflag:s23], $0x1600  }
0x111: {  	[sflag:s23] =	ssyncset.done $0x0  }
0x112: {  	s14 =	smov.u32 s15;
	s15 =	rddreg [dreg:$0x3];
	[sflag:s23] =	ssyncadd.s32 $0xFFFFEA00  }
0x113: {  	[spmem:s15] =	stream.linear.scatter [tilespmem:s22], [sflag:$0x5], $0x1600, $0x38;
	[tilespmem:$0x1DE00] =	vst v63  }
0x114: {  	_ =	swait.ge [sflag:s23], $0x1600  }
0x115: {  	[sflag:s23] =	ssyncset.done $0x0  }
0x116: {  	s16 =	rddreg [dreg:$0x4];
	[sflag:s23] =	ssyncadd.s32 $0xFFFFEA00  }
0x117: {  	[spmem:s16] =	stream.linear.scatter [tilespmem:s22], [sflag:$0x5], $0x1600, $0x38;
	[tilespmem:$0x1DE00] =	vst v63  }
0x118: {  	_ =	swait.ge [sflag:s23], $0x1600  }
0x119: {  	[sflag:s23] =	ssyncset.done $0x0  }
0x11a: {  	s10 =	rddreg [dreg:$0x5];
	[sflag:s23] =	ssyncadd.s32 $0xFFFFEA00  }
0x11b: {  	[spmem:s10] =	stream.linear.scatter [tilespmem:s22], [sflag:$0x5], $0x1600, $0x38;
	[tilespmem:$0x1DE00] =	vst v63  }
0x11c: {  	_ =	swait.ge [sflag:s23], $0x1600  }
0x11d: {  	[sflag:s23] =	ssyncset.done $0x0  }
0x11e: {  	s11 =	rddreg [dreg:$0x6];
	[sflag:s23] =	ssyncadd.s32 $0xFFFFEA00  }
0x11f: {  	[spmem:s11] =	stream.linear.scatter [tilespmem:s22], [sflag:$0x5], $0x1600, $0x38;
	[tilespmem:$0x1DE00] =	vst v63  }
0x120: {  	_ =	swait.ge [sflag:s23], $0x1600  }
0x121: {  	[sflag:s23] =	ssyncset.done $0x0  }
0x122: {  	s12 =	rddreg [dreg:$0x7];
	[sflag:s23] =	ssyncadd.s32 $0xFFFFEA00  }
0x123: {  	[spmem:s12] =	stream.linear.scatter [tilespmem:s22], [sflag:$0x5], $0x1600, $0x38;
	[tilespmem:$0x1DE00] =	vst v63  }
0x124: {  	_ =	swait.ge [sflag:s23], $0x1600  }
0x125: {  	[sflag:s23] =	ssyncset.done $0x0  }
0x126: {  	s13 =	rddreg [dreg:$0x8];
	[sflag:s23] =	ssyncadd.s32 $0xFFFFEA00  }
0x127: {  	[spmem:s13] =	stream.linear.scatter [tilespmem:s22], [sflag:$0x5], $0x1600, $0x38;
	[tilespmem:$0x1DE00] =	vst v63  }
0x128: {  	_ =	swait.ge [sflag:s23], $0x1600  }
0x129: {  	[sflag:s23] =	ssyncset.done $0x0  }
0x12a: {  	[sflag:s23] =	ssyncadd.s32 $0xFFFFEA00  }
0x12b: {  	[bflag:$0x0] =	sbarrier.arrive $0xFFFF  }
0x12c: {  	s15 =	rddreg [dreg:$0x9]  }
0x12d: {  	[tilespmem:s3], [sflag:$0x3] =	stream.linear.gather [hbm4b:s15+s3], $0x400, $0x38;
	[tilespmem:$0x1DE00] =	vst v63  }
0x12e: {  	s16 =	rddreg [dreg:$0xa]  }
0x12f: {  	[tilespmem:s24], [sflag:$0x4] =	stream.linear.gather [hbm4b:s16+s3], $0x400, $0x38;
	[tilespmem:$0x1DE00] =	vst v63  }
0x130: {  	_ =	swait.ge [sflag:s25], $0x400  }
0x131: {  	[sflag:s25] =	ssyncset.done $0x0  }
0x132: {  	s9 =	simm.s32 $0x20;
	[sflag:s25] =	ssyncadd.s32 $0xFFFFFC00  }
0x133: {  	v3 =	vld [tilespmem:s9+$0xFFFFFFE0];
	_ =	sdelay $0x4  }
0x134: {  	v4 =	vshra.s32 v3, $0xF  }
0x135: {  	s10 =	simm.s32 $0x820;
	v4 =	vadd.s32 v1, v4  }
0x136: {  	s11 =	simm.s32 $0x1020;
	v3 =	vand.u32 $0x7FFF, v3;
	[tilespmem:s10+$0xFFFFFFE0] =	vst v4  }
0x137: {  	[tilespmem:s11+$0xFFFFFFE0] =	vst v3  }
0x138: {  	v3 =	vld [tilespmem:s9+$0xFFFFFFF0];
	_ =	sdelay $0x4  }
0x139: {  	v4 =	vshra.s32 v3, $0xF  }
0x13a: {  	v4 =	vadd.s32 v1, v4  }
0x13b: {  	v3 =	vand.u32 $0x7FFF, v3;
	[tilespmem:s10+$0xFFFFFFF0] =	vst v4  }
0x13c: {  	[tilespmem:s11+$0xFFFFFFF0] =	vst v3  }
0x13d: {  	v3 =	vld [tilespmem:s9+$0x0];
	_ =	sdelay $0x4  }
0x13e: {  	v4 =	vshra.s32 v3, $0xF  }
0x13f: {  	v4 =	vadd.s32 v1, v4  }
0x140: {  	v3 =	vand.u32 $0x7FFF, v3;
	[tilespmem:s10+$0x0] =	vst v4  }
0x141: {  	[tilespmem:s11+$0x0] =	vst v3  }
0x142: {  	v3 =	vld [tilespmem:s9+$0x10];
	_ =	sdelay $0x4  }
0x143: {  	v4 =	vshra.s32 v3, $0xF  }
0x144: {  	v4 =	vadd.s32 v1, v4  }
0x145: {  	s12 =	simm.s32 $0x0;
	s13 =	simm.s32 $0x1060;
	v3 =	vand.u32 $0x7FFF, v3;
	[tilespmem:s10+$0x10] =	vst v4  }
.LBB2_15:
0x146: {  	s12 =	sadd.s32 $0x4, s12;
	[tilespmem:s11+$0x10] =	vst v3;
	s9 =	sadd.s32 $0x40, s9;
	s10 =	sadd.s32 $0x40, s10  }
0x147: {  	s11 =	smov.u32 s13;
	v3 =	vld [tilespmem:s9+$0xFFFFFFE0];
	p0 =	slt.u32 s12, $0x3C;
	_ =	sdelay $0x4  }
0x148: {  	v4 =	vshra.s32 v3, $0xF  }
0x149: {  	v4 =	vadd.s32 v1, v4  }
0x14a: {  	v3 =	vand.u32 $0x7FFF, v3;
	[tilespmem:s10+$0xFFFFFFE0] =	vst v4  }
0x14b: {  	[tilespmem:s13+$0xFFFFFFE0] =	vst v3  }
0x14c: {  	v3 =	vld [tilespmem:s9+$0xFFFFFFF0];
	_ =	sdelay $0x4  }
0x14d: {  	v4 =	vshra.s32 v3, $0xF  }
0x14e: {  	v4 =	vadd.s32 v1, v4  }
0x14f: {  	v3 =	vand.u32 $0x7FFF, v3;
	[tilespmem:s10+$0xFFFFFFF0] =	vst v4  }
0x150: {  	[tilespmem:s13+$0xFFFFFFF0] =	vst v3  }
0x151: {  	v3 =	vld [tilespmem:s9+$0x0];
	_ =	sdelay $0x4  }
0x152: {  	v4 =	vshra.s32 v3, $0xF  }
0x153: {  	v4 =	vadd.s32 v1, v4  }
0x154: {  	v3 =	vand.u32 $0x7FFF, v3;
	[tilespmem:s10+$0x0] =	vst v4  }
0x155: {  	[tilespmem:s13+$0x0] =	vst v3  }
0x156: {  	v3 =	vld [tilespmem:s9+$0x10];
	_ =	sdelay $0x2  }
.Ltmp10:
0x157: {  	(pc) =	sbr.rel @p0 .LBB2_15-.Ltmp10, $4  }
0x158: {  	_ = 	snop  }
0x159: {  	v4 =	vshra.s32 v3, $0xF  }
0x15a: {  	v4 =	vadd.s32 v1, v4  }
0x15b: {  	s13 =	sadd.s32 $0x40, s13;
	v3 =	vand.u32 $0x7FFF, v3;
	[tilespmem:s10+$0x10] =	vst v4  }
.Ltmp11:
0x15c: {  	(pc) =	sbr.rel .LBB2_17-.Ltmp11, $4  }
0x15d: {  	[tilespmem:s11+$0x10] =	vst v3;
	s9 =	simm.s32 $0x0;
	s10 =	rddreg [dreg:$0xb]  }
0x15e: {  	[tilespmem:s9], [sflag:$0x3] =	stream.linear.gather [hbm4b:s10+s9], $0x400, $0x38;
	[tilespmem:$0x1DE00] =	vst v63  }
0x15f: {  	_ = 	snop  }
0x160: {  	[tilespmem:s28], [sflag:$0x1] =	stream.indirect.gather [hbm4b:s4+s24], $0x20, s26, s24, $0xb8;
	[tilespmem:$0x1DE00] =	vst v63  }
.LBB2_23:
0x161: {  	[tilespmem:s31], [sflag:$0x2] =	stream.indirect.gather [hbm4b:s4+s24], $0x20, s30, s24, $0xb8;
	[tilespmem:$0x1DE00] =	vst v63  }
0x162: {  	_ =	swait.ge [sflag:s0], $0x8000  }
0x163: {  	[sflag:s0] =	ssyncset.done $0x0  }
0x164: {  	[sflag:s0] =	ssyncadd.s32 $0xFFFF8000  }
0x165: {  	[spmem:s2] =	stream.indirect.scatter.add.f32 [tilespmem:s28], [sflag:$0x5], $0x20, s1, s24, $0xb8;
	[tilespmem:$0x1DE00] =	vst v63  }
0x166: {  	_ =	swait.ge [sflag:s23], $0x8000  }
0x167: {  	[sflag:s23] =	ssyncset.done $0x0  }
0x168: {  	[sflag:s23] =	ssyncadd.s32 $0xFFFF8000  }
.LBB2_24:
0x169: {  	_ =	swait.ge [sflag:s19], $0x8000;
	s9 =	sadd.s32 $0x1, s9  }
0x16a: {  	[sflag:s19] =	ssyncset.done $0x0;
	p0 =	sne.s32 s9, $0xB  }
.Ltmp12:
0x16b: {  	[sflag:s19] =	ssyncadd.s32 $0xFFFF8000;
	(pc) =	sbr.rel @!p0 .LBB2_25-.Ltmp12, $4  }
0x16c: {  	[spmem:s2] =	stream.indirect.scatter.add.f32 [tilespmem:s31], [sflag:$0x5], $0x20, s20, s24, $0xb8;
	[tilespmem:$0x1DE00] =	vst v63  }
0x16d: {  	_ =	swait.ge [sflag:s23], $0x8000  }
0x16e: {  	[sflag:s23] =	ssyncset.done $0x0  }
0x16f: {  	[sflag:s23] =	ssyncadd.s32 $0xFFFF8000  }
.LBB2_17:
0x170: {  	_ =	swait.ge [sflag:s29], $0x400  }
0x171: {  	[sflag:s29] =	ssyncset.done $0x0  }
0x172: {  	s10 =	simm.s32 $0x420;
	[sflag:s29] =	ssyncadd.s32 $0xFFFFFC00  }
0x173: {  	v3 =	vld [tilespmem:s10+$0xFFFFFFE0];
	_ =	sdelay $0x4  }
0x174: {  	v4 =	vshra.s32 v3, $0xF  }
0x175: {  	s11 =	simm.s32 $0xC20;
	v4 =	vadd.s32 v1, v4  }
0x176: {  	s12 =	simm.s32 $0x1420;
	v3 =	vand.u32 $0x7FFF, v3;
	[tilespmem:s11+$0xFFFFFFE0] =	vst v4  }
0x177: {  	[tilespmem:s12+$0xFFFFFFE0] =	vst v3  }
0x178: {  	v3 =	vld [tilespmem:s10+$0xFFFFFFF0];
	_ =	sdelay $0x4  }
0x179: {  	v4 =	vshra.s32 v3, $0xF  }
0x17a: {  	v4 =	vadd.s32 v1, v4  }
0x17b: {  	v3 =	vand.u32 $0x7FFF, v3;
	[tilespmem:s11+$0xFFFFFFF0] =	vst v4  }
0x17c: {  	[tilespmem:s12+$0xFFFFFFF0] =	vst v3  }
0x17d: {  	v3 =	vld [tilespmem:s10+$0x0];
	_ =	sdelay $0x4  }
0x17e: {  	v4 =	vshra.s32 v3, $0xF  }
0x17f: {  	v4 =	vadd.s32 v1, v4  }
0x180: {  	v3 =	vand.u32 $0x7FFF, v3;
	[tilespmem:s11+$0x0] =	vst v4  }
0x181: {  	[tilespmem:s12+$0x0] =	vst v3  }
0x182: {  	v3 =	vld [tilespmem:s10+$0x10];
	_ =	sdelay $0x4  }
0x183: {  	v4 =	vshra.s32 v3, $0xF  }
0x184: {  	v4 =	vadd.s32 v1, v4  }
0x185: {  	s13 =	simm.s32 $0x0;
	s15 =	simm.s32 $0x1460;
	v3 =	vand.u32 $0x7FFF, v3;
	[tilespmem:s11+$0x10] =	vst v4  }
.LBB2_18:
0x186: {  	s13 =	sadd.s32 $0x4, s13;
	[tilespmem:s12+$0x10] =	vst v3;
	s10 =	sadd.s32 $0x40, s10;
	s11 =	sadd.s32 $0x40, s11  }
0x187: {  	s12 =	smov.u32 s15;
	v3 =	vld [tilespmem:s10+$0xFFFFFFE0];
	p0 =	slt.u32 s13, $0x3C;
	_ =	sdelay $0x4  }
0x188: {  	v4 =	vshra.s32 v3, $0xF  }
0x189: {  	v4 =	vadd.s32 v1, v4  }
0x18a: {  	v3 =	vand.u32 $0x7FFF, v3;
	[tilespmem:s11+$0xFFFFFFE0] =	vst v4  }
0x18b: {  	[tilespmem:s15+$0xFFFFFFE0] =	vst v3  }
0x18c: {  	v3 =	vld [tilespmem:s10+$0xFFFFFFF0];
	_ =	sdelay $0x4  }
0x18d: {  	v4 =	vshra.s32 v3, $0xF  }
0x18e: {  	v4 =	vadd.s32 v1, v4  }
0x18f: {  	v3 =	vand.u32 $0x7FFF, v3;
	[tilespmem:s11+$0xFFFFFFF0] =	vst v4  }
0x190: {  	[tilespmem:s15+$0xFFFFFFF0] =	vst v3  }
0x191: {  	v3 =	vld [tilespmem:s10+$0x0];
	_ =	sdelay $0x4  }
0x192: {  	v4 =	vshra.s32 v3, $0xF  }
0x193: {  	v4 =	vadd.s32 v1, v4  }
0x194: {  	v3 =	vand.u32 $0x7FFF, v3;
	[tilespmem:s11+$0x0] =	vst v4  }
0x195: {  	[tilespmem:s15+$0x0] =	vst v3  }
0x196: {  	v3 =	vld [tilespmem:s10+$0x10];
	_ =	sdelay $0x2  }
.Ltmp13:
0x197: {  	(pc) =	sbr.rel @p0 .LBB2_18-.Ltmp13, $4  }
0x198: {  	_ = 	snop  }
0x199: {  	v4 =	vshra.s32 v3, $0xF  }
0x19a: {  	v4 =	vadd.s32 v1, v4  }
0x19b: {  	s15 =	sadd.s32 $0x40, s15;
	v3 =	vand.u32 $0x7FFF, v3;
	[tilespmem:s11+$0x10] =	vst v4  }
0x19c: {  	p0 =	seq.s32 s9, $0xA  }
.Ltmp14:
0x19d: {  	_ = 	snop;
	(pc) =	sbr.rel @p0 .LBB2_23-.Ltmp14, $2  }
0x19e: {  	_ =	sdelay $0x2  }
0x19f: {  	[tilespmem:s12+$0x10] =	vst v3  }
0x1a0: {  	s10 =	sshll.u32 s9, $0xB  }
0x1a1: {  	s11 =	sadd.s32 s10, s17  }
0x1a2: {  	s11 =	sshrl.u32 s11, $0x3  }
0x1a3: {  	s11 =	sadd.s32 s5, s11  }
0x1a4: {  	[tilespmem:s24], [sflag:$0x4] =	stream.linear.gather [hbm4b:s11+s3], $0x400, $0x38;
	[tilespmem:$0x1DE00] =	vst v63  }
0x1a5: {  	_ = 	snop  }
0x1a6: {  	[tilespmem:s31], [sflag:$0x2] =	stream.indirect.gather [hbm4b:s4+s24], $0x20, s30, s24, $0xb8;
	[tilespmem:$0x1DE00] =	vst v63  }
0x1a7: {  	_ =	swait.ge [sflag:s0], $0x8000  }
0x1a8: {  	[sflag:s0] =	ssyncset.done $0x0  }
0x1a9: {  	[sflag:s0] =	ssyncadd.s32 $0xFFFF8000  }
0x1aa: {  	[spmem:s2] =	stream.indirect.scatter.add.f32 [tilespmem:s28], [sflag:$0x5], $0x20, s1, s24, $0xb8;
	[tilespmem:$0x1DE00] =	vst v63  }
0x1ab: {  	_ =	swait.ge [sflag:s23], $0x8000  }
0x1ac: {  	[sflag:s23] =	ssyncset.done $0x0  }
0x1ad: {  	[sflag:s23] =	ssyncadd.s32 $0xFFFF8000  }
0x1ae: {  	_ =	swait.ge [sflag:s25], $0x400  }
0x1af: {  	[sflag:s25] =	ssyncset.done $0x0  }
0x1b0: {  	s11 =	simm.s32 $0x20;
	[sflag:s25] =	ssyncadd.s32 $0xFFFFFC00  }
0x1b1: {  	v3 =	vld [tilespmem:s11+$0xFFFFFFE0];
	_ =	sdelay $0x4  }
0x1b2: {  	v4 =	vshra.s32 v3, $0xF  }
0x1b3: {  	s12 =	simm.s32 $0x820;
	v4 =	vadd.s32 v1, v4  }
0x1b4: {  	s13 =	simm.s32 $0x1020;
	v3 =	vand.u32 $0x7FFF, v3;
	[tilespmem:s12+$0xFFFFFFE0] =	vst v4  }
0x1b5: {  	[tilespmem:s13+$0xFFFFFFE0] =	vst v3  }
0x1b6: {  	v3 =	vld [tilespmem:s11+$0xFFFFFFF0];
	_ =	sdelay $0x4  }
0x1b7: {  	v4 =	vshra.s32 v3, $0xF  }
0x1b8: {  	v4 =	vadd.s32 v1, v4  }
0x1b9: {  	v3 =	vand.u32 $0x7FFF, v3;
	[tilespmem:s12+$0xFFFFFFF0] =	vst v4  }
0x1ba: {  	[tilespmem:s13+$0xFFFFFFF0] =	vst v3  }
0x1bb: {  	v3 =	vld [tilespmem:s11+$0x0];
	_ =	sdelay $0x4  }
0x1bc: {  	v4 =	vshra.s32 v3, $0xF  }
0x1bd: {  	v4 =	vadd.s32 v1, v4  }
0x1be: {  	v3 =	vand.u32 $0x7FFF, v3;
	[tilespmem:s12+$0x0] =	vst v4  }
0x1bf: {  	[tilespmem:s13+$0x0] =	vst v3  }
0x1c0: {  	v3 =	vld [tilespmem:s11+$0x10];
	_ =	sdelay $0x4  }
0x1c1: {  	v4 =	vshra.s32 v3, $0xF  }
0x1c2: {  	v4 =	vadd.s32 v1, v4  }
0x1c3: {  	s15 =	simm.s32 $0x0;
	s16 =	simm.s32 $0x1060;
	v3 =	vand.u32 $0x7FFF, v3;
	[tilespmem:s12+$0x10] =	vst v4  }
.LBB2_21:
0x1c4: {  	s15 =	sadd.s32 $0x4, s15;
	[tilespmem:s13+$0x10] =	vst v3;
	s11 =	sadd.s32 $0x40, s11;
	s12 =	sadd.s32 $0x40, s12  }
0x1c5: {  	s13 =	smov.u32 s16;
	v3 =	vld [tilespmem:s11+$0xFFFFFFE0];
	p0 =	slt.u32 s15, $0x3C;
	_ =	sdelay $0x4  }
0x1c6: {  	v4 =	vshra.s32 v3, $0xF  }
0x1c7: {  	v4 =	vadd.s32 v1, v4  }
0x1c8: {  	v3 =	vand.u32 $0x7FFF, v3;
	[tilespmem:s12+$0xFFFFFFE0] =	vst v4  }
0x1c9: {  	[tilespmem:s16+$0xFFFFFFE0] =	vst v3  }
0x1ca: {  	v3 =	vld [tilespmem:s11+$0xFFFFFFF0];
	_ =	sdelay $0x4  }
0x1cb: {  	v4 =	vshra.s32 v3, $0xF  }
0x1cc: {  	v4 =	vadd.s32 v1, v4  }
0x1cd: {  	v3 =	vand.u32 $0x7FFF, v3;
	[tilespmem:s12+$0xFFFFFFF0] =	vst v4  }
0x1ce: {  	[tilespmem:s16+$0xFFFFFFF0] =	vst v3  }
0x1cf: {  	v3 =	vld [tilespmem:s11+$0x0];
	_ =	sdelay $0x4  }
0x1d0: {  	v4 =	vshra.s32 v3, $0xF  }
0x1d1: {  	v4 =	vadd.s32 v1, v4  }
0x1d2: {  	v3 =	vand.u32 $0x7FFF, v3;
	[tilespmem:s12+$0x0] =	vst v4  }
0x1d3: {  	[tilespmem:s16+$0x0] =	vst v3  }
0x1d4: {  	v3 =	vld [tilespmem:s11+$0x10];
	_ =	sdelay $0x2  }
.Ltmp15:
0x1d5: {  	(pc) =	sbr.rel @p0 .LBB2_21-.Ltmp15, $4  }
0x1d6: {  	_ = 	snop  }
0x1d7: {  	v4 =	vshra.s32 v3, $0xF  }
0x1d8: {  	v4 =	vadd.s32 v1, v4  }
0x1d9: {  	s16 =	sadd.s32 $0x40, s16;
	v3 =	vand.u32 $0x7FFF, v3;
	[tilespmem:s12+$0x10] =	vst v4  }
0x1da: {  	p0 =	sgt.u32 s9, $0x8  }
0x1db: {  	s10 =	sadd.s32 @!p0 s10, s18  }
.Ltmp16:
0x1dc: {  	s10 =	sshrl.u32 @!p0 s10, $0x3;
	(pc) =	sbr.rel .LBB2_24-.Ltmp16, $4  }
0x1dd: {  	[tilespmem:s13+$0x10] =	vst v3;
	s11 =	simm.s32 @!p0 $0x0;
	s10 =	sadd.s32 @!p0 s5, s10  }
0x1de: {  	[tilespmem:s11], [sflag:$0x3] =	stream.linear.gather @!p0 [hbm4b:s10+s11], $0x400, $0x38;
	[tilespmem:$0x1DE00] =	vst v63  }
0x1df: {  	_ = 	snop  }
0x1e0: {  	[tilespmem:s28], [sflag:$0x1] =	stream.indirect.gather [hbm4b:s4+s24], $0x20, s26, s24, $0xb8;
	[tilespmem:$0x1DE00] =	vst v63  }
.LBB2_26:
0x1e1: {  	_ =	sfence.sel $0x180000  }
0x1e2: {  	[bflag:$0x0] =	sbarrier.arrive $0xFFFF  }
0x1e3: {  	_ =	strace $0x9000004A  }
0x1e4: {  	s0 =	stileid.u32;
	[bflag:$0x2] =	sbarrier.arrive $0xFFFF  }
0x1e5: {  	p0 =	sne.s32 s0, $0x0;
	s0 =	rddreg [dreg:$0x2]  }
0x1e6: {  	s0 =	sadd.s32 @!p0 $0x100000, s0  }
0x1e7: {  	[sflag:s0] =	ssyncadd.tile.s32 @!p0 $0x1;
	_ =	shalt  }
.Lfunc_end2:
_tile_overlayer_lowered:
.L_overlay_start_2:
0x1e8: {  	(tag) =	ssettag $0x2  }
0x1e9: {  	s0 =	rddreg [dreg:$0x0];
	s2 =	stileid.u32  }
0x1ea: {  	s1 =	rddreg [dreg:$0x1];
	p0 =	sne.s32 s2, $0x0  }
0x1eb: {  	s3 =	rddreg [dreg:$0x2];
	[bflag:$0x3] =	sbarrier.arrive $0xFFFF;
	s2 =	simm.s32 @!p0 $0x1C05  }
0x1ec: {  	[timem:s3], [sflag:s2] =	dma.local @!p0 [hbm:s0], s1  }
0x1ed: {  	s0 =	simm.s32 @!p0 $0x5  }
0x1ee: {  	_ =	swait.ge @!p0 [sflag:s0], s1  }
0x1ef: {  	s1 =	ssub.s32 @!p0 $0x0, s1;
	[sflag:s0] =	ssyncset.done @!p0 $0x0  }
0x1f0: {  	[sflag:s0] =	ssyncadd.s32 @!p0 s1  }
0x1f1: {  	[bflag:$0x3] =	sbarrier.arrive $0xFFFF  }
0x1f2: {  	_ =	shalt  }

// kernel: kernel.16.cloned.1.call-start
scs
__scs_entry_jumppad:
0x0: {  	(pc) =	sbr.rel $0x88, $3  }
0x1: {  	(tag) =	ssettag $0x0;
	lr =	simm.s32 $0x1  }
0x2: {  	[smem:$0x3F8A] =	sst lr;
	_ =	strace $0xD0000000  }
0x3: {  	_ = 	snop  }
0x4: {  	_ = 	snop  }
0x5: {  	_ = 	snop  }
0x6: {  	_ = 	snop  }
0x7: {  	_ = 	snop  }
__scs_overlays_trampoline_lowered:
0x8: {  	[smem:$0x3F99] =	sst s0  }
0x9: {  	[smem:$0x3F9A] =	sst s1  }
0xa: {  	[smem:$0x3F9B] =	sst s2  }
0xb: {  	[smem:$0x3F9C] =	sst s3  }
0xc: {  	[smem:$0x3F9D] =	sst s4  }
0xd: {  	[smem:$0x3F9E] =	sst s5  }
0xe: {  	[smem:$0x3F9F] =	sst s6  }
0xf: {  	[smem:$0x3FA0] =	sst s7  }
0x10: {  	[smem:$0x3FA1] =	sst s8  }
0x11: {  	[smem:$0x3FA2] =	sst s9;
	s0 =	simm.s32 @!p0 $0x0  }
0x12: {  	s1 =	sld [smem:$0x3F88];
	s0 =	simm.s32 @p0 $0x1  }
0x13: {  	[smem:$0x3FA3] =	sst s0;
	s0 =	simm.s32 @!p1 $0x0  }
0x14: {  	s2 =	sld [smem:$0x3F87];
	s0 =	simm.s32 @p1 $0x1  }
0x15: {  	[smem:$0x3FA4] =	sst s0;
	s0 =	simm.s32 @!p2 $0x0  }
0x16: {  	s3 =	sld [smem:$0x3FDB];
	s0 =	simm.s32 @p2 $0x1  }
0x17: {  	s4 =	simm.s32 $0x1BF5;
	[smem:$0x3FA6] =	sst s0  }
0x18: {  	s0 =	sld [smem:$0x3F89];
	_ =	swait.ge [sflag:s4], $0x0  }
0x19: {  	s7 =	sld [smem:$0x3F8A]  }
0x1a: {  	s8 =	sadd.s32 $0xFFFFE003, lr  }
0x1b: {  	s9 =	sadd.s32 $0xFFFFFEF7, lr;
	s5 =	simm.s32 $0xFFFFFFFF;
	p2 =	slt.u32 s8, $0xFFFFF086  }
0x1c: {  	p1 =	slt.u32 s9, $0xF7A;
	s5 =	simm.s32 @!p2 $0x0  }
0x1d: {  	s5 =	simm.s32 @p1 $0x1;
	p0 =	seq.s32 s7, s2  }
0x1e: {  	s7 =	smul.u32 @!p0 $0xF7A, s2;
	p2 =	seq.s32 @!p0 s5, $0x0  }
0x1f: {  	s9 =	smul.u32 $0xF7A, s1;
	s8 =	simm.s32 @!p0 $0x1BF5;
	p2 =	por !p2, p0  }
0x20: {  	[sflag:s8] =	ssyncset.s32 @!p0 $0xFFFFF086;
	s6 =	sadd.s32 @!p0 s3, s7;
	s7 =	simm.s32 @!p0 $0x108  }
0x21: {  	s3 =	sadd.s32 s3, s9;
	s6 =	sadd.s32 @!p0 $0x88, s6;
	s7 =	simm.s32 @p2 $0x1082  }
0x22: {  	[simem:s7], [sflag:s8] =	dma.local @!p0 [hbm:s6], $0xF7A  }
0x23: {  	s9 =	sor.u32 $0xD0000000, s2;
	s6 =	simm.s32 $0x108;
	_ =	swait.ge @!p0 [sflag:s8], $0x0  }
0x24: {  	s3 =	sadd.s32 $0x88, s3;
	s6 =	simm.s32 @!p1 $0x1082;
	[sflag:s4] =	ssyncset.s32 $0xFFFFF086  }
0x25: {  	[simem:s6], [sflag:s4] =	dma.local [hbm:s3], $0xF7A  }
0x26: {  	[smem:$0x3F8A] =	sst s1;
	(tag) =	ssettag s2;
	_ =	strace s9  }
0x27: {  	s1 =	sld [smem:$0x3F9A]  }
0x28: {  	s2 =	sld [smem:$0x3F9B]  }
0x29: {  	s4 =	sld [smem:$0x3F9D]  }
0x2a: {  	p0 =	seq.s32 s5, $0x0;
	s5 =	sld [smem:$0x3F9E]  }
0x2b: {  	s6 =	sld [smem:$0x3F9F]  }
0x2c: {  	s7 =	sld [smem:$0x3FA0]  }
0x2d: {  	s3 =	simm.s32 $0x108;
	s8 =	sld [smem:$0x3FA1]  }
0x2e: {  	s3 =	simm.s32 @!p0 $0x1082;
	s9 =	sld [smem:$0x3FA2]  }
0x2f: {  	lr =	sadd.s32 s0, s3;
	s0 =	sld [smem:$0x3F99]  }
0x30: {  	s3 =	sld [smem:$0x3F9C]  }
0x31: {  	[smem:$0x3FA5] =	sst s10  }
0x32: {  	s10 =	sld [smem:$0x3FA3];
	_ =	sdelay $0x3  }
0x33: {  	p0 =	seq.s32 s10, $0x1;
	s10 =	sld [smem:$0x3FA5];
	_ =	sdelay $0x3  }
0x34: {  	[smem:$0x3FA5] =	sst s10  }
0x35: {  	s10 =	sld [smem:$0x3FA4];
	_ =	sdelay $0x3  }
0x36: {  	p1 =	seq.s32 s10, $0x1;
	s10 =	sld [smem:$0x3FA5];
	_ =	sdelay $0x3  }
0x37: {  	[smem:$0x3FA5] =	sst s10  }
0x38: {  	s10 =	sld [smem:$0x3FA6]  }
0x39: {  	_ = 	snop;
	(pc) =	sbr.ind lr, $3  }
0x3a: {  	_ = 	snop  }
0x3b: {  	_ = 	snop  }
0x3c: {  	p2 =	seq.s32 s10, $0x1;
	s10 =	sld [smem:$0x3FA5]  }
0x3d: {  	_ =	shalt  }
0x3e: {  	_ =	shalt  }
0x3f: {  	_ =	shalt  }
0x40: {  	_ =	shalt  }
0x41: {  	_ =	shalt  }
0x42: {  	_ =	shalt  }
0x43: {  	_ =	shalt  }
0x44: {  	_ =	shalt  }
0x45: {  	_ =	shalt  }
0x46: {  	_ =	shalt  }
0x47: {  	_ =	shalt  }
0x48: {  	_ =	shalt  }
0x49: {  	_ =	shalt  }
0x4a: {  	_ =	shalt  }
0x4b: {  	_ =	shalt  }
0x4c: {  	_ =	shalt  }
0x4d: {  	_ =	shalt  }
0x4e: {  	_ =	shalt  }
0x4f: {  	_ =	shalt  }
0x50: {  	_ =	shalt  }
0x51: {  	_ =	shalt  }
0x52: {  	_ =	shalt  }
0x53: {  	_ =	shalt  }
0x54: {  	_ =	shalt  }
0x55: {  	_ =	shalt  }
0x56: {  	_ =	shalt  }
0x57: {  	_ =	shalt  }
0x58: {  	_ =	shalt  }
0x59: {  	_ =	shalt  }
0x5a: {  	_ =	shalt  }
0x5b: {  	_ =	shalt  }
0x5c: {  	_ =	shalt  }
0x5d: {  	_ =	shalt  }
0x5e: {  	_ =	shalt  }
0x5f: {  	_ =	shalt  }
0x60: {  	_ =	shalt  }
0x61: {  	_ =	shalt  }
0x62: {  	_ =	shalt  }
0x63: {  	_ =	shalt  }
0x64: {  	_ =	shalt  }
0x65: {  	_ =	shalt  }
0x66: {  	_ =	shalt  }
0x67: {  	_ =	shalt  }
0x68: {  	_ =	shalt  }
0x69: {  	_ =	shalt  }
0x6a: {  	_ =	shalt  }
0x6b: {  	_ =	shalt  }
0x6c: {  	_ =	shalt  }
0x6d: {  	_ =	shalt  }
0x6e: {  	_ =	shalt  }
0x6f: {  	_ =	shalt  }
0x70: {  	_ =	shalt  }
0x71: {  	_ =	shalt  }
0x72: {  	_ =	shalt  }
0x73: {  	_ =	shalt  }
0x74: {  	_ =	shalt  }
0x75: {  	_ =	shalt  }
0x76: {  	_ =	shalt  }
0x77: {  	_ =	shalt  }
0x78: {  	_ =	shalt  }
0x79: {  	_ =	shalt  }
0x7a: {  	_ =	shalt  }
0x7b: {  	_ =	shalt  }
0x7c: {  	_ =	shalt  }
0x7d: {  	_ =	shalt  }
0x7e: {  	_ =	shalt  }
0x7f: {  	_ =	shalt  }
0x80: {  	_ =	shalt  }
0x81: {  	_ =	shalt  }
0x82: {  	_ =	shalt  }
0x83: {  	_ =	shalt  }
0x84: {  	_ =	shalt  }
0x85: {  	_ =	shalt  }
0x86: {  	_ =	shalt  }
0x87: {  	_ =	shalt  }
.Lfunc_end0:
.L_simem_size_0:
called_computation.2_lowered:
.L_overlay_start_0:
0x88: {  	s2 =	sld [smem:$0x3FD9]  }
0x89: {  	s3 =	sld [smem:$0x3FFE];
	_ =	sdelay $0x1  }
0x8a: {  	s1 =	srdreg.scid  }
0x8b: {  	s0 =	sand.u32 $0x1, s1  }
0x8c: {  	s16 =	sshll.u32 s0, $0xA;
	s2 =	sadd.s32 s3, s2  }
0x8d: {  	s2 =	sadd.s32 s2, s16  }
0x8e: {  	[smem:$0x3FB1] =	sst s2  }
0x8f: {  	_ = 	snop  }
0x90: {  	(tm) =	ssettm $0x1  }
0x91: {  	s17 =	sld [smem:$0x3FFB];
	_ =	sdelay $0x3  }
0x92: {  	_ =	strace s17  }
0x93: {  	s2 =	sld [smem:$0x3FFC];
	_ =	sdelay $0x3  }
0x94: {  	_ =	strace s2  }
0x95: {  	s2 =	sld [smem:$0x3FFD];
	_ =	sdelay $0x3  }
0x96: {  	_ =	strace s2  }
0x97: {  	_ =	strace $0x8FFFFFFF  }
0x98: {  	s18 =	sld [smem:$0x3FDB];
	_ =	sdelay $0x1  }
0x99: {  	s19 =	simm.s32 $_scs_section_size  }
0x9a: {  	s4 =	simm.s32 $_size__tile_overlayer_lowered;
	s5 =	simm.s32 $_tile_overlayer_lowered  }
0x9b: {  	s22 =	simm.s32 $0x1BFF;
	s21 =	sshll.u32 s5, $0x1;
	s2 =	sadd.s32 s19, s18  }
0x9c: {  	s6 =	simm.s32 $0x0;
	s20 =	sshll.u32 s4, $0x1;
	s4 =	sadd.s32 s21, s2  }
0x9d: {  	[timem:s6], [sflag:s22] =	dma.local [hbm:s4], s20  }
0x9e: {  	_ =	swait.ge [sflag:s22], s20  }
0x9f: {  	s3 =	ssub.s32 $0x0, s20;
	[sflag:s22] =	ssyncset.done $0x0  }
0xa0: {  	[sflag:s22] =	ssyncadd.s32 s3;
	_ =	sdelay $0x1  }
0xa1: {  	s23 =	simm.s32 $0x1B8B  }
0xa2: {  	_ =	swait.ge [sflag:s23], $0x1  }
0xa3: {  	[sflag:s23] =	ssyncset.done $0x0  }
0xa4: {  	s25 =	simm.s32 $0x1B8E;
	s24 =	sld [smem:$0x3FFE];
	[sflag:s23] =	ssyncadd.s32 $0xFFFFFFFF  }
0xa5: {  	s26 =	simm.s32 $execute0_lowered;
	[smem:$0x3FD2] =	sst s25  }
0xa6: {  	s4 =	sshll.u32 s26, $0x1;
	_ =	strace $0x8000004C;
	[dreg:$0x1] =	wrdreg $0xFFFFFFFF  }
0xa7: {  	s28 =	simm.s32 $_size_execute0_lowered;
	s2 =	sadd.s32 s2, s4;
	[dreg:$0x0] =	wrdreg $0x0  }
0xa8: {  	s4 =	sshll.u32 s28, $0x1;
	[dreg:$0x2] =	wrdreg s2  }
0xa9: {  	[dreg:$0x3] =	wrdreg s4  }
0xaa: {  	[dreg:$0x4] =	wrdreg $0xC0  }
0xab: {  	_ =	task [dreg:s6], $0x5FFFF  }
0xac: {  	[dreg:$0x1] =	wrdreg $0xFFFFFFFF  }
0xad: {  	[dreg:$0x0] =	wrdreg $0x60  }
0xae: {  	[dreg:$0x2] =	wrdreg s24  }
0xaf: {  	[dreg:$0x3] =	wrdreg $0x130400  }
0xb0: {  	[dreg:$0x4] =	wrdreg $0x130800  }
0xb1: {  	[dreg:$0x5] =	wrdreg $0x9  }
0xb2: {  	_ =	task.clear_ibuf [dreg:s6], $0x6FFFF;
	_ =	strace $0x9000004C  }
0xb3: {  	s29 =	simm.s32 $0x9;
	_ =	strace $0x8000004E  }
0xb4: {  	_ =	swait.ge [sflag:s29], $0x1  }
0xb5: {  	[sflag:s29] =	ssyncadd.s32 $0xFFFFFFFF  }
0xb6: {  	_ =	strace $0x9000004E  }
0xb7: {  	_ =	sfence  }
0xb8: {  	s30 =	sld [smem:$0x0];
	_ =	sdelay $0x2  }
0xb9: {  	s31 =	sshll.u32 s1, $0xD;
	s1 =	sshrl.u32 s1, $0x2  }
0xba: {  	s3 =	sand.u32 $0x4000, s31;
	s1 =	sadd.s32 s1, s30  }
0xbb: {  	s0 =	sor.u32 s3, s0;
	s1 =	sshll.u32 s1, $0x11  }
0xbc: {  	s0 =	sor.u32 s1, s0  }
0xbd: {  	s0 =	sadd.s32 $0x8F2B, s0  }
0xbe: {  	[sflag:s0] =	ssyncadd.remote.s32 $0x1  }
0xbf: {  	_ =	sfence.sel $0xFFFF  }
0xc0: {  	[dreg:$0x0] =	wrdreg $0xFFFFFFFF;
	(pc) =	sbr.abs _section_cstart, $3  }
0xc1: {  	[dreg:$0x1] =	wrdreg $0xFFFFFFFF  }
0xc2: {  	_ =	task.clear_ibuf [dreg:s6], $0x2FFFF;
	_ =	strace $0x9FFFFFFF  }
0xc3: {  	(tm) =	ssettm $0x7FFFFFFF  }
tec
execute0_lowered:
.L_overlay_start_1:
0x0: {  	(tag) =	ssettag $0x1  }
0x1: {  	s0 =	rddreg [dreg:$0x0]  }
0x2: {  	s1 =	rddreg [dreg:$0x1]  }
0x3: {  	s2 =	rddreg [dreg:$0x2];
	s4 =	simm.s32 $0x0;
	s13 =	stileid.u32  }
0x4: {  	s3 =	srdreg.scid;
	s15 =	simm.s32 $0x2;
	s16 =	simm.s32 $0x800  }
0x5: {  	s17 =	simm.s32 $0xC00;
	s18 =	simm.s32 $0x1000;
	s19 =	simm.s32 $0x400  }
0x6: {  	s20 =	simm.s32 $0x2000;
	s21 =	simm.s32 $0x13000;
	s22 =	simm.s32 $0x12000  }
0x7: {  	s23 =	simm.s32 $0x1400;
	s24 =	simm.s32 $0x1C00;
	s25 =	simm.s32 $0x1  }
0x8: {  	s26 =	simm.s32 $0x1800;
	s28 =	simm.s32 $0x10;
	s29 =	simm.s32 $0x8  }
0x9: {  	s30 =	simm.s32 $0x0;
	[smem:$0x7FF] =	sst s4;
	s5 =	sadd.s32 $0x4400, s0  }
0xa: {  	s6 =	sshll.u32 s13, $0x7;
	s3 =	sand.u32 $0x1, s3;
	s7 =	sadd.s32 $0x8400, s0  }
0xb: {  	s12 =	sshll.u32 s13, $0xA;
	_ =	strace $0x8000004D;
	s9 =	sadd.s32 s6, s0  }
0xc: {  	s6 =	sadd.s32 $0x8600, s0;
	s8 =	ssub.s32 $0x2, s3;
	s10 =	sshll.u32 s3, $0x3  }
0xd: {  	s11 =	sshrl.u32 s8, $0x1;
	s0 =	sadd.s32 s10, s0;
	s10 =	sshll.u32 s13, $0x6  }
0xe: {  	s13 =	sshll.u32 s13, $0xC;
	s14 =	ssub.s32 s8, s11;
	s8 =	sadd.s32 $0x66800, s9  }
0xf: {  	s9 =	sadd.s32 $0x66000, s9;
	s11 =	sadd.s32 s10, s1;
	s0 =	sadd.s32 s12, s0  }
0x10: {  	v1 =	vimm.f32 $0.0e+00;
	v0 =	vmov s3;
	s12 =	sadd.s32 s13, s2;
	s13 =	sadd.s32 $0x8800, s0;
	s14 =	smax.u32 s14, $0x1  }
.LBB2_1:
0x11: {  	[tilespmem:s4], [sflag:$0x2] =	stream.linear.gather [hbm4b:s8+s4], $0x400, $0x38;
	[tilespmem:$0x14080] =	vst v63  }
0x12: {  	_ =	swait.ge [sflag:s15], $0x400  }
0x13: {  	[sflag:s15] =	ssyncset.done $0x0  }
0x14: {  	[sflag:s15] =	ssyncadd.s32 $0xFFFFFC00  }
0x15: {  	[tilespmem:s16], [sflag:$0x2] =	stream.linear.gather [hbm4b:s9+s4], $0x400, $0x38;
	[tilespmem:$0x14080] =	vst v63  }
0x16: {  	_ =	swait.ge [sflag:s15], $0x400  }
0x17: {  	[sflag:s15] =	ssyncset.done $0x0  }
0x18: {  	[sflag:s15] =	ssyncadd.s32 $0xFFFFFC00  }
0x19: {  	[tilespmem:s17], [sflag:$0x2] =	stream.linear.gather [hbm4b:s6+s4], $0x400, $0x38;
	[tilespmem:$0x14080] =	vst v63  }
0x1a: {  	_ =	swait.ge [sflag:s15], $0x400  }
0x1b: {  	[sflag:s15] =	ssyncset.done $0x0  }
0x1c: {  	[sflag:s15] =	ssyncadd.s32 $0xFFFFFC00  }
0x1d: {  	[tilespmem:s18], [sflag:$0x2] =	stream.linear.gather [hbm4b:s7+s4], $0x400, $0x38;
	[tilespmem:$0x14080] =	vst v63  }
0x1e: {  	_ =	swait.ge [sflag:s15], $0x400  }
0x1f: {  	[sflag:s15] =	ssyncset.done $0x0  }
0x20: {  	s0 =	simm.s32 $0x20;
	[sflag:s15] =	ssyncadd.s32 $0xFFFFFC00  }
0x21: {  	v2 =	vld [tilespmem:s0+$0xFFFFFFE0];
	_ =	sdelay $0x4  }
0x22: {  	v2 =	vshll.u32 v2, $0x1  }
0x23: {  	s31 =	simm.s32 $0x420;
	v2 =	vor.u32 v0, v2  }
0x24: {  	[tilespmem:s31+$0xFFFFFFE0] =	vst v2  }
0x25: {  	v2 =	vld [tilespmem:s0+$0xFFFFFFF0];
	_ =	sdelay $0x4  }
0x26: {  	v2 =	vshll.u32 v2, $0x1  }
0x27: {  	v2 =	vor.u32 v0, v2  }
0x28: {  	[tilespmem:s31+$0xFFFFFFF0] =	vst v2  }
0x29: {  	v2 =	vld [tilespmem:s0+$0x0];
	_ =	sdelay $0x4  }
0x2a: {  	v2 =	vshll.u32 v2, $0x1  }
0x2b: {  	v2 =	vor.u32 v0, v2  }
0x2c: {  	[tilespmem:s31+$0x0] =	vst v2  }
0x2d: {  	v2 =	vld [tilespmem:s0+$0x10];
	_ =	sdelay $0x4  }
0x2e: {  	v2 =	vshll.u32 v2, $0x1  }
0x2f: {  	v2 =	vor.u32 v0, v2  }
0x30: {  	s3 =	simm.s32 $0x60;
	s0 =	simm.s32 $0x0;
	[tilespmem:s31+$0x10] =	vst v2  }
.LBB2_2:
0x31: {  	v2 =	vld [tilespmem:s3+$0xFFFFFFE0];
	s0 =	sadd.s32 $0x4, s0  }
0x32: {  	p0 =	slt.u32 s0, $0x3C;
	_ =	sdelay $0x3  }
0x33: {  	v2 =	vshll.u32 v2, $0x1  }
0x34: {  	s31 =	sadd.s32 $0x40, s31;
	v2 =	vor.u32 v0, v2  }
0x35: {  	[tilespmem:s31+$0xFFFFFFE0] =	vst v2  }
0x36: {  	v2 =	vld [tilespmem:s3+$0xFFFFFFF0];
	_ =	sdelay $0x4  }
0x37: {  	v2 =	vshll.u32 v2, $0x1  }
0x38: {  	v2 =	vor.u32 v0, v2  }
0x39: {  	[tilespmem:s31+$0xFFFFFFF0] =	vst v2  }
0x3a: {  	v2 =	vld [tilespmem:s3+$0x0];
	_ =	sdelay $0x4  }
0x3b: {  	v2 =	vshll.u32 v2, $0x1  }
0x3c: {  	v2 =	vor.u32 v0, v2  }
0x3d: {  	[tilespmem:s31+$0x0] =	vst v2  }
0x3e: {  	v2 =	vld [tilespmem:s3+$0x10];
	_ =	sdelay $0x2  }
.Ltmp0:
0x3f: {  	(pc) =	sbr.rel @p0 .LBB2_2-.Ltmp0, $4  }
0x40: {  	_ = 	snop  }
0x41: {  	v2 =	vshll.u32 v2, $0x1  }
0x42: {  	v2 =	vor.u32 v0, v2  }
0x43: {  	s3 =	sadd.s32 $0x40, s3;
	[tilespmem:s31+$0x10] =	vst v2  }
0x44: {  	[tilespmem:s20], [sflag:$0x1] =	stream.indirect.gather [hbm4b:s5+s19], $0x40, s19, s19, $0xb8;
	[tilespmem:$0x14080] =	vst v63  }
0x45: {  	s0 =	simm.s32 $0x0  }
0x46: {  	s3 =	sand.u32 $0x3F00, s0  }
0x47: {  	s31 =	sand.u32 $0x30, s0;
	s2 =	sshrl.u32 s3, $0x2  }
0x48: {  	s3 =	simm.s32 $0x40;
	s31 =	sor.u32 s31, s2  }
.LBB2_4:
0x49: {  	p0 =	sne.s32 s3, $0x3FC0  }
0x4a: {  	[tilespmem:s31+$0x12000] =	vst v1;
	s0 =	sadd.s32 $0x10, s0;
	s2 =	smov.u32 s3;
	s3 =	sadd.s32 $0x40, s3  }
.Ltmp1:
0x4b: {  	(pc) =	sbr.rel @p0 .LBB2_4-.Ltmp1, $4  }
0x4c: {  	_ = 	snop  }
0x4d: {  	s2 =	sand.u32 $0x3F00, s2  }
0x4e: {  	s31 =	sand.u32 $0x30, s0;
	s2 =	sshrl.u32 s2, $0x2  }
0x4f: {  	s31 =	sor.u32 s31, s2  }
0x50: {  	[tilespmem:s31+$0x12000] =	vst v1  }
0x51: {  	[tilespmem:$0x13000] =	vst v1  }
0x52: {  	[tilespmem:$0x13010] =	vst v1  }
0x53: {  	[tilespmem:$0x13020] =	vst v1  }
0x54: {  	[tilespmem:$0x13030] =	vst v1  }
0x55: {  	[spmem:s11] =	stream.linear.scatter [tilespmem:s21], [sflag:$0x2], $0x40, $0x38;
	[tilespmem:$0x14080] =	vst v63  }
0x56: {  	_ =	swait.ge [sflag:s15], $0x40  }
0x57: {  	[sflag:s15] =	ssyncset.done $0x0  }
0x58: {  	[sflag:s15] =	ssyncadd.s32 $0xFFFFFFC0  }
0x59: {  	[spmem:s12] =	stream.linear.scatter [tilespmem:s22], [sflag:$0x2], $0x1000, $0x38;
	[tilespmem:$0x14080] =	vst v63  }
0x5a: {  	_ =	swait.ge [sflag:s15], $0x1000  }
0x5b: {  	[sflag:s15] =	ssyncset.done $0x0  }
0x5c: {  	[sflag:s15] =	ssyncadd.s32 $0xFFFFF000  }
0x5d: {  	s31 =	simm.s32 $0x0;
	[bflag:$0x0] =	sbarrier.arrive $0xFFFF  }
0x5e: {  	v2 =	vld [tilespmem:s31+$0x800]  }
0x5f: {  	v3 =	vld [tilespmem:s31+$0x0];
	_ =	sdelay $0x6  }
0x60: {  	v2 =	vld.idx.msk [tilespmem:v2+s18+$0x0], $0xffff  }
0x61: {  	v3 =	vld.idx.msk [tilespmem:v3+s17+$0x0], $0xffff;
	_ =	sdelay $0x4  }
0x62: {  	v2 =	vadd.f32 v2, v3;
	_ =	sdelay $0x1  }
0x63: {  	v3 =	vmul.f32 $2.000000030e-01, v2  }
0x64: {  	vm0 =	vge.f32 v2, $0.0e+00  }
0x65: {  	v2 =	vsel vm0, v2, v3  }
0x66: {  	v2 =	vmul.f32 $1.442695020e+00, v2;
	_ =	sdelay $0x1  }
0x67: {  	(erf) = vpow2.f32 v2;
	_ =	sdelay $0x1  }
0x68: {  	s3 =	simm.s32 $0x10  }
0x69: {  	s0 =	simm.s32 $0x80;
	v2 =	vld [tilespmem:s3+$0x800]  }
.LBB2_6:
0x6a: {  	p0 =	sne.s32 s0, $0xFC0;
	v3 =	vld [tilespmem:s3+$0x0];
	_ =	sdelay $0x4  }
0x6b: {  	v4 =	vpop (erf)  }
0x6c: {  	[tilespmem:s31+$0x1400] =	vst v4;
	s31 =	smov.u32 s3  }
0x6d: {  	v2 =	vld.idx.msk [tilespmem:v2+s18+$0x0], $0xffff  }
0x6e: {  	v3 =	vld.idx.msk [tilespmem:v3+s17+$0x0], $0xffff;
	_ =	sdelay $0x5  }
0x6f: {  	v2 =	vadd.f32 v2, v3;
	_ =	sdelay $0x1  }
0x70: {  	v3 =	vmul.f32 $2.000000030e-01, v2  }
0x71: {  	vm0 =	vge.f32 v2, $0.0e+00  }
0x72: {  	v2 =	vsel vm0, v2, v3  }
0x73: {  	v2 =	vmul.f32 $1.442695020e+00, v2  }
.Ltmp2:
0x74: {  	(pc) =	sbr.rel @p0 .LBB2_6-.Ltmp2, $3  }
0x75: {  	(erf) = vpow2.f32 v2;
	_ =	sdelay $0x1  }
0x76: {  	s3 =	sshra.s32 s0, $0x2  }
0x77: {  	s0 =	sadd.s32 $0x40, s0;
	v2 =	vld [tilespmem:s3+$0x800]  }
0x78: {  	_ = 	snop  }
0x79: {  	v3 =	vld [tilespmem:s3+$0x0];
	_ =	sdelay $0x4  }
0x7a: {  	v4 =	vpop (erf)  }
0x7b: {  	[tilespmem:s31+$0x1400] =	vst v4  }
0x7c: {  	v2 =	vld.idx.msk [tilespmem:v2+s18+$0x0], $0xffff  }
0x7d: {  	v3 =	vld.idx.msk [tilespmem:v3+s17+$0x0], $0xffff;
	_ =	sdelay $0x4  }
0x7e: {  	v2 =	vadd.f32 v2, v3;
	_ =	sdelay $0x1  }
0x7f: {  	v3 =	vmul.f32 $2.000000030e-01, v2  }
0x80: {  	vm0 =	vge.f32 v2, $0.0e+00  }
0x81: {  	v2 =	vsel vm0, v2, v3  }
0x82: {  	v2 =	vmul.f32 $1.442695020e+00, v2;
	_ =	sdelay $0x1  }
0x83: {  	(erf) = vpow2.f32 v2;
	_ =	sdelay $0x8  }
0x84: {  	v2 =	vpop (erf)  }
0x85: {  	[tilespmem:s3+$0x1400] =	vst v2  }
0x86: {  	[spmem:s1] =	stream.indirect.scatter.add.f32 [tilespmem:s23], [sflag:$0x2], $0x1, s16, s19, $0xb8;
	[tilespmem:$0x14080] =	vst v63  }
0x87: {  	_ =	swait.ge [sflag:s15], $0x400  }
0x88: {  	[sflag:s15] =	ssyncset.done $0x0  }
0x89: {  	[sflag:s15] =	ssyncadd.s32 $0xFFFFFC00  }
0x8a: {  	[bflag:$0x0] =	sbarrier.arrive $0xFFFF  }
0x8b: {  	[tilespmem:s24], [sflag:$0x2] =	stream.linear.gather [spmem:s1], $0x400, $0x38;
	[tilespmem:$0x14080] =	vst v63  }
0x8c: {  	_ =	swait.ge [sflag:s15], $0x400  }
0x8d: {  	[sflag:s15] =	ssyncset.done $0x0  }
0x8e: {  	s0 =	simm.s32 $0x0;
	[sflag:s15] =	ssyncadd.s32 $0xFFFFFC00  }
0x8f: {  	v2 =	vld [tilespmem:s0+$0x800];
	_ =	sdelay $0x7  }
0x90: {  	v2 =	vld.idx.msk [tilespmem:v2+s24+$0x0], $0xffff;
	_ =	sdelay $0x4  }
0x91: {  	v2 =	vadd.f32 $1.000000020e-16, v2;
	_ =	sdelay $0x1  }
0x92: {  	(erf) = vrcp.f32 v2;
	_ =	sdelay $0x3  }
0x93: {  	s31 =	simm.s32 $0x10;
	s3 =	simm.s32 $0x80;
	v2 =	vld [tilespmem:s0+$0x1400]  }
.LBB2_8:
0x94: {  	p0 =	sne.s32 s3, $0xFC0;
	v3 =	vld [tilespmem:s31+$0x800];
	_ =	sdelay $0x3  }
0x95: {  	v4 =	vpop (erf)  }
0x96: {  	v2 =	vmul.f32 v4, v2;
	_ =	sdelay $0x1  }
0x97: {  	[tilespmem:s0+$0x1800] =	vst v2;
	s0 =	smov.u32 s31  }
0x98: {  	v2 =	vld.idx.msk [tilespmem:v3+s24+$0x0], $0xffff;
	_ =	sdelay $0x5  }
0x99: {  	v2 =	vadd.f32 $1.000000020e-16, v2;
	_ =	sdelay $0x1  }
.Ltmp3:
0x9a: {  	(erf) = vrcp.f32 v2;
	(pc) =	sbr.rel @p0 .LBB2_8-.Ltmp3, $2  }
0x9b: {  	_ =	sdelay $0x2  }
0x9c: {  	s31 =	sshra.s32 s3, $0x2;
	s3 =	sadd.s32 $0x40, s3;
	v2 =	vld [tilespmem:s0+$0x1400]  }
0x9d: {  	v3 =	vld [tilespmem:s31+$0x800];
	_ =	sdelay $0x3  }
0x9e: {  	v4 =	vpop (erf)  }
0x9f: {  	v2 =	vmul.f32 v4, v2;
	_ =	sdelay $0x1  }
0xa0: {  	[tilespmem:s0+$0x1800] =	vst v2  }
0xa1: {  	v2 =	vld.idx.msk [tilespmem:v3+s24+$0x0], $0xffff;
	_ =	sdelay $0x4  }
0xa2: {  	v2 =	vadd.f32 $1.000000020e-16, v2;
	_ =	sdelay $0x1  }
0xa3: {  	(erf) = vrcp.f32 v2;
	_ =	sdelay $0x4  }
0xa4: {  	v2 =	vld [tilespmem:s31+$0x1400];
	_ =	sdelay $0x3  }
0xa5: {  	v3 =	vpop (erf)  }
0xa6: {  	v2 =	vmul.f32 v3, v2;
	_ =	sdelay $0x1  }
0xa7: {  	s3 =	simm.s32 $0x0;
	[tilespmem:s31+$0x1800] =	vst v2  }
0xa8: {  	v2 =	vmov s3;
	_ =	swait.ge [sflag:s25], $0x10000  }
0xa9: {  	[sflag:s25] =	ssyncset.done $0x0  }
0xaa: {  	s0 =	simm.s32 $0x2020;
	[sflag:s25] =	ssyncadd.s32 $0xFFFF0000  }
0xab: {  	v4 =	vld [tilespmem:s0+$0xFFFFFFF0]  }
0xac: {  	v5 =	vld [tilespmem:s0+$0x10]  }
0xad: {  	v7 =	vld.idx.msk [tilespmem:v2+s26+$0x0], $0xffff  }
0xae: {  	v2 =	vld [tilespmem:s0+$0xFFFFFFE0]  }
0xaf: {  	v8 =	vld [tilespmem:s0+$0x0];
	_ =	sdelay $0x3  }
0xb0: {  	s2 =	simm.s32 $0x1;
	v3 =	vmul.f32 v2, v7;
	v6 =	vmul.f32 v5, v7  }
0xb1: {  	s3 =	simm.s32 $0x2;
	s31 =	simm.s32 $0x2020;
	v2 =	vmov s2;
	v5 =	vmul.f32 v4, v7;
	v4 =	vmul.f32 v8, v7  }
.LBB2_10:
0xb2: {  	p0 =	sne.s32 s3, $0x3FF  }
0xb3: {  	[tilespmem:s0+$0x10] =	vst v6;
	s31 =	sadd.s32 $0x40, s31;
	s2 =	smov.u32 s3;
	s3 =	sadd.s32 $0x1, s3  }
0xb4: {  	[tilespmem:s0+$0xFFFFFFE0] =	vst v3  }
0xb5: {  	v7 =	vld [tilespmem:s31+$0xFFFFFFF0];
	[tilespmem:s0+$0xFFFFFFF0] =	vst v5  }
0xb6: {  	v5 =	vld [tilespmem:s31+$0x10];
	[tilespmem:s0+$0x0] =	vst v4;
	s0 =	smov.u32 s31  }
0xb7: {  	v4 =	vld.idx.msk [tilespmem:v2+s26+$0x0], $0xffff  }
0xb8: {  	v2 =	vld [tilespmem:s31+$0xFFFFFFE0]  }
0xb9: {  	v8 =	vld [tilespmem:s31+$0x0]  }
.Ltmp4:
0xba: {  	(pc) =	sbr.rel @p0 .LBB2_10-.Ltmp4, $3  }
0xbb: {  	_ =	sdelay $0x1  }
0xbc: {  	v6 =	vmul.f32 v5, v4;
	v3 =	vmul.f32 v2, v4  }
0xbd: {  	v5 =	vmul.f32 v7, v4;
	v2 =	vmov s2;
	v4 =	vmul.f32 v8, v4  }
0xbe: {  	[tilespmem:s0+$0x10] =	vst v6  }
0xbf: {  	s2 =	sadd.s32 $0x40, s31;
	[tilespmem:s0+$0xFFFFFFE0] =	vst v3  }
0xc0: {  	v3 =	vld [tilespmem:s2+$0xFFFFFFF0];
	[tilespmem:s0+$0xFFFFFFF0] =	vst v5  }
0xc1: {  	v5 =	vld [tilespmem:s2+$0x10];
	[tilespmem:s0+$0x0] =	vst v4  }
0xc2: {  	v2 =	vld.idx.msk [tilespmem:v2+s26+$0x0], $0xffff  }
0xc3: {  	v4 =	vld [tilespmem:s2+$0xFFFFFFE0];
	_ =	sdelay $0x1  }
0xc4: {  	v6 =	vld [tilespmem:s2+$0x0];
	_ =	sdelay $0x1  }
0xc5: {  	v5 =	vmul.f32 v5, v2  }
0xc6: {  	v4 =	vmul.f32 v4, v2  }
0xc7: {  	v3 =	vmul.f32 v3, v2;
	[tilespmem:s2+$0x10] =	vst v5  }
0xc8: {  	v2 =	vmul.f32 v6, v2;
	[tilespmem:s2+$0xFFFFFFE0] =	vst v4  }
0xc9: {  	[tilespmem:s2+$0xFFFFFFF0] =	vst v3  }
0xca: {  	[tilespmem:s2+$0x0] =	vst v2;
	s2 =	rddreg [dreg:$0x2]  }
0xcb: {  	[spmem:s2] =	stream.indirect.scatter.add.f32 [tilespmem:s20], [sflag:$0x2], $0x40, s16, s19, $0xb8;
	[tilespmem:$0x14080] =	vst v63  }
0xcc: {  	_ =	swait.ge [sflag:s15], $0x10000  }
0xcd: {  	s30 =	sadd.s32 $0x1, s30;
	[sflag:s15] =	ssyncset.done $0x0  }
0xce: {  	s3 =	sor.u32 $0x1C02, s10;
	p0 =	sne.s32 s30, s14;
	[sflag:s15] =	ssyncadd.s32 $0xFFFF0000  }
.Ltmp5:
0xcf: {  	s31 =	sshrl.u32 s12, $0x3;
	[bflag:$0x0] =	sbarrier.arrive $0xFFFF;
	(pc) =	sbr.rel @p0 .LBB2_1-.Ltmp5, $4  }
0xd0: {  	[hbm:s13@s28], [sflag:s3] =	dma.strided [spmem:s31@s29], $0x200, s25, $0x8   }
0xd1: {  	_ =	swait.ge [sflag:s15], $0x200  }
0xd2: {  	[sflag:s15] =	ssyncset.done $0x0  }
0xd3: {  	[sflag:s15] =	ssyncadd.s32 $0xFFFFFE00  }
0xd4: {  	_ =	sfence.sel $0x180000  }
0xd5: {  	[bflag:$0x0] =	sbarrier.arrive $0xFFFF  }
0xd6: {  	_ =	strace $0x9000004D  }
0xd7: {  	s0 =	stileid.u32;
	[bflag:$0x2] =	sbarrier.arrive $0xFFFF  }
0xd8: {  	p0 =	sne.s32 s0, $0x0;
	s0 =	rddreg [dreg:$0x3]  }
0xd9: {  	s0 =	sadd.s32 @!p0 $0x100000, s0  }
0xda: {  	[sflag:s0] =	ssyncadd.tile.s32 @!p0 $0x1;
	_ =	shalt  }
.Lfunc_end2:
_tile_overlayer_lowered:
.L_overlay_start_2:
0xdb: {  	(tag) =	ssettag $0x2  }
0xdc: {  	s0 =	rddreg [dreg:$0x0];
	s2 =	stileid.u32  }
0xdd: {  	s1 =	rddreg [dreg:$0x1];
	p0 =	sne.s32 s2, $0x0  }
0xde: {  	s3 =	rddreg [dreg:$0x2];
	[bflag:$0x3] =	sbarrier.arrive $0xFFFF;
	s2 =	simm.s32 @!p0 $0x1C02  }
0xdf: {  	[timem:s3], [sflag:s2] =	dma.local @!p0 [hbm:s0], s1  }
0xe0: {  	s0 =	simm.s32 @!p0 $0x2  }
0xe1: {  	_ =	swait.ge @!p0 [sflag:s0], s1  }
0xe2: {  	s1 =	ssub.s32 @!p0 $0x0, s1;
	[sflag:s0] =	ssyncset.done @!p0 $0x0  }
0xe3: {  	[sflag:s0] =	ssyncadd.s32 @!p0 s1  }
0xe4: {  	[bflag:$0x3] =	sbarrier.arrive $0xFFFF  }
0xe5: {  	_ =	shalt  }

// kernel: kernel.19.cloned.1.call-start
scs
__scs_entry_jumppad:
0x0: {  	(pc) =	sbr.rel $0x88, $3  }
0x1: {  	(tag) =	ssettag $0x0;
	lr =	simm.s32 $0x1  }
0x2: {  	[smem:$0x3F8A] =	sst lr;
	_ =	strace $0xD0000000  }
0x3: {  	_ = 	snop  }
0x4: {  	_ = 	snop  }
0x5: {  	_ = 	snop  }
0x6: {  	_ = 	snop  }
0x7: {  	_ = 	snop  }
__scs_overlays_trampoline_lowered:
0x8: {  	[smem:$0x3F99] =	sst s0  }
0x9: {  	[smem:$0x3F9A] =	sst s1  }
0xa: {  	[smem:$0x3F9B] =	sst s2  }
0xb: {  	[smem:$0x3F9C] =	sst s3  }
0xc: {  	[smem:$0x3F9D] =	sst s4  }
0xd: {  	[smem:$0x3F9E] =	sst s5  }
0xe: {  	[smem:$0x3F9F] =	sst s6  }
0xf: {  	[smem:$0x3FA0] =	sst s7  }
0x10: {  	[smem:$0x3FA1] =	sst s8  }
0x11: {  	[smem:$0x3FA2] =	sst s9;
	s0 =	simm.s32 @!p0 $0x0  }
0x12: {  	s1 =	sld [smem:$0x3F88];
	s0 =	simm.s32 @p0 $0x1  }
0x13: {  	[smem:$0x3FA3] =	sst s0;
	s0 =	simm.s32 @!p1 $0x0  }
0x14: {  	s2 =	sld [smem:$0x3F87];
	s0 =	simm.s32 @p1 $0x1  }
0x15: {  	[smem:$0x3FA4] =	sst s0;
	s0 =	simm.s32 @!p2 $0x0  }
0x16: {  	s3 =	sld [smem:$0x3FDB];
	s0 =	simm.s32 @p2 $0x1  }
0x17: {  	s4 =	simm.s32 $0x1BF5;
	[smem:$0x3FA6] =	sst s0  }
0x18: {  	s0 =	sld [smem:$0x3F89];
	_ =	swait.ge [sflag:s4], $0x0  }
0x19: {  	s7 =	sld [smem:$0x3F8A]  }
0x1a: {  	s8 =	sadd.s32 $0xFFFFE003, lr  }
0x1b: {  	s9 =	sadd.s32 $0xFFFFFEF7, lr;
	s5 =	simm.s32 $0xFFFFFFFF;
	p2 =	slt.u32 s8, $0xFFFFF086  }
0x1c: {  	p1 =	slt.u32 s9, $0xF7A;
	s5 =	simm.s32 @!p2 $0x0  }
0x1d: {  	s5 =	simm.s32 @p1 $0x1;
	p0 =	seq.s32 s7, s2  }
0x1e: {  	s7 =	smul.u32 @!p0 $0xF7A, s2;
	p2 =	seq.s32 @!p0 s5, $0x0  }
0x1f: {  	s9 =	smul.u32 $0xF7A, s1;
	s8 =	simm.s32 @!p0 $0x1BF5;
	p2 =	por !p2, p0  }
0x20: {  	[sflag:s8] =	ssyncset.s32 @!p0 $0xFFFFF086;
	s6 =	sadd.s32 @!p0 s3, s7;
	s7 =	simm.s32 @!p0 $0x108  }
0x21: {  	s3 =	sadd.s32 s3, s9;
	s6 =	sadd.s32 @!p0 $0x88, s6;
	s7 =	simm.s32 @p2 $0x1082  }
0x22: {  	[simem:s7], [sflag:s8] =	dma.local @!p0 [hbm:s6], $0xF7A  }
0x23: {  	s9 =	sor.u32 $0xD0000000, s2;
	s6 =	simm.s32 $0x108;
	_ =	swait.ge @!p0 [sflag:s8], $0x0  }
0x24: {  	s3 =	sadd.s32 $0x88, s3;
	s6 =	simm.s32 @!p1 $0x1082;
	[sflag:s4] =	ssyncset.s32 $0xFFFFF086  }
0x25: {  	[simem:s6], [sflag:s4] =	dma.local [hbm:s3], $0xF7A  }
0x26: {  	[smem:$0x3F8A] =	sst s1;
	(tag) =	ssettag s2;
	_ =	strace s9  }
0x27: {  	s1 =	sld [smem:$0x3F9A]  }
0x28: {  	s2 =	sld [smem:$0x3F9B]  }
0x29: {  	s4 =	sld [smem:$0x3F9D]  }
0x2a: {  	p0 =	seq.s32 s5, $0x0;
	s5 =	sld [smem:$0x3F9E]  }
0x2b: {  	s6 =	sld [smem:$0x3F9F]  }
0x2c: {  	s7 =	sld [smem:$0x3FA0]  }
0x2d: {  	s3 =	simm.s32 $0x108;
	s8 =	sld [smem:$0x3FA1]  }
0x2e: {  	s3 =	simm.s32 @!p0 $0x1082;
	s9 =	sld [smem:$0x3FA2]  }
0x2f: {  	lr =	sadd.s32 s0, s3;
	s0 =	sld [smem:$0x3F99]  }
0x30: {  	s3 =	sld [smem:$0x3F9C]  }
0x31: {  	[smem:$0x3FA5] =	sst s10  }
0x32: {  	s10 =	sld [smem:$0x3FA3];
	_ =	sdelay $0x3  }
0x33: {  	p0 =	seq.s32 s10, $0x1;
	s10 =	sld [smem:$0x3FA5];
	_ =	sdelay $0x3  }
0x34: {  	[smem:$0x3FA5] =	sst s10  }
0x35: {  	s10 =	sld [smem:$0x3FA4];
	_ =	sdelay $0x3  }
0x36: {  	p1 =	seq.s32 s10, $0x1;
	s10 =	sld [smem:$0x3FA5];
	_ =	sdelay $0x3  }
0x37: {  	[smem:$0x3FA5] =	sst s10  }
0x38: {  	s10 =	sld [smem:$0x3FA6]  }
0x39: {  	_ = 	snop;
	(pc) =	sbr.ind lr, $3  }
0x3a: {  	_ = 	snop  }
0x3b: {  	_ = 	snop  }
0x3c: {  	p2 =	seq.s32 s10, $0x1;
	s10 =	sld [smem:$0x3FA5]  }
0x3d: {  	_ =	shalt  }
0x3e: {  	_ =	shalt  }
0x3f: {  	_ =	shalt  }
0x40: {  	_ =	shalt  }
0x41: {  	_ =	shalt  }
0x42: {  	_ =	shalt  }
0x43: {  	_ =	shalt  }
0x44: {  	_ =	shalt  }
0x45: {  	_ =	shalt  }
0x46: {  	_ =	shalt  }
0x47: {  	_ =	shalt  }
0x48: {  	_ =	shalt  }
0x49: {  	_ =	shalt  }
0x4a: {  	_ =	shalt  }
0x4b: {  	_ =	shalt  }
0x4c: {  	_ =	shalt  }
0x4d: {  	_ =	shalt  }
0x4e: {  	_ =	shalt  }
0x4f: {  	_ =	shalt  }
0x50: {  	_ =	shalt  }
0x51: {  	_ =	shalt  }
0x52: {  	_ =	shalt  }
0x53: {  	_ =	shalt  }
0x54: {  	_ =	shalt  }
0x55: {  	_ =	shalt  }
0x56: {  	_ =	shalt  }
0x57: {  	_ =	shalt  }
0x58: {  	_ =	shalt  }
0x59: {  	_ =	shalt  }
0x5a: {  	_ =	shalt  }
0x5b: {  	_ =	shalt  }
0x5c: {  	_ =	shalt  }
0x5d: {  	_ =	shalt  }
0x5e: {  	_ =	shalt  }
0x5f: {  	_ =	shalt  }
0x60: {  	_ =	shalt  }
0x61: {  	_ =	shalt  }
0x62: {  	_ =	shalt  }
0x63: {  	_ =	shalt  }
0x64: {  	_ =	shalt  }
0x65: {  	_ =	shalt  }
0x66: {  	_ =	shalt  }
0x67: {  	_ =	shalt  }
0x68: {  	_ =	shalt  }
0x69: {  	_ =	shalt  }
0x6a: {  	_ =	shalt  }
0x6b: {  	_ =	shalt  }
0x6c: {  	_ =	shalt  }
0x6d: {  	_ =	shalt  }
0x6e: {  	_ =	shalt  }
0x6f: {  	_ =	shalt  }
0x70: {  	_ =	shalt  }
0x71: {  	_ =	shalt  }
0x72: {  	_ =	shalt  }
0x73: {  	_ =	shalt  }
0x74: {  	_ =	shalt  }
0x75: {  	_ =	shalt  }
0x76: {  	_ =	shalt  }
0x77: {  	_ =	shalt  }
0x78: {  	_ =	shalt  }
0x79: {  	_ =	shalt  }
0x7a: {  	_ =	shalt  }
0x7b: {  	_ =	shalt  }
0x7c: {  	_ =	shalt  }
0x7d: {  	_ =	shalt  }
0x7e: {  	_ =	shalt  }
0x7f: {  	_ =	shalt  }
0x80: {  	_ =	shalt  }
0x81: {  	_ =	shalt  }
0x82: {  	_ =	shalt  }
0x83: {  	_ =	shalt  }
0x84: {  	_ =	shalt  }
0x85: {  	_ =	shalt  }
0x86: {  	_ =	shalt  }
0x87: {  	_ =	shalt  }
.Lfunc_end0:
.L_simem_size_0:
called_computation.3_lowered:
.L_overlay_start_0:
0x88: {  	s2 =	sld [smem:$0x3FD9]  }
0x89: {  	s3 =	sld [smem:$0x3FFE];
	_ =	sdelay $0x1  }
0x8a: {  	s1 =	srdreg.scid  }
0x8b: {  	s0 =	sand.u32 $0x1, s1  }
0x8c: {  	s16 =	sshll.u32 s0, $0xA;
	s2 =	sadd.s32 s3, s2  }
0x8d: {  	s2 =	sadd.s32 s2, s16  }
0x8e: {  	[smem:$0x3FB1] =	sst s2  }
0x8f: {  	_ = 	snop  }
0x90: {  	(tm) =	ssettm $0x1  }
0x91: {  	s17 =	sld [smem:$0x3FFB];
	_ =	sdelay $0x3  }
0x92: {  	_ =	strace s17  }
0x93: {  	s2 =	sld [smem:$0x3FFC];
	_ =	sdelay $0x3  }
0x94: {  	_ =	strace s2  }
0x95: {  	s2 =	sld [smem:$0x3FFD];
	_ =	sdelay $0x3  }
0x96: {  	_ =	strace s2  }
0x97: {  	_ =	strace $0x8FFFFFFF  }
0x98: {  	s18 =	sld [smem:$0x3FDB];
	_ =	sdelay $0x1  }
0x99: {  	s19 =	simm.s32 $_scs_section_size  }
0x9a: {  	s4 =	simm.s32 $_size__tile_overlayer_lowered;
	s5 =	simm.s32 $_tile_overlayer_lowered  }
0x9b: {  	s22 =	simm.s32 $0x1BFF;
	s21 =	sshll.u32 s5, $0x1;
	s2 =	sadd.s32 s19, s18  }
0x9c: {  	s6 =	simm.s32 $0x0;
	s20 =	sshll.u32 s4, $0x1;
	s4 =	sadd.s32 s21, s2  }
0x9d: {  	[timem:s6], [sflag:s22] =	dma.local [hbm:s4], s20  }
0x9e: {  	_ =	swait.ge [sflag:s22], s20  }
0x9f: {  	s3 =	ssub.s32 $0x0, s20;
	[sflag:s22] =	ssyncset.done $0x0  }
0xa0: {  	[sflag:s22] =	ssyncadd.s32 s3;
	_ =	sdelay $0x1  }
0xa1: {  	s23 =	simm.s32 $0x1B8B  }
0xa2: {  	_ =	swait.ge [sflag:s23], $0x1  }
0xa3: {  	[sflag:s23] =	ssyncset.done $0x0  }
0xa4: {  	s25 =	simm.s32 $0x1B8E;
	s24 =	sld [smem:$0x3FFE];
	[sflag:s23] =	ssyncadd.s32 $0xFFFFFFFF  }
0xa5: {  	s26 =	simm.s32 $execute0_lowered;
	[smem:$0x3FD2] =	sst s25  }
0xa6: {  	s4 =	sshll.u32 s26, $0x1;
	_ =	strace $0x8000004F;
	[dreg:$0x1] =	wrdreg $0xFFFFFFFF  }
0xa7: {  	s28 =	simm.s32 $_size_execute0_lowered;
	s2 =	sadd.s32 s2, s4;
	[dreg:$0x0] =	wrdreg $0x0  }
0xa8: {  	s4 =	sshll.u32 s28, $0x1;
	[dreg:$0x2] =	wrdreg s2  }
0xa9: {  	[dreg:$0x3] =	wrdreg s4  }
0xaa: {  	[dreg:$0x4] =	wrdreg $0xC0  }
0xab: {  	_ =	task [dreg:s6], $0x5FFFF  }
0xac: {  	[dreg:$0x1] =	wrdreg $0xFFFFFFFF  }
0xad: {  	[dreg:$0x0] =	wrdreg $0x60  }
0xae: {  	[dreg:$0x2] =	wrdreg s24  }
0xaf: {  	[dreg:$0x3] =	wrdreg $0x130400  }
0xb0: {  	[dreg:$0x4] =	wrdreg $0x130800  }
0xb1: {  	[dreg:$0x5] =	wrdreg $0x9  }
0xb2: {  	_ =	task.clear_ibuf [dreg:s6], $0x6FFFF;
	_ =	strace $0x9000004F  }
0xb3: {  	s29 =	simm.s32 $0x9;
	_ =	strace $0x80000051  }
0xb4: {  	_ =	swait.ge [sflag:s29], $0x1  }
0xb5: {  	[sflag:s29] =	ssyncadd.s32 $0xFFFFFFFF  }
0xb6: {  	_ =	strace $0x90000051  }
0xb7: {  	_ =	sfence  }
0xb8: {  	s30 =	sld [smem:$0x0];
	_ =	sdelay $0x2  }
0xb9: {  	s31 =	sshll.u32 s1, $0xD;
	s1 =	sshrl.u32 s1, $0x2  }
0xba: {  	s3 =	sand.u32 $0x4000, s31;
	s1 =	sadd.s32 s1, s30  }
0xbb: {  	s0 =	sor.u32 s3, s0;
	s1 =	sshll.u32 s1, $0x11  }
0xbc: {  	s0 =	sor.u32 s1, s0  }
0xbd: {  	s0 =	sadd.s32 $0x8F2B, s0  }
0xbe: {  	[sflag:s0] =	ssyncadd.remote.s32 $0x1  }
0xbf: {  	_ =	sfence.sel $0xFFFF  }
0xc0: {  	[dreg:$0x0] =	wrdreg $0xFFFFFFFF;
	(pc) =	sbr.abs _section_cstart, $3  }
0xc1: {  	[dreg:$0x1] =	wrdreg $0xFFFFFFFF  }
0xc2: {  	_ =	task.clear_ibuf [dreg:s6], $0x2FFFF;
	_ =	strace $0x9FFFFFFF  }
0xc3: {  	(tm) =	ssettm $0x7FFFFFFF  }
tec
execute0_lowered:
.L_overlay_start_1:
0x0: {  	(tag) =	ssettag $0x1  }
0x1: {  	s0 =	rddreg [dreg:$0x0]  }
0x2: {  	s1 =	rddreg [dreg:$0x1]  }
0x3: {  	s2 =	rddreg [dreg:$0x2];
	s4 =	simm.s32 $0x0;
	s13 =	stileid.u32  }
0x4: {  	s3 =	srdreg.scid;
	s15 =	simm.s32 $0x2;
	s16 =	simm.s32 $0x800  }
0x5: {  	s17 =	simm.s32 $0xC00;
	s18 =	simm.s32 $0x1000;
	s19 =	simm.s32 $0x400  }
0x6: {  	s20 =	simm.s32 $0x2000;
	s21 =	simm.s32 $0x13000;
	s22 =	simm.s32 $0x12000  }
0x7: {  	s23 =	simm.s32 $0x1400;
	s24 =	simm.s32 $0x1C00;
	s25 =	simm.s32 $0x1  }
0x8: {  	s26 =	simm.s32 $0x1800;
	s28 =	simm.s32 $0x10;
	s29 =	simm.s32 $0x8  }
0x9: {  	s30 =	simm.s32 $0x0;
	[smem:$0x7FF] =	sst s4;
	s5 =	sadd.s32 $0x4400, s0  }
0xa: {  	s6 =	sshll.u32 s13, $0x7;
	s3 =	sand.u32 $0x1, s3;
	s7 =	sadd.s32 $0x8400, s0  }
0xb: {  	s12 =	sshll.u32 s13, $0xA;
	_ =	strace $0x80000050;
	s9 =	sadd.s32 s6, s0  }
0xc: {  	s6 =	sadd.s32 $0x8600, s0;
	s8 =	ssub.s32 $0x2, s3;
	s10 =	sshll.u32 s3, $0x3  }
0xd: {  	s11 =	sshrl.u32 s8, $0x1;
	s0 =	sadd.s32 s10, s0;
	s10 =	sshll.u32 s13, $0x6  }
0xe: {  	s13 =	sshll.u32 s13, $0xC;
	s14 =	ssub.s32 s8, s11;
	s8 =	sadd.s32 $0x66800, s9  }
0xf: {  	s9 =	sadd.s32 $0x66000, s9;
	s11 =	sadd.s32 s10, s1;
	s0 =	sadd.s32 s12, s0  }
0x10: {  	v1 =	vimm.f32 $0.0e+00;
	v0 =	vmov s3;
	s12 =	sadd.s32 s13, s2;
	s13 =	sadd.s32 $0x8800, s0;
	s14 =	smax.u32 s14, $0x1  }
.LBB2_1:
0x11: {  	[tilespmem:s4], [sflag:$0x2] =	stream.linear.gather [hbm4b:s8+s4], $0x400, $0x38;
	[tilespmem:$0x14080] =	vst v63  }
0x12: {  	_ =	swait.ge [sflag:s15], $0x400  }
0x13: {  	[sflag:s15] =	ssyncset.done $0x0  }
0x14: {  	[sflag:s15] =	ssyncadd.s32 $0xFFFFFC00  }
0x15: {  	[tilespmem:s16], [sflag:$0x2] =	stream.linear.gather [hbm4b:s9+s4], $0x400, $0x38;
	[tilespmem:$0x14080] =	vst v63  }
0x16: {  	_ =	swait.ge [sflag:s15], $0x400  }
0x17: {  	[sflag:s15] =	ssyncset.done $0x0  }
0x18: {  	[sflag:s15] =	ssyncadd.s32 $0xFFFFFC00  }
0x19: {  	[tilespmem:s17], [sflag:$0x2] =	stream.linear.gather [hbm4b:s6+s4], $0x400, $0x38;
	[tilespmem:$0x14080] =	vst v63  }
0x1a: {  	_ =	swait.ge [sflag:s15], $0x400  }
0x1b: {  	[sflag:s15] =	ssyncset.done $0x0  }
0x1c: {  	[sflag:s15] =	ssyncadd.s32 $0xFFFFFC00  }
0x1d: {  	[tilespmem:s18], [sflag:$0x2] =	stream.linear.gather [hbm4b:s7+s4], $0x400, $0x38;
	[tilespmem:$0x14080] =	vst v63  }
0x1e: {  	_ =	swait.ge [sflag:s15], $0x400  }
0x1f: {  	[sflag:s15] =	ssyncset.done $0x0  }
0x20: {  	s0 =	simm.s32 $0x20;
	[sflag:s15] =	ssyncadd.s32 $0xFFFFFC00  }
0x21: {  	v2 =	vld [tilespmem:s0+$0xFFFFFFE0];
	_ =	sdelay $0x4  }
0x22: {  	v2 =	vshll.u32 v2, $0x1  }
0x23: {  	s31 =	simm.s32 $0x420;
	v2 =	vor.u32 v0, v2  }
0x24: {  	[tilespmem:s31+$0xFFFFFFE0] =	vst v2  }
0x25: {  	v2 =	vld [tilespmem:s0+$0xFFFFFFF0];
	_ =	sdelay $0x4  }
0x26: {  	v2 =	vshll.u32 v2, $0x1  }
0x27: {  	v2 =	vor.u32 v0, v2  }
0x28: {  	[tilespmem:s31+$0xFFFFFFF0] =	vst v2  }
0x29: {  	v2 =	vld [tilespmem:s0+$0x0];
	_ =	sdelay $0x4  }
0x2a: {  	v2 =	vshll.u32 v2, $0x1  }
0x2b: {  	v2 =	vor.u32 v0, v2  }
0x2c: {  	[tilespmem:s31+$0x0] =	vst v2  }
0x2d: {  	v2 =	vld [tilespmem:s0+$0x10];
	_ =	sdelay $0x4  }
0x2e: {  	v2 =	vshll.u32 v2, $0x1  }
0x2f: {  	v2 =	vor.u32 v0, v2  }
0x30: {  	s3 =	simm.s32 $0x60;
	s0 =	simm.s32 $0x0;
	[tilespmem:s31+$0x10] =	vst v2  }
.LBB2_2:
0x31: {  	v2 =	vld [tilespmem:s3+$0xFFFFFFE0];
	s0 =	sadd.s32 $0x4, s0  }
0x32: {  	p0 =	slt.u32 s0, $0x3C;
	_ =	sdelay $0x3  }
0x33: {  	v2 =	vshll.u32 v2, $0x1  }
0x34: {  	s31 =	sadd.s32 $0x40, s31;
	v2 =	vor.u32 v0, v2  }
0x35: {  	[tilespmem:s31+$0xFFFFFFE0] =	vst v2  }
0x36: {  	v2 =	vld [tilespmem:s3+$0xFFFFFFF0];
	_ =	sdelay $0x4  }
0x37: {  	v2 =	vshll.u32 v2, $0x1  }
0x38: {  	v2 =	vor.u32 v0, v2  }
0x39: {  	[tilespmem:s31+$0xFFFFFFF0] =	vst v2  }
0x3a: {  	v2 =	vld [tilespmem:s3+$0x0];
	_ =	sdelay $0x4  }
0x3b: {  	v2 =	vshll.u32 v2, $0x1  }
0x3c: {  	v2 =	vor.u32 v0, v2  }
0x3d: {  	[tilespmem:s31+$0x0] =	vst v2  }
0x3e: {  	v2 =	vld [tilespmem:s3+$0x10];
	_ =	sdelay $0x2  }
.Ltmp0:
0x3f: {  	(pc) =	sbr.rel @p0 .LBB2_2-.Ltmp0, $4  }
0x40: {  	_ = 	snop  }
0x41: {  	v2 =	vshll.u32 v2, $0x1  }
0x42: {  	v2 =	vor.u32 v0, v2  }
0x43: {  	s3 =	sadd.s32 $0x40, s3;
	[tilespmem:s31+$0x10] =	vst v2  }
0x44: {  	[tilespmem:s20], [sflag:$0x1] =	stream.indirect.gather [hbm4b:s5+s19], $0x40, s19, s19, $0xb8;
	[tilespmem:$0x14080] =	vst v63  }
0x45: {  	s0 =	simm.s32 $0x0  }
0x46: {  	s3 =	sand.u32 $0x3F00, s0  }
0x47: {  	s31 =	sand.u32 $0x30, s0;
	s2 =	sshrl.u32 s3, $0x2  }
0x48: {  	s3 =	simm.s32 $0x40;
	s31 =	sor.u32 s31, s2  }
.LBB2_4:
0x49: {  	p0 =	sne.s32 s3, $0x3FC0  }
0x4a: {  	[tilespmem:s31+$0x12000] =	vst v1;
	s0 =	sadd.s32 $0x10, s0;
	s2 =	smov.u32 s3;
	s3 =	sadd.s32 $0x40, s3  }
.Ltmp1:
0x4b: {  	(pc) =	sbr.rel @p0 .LBB2_4-.Ltmp1, $4  }
0x4c: {  	_ = 	snop  }
0x4d: {  	s2 =	sand.u32 $0x3F00, s2  }
0x4e: {  	s31 =	sand.u32 $0x30, s0;
	s2 =	sshrl.u32 s2, $0x2  }
0x4f: {  	s31 =	sor.u32 s31, s2  }
0x50: {  	[tilespmem:s31+$0x12000] =	vst v1  }
0x51: {  	[tilespmem:$0x13000] =	vst v1  }
0x52: {  	[tilespmem:$0x13010] =	vst v1  }
0x53: {  	[tilespmem:$0x13020] =	vst v1  }
0x54: {  	[tilespmem:$0x13030] =	vst v1  }
0x55: {  	[spmem:s11] =	stream.linear.scatter [tilespmem:s21], [sflag:$0x2], $0x40, $0x38;
	[tilespmem:$0x14080] =	vst v63  }
0x56: {  	_ =	swait.ge [sflag:s15], $0x40  }
0x57: {  	[sflag:s15] =	ssyncset.done $0x0  }
0x58: {  	[sflag:s15] =	ssyncadd.s32 $0xFFFFFFC0  }
0x59: {  	[spmem:s12] =	stream.linear.scatter [tilespmem:s22], [sflag:$0x2], $0x1000, $0x38;
	[tilespmem:$0x14080] =	vst v63  }
0x5a: {  	_ =	swait.ge [sflag:s15], $0x1000  }
0x5b: {  	[sflag:s15] =	ssyncset.done $0x0  }
0x5c: {  	[sflag:s15] =	ssyncadd.s32 $0xFFFFF000  }
0x5d: {  	s31 =	simm.s32 $0x0;
	[bflag:$0x0] =	sbarrier.arrive $0xFFFF  }
0x5e: {  	v2 =	vld [tilespmem:s31+$0x800]  }
0x5f: {  	v3 =	vld [tilespmem:s31+$0x0];
	_ =	sdelay $0x6  }
0x60: {  	v2 =	vld.idx.msk [tilespmem:v2+s18+$0x0], $0xffff  }
0x61: {  	v3 =	vld.idx.msk [tilespmem:v3+s17+$0x0], $0xffff;
	_ =	sdelay $0x4  }
0x62: {  	v2 =	vadd.f32 v2, v3;
	_ =	sdelay $0x1  }
0x63: {  	v3 =	vmul.f32 $2.000000030e-01, v2  }
0x64: {  	vm0 =	vge.f32 v2, $0.0e+00  }
0x65: {  	v2 =	vsel vm0, v2, v3  }
0x66: {  	v2 =	vmul.f32 $1.442695020e+00, v2;
	_ =	sdelay $0x1  }
0x67: {  	(erf) = vpow2.f32 v2;
	_ =	sdelay $0x1  }
0x68: {  	s3 =	simm.s32 $0x10  }
0x69: {  	s0 =	simm.s32 $0x80;
	v2 =	vld [tilespmem:s3+$0x800]  }
.LBB2_6:
0x6a: {  	p0 =	sne.s32 s0, $0xFC0;
	v3 =	vld [tilespmem:s3+$0x0];
	_ =	sdelay $0x4  }
0x6b: {  	v4 =	vpop (erf)  }
0x6c: {  	[tilespmem:s31+$0x1400] =	vst v4;
	s31 =	smov.u32 s3  }
0x6d: {  	v2 =	vld.idx.msk [tilespmem:v2+s18+$0x0], $0xffff  }
0x6e: {  	v3 =	vld.idx.msk [tilespmem:v3+s17+$0x0], $0xffff;
	_ =	sdelay $0x5  }
0x6f: {  	v2 =	vadd.f32 v2, v3;
	_ =	sdelay $0x1  }
0x70: {  	v3 =	vmul.f32 $2.000000030e-01, v2  }
0x71: {  	vm0 =	vge.f32 v2, $0.0e+00  }
0x72: {  	v2 =	vsel vm0, v2, v3  }
0x73: {  	v2 =	vmul.f32 $1.442695020e+00, v2  }
.Ltmp2:
0x74: {  	(pc) =	sbr.rel @p0 .LBB2_6-.Ltmp2, $3  }
0x75: {  	(erf) = vpow2.f32 v2;
	_ =	sdelay $0x1  }
0x76: {  	s3 =	sshra.s32 s0, $0x2  }
0x77: {  	s0 =	sadd.s32 $0x40, s0;
	v2 =	vld [tilespmem:s3+$0x800]  }
0x78: {  	_ = 	snop  }
0x79: {  	v3 =	vld [tilespmem:s3+$0x0];
	_ =	sdelay $0x4  }
0x7a: {  	v4 =	vpop (erf)  }
0x7b: {  	[tilespmem:s31+$0x1400] =	vst v4  }
0x7c: {  	v2 =	vld.idx.msk [tilespmem:v2+s18+$0x0], $0xffff  }
0x7d: {  	v3 =	vld.idx.msk [tilespmem:v3+s17+$0x0], $0xffff;
	_ =	sdelay $0x4  }
0x7e: {  	v2 =	vadd.f32 v2, v3;
	_ =	sdelay $0x1  }
0x7f: {  	v3 =	vmul.f32 $2.000000030e-01, v2  }
0x80: {  	vm0 =	vge.f32 v2, $0.0e+00  }
0x81: {  	v2 =	vsel vm0, v2, v3  }
0x82: {  	v2 =	vmul.f32 $1.442695020e+00, v2;
	_ =	sdelay $0x1  }
0x83: {  	(erf) = vpow2.f32 v2;
	_ =	sdelay $0x8  }
0x84: {  	v2 =	vpop (erf)  }
0x85: {  	[tilespmem:s3+$0x1400] =	vst v2  }
0x86: {  	[spmem:s1] =	stream.indirect.scatter.add.f32 [tilespmem:s23], [sflag:$0x2], $0x1, s16, s19, $0xb8;
	[tilespmem:$0x14080] =	vst v63  }
0x87: {  	_ =	swait.ge [sflag:s15], $0x400  }
0x88: {  	[sflag:s15] =	ssyncset.done $0x0  }
0x89: {  	[sflag:s15] =	ssyncadd.s32 $0xFFFFFC00  }
0x8a: {  	[bflag:$0x0] =	sbarrier.arrive $0xFFFF  }
0x8b: {  	[tilespmem:s24], [sflag:$0x2] =	stream.linear.gather [spmem:s1], $0x400, $0x38;
	[tilespmem:$0x14080] =	vst v63  }
0x8c: {  	_ =	swait.ge [sflag:s15], $0x400  }
0x8d: {  	[sflag:s15] =	ssyncset.done $0x0  }
0x8e: {  	s0 =	simm.s32 $0x0;
	[sflag:s15] =	ssyncadd.s32 $0xFFFFFC00  }
0x8f: {  	v2 =	vld [tilespmem:s0+$0x800];
	_ =	sdelay $0x7  }
0x90: {  	v2 =	vld.idx.msk [tilespmem:v2+s24+$0x0], $0xffff;
	_ =	sdelay $0x4  }
0x91: {  	v2 =	vadd.f32 $1.000000020e-16, v2;
	_ =	sdelay $0x1  }
0x92: {  	(erf) = vrcp.f32 v2;
	_ =	sdelay $0x3  }
0x93: {  	s31 =	simm.s32 $0x10;
	s3 =	simm.s32 $0x80;
	v2 =	vld [tilespmem:s0+$0x1400]  }
.LBB2_8:
0x94: {  	p0 =	sne.s32 s3, $0xFC0;
	v3 =	vld [tilespmem:s31+$0x800];
	_ =	sdelay $0x3  }
0x95: {  	v4 =	vpop (erf)  }
0x96: {  	v2 =	vmul.f32 v4, v2;
	_ =	sdelay $0x1  }
0x97: {  	[tilespmem:s0+$0x1800] =	vst v2;
	s0 =	smov.u32 s31  }
0x98: {  	v2 =	vld.idx.msk [tilespmem:v3+s24+$0x0], $0xffff;
	_ =	sdelay $0x5  }
0x99: {  	v2 =	vadd.f32 $1.000000020e-16, v2;
	_ =	sdelay $0x1  }
.Ltmp3:
0x9a: {  	(erf) = vrcp.f32 v2;
	(pc) =	sbr.rel @p0 .LBB2_8-.Ltmp3, $2  }
0x9b: {  	_ =	sdelay $0x2  }
0x9c: {  	s31 =	sshra.s32 s3, $0x2;
	s3 =	sadd.s32 $0x40, s3;
	v2 =	vld [tilespmem:s0+$0x1400]  }
0x9d: {  	v3 =	vld [tilespmem:s31+$0x800];
	_ =	sdelay $0x3  }
0x9e: {  	v4 =	vpop (erf)  }
0x9f: {  	v2 =	vmul.f32 v4, v2;
	_ =	sdelay $0x1  }
0xa0: {  	[tilespmem:s0+$0x1800] =	vst v2  }
0xa1: {  	v2 =	vld.idx.msk [tilespmem:v3+s24+$0x0], $0xffff;
	_ =	sdelay $0x4  }
0xa2: {  	v2 =	vadd.f32 $1.000000020e-16, v2;
	_ =	sdelay $0x1  }
0xa3: {  	(erf) = vrcp.f32 v2;
	_ =	sdelay $0x4  }
0xa4: {  	v2 =	vld [tilespmem:s31+$0x1400];
	_ =	sdelay $0x3  }
0xa5: {  	v3 =	vpop (erf)  }
0xa6: {  	v2 =	vmul.f32 v3, v2;
	_ =	sdelay $0x1  }
0xa7: {  	s3 =	simm.s32 $0x0;
	[tilespmem:s31+$0x1800] =	vst v2  }
0xa8: {  	v2 =	vmov s3;
	_ =	swait.ge [sflag:s25], $0x10000  }
0xa9: {  	[sflag:s25] =	ssyncset.done $0x0  }
0xaa: {  	s0 =	simm.s32 $0x2020;
	[sflag:s25] =	ssyncadd.s32 $0xFFFF0000  }
0xab: {  	v4 =	vld [tilespmem:s0+$0xFFFFFFF0]  }
0xac: {  	v5 =	vld [tilespmem:s0+$0x10]  }
0xad: {  	v7 =	vld.idx.msk [tilespmem:v2+s26+$0x0], $0xffff  }
0xae: {  	v2 =	vld [tilespmem:s0+$0xFFFFFFE0]  }
0xaf: {  	v8 =	vld [tilespmem:s0+$0x0];
	_ =	sdelay $0x3  }
0xb0: {  	s2 =	simm.s32 $0x1;
	v3 =	vmul.f32 v2, v7;
	v6 =	vmul.f32 v5, v7  }
0xb1: {  	s3 =	simm.s32 $0x2;
	s31 =	simm.s32 $0x2020;
	v2 =	vmov s2;
	v5 =	vmul.f32 v4, v7;
	v4 =	vmul.f32 v8, v7  }
.LBB2_10:
0xb2: {  	p0 =	sne.s32 s3, $0x3FF  }
0xb3: {  	[tilespmem:s0+$0x10] =	vst v6;
	s31 =	sadd.s32 $0x40, s31;
	s2 =	smov.u32 s3;
	s3 =	sadd.s32 $0x1, s3  }
0xb4: {  	[tilespmem:s0+$0xFFFFFFE0] =	vst v3  }
0xb5: {  	v7 =	vld [tilespmem:s31+$0xFFFFFFF0];
	[tilespmem:s0+$0xFFFFFFF0] =	vst v5  }
0xb6: {  	v5 =	vld [tilespmem:s31+$0x10];
	[tilespmem:s0+$0x0] =	vst v4;
	s0 =	smov.u32 s31  }
0xb7: {  	v4 =	vld.idx.msk [tilespmem:v2+s26+$0x0], $0xffff  }
0xb8: {  	v2 =	vld [tilespmem:s31+$0xFFFFFFE0]  }
0xb9: {  	v8 =	vld [tilespmem:s31+$0x0]  }
.Ltmp4:
0xba: {  	(pc) =	sbr.rel @p0 .LBB2_10-.Ltmp4, $3  }
0xbb: {  	_ =	sdelay $0x1  }
0xbc: {  	v6 =	vmul.f32 v5, v4;
	v3 =	vmul.f32 v2, v4  }
0xbd: {  	v5 =	vmul.f32 v7, v4;
	v2 =	vmov s2;
	v4 =	vmul.f32 v8, v4  }
0xbe: {  	[tilespmem:s0+$0x10] =	vst v6  }
0xbf: {  	s2 =	sadd.s32 $0x40, s31;
	[tilespmem:s0+$0xFFFFFFE0] =	vst v3  }
0xc0: {  	v3 =	vld [tilespmem:s2+$0xFFFFFFF0];
	[tilespmem:s0+$0xFFFFFFF0] =	vst v5  }
0xc1: {  	v5 =	vld [tilespmem:s2+$0x10];
	[tilespmem:s0+$0x0] =	vst v4  }
0xc2: {  	v2 =	vld.idx.msk [tilespmem:v2+s26+$0x0], $0xffff  }
0xc3: {  	v4 =	vld [tilespmem:s2+$0xFFFFFFE0];
	_ =	sdelay $0x1  }
0xc4: {  	v6 =	vld [tilespmem:s2+$0x0];
	_ =	sdelay $0x1  }
0xc5: {  	v5 =	vmul.f32 v5, v2  }
0xc6: {  	v4 =	vmul.f32 v4, v2  }
0xc7: {  	v3 =	vmul.f32 v3, v2;
	[tilespmem:s2+$0x10] =	vst v5  }
0xc8: {  	v2 =	vmul.f32 v6, v2;
	[tilespmem:s2+$0xFFFFFFE0] =	vst v4  }
0xc9: {  	[tilespmem:s2+$0xFFFFFFF0] =	vst v3  }
0xca: {  	[tilespmem:s2+$0x0] =	vst v2;
	s2 =	rddreg [dreg:$0x2]  }
0xcb: {  	[spmem:s2] =	stream.indirect.scatter.add.f32 [tilespmem:s20], [sflag:$0x2], $0x40, s16, s19, $0xb8;
	[tilespmem:$0x14080] =	vst v63  }
0xcc: {  	_ =	swait.ge [sflag:s15], $0x10000  }
0xcd: {  	s30 =	sadd.s32 $0x1, s30;
	[sflag:s15] =	ssyncset.done $0x0  }
0xce: {  	s3 =	sor.u32 $0x1C02, s10;
	p0 =	sne.s32 s30, s14;
	[sflag:s15] =	ssyncadd.s32 $0xFFFF0000  }
.Ltmp5:
0xcf: {  	s31 =	sshrl.u32 s12, $0x3;
	[bflag:$0x0] =	sbarrier.arrive $0xFFFF;
	(pc) =	sbr.rel @p0 .LBB2_1-.Ltmp5, $4  }
0xd0: {  	[hbm:s13@s28], [sflag:s3] =	dma.strided [spmem:s31@s29], $0x200, s25, $0x8   }
0xd1: {  	_ =	swait.ge [sflag:s15], $0x200  }
0xd2: {  	[sflag:s15] =	ssyncset.done $0x0  }
0xd3: {  	[sflag:s15] =	ssyncadd.s32 $0xFFFFFE00  }
0xd4: {  	_ =	sfence.sel $0x180000  }
0xd5: {  	[bflag:$0x0] =	sbarrier.arrive $0xFFFF  }
0xd6: {  	_ =	strace $0x90000050  }
0xd7: {  	s0 =	stileid.u32;
	[bflag:$0x2] =	sbarrier.arrive $0xFFFF  }
0xd8: {  	p0 =	sne.s32 s0, $0x0;
	s0 =	rddreg [dreg:$0x3]  }
0xd9: {  	s0 =	sadd.s32 @!p0 $0x100000, s0  }
0xda: {  	[sflag:s0] =	ssyncadd.tile.s32 @!p0 $0x1;
	_ =	shalt  }
.Lfunc_end2:
_tile_overlayer_lowered:
.L_overlay_start_2:
0xdb: {  	(tag) =	ssettag $0x2  }
0xdc: {  	s0 =	rddreg [dreg:$0x0];
	s2 =	stileid.u32  }
0xdd: {  	s1 =	rddreg [dreg:$0x1];
	p0 =	sne.s32 s2, $0x0  }
0xde: {  	s3 =	rddreg [dreg:$0x2];
	[bflag:$0x3] =	sbarrier.arrive $0xFFFF;
	s2 =	simm.s32 @!p0 $0x1C02  }
0xdf: {  	[timem:s3], [sflag:s2] =	dma.local @!p0 [hbm:s0], s1  }
0xe0: {  	s0 =	simm.s32 @!p0 $0x2  }
0xe1: {  	_ =	swait.ge @!p0 [sflag:s0], s1  }
0xe2: {  	s1 =	ssub.s32 @!p0 $0x0, s1;
	[sflag:s0] =	ssyncset.done @!p0 $0x0  }
0xe3: {  	[sflag:s0] =	ssyncadd.s32 @!p0 s1  }
0xe4: {  	[bflag:$0x3] =	sbarrier.arrive $0xFFFF  }
0xe5: {  	_ =	shalt  }

</sc_bundles>
